<compile_context>
chip_gen: v7x
topology: tpu7x:2x2x1
jax: 0.10.2.dev20260603
libtpu: 0.0.44.dev20260713+nightly
codegen_flags: <defaults>
</compile_context>

<pallas_src>
import functools

import jax
import jax.numpy as jnp
from jax import lax
from jax.experimental import pallas as pl
from jax.experimental.pallas import tpu as pltpu
from jax.experimental.pallas import tpu_sc as plsc

NC = 2
NS = 16
NW = NC * NS
K = 96
NBUF = 4


def _make_agg(N, D, E, with_deg):
    mesh = plsc.VectorSubcoreMesh(core_axis_name="c", subcore_axis_name="s")
    epw = E // NW
    n_chunks = (epw + K - 1) // K
    rpt = (N // NS) // 8 * 8
    rem = N - rpt * NS

    out_type = [jax.ShapeDtypeStruct((NC, N, D), jnp.float32)]
    if with_deg:
        out_type.append(jax.ShapeDtypeStruct((NC, N, D), jnp.float32))

    nfull = rpt // K
    rrem = rpt - nfull * K
    nb = min(NBUF, n_chunks)

    @functools.partial(
        pl.kernel,
        out_type=out_type,
        mesh=mesh,
        scratch_types=[
            pltpu.VMEM_SHARED((N + 8, D), jnp.float32),
            [pltpu.VMEM((K,), jnp.int32)] * NBUF,
            [pltpu.VMEM((K,), jnp.int32)] * (2 * NBUF),
            [pltpu.VMEM((K, D), jnp.float32)] * NBUF,
            [pltpu.SemaphoreType.DMA] * NBUF,
            [pltpu.SemaphoreType.DMA] * NBUF,
        ],
    )
    def agg(src_hbm, dst_hbm, tab_hbm, *rest):
        if with_deg:
            agg_out, deg_out, acc_sh, sidx, didx, rows, gsem, ssem = rest
        else:
            agg_out, acc_sh, sidx, didx, rows, gsem, ssem = rest
        c = lax.axis_index("c")
        s = lax.axis_index("s")
        wid = c * NS + s
        r0 = pl.multiple_of(s * rpt, 8)

        def fill_rows0(val):
            vv = jnp.full((16,), val, jnp.float32)

            def rowfill(r, carry):
                for j in range(D // 16):
                    rows[0][r, pl.ds(j * 16, 16)] = vv
                return carry

            lax.fori_loop(0, K, rowfill, 0)

        def zero_acc():
            def cp(i, carry):
                pltpu.sync_copy(rows[0], acc_sh.at[pl.ds(r0 + i * K, K)])
                return carry

            lax.fori_loop(0, nfull, cp, 0)
            if rrem:
                pltpu.sync_copy(rows[0].at[pl.ds(0, rrem)],
                                acc_sh.at[pl.ds(r0 + nfull * K, rrem)])
            if rem:
                @pl.when(s == 0)
                def _():
                    pltpu.sync_copy(rows[0].at[pl.ds(0, rem)],
                                    acc_sh.at[pl.ds(rpt * NS, rem)])

        def write_acc(out, buf):
            def cp(i, carry):
                pltpu.sync_copy(acc_sh.at[pl.ds(r0 + i * K, K)], buf)
                pltpu.sync_copy(buf, out.at[c, pl.ds(r0 + i * K, K)])
                return carry

            lax.fori_loop(0, nfull, cp, 0)
            if rrem:
                pltpu.sync_copy(acc_sh.at[pl.ds(r0 + nfull * K, rrem)],
                                buf.at[pl.ds(0, rrem)])
                pltpu.sync_copy(buf.at[pl.ds(0, rrem)],
                                out.at[c, pl.ds(r0 + nfull * K, rrem)])
            if rem:
                @pl.when(s == 0)
                def _():
                    pltpu.sync_copy(acc_sh.at[pl.ds(rpt * NS, rem)],
                                    buf.at[pl.ds(0, rem)])
                    pltpu.sync_copy(buf.at[pl.ds(0, rem)],
                                    out.at[c, pl.ds(rpt * NS, rem)])

        base = wid * n_chunks * K

        def load_idx(b, p, ch):
            pltpu.sync_copy(src_hbm.at[pl.ds(base + ch * K, K)], sidx[b])
            pltpu.sync_copy(dst_hbm.at[pl.ds(base + ch * K, K)],
                            didx[2 * b + p])

        def load_didx(b, p, ch):
            pltpu.sync_copy(dst_hbm.at[pl.ds(base + ch * K, K)],
                            didx[2 * b + p])

        fill_rows0(0.0)
        zero_acc()
        plsc.subcore_barrier()

        for b in range(nb):
            load_idx(b, 0, b)
            pltpu.async_copy(tab_hbm.at[sidx[b]], rows[b], gsem[b])

        def super_group(t2, carry):
            for half in range(2):
                p = half
                for b in range(nb):
                    ch = (2 * t2 + half) * nb + b

                    @pl.when(ch < n_chunks)
                    def _():
                        pltpu.make_async_copy(tab_hbm.at[sidx[b]], rows[b],
                                              gsem[b]).wait()
                        pltpu.async_copy(rows[b], acc_sh.at[didx[2 * b + p]],
                                         ssem[b], add=True)

                        @pl.when(ch + nb < n_chunks)
                        def _():
                            load_idx(b, 1 - p, ch + nb)
                            pltpu.make_async_copy(
                                rows[b], acc_sh.at[didx[2 * b + p]],
                                ssem[b]).wait()
                            pltpu.async_copy(tab_hbm.at[sidx[b]], rows[b],
                                             gsem[b])
            return carry

        n_super = (n_chunks + 2 * nb - 1) // (2 * nb)
        lax.fori_loop(0, n_super, super_group, 0)
        for b in range(nb):
            pltpu.make_async_copy(rows[b], acc_sh.at[didx[2 * b]],
                                  ssem[b]).wait()
        plsc.subcore_barrier()
        write_acc(agg_out, rows[1])

        if with_deg:
            ones_v = rows[0]
            fill_rows0(0.0)
            zero_acc()
            fill_rows0(1.0)
            plsc.subcore_barrier()
            for b in range(nb):
                load_didx(b, 0, b)

            def dsuper(t2, carry):
                for half in range(2):
                    p = half
                    for b in range(nb):
                        ch = (2 * t2 + half) * nb + b

                        @pl.when(ch < n_chunks)
                        def _():
                            pltpu.async_copy(ones_v, acc_sh.at[didx[2 * b + p]],
                                             ssem[b], add=True)

                            @pl.when(ch >= nb)
                            def _():
                                pltpu.make_async_copy(
                                    ones_v, acc_sh.at[didx[2 * b + p]],
                                    ssem[b]).wait()

                            @pl.when(ch + nb < n_chunks)
                            def _():
                                load_didx(b, 1 - p, ch + nb)
                return carry

            lax.fori_loop(0, n_super, dsuper, 0)
            for b in range(nb):
                pltpu.make_async_copy(ones_v, acc_sh.at[didx[2 * b]],
                                      ssem[b]).wait()
            plsc.subcore_barrier()
            write_acc(deg_out, rows[1])

    return agg


def _pad_indices(src, dst, N, E):
    epw = E // NW
    n_chunks = (epw + K - 1) // K
    pad = n_chunks * K - epw
    src_t = src.reshape(NW, epw)
    dst_t = dst.reshape(NW, epw)
    if pad:
        src_t = jnp.concatenate(
            [src_t, jnp.zeros((NW, pad), jnp.int32)], axis=1)
        dst_t = jnp.concatenate(
            [dst_t, jnp.full((NW, pad), N, jnp.int32)], axis=1)
    return (src_t.reshape(-1), dst_t.reshape(-1))


def _dense(x, agg, deg, ws1t, wn1t, b1, ws2t, b2):
    N, D = x.shape
    H = ws1t.shape[1]
    C = ws2t.shape[1]
    BR = 400
    grid = (N // BR,)

    def body(x_b, agg_b, deg_b, ws1t_b, wn1t_b, b1_b, ws2t_b, b2_b,
             h1_o, h1r_o, h2s_o):
        dg = deg_b[...]
        degc = jnp.maximum(dg[0, :, 0:1] + dg[1, :, 0:1], 1.0)
        a = agg_b[...]
        mean1 = (a[0] + a[1]) / degc
        h1 = (jnp.dot(x_b[...], ws1t_b[...], preferred_element_type=jnp.float32)
              + jnp.dot(mean1, wn1t_b[...], preferred_element_type=jnp.float32)
              + b1_b[...])
        h1_o[...] = h1
        h1r = jnp.maximum(h1, 0.0)
        h1r_o[...] = h1r
        h2s_o[...] = (jnp.dot(h1r, ws2t_b[...], preferred_element_type=jnp.float32)
                      + b2_b[...])

    return pl.pallas_call(
        body,
        grid=grid,
        in_specs=[
            pl.BlockSpec((BR, D), lambda i: (i, 0)),
            pl.BlockSpec((NC, BR, D), lambda i: (0, i, 0)),
            pl.BlockSpec((NC, BR, D), lambda i: (0, i, 0)),
            pl.BlockSpec((D, H), lambda i: (0, 0)),
            pl.BlockSpec((D, H), lambda i: (0, 0)),
            pl.BlockSpec((1, H), lambda i: (0, 0)),
            pl.BlockSpec((H, C), lambda i: (0, 0)),
            pl.BlockSpec((1, C), lambda i: (0, 0)),
        ],
        out_specs=[
            pl.BlockSpec((BR, H), lambda i: (i, 0)),
            pl.BlockSpec((BR, H), lambda i: (i, 0)),
            pl.BlockSpec((BR, C), lambda i: (i, 0)),
        ],
        out_shape=[
            jax.ShapeDtypeStruct((N, H), jnp.float32),
            jax.ShapeDtypeStruct((N, H), jnp.float32),
            jax.ShapeDtypeStruct((N, C), jnp.float32),
        ],
    )(x, agg, deg, ws1t, wn1t, b1, ws2t, b2)


def _finalize(h2s, agg2, deg, wn2t):
    N, C = h2s.shape
    H = wn2t.shape[0]
    BR = 400
    grid = (N // BR,)

    def body(h2s_b, agg2_b, deg_b, wn2t_b, h2_o):
        dg = deg_b[...]
        degc = jnp.maximum(dg[0, :, 0:1] + dg[1, :, 0:1], 1.0)
        a = agg2_b[...]
        mean2 = (a[0] + a[1]) / degc
        h2_o[...] = h2s_b[...] + jnp.dot(
            mean2, wn2t_b[...], preferred_element_type=jnp.float32)

    return pl.pallas_call(
        body,
        grid=grid,
        in_specs=[
            pl.BlockSpec((BR, C), lambda i: (i, 0)),
            pl.BlockSpec((NC, BR, H), lambda i: (0, i, 0)),
            pl.BlockSpec((NC, BR, H), lambda i: (0, i, 0)),
            pl.BlockSpec((H, C), lambda i: (0, 0)),
        ],
        out_specs=pl.BlockSpec((BR, C), lambda i: (i, 0)),
        out_shape=jax.ShapeDtypeStruct((N, C), jnp.float32),
    )(h2s, agg2, deg, wn2t)


def kernel(x, edge_index, W_self1, W_neigh1, b1, W_self2, W_neigh2, b2):
    N, D = x.shape
    H = W_self1.shape[0]
    C = W_self2.shape[0]
    E = edge_index.shape[1]
    src3, dst3 = _pad_indices(edge_index[0], edge_index[1], N, E)

    agg1, deg = _make_agg(N, D, E, True)(src3, dst3, x)
    h1, h1r, h2s = _dense(x, agg1, deg, W_self1.T, W_neigh1.T,
                          b1.reshape(1, H), W_self2.T, b2.reshape(1, C))
    agg2, = _make_agg(N, H, E, False)(src3, dst3, h1r)
    h2 = _finalize(h2s, agg2, deg, W_neigh2.T)
    return (h2, h1, h1r)

# --- scband reference (transcript-rebuilt; emitter-appended) ---
"""Pipeline reference for scband-sage-8899172237857 (READ-ONLY COPY).

The authoritative reference and input builder live on the scoring server;
editing this copy changes nothing except your own understanding.
"""

import jax, jax.numpy as jnp
import numpy as np

N = 10000
E = 320000
D = 128
H = 128
C = 16


def setup_inputs(seed: int = 0) -> dict:
    key = jax.random.key(seed)
    ks = jax.random.split(key, 8)
    x = jax.random.normal(ks[0], (N, D), dtype=jnp.float32)
    edge_index = jax.random.randint(ks[1], (2, E), 0, N, dtype=jnp.int32)
    s1 = 1.0 / np.sqrt(D)
    s2 = 1.0 / np.sqrt(H)
    W_self1 = jax.random.uniform(ks[2], (H, D), dtype=jnp.float32, minval=-s1, maxval=s1)
    W_neigh1 = jax.random.uniform(ks[3], (H, D), dtype=jnp.float32, minval=-s1, maxval=s1)
    b1 = jnp.zeros((H,), dtype=jnp.float32)
    W_self2 = jax.random.uniform(ks[4], (C, H), dtype=jnp.float32, minval=-s2, maxval=s2)
    W_neigh2 = jax.random.uniform(ks[5], (C, H), dtype=jnp.float32, minval=-s2, maxval=s2)
    b2 = jnp.zeros((C,), dtype=jnp.float32)
    return {
        "x": x,
        "edge_index": edge_index,
        "W_self1": W_self1,
        "W_neigh1": W_neigh1,
        "b1": b1,
        "W_self2": W_self2,
        "W_neigh2": W_neigh2,
        "b2": b2,
    }


def _sage_conv_mean(h, src, dst, W_self, W_neigh, b):
    # DGL SAGEConv, aggregator_type='mean':
    # h_out = fc_self(h_dst) + fc_neigh(mean_{src->dst} h_src) + bias
    msg = jnp.take(h, src, axis=0)  # gather over edges [E, d]
    agg = jax.ops.segment_sum(msg, dst, num_segments=N)  # scatter-add [N, d]
    deg = jax.ops.segment_sum(jnp.ones((src.shape[0],), dtype=h.dtype), dst, num_segments=N)
    mean = agg / jnp.clip(deg, 1.0)[:, None]
    return h @ W_self.T + mean @ W_neigh.T + b


def reference(x, edge_index, W_self1, W_neigh1, b1, W_self2, W_neigh2, b2):
    src = edge_index[0]
    dst = edge_index[1]
    h1 = _sage_conv_mean(x, src, dst, W_self1, W_neigh1, b1)
    h1r = jax.nn.relu(h1)
    h2 = _sage_conv_mean(h1r, src, dst, W_self2, W_neigh2, b2)
    # original returns (h, [h1, relu(h1), h2])
    return (h2, h1, h1r)

if __name__ == "__main__":
    import jax
    _d = setup_inputs()
    print(jax.jit(kernel)(*tuple(_d.values())))

</pallas_src>

<mosaic_0001>
#map = affine_map<(d0, d1) -> (0)>
#map1 = affine_map<(d0, d1) -> (0, 0)>
#map2 = affine_map<(d0, d1) -> (0, 0, 0)>
module attributes {stable_mosaic.version = 14 : i64} {
  func.func @agg(%arg0: i32, %arg1: i32, %arg2: memref<322560xi32, #tpu.memory_space<hbm>>, %arg3: memref<322560xi32, #tpu.memory_space<hbm>>, %arg4: memref<10000x128xf32, #tpu.memory_space<hbm>>, %arg5: memref<2x10000x128xf32, #tpu.memory_space<hbm>>, %arg6: memref<2x10000x128xf32, #tpu.memory_space<hbm>>, %arg7: memref<10008x128xf32, #tpu.memory_space<vmem_shared>>, %arg8: memref<96xi32, #tpu.memory_space<vmem>>, %arg9: memref<96xi32, #tpu.memory_space<vmem>>, %arg10: memref<96xi32, #tpu.memory_space<vmem>>, %arg11: memref<96xi32, #tpu.memory_space<vmem>>, %arg12: memref<96xi32, #tpu.memory_space<vmem>>, %arg13: memref<96xi32, #tpu.memory_space<vmem>>, %arg14: memref<96xi32, #tpu.memory_space<vmem>>, %arg15: memref<96xi32, #tpu.memory_space<vmem>>, %arg16: memref<96xi32, #tpu.memory_space<vmem>>, %arg17: memref<96xi32, #tpu.memory_space<vmem>>, %arg18: memref<96xi32, #tpu.memory_space<vmem>>, %arg19: memref<96xi32, #tpu.memory_space<vmem>>, %arg20: memref<96x128xf32, #tpu.memory_space<vmem>>, %arg21: memref<96x128xf32, #tpu.memory_space<vmem>>, %arg22: memref<96x128xf32, #tpu.memory_space<vmem>>, %arg23: memref<96x128xf32, #tpu.memory_space<vmem>>, %arg24: memref<!tpu.dma_semaphore, #tpu.memory_space<semaphore_mem>>, %arg25: memref<!tpu.dma_semaphore, #tpu.memory_space<semaphore_mem>>, %arg26: memref<!tpu.dma_semaphore, #tpu.memory_space<semaphore_mem>>, %arg27: memref<!tpu.dma_semaphore, #tpu.memory_space<semaphore_mem>>, %arg28: memref<!tpu.dma_semaphore, #tpu.memory_space<semaphore_mem>>, %arg29: memref<!tpu.dma_semaphore, #tpu.memory_space<semaphore_mem>>, %arg30: memref<!tpu.dma_semaphore, #tpu.memory_space<semaphore_mem>>, %arg31: memref<!tpu.dma_semaphore, #tpu.memory_space<semaphore_mem>>) attributes {dimension_semantics = [#tpu.dimension_semantics<core_parallel>, #tpu.dimension_semantics<subcore_parallel>], iteration_bounds = array<i64: 2, 16>, scalar_prefetch = 0 : i64, scratch_operands = 25 : i64, tpu.core_type = #tpu.core_type<sc_vector_subcore>, window_params = [{transform_indices = #map}, {transform_indices = #map}, {transform_indices = #map1}, {transform_indices = #map2}, {transform_indices = #map2}]} {
    %mul3A = arith.constant 16 : i32
    %mul3A_0 = arith.muli %arg0, %mul3A : i32
    %add3A = arith.addi %mul3A_0, %arg1 : i32
    %mul3A_1 = arith.constant 624 : i32
    %mul3A_2 = arith.muli %arg1, %mul3A_1 : i32
    %multiple_of3A = tpu.assume_multiple %mul3A_2, 8 : i32
    %mul3A_3 = arith.constant 105 : i32
    %mul3A_4 = arith.muli %add3A, %mul3A_3 : i32
    %mul3A_5 = arith.constant 96 : i32
    %mul3A_6 = arith.muli %mul3A_4, %mul3A_5 : i32
    %broadcast_in_dim3A = arith.constant 0.000000e+00 : f32
    %broadcast_in_dim3A_7 = vector.broadcast %broadcast_in_dim3A : f32 to vector<16xf32>
    %scan3A = arith.constant 0 : i32
    %scan3A_8 = arith.constant 0 : i32
    %scan3A_9 = arith.constant 96 : i32
    %scan3A_10 = arith.addi %scan3A_8, %scan3A_9 : i32
    %scan3A_11 = arith.constant 1 : i32
    scf.for %scan3A_155 = %scan3A_8 to %scan3A_10 step %scan3A_11  : i32 {
      %swap3A = arith.index_cast %scan3A_155 : i32 to index
      %swap3A_156 = arith.constant 0 : index
      %swap3A_157 = tpu.vector_load %arg20[%swap3A, %swap3A_156] {strides = array<i32>} : memref<96x128xf32, #tpu.memory_space<vmem>>, vector<1x16xf32>,
      %swap3A_158 = vector.shape_cast %swap3A_157 : vector<1x16xf32> to vector<16xf32>
      %swap3A_159 = vector.shape_cast %broadcast_in_dim3A_7 : vector<16xf32> to vector<1x16xf32>
      tpu.vector_store %arg20[%swap3A, %swap3A_156], %swap3A_159 {strides = array<i32>} : memref<96x128xf32, #tpu.memory_space<vmem>>, vector<1x16xf32>,
      %swap3A_160 = arith.index_cast %scan3A_155 : i32 to index
      %swap3A_161 = arith.constant 16 : index
      %swap3A_162 = tpu.vector_load %arg20[%swap3A_160, %swap3A_161] {strides = array<i32>} : memref<96x128xf32, #tpu.memory_space<vmem>>, vector<1x16xf32>,
      %swap3A_163 = vector.shape_cast %swap3A_162 : vector<1x16xf32> to vector<16xf32>
      %swap3A_164 = vector.shape_cast %broadcast_in_dim3A_7 : vector<16xf32> to vector<1x16xf32>
      tpu.vector_store %arg20[%swap3A_160, %swap3A_161], %swap3A_164 {strides = array<i32>} : memref<96x128xf32, #tpu.memory_space<vmem>>, vector<1x16xf32>,
      %swap3A_165 = arith.index_cast %scan3A_155 : i32 to index
      %swap3A_166 = arith.constant 32 : index
      %swap3A_167 = tpu.vector_load %arg20[%swap3A_165, %swap3A_166] {strides = array<i32>} : memref<96x128xf32, #tpu.memory_space<vmem>>, vector<1x16xf32>,
      %swap3A_168 = vector.shape_cast %swap3A_167 : vector<1x16xf32> to vector<16xf32>
      %swap3A_169 = vector.shape_cast %broadcast_in_dim3A_7 : vector<16xf32> to vector<1x16xf32>
      tpu.vector_store %arg20[%swap3A_165, %swap3A_166], %swap3A_169 {strides = array<i32>} : memref<96x128xf32, #tpu.memory_space<vmem>>, vector<1x16xf32>,
      %swap3A_170 = arith.index_cast %scan3A_155 : i32 to index
      %swap3A_171 = arith.constant 48 : index
      %swap3A_172 = tpu.vector_load %arg20[%swap3A_170, %swap3A_171] {strides = array<i32>} : memref<96x128xf32, #tpu.memory_space<vmem>>, vector<1x16xf32>,
      %swap3A_173 = vector.shape_cast %swap3A_172 : vector<1x16xf32> to vector<16xf32>
      %swap3A_174 = vector.shape_cast %broadcast_in_dim3A_7 : vector<16xf32> to vector<1x16xf32>
      tpu.vector_store %arg20[%swap3A_170, %swap3A_171], %swap3A_174 {strides = array<i32>} : memref<96x128xf32, #tpu.memory_space<vmem>>, vector<1x16xf32>,
      %swap3A_175 = arith.index_cast %scan3A_155 : i32 to index
      %swap3A_176 = arith.constant 64 : index
      %swap3A_177 = tpu.vector_load %arg20[%swap3A_175, %swap3A_176] {strides = array<i32>} : memref<96x128xf32, #tpu.memory_space<vmem>>, vector<1x16xf32>,
      %swap3A_178 = vector.shape_cast %swap3A_177 : vector<1x16xf32> to vector<16xf32>
      %swap3A_179 = vector.shape_cast %broadcast_in_dim3A_7 : vector<16xf32> to vector<1x16xf32>
      tpu.vector_store %arg20[%swap3A_175, %swap3A_176], %swap3A_179 {strides = array<i32>} : memref<96x128xf32, #tpu.memory_space<vmem>>, vector<1x16xf32>,
      %swap3A_180 = arith.index_cast %scan3A_155 : i32 to index
      %swap3A_181 = arith.constant 80 : index
      %swap3A_182 = tpu.vector_load %arg20[%swap3A_180, %swap3A_181] {strides = array<i32>} : memref<96x128xf32, #tpu.memory_space<vmem>>, vector<1x16xf32>,
      %swap3A_183 = vector.shape_cast %swap3A_182 : vector<1x16xf32> to vector<16xf32>
      %swap3A_184 = vector.shape_cast %broadcast_in_dim3A_7 : vector<16xf32> to vector<1x16xf32>
      tpu.vector_store %arg20[%swap3A_180, %swap3A_181], %swap3A_184 {strides = array<i32>} : memref<96x128xf32, #tpu.memory_space<vmem>>, vector<1x16xf32>,
      %swap3A_185 = arith.index_cast %scan3A_155 : i32 to index
      %swap3A_186 = arith.constant 96 : index
      %swap3A_187 = tpu.vector_load %arg20[%swap3A_185, %swap3A_186] {strides = array<i32>} : memref<96x128xf32, #tpu.memory_space<vmem>>, vector<1x16xf32>,
      %swap3A_188 = vector.shape_cast %swap3A_187 : vector<1x16xf32> to vector<16xf32>
      %swap3A_189 = vector.shape_cast %broadcast_in_dim3A_7 : vector<16xf32> to vector<1x16xf32>
      tpu.vector_store %arg20[%swap3A_185, %swap3A_186], %swap3A_189 {strides = array<i32>} : memref<96x128xf32, #tpu.memory_space<vmem>>, vector<1x16xf32>,
      %swap3A_190 = arith.index_cast %scan3A_155 : i32 to index
      %swap3A_191 = arith.constant 112 : index
      %swap3A_192 = tpu.vector_load %arg20[%swap3A_190, %swap3A_191] {strides = array<i32>} : memref<96x128xf32, #tpu.memory_space<vmem>>, vector<1x16xf32>,
      %swap3A_193 = vector.shape_cast %swap3A_192 : vector<1x16xf32> to vector<16xf32>
      %swap3A_194 = vector.shape_cast %broadcast_in_dim3A_7 : vector<16xf32> to vector<1x16xf32>
      tpu.vector_store %arg20[%swap3A_190, %swap3A_191], %swap3A_194 {strides = array<i32>} : memref<96x128xf32, #tpu.memory_space<vmem>>, vector<1x16xf32>,
    }
    %scan3A_12 = arith.constant 96 : i32
    %scan3A_13 = arith.constant 0 : i32
    %scan3A_14 = arith.constant 0 : i32
    %scan3A_15 = arith.constant 6 : i32
    %scan3A_16 = arith.addi %scan3A_14, %scan3A_15 : i32
    %scan3A_17 = arith.constant 1 : i32
    scf.for %scan3A_155 = %scan3A_14 to %scan3A_16 step %scan3A_17  : i32 {
      %mul3A_156 = arith.constant 96 : i32
      %mul3A_157 = arith.muli %scan3A_155, %mul3A_156 : i32
      %add3A_158 = arith.addi %multiple_of3A, %mul3A_157 : i32
      "tpu.region"() ({
        %run_scoped3A = tpu.sem_alloc : memref<!tpu.dma_semaphore, #tpu.memory_space<semaphore_mem>>
        %dma_start3A_159 = arith.constant 0 : i32
        %dma_start3A_160 = tpu.memref_slice %arg7[%add3A_158, %dma_start3A_159] : memref<10008x128xf32, #tpu.memory_space<vmem_shared>> -> memref<96x128xf32, #tpu.memory_space<vmem_shared>>
        %dma_start3A_161 = arith.constant 0 : i32
        %dma_start3A_162 = tpu.memref_slice %arg7[%add3A_158, %dma_start3A_161] : memref<10008x128xf32, #tpu.memory_space<vmem_shared>> -> memref<96x128xf32, #tpu.memory_space<vmem_shared>>
        tpu.enqueue_dma source(%arg20 : memref<96x128xf32, #tpu.memory_space<vmem>>) target(%dma_start3A_162 : memref<96x128xf32, #tpu.memory_space<vmem_shared>>) target_semaphore(%run_scoped3A : memref<!tpu.dma_semaphore, #tpu.memory_space<semaphore_mem>>)
        %dma_wait3A_163 = arith.constant 0 : i32
        %dma_wait3A_164 = tpu.memref_slice %arg7[%add3A_158, %dma_wait3A_163] : memref<10008x128xf32, #tpu.memory_space<vmem_shared>> -> memref<96x128xf32, #tpu.memory_space<vmem_shared>>
        %dma_wait3A_165 = arith.constant 0 : i32
        %dma_wait3A_166 = tpu.memref_slice %arg7[%add3A_158, %dma_wait3A_165] : memref<10008x128xf32, #tpu.memory_space<vmem_shared>> -> memref<96x128xf32, #tpu.memory_space<vmem_shared>>
        tpu.wait_dma2 semaphore(%run_scoped3A : memref<!tpu.dma_semaphore, #tpu.memory_space<semaphore_mem>>) src(%arg20 : memref<96x128xf32, #tpu.memory_space<vmem>>) dst(%dma_wait3A_166 : memref<96x128xf32, #tpu.memory_space<vmem_shared>>)
        tpu.yield
      }) : () -> ()
    }
    %scan3A_18 = arith.constant 6 : i32
    %add3A_19 = arith.constant 576 : i32
    %add3A_20 = arith.addi %multiple_of3A, %add3A_19 : i32
    "tpu.region"() ({
      %run_scoped3A = tpu.sem_alloc : memref<!tpu.dma_semaphore, #tpu.memory_space<semaphore_mem>>
      %dma_start3A_155 = arith.constant 0 : i32
      %dma_start3A_156 = arith.constant 0 : i32
      %dma_start3A_157 = tpu.memref_slice %arg20[%dma_start3A_155, %dma_start3A_156] : memref<96x128xf32, #tpu.memory_space<vmem>> -> memref<48x128xf32, #tpu.memory_space<vmem>>
      %dma_start3A_158 = arith.constant 0 : i32
      %dma_start3A_159 = tpu.memref_slice %arg7[%add3A_20, %dma_start3A_158] : memref<10008x128xf32, #tpu.memory_space<vmem_shared>> -> memref<48x128xf32, #tpu.memory_space<vmem_shared>>
      %dma_start3A_160 = arith.constant 0 : i32
      %dma_start3A_161 = tpu.memref_slice %arg7[%add3A_20, %dma_start3A_160] : memref<10008x128xf32, #tpu.memory_space<vmem_shared>> -> memref<48x128xf32, #tpu.memory_space<vmem_shared>>
      %dma_start3A_162 = arith.constant 0 : i32
      %dma_start3A_163 = arith.constant 0 : i32
      %dma_start3A_164 = tpu.memref_slice %arg20[%dma_start3A_162, %dma_start3A_163] : memref<96x128xf32, #tpu.memory_space<vmem>> -> memref<48x128xf32, #tpu.memory_space<vmem>>
      tpu.enqueue_dma source(%dma_start3A_164 : memref<48x128xf32, #tpu.memory_space<vmem>>) target(%dma_start3A_161 : memref<48x128xf32, #tpu.memory_space<vmem_shared>>) target_semaphore(%run_scoped3A : memref<!tpu.dma_semaphore, #tpu.memory_space<semaphore_mem>>)
      %dma_wait3A_165 = arith.constant 0 : i32
      %dma_wait3A_166 = arith.constant 0 : i32
      %dma_wait3A_167 = tpu.memref_slice %arg20[%dma_wait3A_165, %dma_wait3A_166] : memref<96x128xf32, #tpu.memory_space<vmem>> -> memref<48x128xf32, #tpu.memory_space<vmem>>
      %dma_wait3A_168 = arith.constant 0 : i32
      %dma_wait3A_169 = tpu.memref_slice %arg7[%add3A_20, %dma_wait3A_168] : memref<10008x128xf32, #tpu.memory_space<vmem_shared>> -> memref<48x128xf32, #tpu.memory_space<vmem_shared>>
      %dma_wait3A_170 = arith.constant 0 : i32
      %dma_wait3A_171 = tpu.memref_slice %arg7[%add3A_20, %dma_wait3A_170] : memref<10008x128xf32, #tpu.memory_space<vmem_shared>> -> memref<48x128xf32, #tpu.memory_space<vmem_shared>>
      %dma_wait3A_172 = arith.constant 0 : i32
      %dma_wait3A_173 = arith.constant 0 : i32
      %dma_wait3A_174 = tpu.memref_slice %arg20[%dma_wait3A_172, %dma_wait3A_173] : memref<96x128xf32, #tpu.memory_space<vmem>> -> memref<48x128xf32, #tpu.memory_space<vmem>>
      tpu.wait_dma2 semaphore(%run_scoped3A : memref<!tpu.dma_semaphore, #tpu.memory_space<semaphore_mem>>) src(%dma_wait3A_174 : memref<48x128xf32, #tpu.memory_space<vmem>>) dst(%dma_wait3A_171 : memref<48x128xf32, #tpu.memory_space<vmem_shared>>)
      tpu.yield
    }) : () -> ()
    %eq3A = arith.constant 0 : i32
    %eq3A_21 = arith.cmpi eq, %arg1, %eq3A : i32
    %convert_element_type3A = arith.extui %eq3A_21 : i1 to i32
    %cond3A = arith.constant 0 : i32
    %cond3A_22 = arith.cmpi ne, %convert_element_type3A, %cond3A : i32
    scf.if %cond3A_22 {
      "tpu.region"() ({
        %run_scoped3A = tpu.sem_alloc : memref<!tpu.dma_semaphore, #tpu.memory_space<semaphore_mem>>
        %dma_start3A_155 = arith.constant 0 : i32
        %dma_start3A_156 = arith.constant 0 : i32
        %dma_start3A_157 = tpu.memref_slice %arg20[%dma_start3A_155, %dma_start3A_156] : memref<96x128xf32, #tpu.memory_space<vmem>> -> memref<16x128xf32, #tpu.memory_space<vmem>>
        %dma_start3A_158 = arith.constant 9984 : i32
        %dma_start3A_159 = arith.constant 0 : i32
        %dma_start3A_160 = tpu.memref_slice %arg7[%dma_start3A_158, %dma_start3A_159] : memref<10008x128xf32, #tpu.memory_space<vmem_shared>> -> memref<16x128xf32, #tpu.memory_space<vmem_shared>>
        %dma_start3A_161 = arith.constant 9984 : i32
        %dma_start3A_162 = arith.constant 0 : i32
        %dma_start3A_163 = tpu.memref_slice %arg7[%dma_start3A_161, %dma_start3A_162] : memref<10008x128xf32, #tpu.memory_space<vmem_shared>> -> memref<16x128xf32, #tpu.memory_space<vmem_shared>>
        %dma_start3A_164 = arith.constant 0 : i32
        %dma_start3A_165 = arith.constant 0 : i32
        %dma_start3A_166 = tpu.memref_slice %arg20[%dma_start3A_164, %dma_start3A_165] : memref<96x128xf32, #tpu.memory_space<vmem>> -> memref<16x128xf32, #tpu.memory_space<vmem>>
        tpu.enqueue_dma source(%dma_start3A_166 : memref<16x128xf32, #tpu.memory_space<vmem>>) target(%dma_start3A_163 : memref<16x128xf32, #tpu.memory_space<vmem_shared>>) target_semaphore(%run_scoped3A : memref<!tpu.dma_semaphore, #tpu.memory_space<semaphore_mem>>)
        %dma_wait3A_167 = arith.constant 0 : i32
        %dma_wait3A_168 = arith.constant 0 : i32
        %dma_wait3A_169 = tpu.memref_slice %arg20[%dma_wait3A_167, %dma_wait3A_168] : memref<96x128xf32, #tpu.memory_space<vmem>> -> memref<16x128xf32, #tpu.memory_space<vmem>>
        %dma_wait3A_170 = arith.constant 9984 : i32
        %dma_wait3A_171 = arith.constant 0 : i32
        %dma_wait3A_172 = tpu.memref_slice %arg7[%dma_wait3A_170, %dma_wait3A_171] : memref<10008x128xf32, #tpu.memory_space<vmem_shared>> -> memref<16x128xf32, #tpu.memory_space<vmem_shared>>
        %dma_wait3A_173 = arith.constant 9984 : i32
        %dma_wait3A_174 = arith.constant 0 : i32
        %dma_wait3A_175 = tpu.memref_slice %arg7[%dma_wait3A_173, %dma_wait3A_174] : memref<10008x128xf32, #tpu.memory_space<vmem_shared>> -> memref<16x128xf32, #tpu.memory_space<vmem_shared>>
        %dma_wait3A_176 = arith.constant 0 : i32
        %dma_wait3A_177 = arith.constant 0 : i32
        %dma_wait3A_178 = tpu.memref_slice %arg20[%dma_wait3A_176, %dma_wait3A_177] : memref<96x128xf32, #tpu.memory_space<vmem>> -> memref<16x128xf32, #tpu.memory_space<vmem>>
        tpu.wait_dma2 semaphore(%run_scoped3A : memref<!tpu.dma_semaphore, #tpu.memory_space<semaphore_mem>>) src(%dma_wait3A_178 : memref<16x128xf32, #tpu.memory_space<vmem>>) dst(%dma_wait3A_175 : memref<16x128xf32, #tpu.memory_space<vmem_shared>>)
        tpu.yield
      }) : () -> ()
    } else {
    }
    %barrier3A = arith.constant 0 : index
    tpu.barrier barrier_id(%barrier3A)
    %add3A_23 = arith.constant 0 : i32
    %add3A_24 = arith.addi %mul3A_6, %add3A_23 : i32
    "tpu.region"() ({
      %run_scoped3A = tpu.sem_alloc : memref<!tpu.dma_semaphore, #tpu.memory_space<semaphore_mem>>
      %dma_start3A_155 = tpu.memref_slice %arg2[%add3A_24] : memref<322560xi32, #tpu.memory_space<hbm>> -> memref<96xi32, #tpu.memory_space<hbm>>
      %dma_start3A_156 = tpu.memref_slice %arg2[%add3A_24] : memref<322560xi32, #tpu.memory_space<hbm>> -> memref<96xi32, #tpu.memory_space<hbm>>
      tpu.enqueue_dma source(%dma_start3A_156 : memref<96xi32, #tpu.memory_space<hbm>>) target(%arg8 : memref<96xi32, #tpu.memory_space<vmem>>) target_semaphore(%run_scoped3A : memref<!tpu.dma_semaphore, #tpu.memory_space<semaphore_mem>>)
      %dma_wait3A_157 = tpu.memref_slice %arg2[%add3A_24] : memref<322560xi32, #tpu.memory_space<hbm>> -> memref<96xi32, #tpu.memory_space<hbm>>
      %dma_wait3A_158 = tpu.memref_slice %arg2[%add3A_24] : memref<322560xi32, #tpu.memory_space<hbm>> -> memref<96xi32, #tpu.memory_space<hbm>>
      tpu.wait_dma2 semaphore(%run_scoped3A : memref<!tpu.dma_semaphore, #tpu.memory_space<semaphore_mem>>) src(%dma_wait3A_158 : memref<96xi32, #tpu.memory_space<hbm>>) dst(%arg8 : memref<96xi32, #tpu.memory_space<vmem>>)
      tpu.yield
    }) : () -> ()
    %add3A_25 = arith.constant 0 : i32
    %add3A_26 = arith.addi %mul3A_6, %add3A_25 : i32
    "tpu.region"() ({
      %run_scoped3A = tpu.sem_alloc : memref<!tpu.dma_semaphore, #tpu.memory_space<semaphore_mem>>
      %dma_start3A_155 = tpu.memref_slice %arg3[%add3A_26] : memref<322560xi32, #tpu.memory_space<hbm>> -> memref<96xi32, #tpu.memory_space<hbm>>
      %dma_start3A_156 = tpu.memref_slice %arg3[%add3A_26] : memref<322560xi32, #tpu.memory_space<hbm>> -> memref<96xi32, #tpu.memory_space<hbm>>
      tpu.enqueue_dma source(%dma_start3A_156 : memref<96xi32, #tpu.memory_space<hbm>>) target(%arg12 : memref<96xi32, #tpu.memory_space<vmem>>) target_semaphore(%run_scoped3A : memref<!tpu.dma_semaphore, #tpu.memory_space<semaphore_mem>>)
      %dma_wait3A_157 = tpu.memref_slice %arg3[%add3A_26] : memref<322560xi32, #tpu.memory_space<hbm>> -> memref<96xi32, #tpu.memory_space<hbm>>
      %dma_wait3A_158 = tpu.memref_slice %arg3[%add3A_26] : memref<322560xi32, #tpu.memory_space<hbm>> -> memref<96xi32, #tpu.memory_space<hbm>>
      tpu.wait_dma2 semaphore(%run_scoped3A : memref<!tpu.dma_semaphore, #tpu.memory_space<semaphore_mem>>) src(%dma_wait3A_158 : memref<96xi32, #tpu.memory_space<hbm>>) dst(%arg12 : memref<96xi32, #tpu.memory_space<vmem>>)
      tpu.yield
    }) : () -> ()
    %dma_start3A = arith.constant 0 : i32
    %dma_start3A_27 = arith.constant 0 : i32
    %dma_start3A_28 = tpu.memref_slice %arg4[%dma_start3A, %dma_start3A_27] : memref<10000x128xf32, #tpu.memory_space<hbm>> -> memref<10000x128xf32, #tpu.memory_space<hbm>>
    tpu.enqueue_indirect_dma source(%dma_start3A_28 : memref<10000x128xf32, #tpu.memory_space<hbm>>) target(%arg20 : memref<96x128xf32, #tpu.memory_space<vmem>>) offsets(%arg8 : memref<96xi32, #tpu.memory_space<vmem>>) semaphore(%arg24 : memref<!tpu.dma_semaphore, #tpu.memory_space<semaphore_mem>>)
    %add3A_29 = arith.constant 96 : i32
    %add3A_30 = arith.addi %mul3A_6, %add3A_29 : i32
    "tpu.region"() ({
      %run_scoped3A = tpu.sem_alloc : memref<!tpu.dma_semaphore, #tpu.memory_space<semaphore_mem>>
      %dma_start3A_155 = tpu.memref_slice %arg2[%add3A_30] : memref<322560xi32, #tpu.memory_space<hbm>> -> memref<96xi32, #tpu.memory_space<hbm>>
      %dma_start3A_156 = tpu.memref_slice %arg2[%add3A_30] : memref<322560xi32, #tpu.memory_space<hbm>> -> memref<96xi32, #tpu.memory_space<hbm>>
      tpu.enqueue_dma source(%dma_start3A_156 : memref<96xi32, #tpu.memory_space<hbm>>) target(%arg9 : memref<96xi32, #tpu.memory_space<vmem>>) target_semaphore(%run_scoped3A : memref<!tpu.dma_semaphore, #tpu.memory_space<semaphore_mem>>)
      %dma_wait3A_157 = tpu.memref_slice %arg2[%add3A_30] : memref<322560xi32, #tpu.memory_space<hbm>> -> memref<96xi32, #tpu.memory_space<hbm>>
      %dma_wait3A_158 = tpu.memref_slice %arg2[%add3A_30] : memref<322560xi32, #tpu.memory_space<hbm>> -> memref<96xi32, #tpu.memory_space<hbm>>
      tpu.wait_dma2 semaphore(%run_scoped3A : memref<!tpu.dma_semaphore, #tpu.memory_space<semaphore_mem>>) src(%dma_wait3A_158 : memref<96xi32, #tpu.memory_space<hbm>>) dst(%arg9 : memref<96xi32, #tpu.memory_space<vmem>>)
      tpu.yield
    }) : () -> ()
    %add3A_31 = arith.constant 96 : i32
    %add3A_32 = arith.addi %mul3A_6, %add3A_31 : i32
    "tpu.region"() ({
      %run_scoped3A = tpu.sem_alloc : memref<!tpu.dma_semaphore, #tpu.memory_space<semaphore_mem>>
      %dma_start3A_155 = tpu.memref_slice %arg3[%add3A_32] : memref<322560xi32, #tpu.memory_space<hbm>> -> memref<96xi32, #tpu.memory_space<hbm>>
      %dma_start3A_156 = tpu.memref_slice %arg3[%add3A_32] : memref<322560xi32, #tpu.memory_space<hbm>> -> memref<96xi32, #tpu.memory_space<hbm>>
      tpu.enqueue_dma source(%dma_start3A_156 : memref<96xi32, #tpu.memory_space<hbm>>) target(%arg14 : memref<96xi32, #tpu.memory_space<vmem>>) target_semaphore(%run_scoped3A : memref<!tpu.dma_semaphore, #tpu.memory_space<semaphore_mem>>)
      %dma_wait3A_157 = tpu.memref_slice %arg3[%add3A_32] : memref<322560xi32, #tpu.memory_space<hbm>> -> memref<96xi32, #tpu.memory_space<hbm>>
      %dma_wait3A_158 = tpu.memref_slice %arg3[%add3A_32] : memref<322560xi32, #tpu.memory_space<hbm>> -> memref<96xi32, #tpu.memory_space<hbm>>
      tpu.wait_dma2 semaphore(%run_scoped3A : memref<!tpu.dma_semaphore, #tpu.memory_space<semaphore_mem>>) src(%dma_wait3A_158 : memref<96xi32, #tpu.memory_space<hbm>>) dst(%arg14 : memref<96xi32, #tpu.memory_space<vmem>>)
      tpu.yield
    }) : () -> ()
    %dma_start3A_33 = arith.constant 0 : i32
    %dma_start3A_34 = arith.constant 0 : i32
    %dma_start3A_35 = tpu.memref_slice %arg4[%dma_start3A_33, %dma_start3A_34] : memref<10000x128xf32, #tpu.memory_space<hbm>> -> memref<10000x128xf32, #tpu.memory_space<hbm>>
    tpu.enqueue_indirect_dma source(%dma_start3A_35 : memref<10000x128xf32, #tpu.memory_space<hbm>>) target(%arg21 : memref<96x128xf32, #tpu.memory_space<vmem>>) offsets(%arg9 : memref<96xi32, #tpu.memory_space<vmem>>) semaphore(%arg25 : memref<!tpu.dma_semaphore, #tpu.memory_space<semaphore_mem>>)
    %add3A_36 = arith.constant 192 : i32
    %add3A_37 = arith.addi %mul3A_6, %add3A_36 : i32
    "tpu.region"() ({
      %run_scoped3A = tpu.sem_alloc : memref<!tpu.dma_semaphore, #tpu.memory_space<semaphore_mem>>
      %dma_start3A_155 = tpu.memref_slice %arg2[%add3A_37] : memref<322560xi32, #tpu.memory_space<hbm>> -> memref<96xi32, #tpu.memory_space<hbm>>
      %dma_start3A_156 = tpu.memref_slice %arg2[%add3A_37] : memref<322560xi32, #tpu.memory_space<hbm>> -> memref<96xi32, #tpu.memory_space<hbm>>
      tpu.enqueue_dma source(%dma_start3A_156 : memref<96xi32, #tpu.memory_space<hbm>>) target(%arg10 : memref<96xi32, #tpu.memory_space<vmem>>) target_semaphore(%run_scoped3A : memref<!tpu.dma_semaphore, #tpu.memory_space<semaphore_mem>>)
      %dma_wait3A_157 = tpu.memref_slice %arg2[%add3A_37] : memref<322560xi32, #tpu.memory_space<hbm>> -> memref<96xi32, #tpu.memory_space<hbm>>
      %dma_wait3A_158 = tpu.memref_slice %arg2[%add3A_37] : memref<322560xi32, #tpu.memory_space<hbm>> -> memref<96xi32, #tpu.memory_space<hbm>>
      tpu.wait_dma2 semaphore(%run_scoped3A : memref<!tpu.dma_semaphore, #tpu.memory_space<semaphore_mem>>) src(%dma_wait3A_158 : memref<96xi32, #tpu.memory_space<hbm>>) dst(%arg10 : memref<96xi32, #tpu.memory_space<vmem>>)
      tpu.yield
    }) : () -> ()
    %add3A_38 = arith.constant 192 : i32
    %add3A_39 = arith.addi %mul3A_6, %add3A_38 : i32
    "tpu.region"() ({
      %run_scoped3A = tpu.sem_alloc : memref<!tpu.dma_semaphore, #tpu.memory_space<semaphore_mem>>
      %dma_start3A_155 = tpu.memref_slice %arg3[%add3A_39] : memref<322560xi32, #tpu.memory_space<hbm>> -> memref<96xi32, #tpu.memory_space<hbm>>
      %dma_start3A_156 = tpu.memref_slice %arg3[%add3A_39] : memref<322560xi32, #tpu.memory_space<hbm>> -> memref<96xi32, #tpu.memory_space<hbm>>
      tpu.enqueue_dma source(%dma_start3A_156 : memref<96xi32, #tpu.memory_space<hbm>>) target(%arg16 : memref<96xi32, #tpu.memory_space<vmem>>) target_semaphore(%run_scoped3A : memref<!tpu.dma_semaphore, #tpu.memory_space<semaphore_mem>>)
      %dma_wait3A_157 = tpu.memref_slice %arg3[%add3A_39] : memref<322560xi32, #tpu.memory_space<hbm>> -> memref<96xi32, #tpu.memory_space<hbm>>
      %dma_wait3A_158 = tpu.memref_slice %arg3[%add3A_39] : memref<322560xi32, #tpu.memory_space<hbm>> -> memref<96xi32, #tpu.memory_space<hbm>>
      tpu.wait_dma2 semaphore(%run_scoped3A : memref<!tpu.dma_semaphore, #tpu.memory_space<semaphore_mem>>) src(%dma_wait3A_158 : memref<96xi32, #tpu.memory_space<hbm>>) dst(%arg16 : memref<96xi32, #tpu.memory_space<vmem>>)
      tpu.yield
    }) : () -> ()
    %dma_start3A_40 = arith.constant 0 : i32
    %dma_start3A_41 = arith.constant 0 : i32
    %dma_start3A_42 = tpu.memref_slice %arg4[%dma_start3A_40, %dma_start3A_41] : memref<10000x128xf32, #tpu.memory_space<hbm>> -> memref<10000x128xf32, #tpu.memory_space<hbm>>
    tpu.enqueue_indirect_dma source(%dma_start3A_42 : memref<10000x128xf32, #tpu.memory_space<hbm>>) target(%arg22 : memref<96x128xf32, #tpu.memory_space<vmem>>) offsets(%arg10 : memref<96xi32, #tpu.memory_space<vmem>>) semaphore(%arg26 : memref<!tpu.dma_semaphore, #tpu.memory_space<semaphore_mem>>)
    %add3A_43 = arith.constant 288 : i32
    %add3A_44 = arith.addi %mul3A_6, %add3A_43 : i32
    "tpu.region"() ({
      %run_scoped3A = tpu.sem_alloc : memref<!tpu.dma_semaphore, #tpu.memory_space<semaphore_mem>>
      %dma_start3A_155 = tpu.memref_slice %arg2[%add3A_44] : memref<322560xi32, #tpu.memory_space<hbm>> -> memref<96xi32, #tpu.memory_space<hbm>>
      %dma_start3A_156 = tpu.memref_slice %arg2[%add3A_44] : memref<322560xi32, #tpu.memory_space<hbm>> -> memref<96xi32, #tpu.memory_space<hbm>>
      tpu.enqueue_dma source(%dma_start3A_156 : memref<96xi32, #tpu.memory_space<hbm>>) target(%arg11 : memref<96xi32, #tpu.memory_space<vmem>>) target_semaphore(%run_scoped3A : memref<!tpu.dma_semaphore, #tpu.memory_space<semaphore_mem>>)
      %dma_wait3A_157 = tpu.memref_slice %arg2[%add3A_44] : memref<322560xi32, #tpu.memory_space<hbm>> -> memref<96xi32, #tpu.memory_space<hbm>>
      %dma_wait3A_158 = tpu.memref_slice %arg2[%add3A_44] : memref<322560xi32, #tpu.memory_space<hbm>> -> memref<96xi32, #tpu.memory_space<hbm>>
      tpu.wait_dma2 semaphore(%run_scoped3A : memref<!tpu.dma_semaphore, #tpu.memory_space<semaphore_mem>>) src(%dma_wait3A_158 : memref<96xi32, #tpu.memory_space<hbm>>) dst(%arg11 : memref<96xi32, #tpu.memory_space<vmem>>)
      tpu.yield
    }) : () -> ()
    %add3A_45 = arith.constant 288 : i32
    %add3A_46 = arith.addi %mul3A_6, %add3A_45 : i32
    "tpu.region"() ({
      %run_scoped3A = tpu.sem_alloc : memref<!tpu.dma_semaphore, #tpu.memory_space<semaphore_mem>>
      %dma_start3A_155 = tpu.memref_slice %arg3[%add3A_46] : memref<322560xi32, #tpu.memory_space<hbm>> -> memref<96xi32, #tpu.memory_space<hbm>>
      %dma_start3A_156 = tpu.memref_slice %arg3[%add3A_46] : memref<322560xi32, #tpu.memory_space<hbm>> -> memref<96xi32, #tpu.memory_space<hbm>>
      tpu.enqueue_dma source(%dma_start3A_156 : memref<96xi32, #tpu.memory_space<hbm>>) target(%arg18 : memref<96xi32, #tpu.memory_space<vmem>>) target_semaphore(%run_scoped3A : memref<!tpu.dma_semaphore, #tpu.memory_space<semaphore_mem>>)
      %dma_wait3A_157 = tpu.memref_slice %arg3[%add3A_46] : memref<322560xi32, #tpu.memory_space<hbm>> -> memref<96xi32, #tpu.memory_space<hbm>>
      %dma_wait3A_158 = tpu.memref_slice %arg3[%add3A_46] : memref<322560xi32, #tpu.memory_space<hbm>> -> memref<96xi32, #tpu.memory_space<hbm>>
      tpu.wait_dma2 semaphore(%run_scoped3A : memref<!tpu.dma_semaphore, #tpu.memory_space<semaphore_mem>>) src(%dma_wait3A_158 : memref<96xi32, #tpu.memory_space<hbm>>) dst(%arg18 : memref<96xi32, #tpu.memory_space<vmem>>)
      tpu.yield
    }) : () -> ()
    %dma_start3A_47 = arith.constant 0 : i32
    %dma_start3A_48 = arith.constant 0 : i32
    %dma_start3A_49 = tpu.memref_slice %arg4[%dma_start3A_47, %dma_start3A_48] : memref<10000x128xf32, #tpu.memory_space<hbm>> -> memref<10000x128xf32, #tpu.memory_space<hbm>>
    tpu.enqueue_indirect_dma source(%dma_start3A_49 : memref<10000x128xf32, #tpu.memory_space<hbm>>) target(%arg23 : memref<96x128xf32, #tpu.memory_space<vmem>>) offsets(%arg11 : memref<96xi32, #tpu.memory_space<vmem>>) semaphore(%arg27 : memref<!tpu.dma_semaphore, #tpu.memory_space<semaphore_mem>>)
    %scan3A_50 = arith.constant 0 : i32
    %scan3A_51 = arith.constant 0 : i32
    %scan3A_52 = arith.constant 14 : i32
    %scan3A_53 = arith.addi %scan3A_51, %scan3A_52 : i32
    %scan3A_54 = arith.constant 1 : i32
    scf.for %scan3A_155 = %scan3A_51 to %scan3A_53 step %scan3A_54  : i32 {
      %mul3A_156 = arith.constant 2 : i32
      %mul3A_157 = arith.muli %mul3A_156, %scan3A_155 : i32
      %add3A_158 = arith.constant 0 : i32
      %add3A_159 = arith.addi %mul3A_157, %add3A_158 : i32
      %mul3A_160 = arith.constant 4 : i32
      %mul3A_161 = arith.muli %add3A_159, %mul3A_160 : i32
      %add3A_162 = arith.constant 0 : i32
      %add3A_163 = arith.addi %mul3A_161, %add3A_162 : i32
      %lt3A = arith.constant 105 : i32
      %lt3A_164 = arith.cmpi slt, %add3A_163, %lt3A : i32
      %convert_element_type3A_165 = arith.extui %lt3A_164 : i1 to i32
      %cond3A_166 = arith.constant 0 : i32
      %cond3A_167 = arith.cmpi ne, %convert_element_type3A_165, %cond3A_166 : i32
      scf.if %cond3A_167 {
        %dma_wait3A_259 = arith.constant 0 : i32
        %dma_wait3A_260 = arith.constant 0 : i32
        %dma_wait3A_261 = tpu.memref_slice %arg4[%dma_wait3A_259, %dma_wait3A_260] : memref<10000x128xf32, #tpu.memory_space<hbm>> -> memref<10000x128xf32, #tpu.memory_space<hbm>>
        tpu.wait_indirect_dma semaphore(%arg24 : memref<!tpu.dma_semaphore, #tpu.memory_space<semaphore_mem>>) src(%dma_wait3A_261 : memref<10000x128xf32, #tpu.memory_space<hbm>>) dst(%arg20 : memref<96x128xf32, #tpu.memory_space<vmem>>)
        %dma_start3A_262 = arith.constant 0 : i32
        %dma_start3A_263 = arith.constant 0 : i32
        %dma_start3A_264 = tpu.memref_slice %arg7[%dma_start3A_262, %dma_start3A_263] : memref<10008x128xf32, #tpu.memory_space<vmem_shared>> -> memref<10008x128xf32, #tpu.memory_space<vmem_shared>>
        tpu.enqueue_indirect_dma source(%arg20 : memref<96x128xf32, #tpu.memory_space<vmem>>) target(%dma_start3A_264 : memref<10008x128xf32, #tpu.memory_space<vmem_shared>>) offsets(%arg12 : memref<96xi32, #tpu.memory_space<vmem>>) semaphore(%arg28 : memref<!tpu.dma_semaphore, #tpu.memory_space<semaphore_mem>>) {add = true}
        %add3A_265 = arith.constant 4 : i32
        %add3A_266 = arith.addi %add3A_163, %add3A_265 : i32
        %lt3A_267 = arith.constant 105 : i32
        %lt3A_268 = arith.cmpi slt, %add3A_266, %lt3A_267 : i32
        %convert_element_type3A_269 = arith.extui %lt3A_268 : i1 to i32
        %cond3A_270 = arith.constant 0 : i32
        %cond3A_271 = arith.cmpi ne, %convert_element_type3A_269, %cond3A_270 : i32
        scf.if %cond3A_271 {
          %add3A_272 = arith.constant 4 : i32
          %add3A_273 = arith.addi %add3A_163, %add3A_272 : i32
          %mul3A_274 = arith.constant 96 : i32
          %mul3A_275 = arith.muli %add3A_273, %mul3A_274 : i32
          %add3A_276 = arith.addi %mul3A_6, %mul3A_275 : i32
          "tpu.region"() ({
            %run_scoped3A = tpu.sem_alloc : memref<!tpu.dma_semaphore, #tpu.memory_space<semaphore_mem>>
            %dma_start3A_286 = tpu.memref_slice %arg2[%add3A_276] : memref<322560xi32, #tpu.memory_space<hbm>> -> memref<96xi32, #tpu.memory_space<hbm>>
            %dma_start3A_287 = tpu.memref_slice %arg2[%add3A_276] : memref<322560xi32, #tpu.memory_space<hbm>> -> memref<96xi32, #tpu.memory_space<hbm>>
            tpu.enqueue_dma source(%dma_start3A_287 : memref<96xi32, #tpu.memory_space<hbm>>) target(%arg8 : memref<96xi32, #tpu.memory_space<vmem>>) target_semaphore(%run_scoped3A : memref<!tpu.dma_semaphore, #tpu.memory_space<semaphore_mem>>)
            %dma_wait3A_288 = tpu.memref_slice %arg2[%add3A_276] : memref<322560xi32, #tpu.memory_space<hbm>> -> memref<96xi32, #tpu.memory_space<hbm>>
            %dma_wait3A_289 = tpu.memref_slice %arg2[%add3A_276] : memref<322560xi32, #tpu.memory_space<hbm>> -> memref<96xi32, #tpu.memory_space<hbm>>
            tpu.wait_dma2 semaphore(%run_scoped3A : memref<!tpu.dma_semaphore, #tpu.memory_space<semaphore_mem>>) src(%dma_wait3A_289 : memref<96xi32, #tpu.memory_space<hbm>>) dst(%arg8 : memref<96xi32, #tpu.memory_space<vmem>>)
            tpu.yield
          }) : () -> ()
          %mul3A_277 = arith.constant 96 : i32
          %mul3A_278 = arith.muli %add3A_273, %mul3A_277 : i32
          %add3A_279 = arith.addi %mul3A_6, %mul3A_278 : i32
          "tpu.region"() ({
            %run_scoped3A = tpu.sem_alloc : memref<!tpu.dma_semaphore, #tpu.memory_space<semaphore_mem>>
            %dma_start3A_286 = tpu.memref_slice %arg3[%add3A_279] : memref<322560xi32, #tpu.memory_space<hbm>> -> memref<96xi32, #tpu.memory_space<hbm>>
            %dma_start3A_287 = tpu.memref_slice %arg3[%add3A_279] : memref<322560xi32, #tpu.memory_space<hbm>> -> memref<96xi32, #tpu.memory_space<hbm>>
            tpu.enqueue_dma source(%dma_start3A_287 : memref<96xi32, #tpu.memory_space<hbm>>) target(%arg13 : memref<96xi32, #tpu.memory_space<vmem>>) target_semaphore(%run_scoped3A : memref<!tpu.dma_semaphore, #tpu.memory_space<semaphore_mem>>)
            %dma_wait3A_288 = tpu.memref_slice %arg3[%add3A_279] : memref<322560xi32, #tpu.memory_space<hbm>> -> memref<96xi32, #tpu.memory_space<hbm>>
            %dma_wait3A_289 = tpu.memref_slice %arg3[%add3A_279] : memref<322560xi32, #tpu.memory_space<hbm>> -> memref<96xi32, #tpu.memory_space<hbm>>
            tpu.wait_dma2 semaphore(%run_scoped3A : memref<!tpu.dma_semaphore, #tpu.memory_space<semaphore_mem>>) src(%dma_wait3A_289 : memref<96xi32, #tpu.memory_space<hbm>>) dst(%arg13 : memref<96xi32, #tpu.memory_space<vmem>>)
            tpu.yield
          }) : () -> ()
          %dma_wait3A_280 = arith.constant 0 : i32
          %dma_wait3A_281 = arith.constant 0 : i32
          %dma_wait3A_282 = tpu.memref_slice %arg7[%dma_wait3A_280, %dma_wait3A_281] : memref<10008x128xf32, #tpu.memory_space<vmem_shared>> -> memref<10008x128xf32, #tpu.memory_space<vmem_shared>>
          tpu.wait_indirect_dma semaphore(%arg28 : memref<!tpu.dma_semaphore, #tpu.memory_space<semaphore_mem>>) src(%arg20 : memref<96x128xf32, #tpu.memory_space<vmem>>) dst(%dma_wait3A_282 : memref<10008x128xf32, #tpu.memory_space<vmem_shared>>)
          %dma_start3A_283 = arith.constant 0 : i32
          %dma_start3A_284 = arith.constant 0 : i32
          %dma_start3A_285 = tpu.memref_slice %arg4[%dma_start3A_283, %dma_start3A_284] : memref<10000x128xf32, #tpu.memory_space<hbm>> -> memref<10000x128xf32, #tpu.memory_space<hbm>>
          tpu.enqueue_indirect_dma source(%dma_start3A_285 : memref<10000x128xf32, #tpu.memory_space<hbm>>) target(%arg20 : memref<96x128xf32, #tpu.memory_space<vmem>>) offsets(%arg8 : memref<96xi32, #tpu.memory_space<vmem>>) semaphore(%arg24 : memref<!tpu.dma_semaphore, #tpu.memory_space<semaphore_mem>>)
        } else {
        }
      } else {
      }
      %mul3A_168 = arith.constant 2 : i32
      %mul3A_169 = arith.muli %mul3A_168, %scan3A_155 : i32
      %add3A_170 = arith.constant 0 : i32
      %add3A_171 = arith.addi %mul3A_169, %add3A_170 : i32
      %mul3A_172 = arith.constant 4 : i32
      %mul3A_173 = arith.muli %add3A_171, %mul3A_172 : i32
      %add3A_174 = arith.constant 1 : i32
      %add3A_175 = arith.addi %mul3A_173, %add3A_174 : i32
      %lt3A_176 = arith.constant 105 : i32
      %lt3A_177 = arith.cmpi slt, %add3A_175, %lt3A_176 : i32
      %convert_element_type3A_178 = arith.extui %lt3A_177 : i1 to i32
      %cond3A_179 = arith.constant 0 : i32
      %cond3A_180 = arith.cmpi ne, %convert_element_type3A_178, %cond3A_179 : i32
      scf.if %cond3A_180 {
        %dma_wait3A_259 = arith.constant 0 : i32
        %dma_wait3A_260 = arith.constant 0 : i32
        %dma_wait3A_261 = tpu.memref_slice %arg4[%dma_wait3A_259, %dma_wait3A_260] : memref<10000x128xf32, #tpu.memory_space<hbm>> -> memref<10000x128xf32, #tpu.memory_space<hbm>>
        tpu.wait_indirect_dma semaphore(%arg25 : memref<!tpu.dma_semaphore, #tpu.memory_space<semaphore_mem>>) src(%dma_wait3A_261 : memref<10000x128xf32, #tpu.memory_space<hbm>>) dst(%arg21 : memref<96x128xf32, #tpu.memory_space<vmem>>)
        %dma_start3A_262 = arith.constant 0 : i32
        %dma_start3A_263 = arith.constant 0 : i32
        %dma_start3A_264 = tpu.memref_slice %arg7[%dma_start3A_262, %dma_start3A_263] : memref<10008x128xf32, #tpu.memory_space<vmem_shared>> -> memref<10008x128xf32, #tpu.memory_space<vmem_shared>>
        tpu.enqueue_indirect_dma source(%arg21 : memref<96x128xf32, #tpu.memory_space<vmem>>) target(%dma_start3A_264 : memref<10008x128xf32, #tpu.memory_space<vmem_shared>>) offsets(%arg14 : memref<96xi32, #tpu.memory_space<vmem>>) semaphore(%arg29 : memref<!tpu.dma_semaphore, #tpu.memory_space<semaphore_mem>>) {add = true}
        %add3A_265 = arith.constant 4 : i32
        %add3A_266 = arith.addi %add3A_175, %add3A_265 : i32
        %lt3A_267 = arith.constant 105 : i32
        %lt3A_268 = arith.cmpi slt, %add3A_266, %lt3A_267 : i32
        %convert_element_type3A_269 = arith.extui %lt3A_268 : i1 to i32
        %cond3A_270 = arith.constant 0 : i32
        %cond3A_271 = arith.cmpi ne, %convert_element_type3A_269, %cond3A_270 : i32
        scf.if %cond3A_271 {
          %add3A_272 = arith.constant 4 : i32
          %add3A_273 = arith.addi %add3A_175, %add3A_272 : i32
          %mul3A_274 = arith.constant 96 : i32
          %mul3A_275 = arith.muli %add3A_273, %mul3A_274 : i32
          %add3A_276 = arith.addi %mul3A_6, %mul3A_275 : i32
          "tpu.region"() ({
            %run_scoped3A = tpu.sem_alloc : memref<!tpu.dma_semaphore, #tpu.memory_space<semaphore_mem>>
            %dma_start3A_286 = tpu.memref_slice %arg2[%add3A_276] : memref<322560xi32, #tpu.memory_space<hbm>> -> memref<96xi32, #tpu.memory_space<hbm>>
            %dma_start3A_287 = tpu.memref_slice %arg2[%add3A_276] : memref<322560xi32, #tpu.memory_space<hbm>> -> memref<96xi32, #tpu.memory_space<hbm>>
            tpu.enqueue_dma source(%dma_start3A_287 : memref<96xi32, #tpu.memory_space<hbm>>) target(%arg9 : memref<96xi32, #tpu.memory_space<vmem>>) target_semaphore(%run_scoped3A : memref<!tpu.dma_semaphore, #tpu.memory_space<semaphore_mem>>)
            %dma_wait3A_288 = tpu.memref_slice %arg2[%add3A_276] : memref<322560xi32, #tpu.memory_space<hbm>> -> memref<96xi32, #tpu.memory_space<hbm>>
            %dma_wait3A_289 = tpu.memref_slice %arg2[%add3A_276] : memref<322560xi32, #tpu.memory_space<hbm>> -> memref<96xi32, #tpu.memory_space<hbm>>
            tpu.wait_dma2 semaphore(%run_scoped3A : memref<!tpu.dma_semaphore, #tpu.memory_space<semaphore_mem>>) src(%dma_wait3A_289 : memref<96xi32, #tpu.memory_space<hbm>>) dst(%arg9 : memref<96xi32, #tpu.memory_space<vmem>>)
            tpu.yield
          }) : () -> ()
          %mul3A_277 = arith.constant 96 : i32
          %mul3A_278 = arith.muli %add3A_273, %mul3A_277 : i32
          %add3A_279 = arith.addi %mul3A_6, %mul3A_278 : i32
          "tpu.region"() ({
            %run_scoped3A = tpu.sem_alloc : memref<!tpu.dma_semaphore, #tpu.memory_space<semaphore_mem>>
            %dma_start3A_286 = tpu.memref_slice %arg3[%add3A_279] : memref<322560xi32, #tpu.memory_space<hbm>> -> memref<96xi32, #tpu.memory_space<hbm>>
            %dma_start3A_287 = tpu.memref_slice %arg3[%add3A_279] : memref<322560xi32, #tpu.memory_space<hbm>> -> memref<96xi32, #tpu.memory_space<hbm>>
            tpu.enqueue_dma source(%dma_start3A_287 : memref<96xi32, #tpu.memory_space<hbm>>) target(%arg15 : memref<96xi32, #tpu.memory_space<vmem>>) target_semaphore(%run_scoped3A : memref<!tpu.dma_semaphore, #tpu.memory_space<semaphore_mem>>)
            %dma_wait3A_288 = tpu.memref_slice %arg3[%add3A_279] : memref<322560xi32, #tpu.memory_space<hbm>> -> memref<96xi32, #tpu.memory_space<hbm>>
            %dma_wait3A_289 = tpu.memref_slice %arg3[%add3A_279] : memref<322560xi32, #tpu.memory_space<hbm>> -> memref<96xi32, #tpu.memory_space<hbm>>
            tpu.wait_dma2 semaphore(%run_scoped3A : memref<!tpu.dma_semaphore, #tpu.memory_space<semaphore_mem>>) src(%dma_wait3A_289 : memref<96xi32, #tpu.memory_space<hbm>>) dst(%arg15 : memref<96xi32, #tpu.memory_space<vmem>>)
            tpu.yield
          }) : () -> ()
          %dma_wait3A_280 = arith.constant 0 : i32
          %dma_wait3A_281 = arith.constant 0 : i32
          %dma_wait3A_282 = tpu.memref_slice %arg7[%dma_wait3A_280, %dma_wait3A_281] : memref<10008x128xf32, #tpu.memory_space<vmem_shared>> -> memref<10008x128xf32, #tpu.memory_space<vmem_shared>>
          tpu.wait_indirect_dma semaphore(%arg29 : memref<!tpu.dma_semaphore, #tpu.memory_space<semaphore_mem>>) src(%arg21 : memref<96x128xf32, #tpu.memory_space<vmem>>) dst(%dma_wait3A_282 : memref<10008x128xf32, #tpu.memory_space<vmem_shared>>)
          %dma_start3A_283 = arith.constant 0 : i32
          %dma_start3A_284 = arith.constant 0 : i32
          %dma_start3A_285 = tpu.memref_slice %arg4[%dma_start3A_283, %dma_start3A_284] : memref<10000x128xf32, #tpu.memory_space<hbm>> -> memref<10000x128xf32, #tpu.memory_space<hbm>>
          tpu.enqueue_indirect_dma source(%dma_start3A_285 : memref<10000x128xf32, #tpu.memory_space<hbm>>) target(%arg21 : memref<96x128xf32, #tpu.memory_space<vmem>>) offsets(%arg9 : memref<96xi32, #tpu.memory_space<vmem>>) semaphore(%arg25 : memref<!tpu.dma_semaphore, #tpu.memory_space<semaphore_mem>>)
        } else {
        }
      } else {
      }
      %mul3A_181 = arith.constant 2 : i32
      %mul3A_182 = arith.muli %mul3A_181, %scan3A_155 : i32
      %add3A_183 = arith.constant 0 : i32
      %add3A_184 = arith.addi %mul3A_182, %add3A_183 : i32
      %mul3A_185 = arith.constant 4 : i32
      %mul3A_186 = arith.muli %add3A_184, %mul3A_185 : i32
      %add3A_187 = arith.constant 2 : i32
      %add3A_188 = arith.addi %mul3A_186, %add3A_187 : i32
      %lt3A_189 = arith.constant 105 : i32
      %lt3A_190 = arith.cmpi slt, %add3A_188, %lt3A_189 : i32
      %convert_element_type3A_191 = arith.extui %lt3A_190 : i1 to i32
      %cond3A_192 = arith.constant 0 : i32
      %cond3A_193 = arith.cmpi ne, %convert_element_type3A_191, %cond3A_192 : i32
      scf.if %cond3A_193 {
        %dma_wait3A_259 = arith.constant 0 : i32
        %dma_wait3A_260 = arith.constant 0 : i32
        %dma_wait3A_261 = tpu.memref_slice %arg4[%dma_wait3A_259, %dma_wait3A_260] : memref<10000x128xf32, #tpu.memory_space<hbm>> -> memref<10000x128xf32, #tpu.memory_space<hbm>>
        tpu.wait_indirect_dma semaphore(%arg26 : memref<!tpu.dma_semaphore, #tpu.memory_space<semaphore_mem>>) src(%dma_wait3A_261 : memref<10000x128xf32, #tpu.memory_space<hbm>>) dst(%arg22 : memref<96x128xf32, #tpu.memory_space<vmem>>)
        %dma_start3A_262 = arith.constant 0 : i32
        %dma_start3A_263 = arith.constant 0 : i32
        %dma_start3A_264 = tpu.memref_slice %arg7[%dma_start3A_262, %dma_start3A_263] : memref<10008x128xf32, #tpu.memory_space<vmem_shared>> -> memref<10008x128xf32, #tpu.memory_space<vmem_shared>>
        tpu.enqueue_indirect_dma source(%arg22 : memref<96x128xf32, #tpu.memory_space<vmem>>) target(%dma_start3A_264 : memref<10008x128xf32, #tpu.memory_space<vmem_shared>>) offsets(%arg16 : memref<96xi32, #tpu.memory_space<vmem>>) semaphore(%arg30 : memref<!tpu.dma_semaphore, #tpu.memory_space<semaphore_mem>>) {add = true}
        %add3A_265 = arith.constant 4 : i32
        %add3A_266 = arith.addi %add3A_188, %add3A_265 : i32
        %lt3A_267 = arith.constant 105 : i32
        %lt3A_268 = arith.cmpi slt, %add3A_266, %lt3A_267 : i32
        %convert_element_type3A_269 = arith.extui %lt3A_268 : i1 to i32
        %cond3A_270 = arith.constant 0 : i32
        %cond3A_271 = arith.cmpi ne, %convert_element_type3A_269, %cond3A_270 : i32
        scf.if %cond3A_271 {
          %add3A_272 = arith.constant 4 : i32
          %add3A_273 = arith.addi %add3A_188, %add3A_272 : i32
          %mul3A_274 = arith.constant 96 : i32
          %mul3A_275 = arith.muli %add3A_273, %mul3A_274 : i32
          %add3A_276 = arith.addi %mul3A_6, %mul3A_275 : i32
          "tpu.region"() ({
            %run_scoped3A = tpu.sem_alloc : memref<!tpu.dma_semaphore, #tpu.memory_space<semaphore_mem>>
            %dma_start3A_286 = tpu.memref_slice %arg2[%add3A_276] : memref<322560xi32, #tpu.memory_space<hbm>> -> memref<96xi32, #tpu.memory_space<hbm>>
            %dma_start3A_287 = tpu.memref_slice %arg2[%add3A_276] : memref<322560xi32, #tpu.memory_space<hbm>> -> memref<96xi32, #tpu.memory_space<hbm>>
            tpu.enqueue_dma source(%dma_start3A_287 : memref<96xi32, #tpu.memory_space<hbm>>) target(%arg10 : memref<96xi32, #tpu.memory_space<vmem>>) target_semaphore(%run_scoped3A : memref<!tpu.dma_semaphore, #tpu.memory_space<semaphore_mem>>)
            %dma_wait3A_288 = tpu.memref_slice %arg2[%add3A_276] : memref<322560xi32, #tpu.memory_space<hbm>> -> memref<96xi32, #tpu.memory_space<hbm>>
            %dma_wait3A_289 = tpu.memref_slice %arg2[%add3A_276] : memref<322560xi32, #tpu.memory_space<hbm>> -> memref<96xi32, #tpu.memory_space<hbm>>
            tpu.wait_dma2 semaphore(%run_scoped3A : memref<!tpu.dma_semaphore, #tpu.memory_space<semaphore_mem>>) src(%dma_wait3A_289 : memref<96xi32, #tpu.memory_space<hbm>>) dst(%arg10 : memref<96xi32, #tpu.memory_space<vmem>>)
            tpu.yield
          }) : () -> ()
          %mul3A_277 = arith.constant 96 : i32
          %mul3A_278 = arith.muli %add3A_273, %mul3A_277 : i32
          %add3A_279 = arith.addi %mul3A_6, %mul3A_278 : i32
          "tpu.region"() ({
            %run_scoped3A = tpu.sem_alloc : memref<!tpu.dma_semaphore, #tpu.memory_space<semaphore_mem>>
            %dma_start3A_286 = tpu.memref_slice %arg3[%add3A_279] : memref<322560xi32, #tpu.memory_space<hbm>> -> memref<96xi32, #tpu.memory_space<hbm>>
            %dma_start3A_287 = tpu.memref_slice %arg3[%add3A_279] : memref<322560xi32, #tpu.memory_space<hbm>> -> memref<96xi32, #tpu.memory_space<hbm>>
            tpu.enqueue_dma source(%dma_start3A_287 : memref<96xi32, #tpu.memory_space<hbm>>) target(%arg17 : memref<96xi32, #tpu.memory_space<vmem>>) target_semaphore(%run_scoped3A : memref<!tpu.dma_semaphore, #tpu.memory_space<semaphore_mem>>)
            %dma_wait3A_288 = tpu.memref_slice %arg3[%add3A_279] : memref<322560xi32, #tpu.memory_space<hbm>> -> memref<96xi32, #tpu.memory_space<hbm>>
            %dma_wait3A_289 = tpu.memref_slice %arg3[%add3A_279] : memref<322560xi32, #tpu.memory_space<hbm>> -> memref<96xi32, #tpu.memory_space<hbm>>
            tpu.wait_dma2 semaphore(%run_scoped3A : memref<!tpu.dma_semaphore, #tpu.memory_space<semaphore_mem>>) src(%dma_wait3A_289 : memref<96xi32, #tpu.memory_space<hbm>>) dst(%arg17 : memref<96xi32, #tpu.memory_space<vmem>>)
            tpu.yield
          }) : () -> ()
          %dma_wait3A_280 = arith.constant 0 : i32
          %dma_wait3A_281 = arith.constant 0 : i32
          %dma_wait3A_282 = tpu.memref_slice %arg7[%dma_wait3A_280, %dma_wait3A_281] : memref<10008x128xf32, #tpu.memory_space<vmem_shared>> -> memref<10008x128xf32, #tpu.memory_space<vmem_shared>>
          tpu.wait_indirect_dma semaphore(%arg30 : memref<!tpu.dma_semaphore, #tpu.memory_space<semaphore_mem>>) src(%arg22 : memref<96x128xf32, #tpu.memory_space<vmem>>) dst(%dma_wait3A_282 : memref<10008x128xf32, #tpu.memory_space<vmem_shared>>)
          %dma_start3A_283 = arith.constant 0 : i32
          %dma_start3A_284 = arith.constant 0 : i32
          %dma_start3A_285 = tpu.memref_slice %arg4[%dma_start3A_283, %dma_start3A_284] : memref<10000x128xf32, #tpu.memory_space<hbm>> -> memref<10000x128xf32, #tpu.memory_space<hbm>>
          tpu.enqueue_indirect_dma source(%dma_start3A_285 : memref<10000x128xf32, #tpu.memory_space<hbm>>) target(%arg22 : memref<96x128xf32, #tpu.memory_space<vmem>>) offsets(%arg10 : memref<96xi32, #tpu.memory_space<vmem>>) semaphore(%arg26 : memref<!tpu.dma_semaphore, #tpu.memory_space<semaphore_mem>>)
        } else {
        }
      } else {
      }
      %mul3A_194 = arith.constant 2 : i32
      %mul3A_195 = arith.muli %mul3A_194, %scan3A_155 : i32
      %add3A_196 = arith.constant 0 : i32
      %add3A_197 = arith.addi %mul3A_195, %add3A_196 : i32
      %mul3A_198 = arith.constant 4 : i32
      %mul3A_199 = arith.muli %add3A_197, %mul3A_198 : i32
      %add3A_200 = arith.constant 3 : i32
      %add3A_201 = arith.addi %mul3A_199, %add3A_200 : i32
      %lt3A_202 = arith.constant 105 : i32
      %lt3A_203 = arith.cmpi slt, %add3A_201, %lt3A_202 : i32
      %convert_element_type3A_204 = arith.extui %lt3A_203 : i1 to i32
      %cond3A_205 = arith.constant 0 : i32
      %cond3A_206 = arith.cmpi ne, %convert_element_type3A_204, %cond3A_205 : i32
      scf.if %cond3A_206 {
        %dma_wait3A_259 = arith.constant 0 : i32
        %dma_wait3A_260 = arith.constant 0 : i32
        %dma_wait3A_261 = tpu.memref_slice %arg4[%dma_wait3A_259, %dma_wait3A_260] : memref<10000x128xf32, #tpu.memory_space<hbm>> -> memref<10000x128xf32, #tpu.memory_space<hbm>>
        tpu.wait_indirect_dma semaphore(%arg27 : memref<!tpu.dma_semaphore, #tpu.memory_space<semaphore_mem>>) src(%dma_wait3A_261 : memref<10000x128xf32, #tpu.memory_space<hbm>>) dst(%arg23 : memref<96x128xf32, #tpu.memory_space<vmem>>)
        %dma_start3A_262 = arith.constant 0 : i32
        %dma_start3A_263 = arith.constant 0 : i32
        %dma_start3A_264 = tpu.memref_slice %arg7[%dma_start3A_262, %dma_start3A_263] : memref<10008x128xf32, #tpu.memory_space<vmem_shared>> -> memref<10008x128xf32, #tpu.memory_space<vmem_shared>>
        tpu.enqueue_indirect_dma source(%arg23 : memref<96x128xf32, #tpu.memory_space<vmem>>) target(%dma_start3A_264 : memref<10008x128xf32, #tpu.memory_space<vmem_shared>>) offsets(%arg18 : memref<96xi32, #tpu.memory_space<vmem>>) semaphore(%arg31 : memref<!tpu.dma_semaphore, #tpu.memory_space<semaphore_mem>>) {add = true}
        %add3A_265 = arith.constant 4 : i32
        %add3A_266 = arith.addi %add3A_201, %add3A_265 : i32
        %lt3A_267 = arith.constant 105 : i32
        %lt3A_268 = arith.cmpi slt, %add3A_266, %lt3A_267 : i32
        %convert_element_type3A_269 = arith.extui %lt3A_268 : i1 to i32
        %cond3A_270 = arith.constant 0 : i32
        %cond3A_271 = arith.cmpi ne, %convert_element_type3A_269, %cond3A_270 : i32
        scf.if %cond3A_271 {
          %add3A_272 = arith.constant 4 : i32
          %add3A_273 = arith.addi %add3A_201, %add3A_272 : i32
          %mul3A_274 = arith.constant 96 : i32
          %mul3A_275 = arith.muli %add3A_273, %mul3A_274 : i32
          %add3A_276 = arith.addi %mul3A_6, %mul3A_275 : i32
          "tpu.region"() ({
            %run_scoped3A = tpu.sem_alloc : memref<!tpu.dma_semaphore, #tpu.memory_space<semaphore_mem>>
            %dma_start3A_286 = tpu.memref_slice %arg2[%add3A_276] : memref<322560xi32, #tpu.memory_space<hbm>> -> memref<96xi32, #tpu.memory_space<hbm>>
            %dma_start3A_287 = tpu.memref_slice %arg2[%add3A_276] : memref<322560xi32, #tpu.memory_space<hbm>> -> memref<96xi32, #tpu.memory_space<hbm>>
            tpu.enqueue_dma source(%dma_start3A_287 : memref<96xi32, #tpu.memory_space<hbm>>) target(%arg11 : memref<96xi32, #tpu.memory_space<vmem>>) target_semaphore(%run_scoped3A : memref<!tpu.dma_semaphore, #tpu.memory_space<semaphore_mem>>)
            %dma_wait3A_288 = tpu.memref_slice %arg2[%add3A_276] : memref<322560xi32, #tpu.memory_space<hbm>> -> memref<96xi32, #tpu.memory_space<hbm>>
            %dma_wait3A_289 = tpu.memref_slice %arg2[%add3A_276] : memref<322560xi32, #tpu.memory_space<hbm>> -> memref<96xi32, #tpu.memory_space<hbm>>
            tpu.wait_dma2 semaphore(%run_scoped3A : memref<!tpu.dma_semaphore, #tpu.memory_space<semaphore_mem>>) src(%dma_wait3A_289 : memref<96xi32, #tpu.memory_space<hbm>>) dst(%arg11 : memref<96xi32, #tpu.memory_space<vmem>>)
            tpu.yield
          }) : () -> ()
          %mul3A_277 = arith.constant 96 : i32
          %mul3A_278 = arith.muli %add3A_273, %mul3A_277 : i32
          %add3A_279 = arith.addi %mul3A_6, %mul3A_278 : i32
          "tpu.region"() ({
            %run_scoped3A = tpu.sem_alloc : memref<!tpu.dma_semaphore, #tpu.memory_space<semaphore_mem>>
            %dma_start3A_286 = tpu.memref_slice %arg3[%add3A_279] : memref<322560xi32, #tpu.memory_space<hbm>> -> memref<96xi32, #tpu.memory_space<hbm>>
            %dma_start3A_287 = tpu.memref_slice %arg3[%add3A_279] : memref<322560xi32, #tpu.memory_space<hbm>> -> memref<96xi32, #tpu.memory_space<hbm>>
            tpu.enqueue_dma source(%dma_start3A_287 : memref<96xi32, #tpu.memory_space<hbm>>) target(%arg19 : memref<96xi32, #tpu.memory_space<vmem>>) target_semaphore(%run_scoped3A : memref<!tpu.dma_semaphore, #tpu.memory_space<semaphore_mem>>)
            %dma_wait3A_288 = tpu.memref_slice %arg3[%add3A_279] : memref<322560xi32, #tpu.memory_space<hbm>> -> memref<96xi32, #tpu.memory_space<hbm>>
            %dma_wait3A_289 = tpu.memref_slice %arg3[%add3A_279] : memref<322560xi32, #tpu.memory_space<hbm>> -> memref<96xi32, #tpu.memory_space<hbm>>
            tpu.wait_dma2 semaphore(%run_scoped3A : memref<!tpu.dma_semaphore, #tpu.memory_space<semaphore_mem>>) src(%dma_wait3A_289 : memref<96xi32, #tpu.memory_space<hbm>>) dst(%arg19 : memref<96xi32, #tpu.memory_space<vmem>>)
            tpu.yield
          }) : () -> ()
          %dma_wait3A_280 = arith.constant 0 : i32
          %dma_wait3A_281 = arith.constant 0 : i32
          %dma_wait3A_282 = tpu.memref_slice %arg7[%dma_wait3A_280, %dma_wait3A_281] : memref<10008x128xf32, #tpu.memory_space<vmem_shared>> -> memref<10008x128xf32, #tpu.memory_space<vmem_shared>>
          tpu.wait_indirect_dma semaphore(%arg31 : memref<!tpu.dma_semaphore, #tpu.memory_space<semaphore_mem>>) src(%arg23 : memref<96x128xf32, #tpu.memory_space<vmem>>) dst(%dma_wait3A_282 : memref<10008x128xf32, #tpu.memory_space<vmem_shared>>)
          %dma_start3A_283 = arith.constant 0 : i32
          %dma_start3A_284 = arith.constant 0 : i32
          %dma_start3A_285 = tpu.memref_slice %arg4[%dma_start3A_283, %dma_start3A_284] : memref<10000x128xf32, #tpu.memory_space<hbm>> -> memref<10000x128xf32, #tpu.memory_space<hbm>>
          tpu.enqueue_indirect_dma source(%dma_start3A_285 : memref<10000x128xf32, #tpu.memory_space<hbm>>) target(%arg23 : memref<96x128xf32, #tpu.memory_space<vmem>>) offsets(%arg11 : memref<96xi32, #tpu.memory_space<vmem>>) semaphore(%arg27 : memref<!tpu.dma_semaphore, #tpu.memory_space<semaphore_mem>>)
        } else {
        }
      } else {
      }
      %mul3A_207 = arith.constant 2 : i32
      %mul3A_208 = arith.muli %mul3A_207, %scan3A_155 : i32
      %add3A_209 = arith.constant 1 : i32
      %add3A_210 = arith.addi %mul3A_208, %add3A_209 : i32
      %mul3A_211 = arith.constant 4 : i32
      %mul3A_212 = arith.muli %add3A_210, %mul3A_211 : i32
      %add3A_213 = arith.constant 0 : i32
      %add3A_214 = arith.addi %mul3A_212, %add3A_213 : i32
      %lt3A_215 = arith.constant 105 : i32
      %lt3A_216 = arith.cmpi slt, %add3A_214, %lt3A_215 : i32
      %convert_element_type3A_217 = arith.extui %lt3A_216 : i1 to i32
      %cond3A_218 = arith.constant 0 : i32
      %cond3A_219 = arith.cmpi ne, %convert_element_type3A_217, %cond3A_218 : i32
      scf.if %cond3A_219 {
        %dma_wait3A_259 = arith.constant 0 : i32
        %dma_wait3A_260 = arith.constant 0 : i32
        %dma_wait3A_261 = tpu.memref_slice %arg4[%dma_wait3A_259, %dma_wait3A_260] : memref<10000x128xf32, #tpu.memory_space<hbm>> -> memref<10000x128xf32, #tpu.memory_space<hbm>>
        tpu.wait_indirect_dma semaphore(%arg24 : memref<!tpu.dma_semaphore, #tpu.memory_space<semaphore_mem>>) src(%dma_wait3A_261 : memref<10000x128xf32, #tpu.memory_space<hbm>>) dst(%arg20 : memref<96x128xf32, #tpu.memory_space<vmem>>)
        %dma_start3A_262 = arith.constant 0 : i32
        %dma_start3A_263 = arith.constant 0 : i32
        %dma_start3A_264 = tpu.memref_slice %arg7[%dma_start3A_262, %dma_start3A_263] : memref<10008x128xf32, #tpu.memory_space<vmem_shared>> -> memref<10008x128xf32, #tpu.memory_space<vmem_shared>>
        tpu.enqueue_indirect_dma source(%arg20 : memref<96x128xf32, #tpu.memory_space<vmem>>) target(%dma_start3A_264 : memref<10008x128xf32, #tpu.memory_space<vmem_shared>>) offsets(%arg13 : memref<96xi32, #tpu.memory_space<vmem>>) semaphore(%arg28 : memref<!tpu.dma_semaphore, #tpu.memory_space<semaphore_mem>>) {add = true}
        %add3A_265 = arith.constant 4 : i32
        %add3A_266 = arith.addi %add3A_214, %add3A_265 : i32
        %lt3A_267 = arith.constant 105 : i32
        %lt3A_268 = arith.cmpi slt, %add3A_266, %lt3A_267 : i32
        %convert_element_type3A_269 = arith.extui %lt3A_268 : i1 to i32
        %cond3A_270 = arith.constant 0 : i32
        %cond3A_271 = arith.cmpi ne, %convert_element_type3A_269, %cond3A_270 : i32
        scf.if %cond3A_271 {
          %add3A_272 = arith.constant 4 : i32
          %add3A_273 = arith.addi %add3A_214, %add3A_272 : i32
          %mul3A_274 = arith.constant 96 : i32
          %mul3A_275 = arith.muli %add3A_273, %mul3A_274 : i32
          %add3A_276 = arith.addi %mul3A_6, %mul3A_275 : i32
          "tpu.region"() ({
            %run_scoped3A = tpu.sem_alloc : memref<!tpu.dma_semaphore, #tpu.memory_space<semaphore_mem>>
            %dma_start3A_286 = tpu.memref_slice %arg2[%add3A_276] : memref<322560xi32, #tpu.memory_space<hbm>> -> memref<96xi32, #tpu.memory_space<hbm>>
            %dma_start3A_287 = tpu.memref_slice %arg2[%add3A_276] : memref<322560xi32, #tpu.memory_space<hbm>> -> memref<96xi32, #tpu.memory_space<hbm>>
            tpu.enqueue_dma source(%dma_start3A_287 : memref<96xi32, #tpu.memory_space<hbm>>) target(%arg8 : memref<96xi32, #tpu.memory_space<vmem>>) target_semaphore(%run_scoped3A : memref<!tpu.dma_semaphore, #tpu.memory_space<semaphore_mem>>)
            %dma_wait3A_288 = tpu.memref_slice %arg2[%add3A_276] : memref<322560xi32, #tpu.memory_space<hbm>> -> memref<96xi32, #tpu.memory_space<hbm>>
            %dma_wait3A_289 = tpu.memref_slice %arg2[%add3A_276] : memref<322560xi32, #tpu.memory_space<hbm>> -> memref<96xi32, #tpu.memory_space<hbm>>
            tpu.wait_dma2 semaphore(%run_scoped3A : memref<!tpu.dma_semaphore, #tpu.memory_space<semaphore_mem>>) src(%dma_wait3A_289 : memref<96xi32, #tpu.memory_space<hbm>>) dst(%arg8 : memref<96xi32, #tpu.memory_space<vmem>>)
            tpu.yield
          }) : () -> ()
          %mul3A_277 = arith.constant 96 : i32
          %mul3A_278 = arith.muli %add3A_273, %mul3A_277 : i32
          %add3A_279 = arith.addi %mul3A_6, %mul3A_278 : i32
          "tpu.region"() ({
            %run_scoped3A = tpu.sem_alloc : memref<!tpu.dma_semaphore, #tpu.memory_space<semaphore_mem>>
            %dma_start3A_286 = tpu.memref_slice %arg3[%add3A_279] : memref<322560xi32, #tpu.memory_space<hbm>> -> memref<96xi32, #tpu.memory_space<hbm>>
            %dma_start3A_287 = tpu.memref_slice %arg3[%add3A_279] : memref<322560xi32, #tpu.memory_space<hbm>> -> memref<96xi32, #tpu.memory_space<hbm>>
            tpu.enqueue_dma source(%dma_start3A_287 : memref<96xi32, #tpu.memory_space<hbm>>) target(%arg12 : memref<96xi32, #tpu.memory_space<vmem>>) target_semaphore(%run_scoped3A : memref<!tpu.dma_semaphore, #tpu.memory_space<semaphore_mem>>)
            %dma_wait3A_288 = tpu.memref_slice %arg3[%add3A_279] : memref<322560xi32, #tpu.memory_space<hbm>> -> memref<96xi32, #tpu.memory_space<hbm>>
            %dma_wait3A_289 = tpu.memref_slice %arg3[%add3A_279] : memref<322560xi32, #tpu.memory_space<hbm>> -> memref<96xi32, #tpu.memory_space<hbm>>
            tpu.wait_dma2 semaphore(%run_scoped3A : memref<!tpu.dma_semaphore, #tpu.memory_space<semaphore_mem>>) src(%dma_wait3A_289 : memref<96xi32, #tpu.memory_space<hbm>>) dst(%arg12 : memref<96xi32, #tpu.memory_space<vmem>>)
            tpu.yield
          }) : () -> ()
          %dma_wait3A_280 = arith.constant 0 : i32
          %dma_wait3A_281 = arith.constant 0 : i32
          %dma_wait3A_282 = tpu.memref_slice %arg7[%dma_wait3A_280, %dma_wait3A_281] : memref<10008x128xf32, #tpu.memory_space<vmem_shared>> -> memref<10008x128xf32, #tpu.memory_space<vmem_shared>>
          tpu.wait_indirect_dma semaphore(%arg28 : memref<!tpu.dma_semaphore, #tpu.memory_space<semaphore_mem>>) src(%arg20 : memref<96x128xf32, #tpu.memory_space<vmem>>) dst(%dma_wait3A_282 : memref<10008x128xf32, #tpu.memory_space<vmem_shared>>)
          %dma_start3A_283 = arith.constant 0 : i32
          %dma_start3A_284 = arith.constant 0 : i32
          %dma_start3A_285 = tpu.memref_slice %arg4[%dma_start3A_283, %dma_start3A_284] : memref<10000x128xf32, #tpu.memory_space<hbm>> -> memref<10000x128xf32, #tpu.memory_space<hbm>>
          tpu.enqueue_indirect_dma source(%dma_start3A_285 : memref<10000x128xf32, #tpu.memory_space<hbm>>) target(%arg20 : memref<96x128xf32, #tpu.memory_space<vmem>>) offsets(%arg8 : memref<96xi32, #tpu.memory_space<vmem>>) semaphore(%arg24 : memref<!tpu.dma_semaphore, #tpu.memory_space<semaphore_mem>>)
        } else {
        }
      } else {
      }
      %mul3A_220 = arith.constant 2 : i32
      %mul3A_221 = arith.muli %mul3A_220, %scan3A_155 : i32
      %add3A_222 = arith.constant 1 : i32
      %add3A_223 = arith.addi %mul3A_221, %add3A_222 : i32
      %mul3A_224 = arith.constant 4 : i32
      %mul3A_225 = arith.muli %add3A_223, %mul3A_224 : i32
      %add3A_226 = arith.constant 1 : i32
      %add3A_227 = arith.addi %mul3A_225, %add3A_226 : i32
      %lt3A_228 = arith.constant 105 : i32
      %lt3A_229 = arith.cmpi slt, %add3A_227, %lt3A_228 : i32
      %convert_element_type3A_230 = arith.extui %lt3A_229 : i1 to i32
      %cond3A_231 = arith.constant 0 : i32
      %cond3A_232 = arith.cmpi ne, %convert_element_type3A_230, %cond3A_231 : i32
      scf.if %cond3A_232 {
        %dma_wait3A_259 = arith.constant 0 : i32
        %dma_wait3A_260 = arith.constant 0 : i32
        %dma_wait3A_261 = tpu.memref_slice %arg4[%dma_wait3A_259, %dma_wait3A_260] : memref<10000x128xf32, #tpu.memory_space<hbm>> -> memref<10000x128xf32, #tpu.memory_space<hbm>>
        tpu.wait_indirect_dma semaphore(%arg25 : memref<!tpu.dma_semaphore, #tpu.memory_space<semaphore_mem>>) src(%dma_wait3A_261 : memref<10000x128xf32, #tpu.memory_space<hbm>>) dst(%arg21 : memref<96x128xf32, #tpu.memory_space<vmem>>)
        %dma_start3A_262 = arith.constant 0 : i32
        %dma_start3A_263 = arith.constant 0 : i32
        %dma_start3A_264 = tpu.memref_slice %arg7[%dma_start3A_262, %dma_start3A_263] : memref<10008x128xf32, #tpu.memory_space<vmem_shared>> -> memref<10008x128xf32, #tpu.memory_space<vmem_shared>>
        tpu.enqueue_indirect_dma source(%arg21 : memref<96x128xf32, #tpu.memory_space<vmem>>) target(%dma_start3A_264 : memref<10008x128xf32, #tpu.memory_space<vmem_shared>>) offsets(%arg15 : memref<96xi32, #tpu.memory_space<vmem>>) semaphore(%arg29 : memref<!tpu.dma_semaphore, #tpu.memory_space<semaphore_mem>>) {add = true}
        %add3A_265 = arith.constant 4 : i32
        %add3A_266 = arith.addi %add3A_227, %add3A_265 : i32
        %lt3A_267 = arith.constant 105 : i32
        %lt3A_268 = arith.cmpi slt, %add3A_266, %lt3A_267 : i32
        %convert_element_type3A_269 = arith.extui %lt3A_268 : i1 to i32
        %cond3A_270 = arith.constant 0 : i32
        %cond3A_271 = arith.cmpi ne, %convert_element_type3A_269, %cond3A_270 : i32
        scf.if %cond3A_271 {
          %add3A_272 = arith.constant 4 : i32
          %add3A_273 = arith.addi %add3A_227, %add3A_272 : i32
          %mul3A_274 = arith.constant 96 : i32
          %mul3A_275 = arith.muli %add3A_273, %mul3A_274 : i32
          %add3A_276 = arith.addi %mul3A_6, %mul3A_275 : i32
          "tpu.region"() ({
            %run_scoped3A = tpu.sem_alloc : memref<!tpu.dma_semaphore, #tpu.memory_space<semaphore_mem>>
            %dma_start3A_286 = tpu.memref_slice %arg2[%add3A_276] : memref<322560xi32, #tpu.memory_space<hbm>> -> memref<96xi32, #tpu.memory_space<hbm>>
            %dma_start3A_287 = tpu.memref_slice %arg2[%add3A_276] : memref<322560xi32, #tpu.memory_space<hbm>> -> memref<96xi32, #tpu.memory_space<hbm>>
            tpu.enqueue_dma source(%dma_start3A_287 : memref<96xi32, #tpu.memory_space<hbm>>) target(%arg9 : memref<96xi32, #tpu.memory_space<vmem>>) target_semaphore(%run_scoped3A : memref<!tpu.dma_semaphore, #tpu.memory_space<semaphore_mem>>)
            %dma_wait3A_288 = tpu.memref_slice %arg2[%add3A_276] : memref<322560xi32, #tpu.memory_space<hbm>> -> memref<96xi32, #tpu.memory_space<hbm>>
            %dma_wait3A_289 = tpu.memref_slice %arg2[%add3A_276] : memref<322560xi32, #tpu.memory_space<hbm>> -> memref<96xi32, #tpu.memory_space<hbm>>
            tpu.wait_dma2 semaphore(%run_scoped3A : memref<!tpu.dma_semaphore, #tpu.memory_space<semaphore_mem>>) src(%dma_wait3A_289 : memref<96xi32, #tpu.memory_space<hbm>>) dst(%arg9 : memref<96xi32, #tpu.memory_space<vmem>>)
            tpu.yield
          }) : () -> ()
          %mul3A_277 = arith.constant 96 : i32
          %mul3A_278 = arith.muli %add3A_273, %mul3A_277 : i32
          %add3A_279 = arith.addi %mul3A_6, %mul3A_278 : i32
          "tpu.region"() ({
            %run_scoped3A = tpu.sem_alloc : memref<!tpu.dma_semaphore, #tpu.memory_space<semaphore_mem>>
            %dma_start3A_286 = tpu.memref_slice %arg3[%add3A_279] : memref<322560xi32, #tpu.memory_space<hbm>> -> memref<96xi32, #tpu.memory_space<hbm>>
            %dma_start3A_287 = tpu.memref_slice %arg3[%add3A_279] : memref<322560xi32, #tpu.memory_space<hbm>> -> memref<96xi32, #tpu.memory_space<hbm>>
            tpu.enqueue_dma source(%dma_start3A_287 : memref<96xi32, #tpu.memory_space<hbm>>) target(%arg14 : memref<96xi32, #tpu.memory_space<vmem>>) target_semaphore(%run_scoped3A : memref<!tpu.dma_semaphore, #tpu.memory_space<semaphore_mem>>)
            %dma_wait3A_288 = tpu.memref_slice %arg3[%add3A_279] : memref<322560xi32, #tpu.memory_space<hbm>> -> memref<96xi32, #tpu.memory_space<hbm>>
            %dma_wait3A_289 = tpu.memref_slice %arg3[%add3A_279] : memref<322560xi32, #tpu.memory_space<hbm>> -> memref<96xi32, #tpu.memory_space<hbm>>
            tpu.wait_dma2 semaphore(%run_scoped3A : memref<!tpu.dma_semaphore, #tpu.memory_space<semaphore_mem>>) src(%dma_wait3A_289 : memref<96xi32, #tpu.memory_space<hbm>>) dst(%arg14 : memref<96xi32, #tpu.memory_space<vmem>>)
            tpu.yield
          }) : () -> ()
          %dma_wait3A_280 = arith.constant 0 : i32
          %dma_wait3A_281 = arith.constant 0 : i32
          %dma_wait3A_282 = tpu.memref_slice %arg7[%dma_wait3A_280, %dma_wait3A_281] : memref<10008x128xf32, #tpu.memory_space<vmem_shared>> -> memref<10008x128xf32, #tpu.memory_space<vmem_shared>>
          tpu.wait_indirect_dma semaphore(%arg29 : memref<!tpu.dma_semaphore, #tpu.memory_space<semaphore_mem>>) src(%arg21 : memref<96x128xf32, #tpu.memory_space<vmem>>) dst(%dma_wait3A_282 : memref<10008x128xf32, #tpu.memory_space<vmem_shared>>)
          %dma_start3A_283 = arith.constant 0 : i32
          %dma_start3A_284 = arith.constant 0 : i32
          %dma_start3A_285 = tpu.memref_slice %arg4[%dma_start3A_283, %dma_start3A_284] : memref<10000x128xf32, #tpu.memory_space<hbm>> -> memref<10000x128xf32, #tpu.memory_space<hbm>>
          tpu.enqueue_indirect_dma source(%dma_start3A_285 : memref<10000x128xf32, #tpu.memory_space<hbm>>) target(%arg21 : memref<96x128xf32, #tpu.memory_space<vmem>>) offsets(%arg9 : memref<96xi32, #tpu.memory_space<vmem>>) semaphore(%arg25 : memref<!tpu.dma_semaphore, #tpu.memory_space<semaphore_mem>>)
        } else {
        }
      } else {
      }
      %mul3A_233 = arith.constant 2 : i32
      %mul3A_234 = arith.muli %mul3A_233, %scan3A_155 : i32
      %add3A_235 = arith.constant 1 : i32
      %add3A_236 = arith.addi %mul3A_234, %add3A_235 : i32
      %mul3A_237 = arith.constant 4 : i32
      %mul3A_238 = arith.muli %add3A_236, %mul3A_237 : i32
      %add3A_239 = arith.constant 2 : i32
      %add3A_240 = arith.addi %mul3A_238, %add3A_239 : i32
      %lt3A_241 = arith.constant 105 : i32
      %lt3A_242 = arith.cmpi slt, %add3A_240, %lt3A_241 : i32
      %convert_element_type3A_243 = arith.extui %lt3A_242 : i1 to i32
      %cond3A_244 = arith.constant 0 : i32
      %cond3A_245 = arith.cmpi ne, %convert_element_type3A_243, %cond3A_244 : i32
      scf.if %cond3A_245 {
        %dma_wait3A_259 = arith.constant 0 : i32
        %dma_wait3A_260 = arith.constant 0 : i32
        %dma_wait3A_261 = tpu.memref_slice %arg4[%dma_wait3A_259, %dma_wait3A_260] : memref<10000x128xf32, #tpu.memory_space<hbm>> -> memref<10000x128xf32, #tpu.memory_space<hbm>>
        tpu.wait_indirect_dma semaphore(%arg26 : memref<!tpu.dma_semaphore, #tpu.memory_space<semaphore_mem>>) src(%dma_wait3A_261 : memref<10000x128xf32, #tpu.memory_space<hbm>>) dst(%arg22 : memref<96x128xf32, #tpu.memory_space<vmem>>)
        %dma_start3A_262 = arith.constant 0 : i32
        %dma_start3A_263 = arith.constant 0 : i32
        %dma_start3A_264 = tpu.memref_slice %arg7[%dma_start3A_262, %dma_start3A_263] : memref<10008x128xf32, #tpu.memory_space<vmem_shared>> -> memref<10008x128xf32, #tpu.memory_space<vmem_shared>>
        tpu.enqueue_indirect_dma source(%arg22 : memref<96x128xf32, #tpu.memory_space<vmem>>) target(%dma_start3A_264 : memref<10008x128xf32, #tpu.memory_space<vmem_shared>>) offsets(%arg17 : memref<96xi32, #tpu.memory_space<vmem>>) semaphore(%arg30 : memref<!tpu.dma_semaphore, #tpu.memory_space<semaphore_mem>>) {add = true}
        %add3A_265 = arith.constant 4 : i32
        %add3A_266 = arith.addi %add3A_240, %add3A_265 : i32
        %lt3A_267 = arith.constant 105 : i32
        %lt3A_268 = arith.cmpi slt, %add3A_266, %lt3A_267 : i32
        %convert_element_type3A_269 = arith.extui %lt3A_268 : i1 to i32
        %cond3A_270 = arith.constant 0 : i32
        %cond3A_271 = arith.cmpi ne, %convert_element_type3A_269, %cond3A_270 : i32
        scf.if %cond3A_271 {
          %add3A_272 = arith.constant 4 : i32
          %add3A_273 = arith.addi %add3A_240, %add3A_272 : i32
          %mul3A_274 = arith.constant 96 : i32
          %mul3A_275 = arith.muli %add3A_273, %mul3A_274 : i32
          %add3A_276 = arith.addi %mul3A_6, %mul3A_275 : i32
          "tpu.region"() ({
            %run_scoped3A = tpu.sem_alloc : memref<!tpu.dma_semaphore, #tpu.memory_space<semaphore_mem>>
            %dma_start3A_286 = tpu.memref_slice %arg2[%add3A_276] : memref<322560xi32, #tpu.memory_space<hbm>> -> memref<96xi32, #tpu.memory_space<hbm>>
            %dma_start3A_287 = tpu.memref_slice %arg2[%add3A_276] : memref<322560xi32, #tpu.memory_space<hbm>> -> memref<96xi32, #tpu.memory_space<hbm>>
            tpu.enqueue_dma source(%dma_start3A_287 : memref<96xi32, #tpu.memory_space<hbm>>) target(%arg10 : memref<96xi32, #tpu.memory_space<vmem>>) target_semaphore(%run_scoped3A : memref<!tpu.dma_semaphore, #tpu.memory_space<semaphore_mem>>)
            %dma_wait3A_288 = tpu.memref_slice %arg2[%add3A_276] : memref<322560xi32, #tpu.memory_space<hbm>> -> memref<96xi32, #tpu.memory_space<hbm>>
            %dma_wait3A_289 = tpu.memref_slice %arg2[%add3A_276] : memref<322560xi32, #tpu.memory_space<hbm>> -> memref<96xi32, #tpu.memory_space<hbm>>
            tpu.wait_dma2 semaphore(%run_scoped3A : memref<!tpu.dma_semaphore, #tpu.memory_space<semaphore_mem>>) src(%dma_wait3A_289 : memref<96xi32, #tpu.memory_space<hbm>>) dst(%arg10 : memref<96xi32, #tpu.memory_space<vmem>>)
            tpu.yield
          }) : () -> ()
          %mul3A_277 = arith.constant 96 : i32
          %mul3A_278 = arith.muli %add3A_273, %mul3A_277 : i32
          %add3A_279 = arith.addi %mul3A_6, %mul3A_278 : i32
          "tpu.region"() ({
            %run_scoped3A = tpu.sem_alloc : memref<!tpu.dma_semaphore, #tpu.memory_space<semaphore_mem>>
            %dma_start3A_286 = tpu.memref_slice %arg3[%add3A_279] : memref<322560xi32, #tpu.memory_space<hbm>> -> memref<96xi32, #tpu.memory_space<hbm>>
            %dma_start3A_287 = tpu.memref_slice %arg3[%add3A_279] : memref<322560xi32, #tpu.memory_space<hbm>> -> memref<96xi32, #tpu.memory_space<hbm>>
            tpu.enqueue_dma source(%dma_start3A_287 : memref<96xi32, #tpu.memory_space<hbm>>) target(%arg16 : memref<96xi32, #tpu.memory_space<vmem>>) target_semaphore(%run_scoped3A : memref<!tpu.dma_semaphore, #tpu.memory_space<semaphore_mem>>)
            %dma_wait3A_288 = tpu.memref_slice %arg3[%add3A_279] : memref<322560xi32, #tpu.memory_space<hbm>> -> memref<96xi32, #tpu.memory_space<hbm>>
            %dma_wait3A_289 = tpu.memref_slice %arg3[%add3A_279] : memref<322560xi32, #tpu.memory_space<hbm>> -> memref<96xi32, #tpu.memory_space<hbm>>
            tpu.wait_dma2 semaphore(%run_scoped3A : memref<!tpu.dma_semaphore, #tpu.memory_space<semaphore_mem>>) src(%dma_wait3A_289 : memref<96xi32, #tpu.memory_space<hbm>>) dst(%arg16 : memref<96xi32, #tpu.memory_space<vmem>>)
            tpu.yield
          }) : () -> ()
          %dma_wait3A_280 = arith.constant 0 : i32
          %dma_wait3A_281 = arith.constant 0 : i32
          %dma_wait3A_282 = tpu.memref_slice %arg7[%dma_wait3A_280, %dma_wait3A_281] : memref<10008x128xf32, #tpu.memory_space<vmem_shared>> -> memref<10008x128xf32, #tpu.memory_space<vmem_shared>>
          tpu.wait_indirect_dma semaphore(%arg30 : memref<!tpu.dma_semaphore, #tpu.memory_space<semaphore_mem>>) src(%arg22 : memref<96x128xf32, #tpu.memory_space<vmem>>) dst(%dma_wait3A_282 : memref<10008x128xf32, #tpu.memory_space<vmem_shared>>)
          %dma_start3A_283 = arith.constant 0 : i32
          %dma_start3A_284 = arith.constant 0 : i32
          %dma_start3A_285 = tpu.memref_slice %arg4[%dma_start3A_283, %dma_start3A_284] : memref<10000x128xf32, #tpu.memory_space<hbm>> -> memref<10000x128xf32, #tpu.memory_space<hbm>>
          tpu.enqueue_indirect_dma source(%dma_start3A_285 : memref<10000x128xf32, #tpu.memory_space<hbm>>) target(%arg22 : memref<96x128xf32, #tpu.memory_space<vmem>>) offsets(%arg10 : memref<96xi32, #tpu.memory_space<vmem>>) semaphore(%arg26 : memref<!tpu.dma_semaphore, #tpu.memory_space<semaphore_mem>>)
        } else {
        }
      } else {
      }
      %mul3A_246 = arith.constant 2 : i32
      %mul3A_247 = arith.muli %mul3A_246, %scan3A_155 : i32
      %add3A_248 = arith.constant 1 : i32
      %add3A_249 = arith.addi %mul3A_247, %add3A_248 : i32
      %mul3A_250 = arith.constant 4 : i32
      %mul3A_251 = arith.muli %add3A_249, %mul3A_250 : i32
      %add3A_252 = arith.constant 3 : i32
      %add3A_253 = arith.addi %mul3A_251, %add3A_252 : i32
      %lt3A_254 = arith.constant 105 : i32
      %lt3A_255 = arith.cmpi slt, %add3A_253, %lt3A_254 : i32
      %convert_element_type3A_256 = arith.extui %lt3A_255 : i1 to i32
      %cond3A_257 = arith.constant 0 : i32
      %cond3A_258 = arith.cmpi ne, %convert_element_type3A_256, %cond3A_257 : i32
      scf.if %cond3A_258 {
        %dma_wait3A_259 = arith.constant 0 : i32
        %dma_wait3A_260 = arith.constant 0 : i32
        %dma_wait3A_261 = tpu.memref_slice %arg4[%dma_wait3A_259, %dma_wait3A_260] : memref<10000x128xf32, #tpu.memory_space<hbm>> -> memref<10000x128xf32, #tpu.memory_space<hbm>>
        tpu.wait_indirect_dma semaphore(%arg27 : memref<!tpu.dma_semaphore, #tpu.memory_space<semaphore_mem>>) src(%dma_wait3A_261 : memref<10000x128xf32, #tpu.memory_space<hbm>>) dst(%arg23 : memref<96x128xf32, #tpu.memory_space<vmem>>)
        %dma_start3A_262 = arith.constant 0 : i32
        %dma_start3A_263 = arith.constant 0 : i32
        %dma_start3A_264 = tpu.memref_slice %arg7[%dma_start3A_262, %dma_start3A_263] : memref<10008x128xf32, #tpu.memory_space<vmem_shared>> -> memref<10008x128xf32, #tpu.memory_space<vmem_shared>>
        tpu.enqueue_indirect_dma source(%arg23 : memref<96x128xf32, #tpu.memory_space<vmem>>) target(%dma_start3A_264 : memref<10008x128xf32, #tpu.memory_space<vmem_shared>>) offsets(%arg19 : memref<96xi32, #tpu.memory_space<vmem>>) semaphore(%arg31 : memref<!tpu.dma_semaphore, #tpu.memory_space<semaphore_mem>>) {add = true}
        %add3A_265 = arith.constant 4 : i32
        %add3A_266 = arith.addi %add3A_253, %add3A_265 : i32
        %lt3A_267 = arith.constant 105 : i32
        %lt3A_268 = arith.cmpi slt, %add3A_266, %lt3A_267 : i32
        %convert_element_type3A_269 = arith.extui %lt3A_268 : i1 to i32
        %cond3A_270 = arith.constant 0 : i32
        %cond3A_271 = arith.cmpi ne, %convert_element_type3A_269, %cond3A_270 : i32
        scf.if %cond3A_271 {
          %add3A_272 = arith.constant 4 : i32
          %add3A_273 = arith.addi %add3A_253, %add3A_272 : i32
          %mul3A_274 = arith.constant 96 : i32
          %mul3A_275 = arith.muli %add3A_273, %mul3A_274 : i32
          %add3A_276 = arith.addi %mul3A_6, %mul3A_275 : i32
          "tpu.region"() ({
            %run_scoped3A = tpu.sem_alloc : memref<!tpu.dma_semaphore, #tpu.memory_space<semaphore_mem>>
            %dma_start3A_286 = tpu.memref_slice %arg2[%add3A_276] : memref<322560xi32, #tpu.memory_space<hbm>> -> memref<96xi32, #tpu.memory_space<hbm>>
            %dma_start3A_287 = tpu.memref_slice %arg2[%add3A_276] : memref<322560xi32, #tpu.memory_space<hbm>> -> memref<96xi32, #tpu.memory_space<hbm>>
            tpu.enqueue_dma source(%dma_start3A_287 : memref<96xi32, #tpu.memory_space<hbm>>) target(%arg11 : memref<96xi32, #tpu.memory_space<vmem>>) target_semaphore(%run_scoped3A : memref<!tpu.dma_semaphore, #tpu.memory_space<semaphore_mem>>)
            %dma_wait3A_288 = tpu.memref_slice %arg2[%add3A_276] : memref<322560xi32, #tpu.memory_space<hbm>> -> memref<96xi32, #tpu.memory_space<hbm>>
            %dma_wait3A_289 = tpu.memref_slice %arg2[%add3A_276] : memref<322560xi32, #tpu.memory_space<hbm>> -> memref<96xi32, #tpu.memory_space<hbm>>
            tpu.wait_dma2 semaphore(%run_scoped3A : memref<!tpu.dma_semaphore, #tpu.memory_space<semaphore_mem>>) src(%dma_wait3A_289 : memref<96xi32, #tpu.memory_space<hbm>>) dst(%arg11 : memref<96xi32, #tpu.memory_space<vmem>>)
            tpu.yield
          }) : () -> ()
          %mul3A_277 = arith.constant 96 : i32
          %mul3A_278 = arith.muli %add3A_273, %mul3A_277 : i32
          %add3A_279 = arith.addi %mul3A_6, %mul3A_278 : i32
          "tpu.region"() ({
            %run_scoped3A = tpu.sem_alloc : memref<!tpu.dma_semaphore, #tpu.memory_space<semaphore_mem>>
            %dma_start3A_286 = tpu.memref_slice %arg3[%add3A_279] : memref<322560xi32, #tpu.memory_space<hbm>> -> memref<96xi32, #tpu.memory_space<hbm>>
            %dma_start3A_287 = tpu.memref_slice %arg3[%add3A_279] : memref<322560xi32, #tpu.memory_space<hbm>> -> memref<96xi32, #tpu.memory_space<hbm>>
            tpu.enqueue_dma source(%dma_start3A_287 : memref<96xi32, #tpu.memory_space<hbm>>) target(%arg18 : memref<96xi32, #tpu.memory_space<vmem>>) target_semaphore(%run_scoped3A : memref<!tpu.dma_semaphore, #tpu.memory_space<semaphore_mem>>)
            %dma_wait3A_288 = tpu.memref_slice %arg3[%add3A_279] : memref<322560xi32, #tpu.memory_space<hbm>> -> memref<96xi32, #tpu.memory_space<hbm>>
            %dma_wait3A_289 = tpu.memref_slice %arg3[%add3A_279] : memref<322560xi32, #tpu.memory_space<hbm>> -> memref<96xi32, #tpu.memory_space<hbm>>
            tpu.wait_dma2 semaphore(%run_scoped3A : memref<!tpu.dma_semaphore, #tpu.memory_space<semaphore_mem>>) src(%dma_wait3A_289 : memref<96xi32, #tpu.memory_space<hbm>>) dst(%arg18 : memref<96xi32, #tpu.memory_space<vmem>>)
            tpu.yield
          }) : () -> ()
          %dma_wait3A_280 = arith.constant 0 : i32
          %dma_wait3A_281 = arith.constant 0 : i32
          %dma_wait3A_282 = tpu.memref_slice %arg7[%dma_wait3A_280, %dma_wait3A_281] : memref<10008x128xf32, #tpu.memory_space<vmem_shared>> -> memref<10008x128xf32, #tpu.memory_space<vmem_shared>>
          tpu.wait_indirect_dma semaphore(%arg31 : memref<!tpu.dma_semaphore, #tpu.memory_space<semaphore_mem>>) src(%arg23 : memref<96x128xf32, #tpu.memory_space<vmem>>) dst(%dma_wait3A_282 : memref<10008x128xf32, #tpu.memory_space<vmem_shared>>)
          %dma_start3A_283 = arith.constant 0 : i32
          %dma_start3A_284 = arith.constant 0 : i32
          %dma_start3A_285 = tpu.memref_slice %arg4[%dma_start3A_283, %dma_start3A_284] : memref<10000x128xf32, #tpu.memory_space<hbm>> -> memref<10000x128xf32, #tpu.memory_space<hbm>>
          tpu.enqueue_indirect_dma source(%dma_start3A_285 : memref<10000x128xf32, #tpu.memory_space<hbm>>) target(%arg23 : memref<96x128xf32, #tpu.memory_space<vmem>>) offsets(%arg11 : memref<96xi32, #tpu.memory_space<vmem>>) semaphore(%arg27 : memref<!tpu.dma_semaphore, #tpu.memory_space<semaphore_mem>>)
        } else {
        }
      } else {
      }
    }
    %scan3A_55 = arith.constant 14 : i32
    %dma_wait3A = arith.constant 0 : i32
    %dma_wait3A_56 = arith.constant 0 : i32
    %dma_wait3A_57 = tpu.memref_slice %arg7[%dma_wait3A, %dma_wait3A_56] : memref<10008x128xf32, #tpu.memory_space<vmem_shared>> -> memref<10008x128xf32, #tpu.memory_space<vmem_shared>>
    tpu.wait_indirect_dma semaphore(%arg28 : memref<!tpu.dma_semaphore, #tpu.memory_space<semaphore_mem>>) src(%arg20 : memref<96x128xf32, #tpu.memory_space<vmem>>) dst(%dma_wait3A_57 : memref<10008x128xf32, #tpu.memory_space<vmem_shared>>)
    %dma_wait3A_58 = arith.constant 0 : i32
    %dma_wait3A_59 = arith.constant 0 : i32
    %dma_wait3A_60 = tpu.memref_slice %arg7[%dma_wait3A_58, %dma_wait3A_59] : memref<10008x128xf32, #tpu.memory_space<vmem_shared>> -> memref<10008x128xf32, #tpu.memory_space<vmem_shared>>
    tpu.wait_indirect_dma semaphore(%arg29 : memref<!tpu.dma_semaphore, #tpu.memory_space<semaphore_mem>>) src(%arg21 : memref<96x128xf32, #tpu.memory_space<vmem>>) dst(%dma_wait3A_60 : memref<10008x128xf32, #tpu.memory_space<vmem_shared>>)
    %dma_wait3A_61 = arith.constant 0 : i32
    %dma_wait3A_62 = arith.constant 0 : i32
    %dma_wait3A_63 = tpu.memref_slice %arg7[%dma_wait3A_61, %dma_wait3A_62] : memref<10008x128xf32, #tpu.memory_space<vmem_shared>> -> memref<10008x128xf32, #tpu.memory_space<vmem_shared>>
    tpu.wait_indirect_dma semaphore(%arg30 : memref<!tpu.dma_semaphore, #tpu.memory_space<semaphore_mem>>) src(%arg22 : memref<96x128xf32, #tpu.memory_space<vmem>>) dst(%dma_wait3A_63 : memref<10008x128xf32, #tpu.memory_space<vmem_shared>>)
    %dma_wait3A_64 = arith.constant 0 : i32
    %dma_wait3A_65 = arith.constant 0 : i32
    %dma_wait3A_66 = tpu.memref_slice %arg7[%dma_wait3A_64, %dma_wait3A_65] : memref<10008x128xf32, #tpu.memory_space<vmem_shared>> -> memref<10008x128xf32, #tpu.memory_space<vmem_shared>>
    tpu.wait_indirect_dma semaphore(%arg31 : memref<!tpu.dma_semaphore, #tpu.memory_space<semaphore_mem>>) src(%arg23 : memref<96x128xf32, #tpu.memory_space<vmem>>) dst(%dma_wait3A_66 : memref<10008x128xf32, #tpu.memory_space<vmem_shared>>)
    %barrier3A_67 = arith.constant 0 : index
    tpu.barrier barrier_id(%barrier3A_67)
    %scan3A_68 = arith.constant 0 : i32
    %scan3A_69 = arith.constant 0 : i32
    %scan3A_70 = arith.constant 6 : i32
    %scan3A_71 = arith.addi %scan3A_69, %scan3A_70 : i32
    %scan3A_72 = arith.constant 1 : i32
    scf.for %scan3A_155 = %scan3A_69 to %scan3A_71 step %scan3A_72  : i32 {
      %mul3A_156 = arith.constant 96 : i32
      %mul3A_157 = arith.muli %scan3A_155, %mul3A_156 : i32
      %add3A_158 = arith.addi %multiple_of3A, %mul3A_157 : i32
      "tpu.region"() ({
        %run_scoped3A = tpu.sem_alloc : memref<!tpu.dma_semaphore, #tpu.memory_space<semaphore_mem>>
        %dma_start3A_162 = arith.constant 0 : i32
        %dma_start3A_163 = tpu.memref_slice %arg7[%add3A_158, %dma_start3A_162] : memref<10008x128xf32, #tpu.memory_space<vmem_shared>> -> memref<96x128xf32, #tpu.memory_space<vmem_shared>>
        %dma_start3A_164 = arith.constant 0 : i32
        %dma_start3A_165 = tpu.memref_slice %arg7[%add3A_158, %dma_start3A_164] : memref<10008x128xf32, #tpu.memory_space<vmem_shared>> -> memref<96x128xf32, #tpu.memory_space<vmem_shared>>
        tpu.enqueue_dma source(%dma_start3A_165 : memref<96x128xf32, #tpu.memory_space<vmem_shared>>) target(%arg21 : memref<96x128xf32, #tpu.memory_space<vmem>>) target_semaphore(%run_scoped3A : memref<!tpu.dma_semaphore, #tpu.memory_space<semaphore_mem>>)
        %dma_wait3A_166 = arith.constant 0 : i32
        %dma_wait3A_167 = tpu.memref_slice %arg7[%add3A_158, %dma_wait3A_166] : memref<10008x128xf32, #tpu.memory_space<vmem_shared>> -> memref<96x128xf32, #tpu.memory_space<vmem_shared>>
        %dma_wait3A_168 = arith.constant 0 : i32
        %dma_wait3A_169 = tpu.memref_slice %arg7[%add3A_158, %dma_wait3A_168] : memref<10008x128xf32, #tpu.memory_space<vmem_shared>> -> memref<96x128xf32, #tpu.memory_space<vmem_shared>>
        tpu.wait_dma2 semaphore(%run_scoped3A : memref<!tpu.dma_semaphore, #tpu.memory_space<semaphore_mem>>) src(%dma_wait3A_169 : memref<96x128xf32, #tpu.memory_space<vmem_shared>>) dst(%arg21 : memref<96x128xf32, #tpu.memory_space<vmem>>)
        tpu.yield
      }) : () -> ()
      %mul3A_159 = arith.constant 96 : i32
      %mul3A_160 = arith.muli %scan3A_155, %mul3A_159 : i32
      %add3A_161 = arith.addi %multiple_of3A, %mul3A_160 : i32
      "tpu.region"() ({
        %run_scoped3A = tpu.sem_alloc : memref<!tpu.dma_semaphore, #tpu.memory_space<semaphore_mem>>
        %dma_start3A_162 = arith.constant 0 : i32
        %dma_start3A_163 = tpu.memref_slice %arg5[%arg0, %add3A_161, %dma_start3A_162] : memref<2x10000x128xf32, #tpu.memory_space<hbm>> -> memref<1x96x128xf32, #tpu.memory_space<hbm>>
        %dma_start3A_164 = tpu.memref_squeeze %dma_start3A_163 : memref<1x96x128xf32, #tpu.memory_space<hbm>> -> memref<96x128xf32, #tpu.memory_space<hbm>>
        %dma_start3A_165 = arith.constant 0 : i32
        %dma_start3A_166 = tpu.memref_slice %arg5[%arg0, %add3A_161, %dma_start3A_165] : memref<2x10000x128xf32, #tpu.memory_space<hbm>> -> memref<1x96x128xf32, #tpu.memory_space<hbm>>
        %dma_start3A_167 = tpu.memref_squeeze %dma_start3A_166 : memref<1x96x128xf32, #tpu.memory_space<hbm>> -> memref<96x128xf32, #tpu.memory_space<hbm>>
        tpu.enqueue_dma source(%arg21 : memref<96x128xf32, #tpu.memory_space<vmem>>) target(%dma_start3A_167 : memref<96x128xf32, #tpu.memory_space<hbm>>) target_semaphore(%run_scoped3A : memref<!tpu.dma_semaphore, #tpu.memory_space<semaphore_mem>>)
        %dma_wait3A_168 = arith.constant 0 : i32
        %dma_wait3A_169 = tpu.memref_slice %arg5[%arg0, %add3A_161, %dma_wait3A_168] : memref<2x10000x128xf32, #tpu.memory_space<hbm>> -> memref<1x96x128xf32, #tpu.memory_space<hbm>>
        %dma_wait3A_170 = tpu.memref_squeeze %dma_wait3A_169 : memref<1x96x128xf32, #tpu.memory_space<hbm>> -> memref<96x128xf32, #tpu.memory_space<hbm>>
        %dma_wait3A_171 = arith.constant 0 : i32
        %dma_wait3A_172 = tpu.memref_slice %arg5[%arg0, %add3A_161, %dma_wait3A_171] : memref<2x10000x128xf32, #tpu.memory_space<hbm>> -> memref<1x96x128xf32, #tpu.memory_space<hbm>>
        %dma_wait3A_173 = tpu.memref_squeeze %dma_wait3A_172 : memref<1x96x128xf32, #tpu.memory_space<hbm>> -> memref<96x128xf32, #tpu.memory_space<hbm>>
        tpu.wait_dma2 semaphore(%run_scoped3A : memref<!tpu.dma_semaphore, #tpu.memory_space<semaphore_mem>>) src(%arg21 : memref<96x128xf32, #tpu.memory_space<vmem>>) dst(%dma_wait3A_173 : memref<96x128xf32, #tpu.memory_space<hbm>>)
        tpu.yield
      }) : () -> ()
    }
    %scan3A_73 = arith.constant 6 : i32
    %add3A_74 = arith.constant 576 : i32
    %add3A_75 = arith.addi %multiple_of3A, %add3A_74 : i32
    "tpu.region"() ({
      %run_scoped3A = tpu.sem_alloc : memref<!tpu.dma_semaphore, #tpu.memory_space<semaphore_mem>>
      %dma_start3A_155 = arith.constant 0 : i32
      %dma_start3A_156 = arith.constant 0 : i32
      %dma_start3A_157 = tpu.memref_slice %arg21[%dma_start3A_155, %dma_start3A_156] : memref<96x128xf32, #tpu.memory_space<vmem>> -> memref<48x128xf32, #tpu.memory_space<vmem>>
      %dma_start3A_158 = arith.constant 0 : i32
      %dma_start3A_159 = tpu.memref_slice %arg7[%add3A_75, %dma_start3A_158] : memref<10008x128xf32, #tpu.memory_space<vmem_shared>> -> memref<48x128xf32, #tpu.memory_space<vmem_shared>>
      %dma_start3A_160 = arith.constant 0 : i32
      %dma_start3A_161 = arith.constant 0 : i32
      %dma_start3A_162 = tpu.memref_slice %arg21[%dma_start3A_160, %dma_start3A_161] : memref<96x128xf32, #tpu.memory_space<vmem>> -> memref<48x128xf32, #tpu.memory_space<vmem>>
      %dma_start3A_163 = arith.constant 0 : i32
      %dma_start3A_164 = tpu.memref_slice %arg7[%add3A_75, %dma_start3A_163] : memref<10008x128xf32, #tpu.memory_space<vmem_shared>> -> memref<48x128xf32, #tpu.memory_space<vmem_shared>>
      tpu.enqueue_dma source(%dma_start3A_164 : memref<48x128xf32, #tpu.memory_space<vmem_shared>>) target(%dma_start3A_162 : memref<48x128xf32, #tpu.memory_space<vmem>>) target_semaphore(%run_scoped3A : memref<!tpu.dma_semaphore, #tpu.memory_space<semaphore_mem>>)
      %dma_wait3A_165 = arith.constant 0 : i32
      %dma_wait3A_166 = arith.constant 0 : i32
      %dma_wait3A_167 = tpu.memref_slice %arg21[%dma_wait3A_165, %dma_wait3A_166] : memref<96x128xf32, #tpu.memory_space<vmem>> -> memref<48x128xf32, #tpu.memory_space<vmem>>
      %dma_wait3A_168 = arith.constant 0 : i32
      %dma_wait3A_169 = tpu.memref_slice %arg7[%add3A_75, %dma_wait3A_168] : memref<10008x128xf32, #tpu.memory_space<vmem_shared>> -> memref<48x128xf32, #tpu.memory_space<vmem_shared>>
      %dma_wait3A_170 = arith.constant 0 : i32
      %dma_wait3A_171 = arith.constant 0 : i32
      %dma_wait3A_172 = tpu.memref_slice %arg21[%dma_wait3A_170, %dma_wait3A_171] : memref<96x128xf32, #tpu.memory_space<vmem>> -> memref<48x128xf32, #tpu.memory_space<vmem>>
      %dma_wait3A_173 = arith.constant 0 : i32
      %dma_wait3A_174 = tpu.memref_slice %arg7[%add3A_75, %dma_wait3A_173] : memref<10008x128xf32, #tpu.memory_space<vmem_shared>> -> memref<48x128xf32, #tpu.memory_space<vmem_shared>>
      tpu.wait_dma2 semaphore(%run_scoped3A : memref<!tpu.dma_semaphore, #tpu.memory_space<semaphore_mem>>) src(%dma_wait3A_174 : memref<48x128xf32, #tpu.memory_space<vmem_shared>>) dst(%dma_wait3A_172 : memref<48x128xf32, #tpu.memory_space<vmem>>)
      tpu.yield
    }) : () -> ()
    %add3A_76 = arith.constant 576 : i32
    %add3A_77 = arith.addi %multiple_of3A, %add3A_76 : i32
    "tpu.region"() ({
      %run_scoped3A = tpu.sem_alloc : memref<!tpu.dma_semaphore, #tpu.memory_space<semaphore_mem>>
      %dma_start3A_155 = arith.constant 0 : i32
      %dma_start3A_156 = arith.constant 0 : i32
      %dma_start3A_157 = tpu.memref_slice %arg21[%dma_start3A_155, %dma_start3A_156] : memref<96x128xf32, #tpu.memory_space<vmem>> -> memref<48x128xf32, #tpu.memory_space<vmem>>
      %dma_start3A_158 = arith.constant 0 : i32
      %dma_start3A_159 = tpu.memref_slice %arg5[%arg0, %add3A_77, %dma_start3A_158] : memref<2x10000x128xf32, #tpu.memory_space<hbm>> -> memref<1x48x128xf32, #tpu.memory_space<hbm>>
      %dma_start3A_160 = tpu.memref_squeeze %dma_start3A_159 : memref<1x48x128xf32, #tpu.memory_space<hbm>> -> memref<48x128xf32, #tpu.memory_space<hbm>>
      %dma_start3A_161 = arith.constant 0 : i32
      %dma_start3A_162 = tpu.memref_slice %arg5[%arg0, %add3A_77, %dma_start3A_161] : memref<2x10000x128xf32, #tpu.memory_space<hbm>> -> memref<1x48x128xf32, #tpu.memory_space<hbm>>
      %dma_start3A_163 = tpu.memref_squeeze %dma_start3A_162 : memref<1x48x128xf32, #tpu.memory_space<hbm>> -> memref<48x128xf32, #tpu.memory_space<hbm>>
      %dma_start3A_164 = arith.constant 0 : i32
      %dma_start3A_165 = arith.constant 0 : i32
      %dma_start3A_166 = tpu.memref_slice %arg21[%dma_start3A_164, %dma_start3A_165] : memref<96x128xf32, #tpu.memory_space<vmem>> -> memref<48x128xf32, #tpu.memory_space<vmem>>
      tpu.enqueue_dma source(%dma_start3A_166 : memref<48x128xf32, #tpu.memory_space<vmem>>) target(%dma_start3A_163 : memref<48x128xf32, #tpu.memory_space<hbm>>) target_semaphore(%run_scoped3A : memref<!tpu.dma_semaphore, #tpu.memory_space<semaphore_mem>>)
      %dma_wait3A_167 = arith.constant 0 : i32
      %dma_wait3A_168 = arith.constant 0 : i32
      %dma_wait3A_169 = tpu.memref_slice %arg21[%dma_wait3A_167, %dma_wait3A_168] : memref<96x128xf32, #tpu.memory_space<vmem>> -> memref<48x128xf32, #tpu.memory_space<vmem>>
      %dma_wait3A_170 = arith.constant 0 : i32
      %dma_wait3A_171 = tpu.memref_slice %arg5[%arg0, %add3A_77, %dma_wait3A_170] : memref<2x10000x128xf32, #tpu.memory_space<hbm>> -> memref<1x48x128xf32, #tpu.memory_space<hbm>>
      %dma_wait3A_172 = tpu.memref_squeeze %dma_wait3A_171 : memref<1x48x128xf32, #tpu.memory_space<hbm>> -> memref<48x128xf32, #tpu.memory_space<hbm>>
      %dma_wait3A_173 = arith.constant 0 : i32
      %dma_wait3A_174 = tpu.memref_slice %arg5[%arg0, %add3A_77, %dma_wait3A_173] : memref<2x10000x128xf32, #tpu.memory_space<hbm>> -> memref<1x48x128xf32, #tpu.memory_space<hbm>>
      %dma_wait3A_175 = tpu.memref_squeeze %dma_wait3A_174 : memref<1x48x128xf32, #tpu.memory_space<hbm>> -> memref<48x128xf32, #tpu.memory_space<hbm>>
      %dma_wait3A_176 = arith.constant 0 : i32
      %dma_wait3A_177 = arith.constant 0 : i32
      %dma_wait3A_178 = tpu.memref_slice %arg21[%dma_wait3A_176, %dma_wait3A_177] : memref<96x128xf32, #tpu.memory_space<vmem>> -> memref<48x128xf32, #tpu.memory_space<vmem>>
      tpu.wait_dma2 semaphore(%run_scoped3A : memref<!tpu.dma_semaphore, #tpu.memory_space<semaphore_mem>>) src(%dma_wait3A_178 : memref<48x128xf32, #tpu.memory_space<vmem>>) dst(%dma_wait3A_175 : memref<48x128xf32, #tpu.memory_space<hbm>>)
      tpu.yield
    }) : () -> ()
    %eq3A_78 = arith.constant 0 : i32
    %eq3A_79 = arith.cmpi eq, %arg1, %eq3A_78 : i32
    %convert_element_type3A_80 = arith.extui %eq3A_79 : i1 to i32
    %cond3A_81 = arith.constant 0 : i32
    %cond3A_82 = arith.cmpi ne, %convert_element_type3A_80, %cond3A_81 : i32
    scf.if %cond3A_82 {
      "tpu.region"() ({
        %run_scoped3A = tpu.sem_alloc : memref<!tpu.dma_semaphore, #tpu.memory_space<semaphore_mem>>
        %dma_start3A_155 = arith.constant 0 : i32
        %dma_start3A_156 = arith.constant 0 : i32
        %dma_start3A_157 = tpu.memref_slice %arg21[%dma_start3A_155, %dma_start3A_156] : memref<96x128xf32, #tpu.memory_space<vmem>> -> memref<16x128xf32, #tpu.memory_space<vmem>>
        %dma_start3A_158 = arith.constant 9984 : i32
        %dma_start3A_159 = arith.constant 0 : i32
        %dma_start3A_160 = tpu.memref_slice %arg7[%dma_start3A_158, %dma_start3A_159] : memref<10008x128xf32, #tpu.memory_space<vmem_shared>> -> memref<16x128xf32, #tpu.memory_space<vmem_shared>>
        %dma_start3A_161 = arith.constant 0 : i32
        %dma_start3A_162 = arith.constant 0 : i32
        %dma_start3A_163 = tpu.memref_slice %arg21[%dma_start3A_161, %dma_start3A_162] : memref<96x128xf32, #tpu.memory_space<vmem>> -> memref<16x128xf32, #tpu.memory_space<vmem>>
        %dma_start3A_164 = arith.constant 9984 : i32
        %dma_start3A_165 = arith.constant 0 : i32
        %dma_start3A_166 = tpu.memref_slice %arg7[%dma_start3A_164, %dma_start3A_165] : memref<10008x128xf32, #tpu.memory_space<vmem_shared>> -> memref<16x128xf32, #tpu.memory_space<vmem_shared>>
        tpu.enqueue_dma source(%dma_start3A_166 : memref<16x128xf32, #tpu.memory_space<vmem_shared>>) target(%dma_start3A_163 : memref<16x128xf32, #tpu.memory_space<vmem>>) target_semaphore(%run_scoped3A : memref<!tpu.dma_semaphore, #tpu.memory_space<semaphore_mem>>)
        %dma_wait3A_167 = arith.constant 0 : i32
        %dma_wait3A_168 = arith.constant 0 : i32
        %dma_wait3A_169 = tpu.memref_slice %arg21[%dma_wait3A_167, %dma_wait3A_168] : memref<96x128xf32, #tpu.memory_space<vmem>> -> memref<16x128xf32, #tpu.memory_space<vmem>>
        %dma_wait3A_170 = arith.constant 9984 : i32
        %dma_wait3A_171 = arith.constant 0 : i32
        %dma_wait3A_172 = tpu.memref_slice %arg7[%dma_wait3A_170, %dma_wait3A_171] : memref<10008x128xf32, #tpu.memory_space<vmem_shared>> -> memref<16x128xf32, #tpu.memory_space<vmem_shared>>
        %dma_wait3A_173 = arith.constant 0 : i32
        %dma_wait3A_174 = arith.constant 0 : i32
        %dma_wait3A_175 = tpu.memref_slice %arg21[%dma_wait3A_173, %dma_wait3A_174] : memref<96x128xf32, #tpu.memory_space<vmem>> -> memref<16x128xf32, #tpu.memory_space<vmem>>
        %dma_wait3A_176 = arith.constant 9984 : i32
        %dma_wait3A_177 = arith.constant 0 : i32
        %dma_wait3A_178 = tpu.memref_slice %arg7[%dma_wait3A_176, %dma_wait3A_177] : memref<10008x128xf32, #tpu.memory_space<vmem_shared>> -> memref<16x128xf32, #tpu.memory_space<vmem_shared>>
        tpu.wait_dma2 semaphore(%run_scoped3A : memref<!tpu.dma_semaphore, #tpu.memory_space<semaphore_mem>>) src(%dma_wait3A_178 : memref<16x128xf32, #tpu.memory_space<vmem_shared>>) dst(%dma_wait3A_175 : memref<16x128xf32, #tpu.memory_space<vmem>>)
        tpu.yield
      }) : () -> ()
      "tpu.region"() ({
        %run_scoped3A = tpu.sem_alloc : memref<!tpu.dma_semaphore, #tpu.memory_space<semaphore_mem>>
        %dma_start3A_155 = arith.constant 0 : i32
        %dma_start3A_156 = arith.constant 0 : i32
        %dma_start3A_157 = tpu.memref_slice %arg21[%dma_start3A_155, %dma_start3A_156] : memref<96x128xf32, #tpu.memory_space<vmem>> -> memref<16x128xf32, #tpu.memory_space<vmem>>
        %dma_start3A_158 = arith.constant 9984 : i32
        %dma_start3A_159 = arith.constant 0 : i32
        %dma_start3A_160 = tpu.memref_slice %arg5[%arg0, %dma_start3A_158, %dma_start3A_159] : memref<2x10000x128xf32, #tpu.memory_space<hbm>> -> memref<1x16x128xf32, #tpu.memory_space<hbm>>
        %dma_start3A_161 = tpu.memref_squeeze %dma_start3A_160 : memref<1x16x128xf32, #tpu.memory_space<hbm>> -> memref<16x128xf32, #tpu.memory_space<hbm>>
        %dma_start3A_162 = arith.constant 9984 : i32
        %dma_start3A_163 = arith.constant 0 : i32
        %dma_start3A_164 = tpu.memref_slice %arg5[%arg0, %dma_start3A_162, %dma_start3A_163] : memref<2x10000x128xf32, #tpu.memory_space<hbm>> -> memref<1x16x128xf32, #tpu.memory_space<hbm>>
        %dma_start3A_165 = tpu.memref_squeeze %dma_start3A_164 : memref<1x16x128xf32, #tpu.memory_space<hbm>> -> memref<16x128xf32, #tpu.memory_space<hbm>>
        %dma_start3A_166 = arith.constant 0 : i32
        %dma_start3A_167 = arith.constant 0 : i32
        %dma_start3A_168 = tpu.memref_slice %arg21[%dma_start3A_166, %dma_start3A_167] : memref<96x128xf32, #tpu.memory_space<vmem>> -> memref<16x128xf32, #tpu.memory_space<vmem>>
        tpu.enqueue_dma source(%dma_start3A_168 : memref<16x128xf32, #tpu.memory_space<vmem>>) target(%dma_start3A_165 : memref<16x128xf32, #tpu.memory_space<hbm>>) target_semaphore(%run_scoped3A : memref<!tpu.dma_semaphore, #tpu.memory_space<semaphore_mem>>)
        %dma_wait3A_169 = arith.constant 0 : i32
        %dma_wait3A_170 = arith.constant 0 : i32
        %dma_wait3A_171 = tpu.memref_slice %arg21[%dma_wait3A_169, %dma_wait3A_170] : memref<96x128xf32, #tpu.memory_space<vmem>> -> memref<16x128xf32, #tpu.memory_space<vmem>>
        %dma_wait3A_172 = arith.constant 9984 : i32
        %dma_wait3A_173 = arith.constant 0 : i32
        %dma_wait3A_174 = tpu.memref_slice %arg5[%arg0, %dma_wait3A_172, %dma_wait3A_173] : memref<2x10000x128xf32, #tpu.memory_space<hbm>> -> memref<1x16x128xf32, #tpu.memory_space<hbm>>
        %dma_wait3A_175 = tpu.memref_squeeze %dma_wait3A_174 : memref<1x16x128xf32, #tpu.memory_space<hbm>> -> memref<16x128xf32, #tpu.memory_space<hbm>>
        %dma_wait3A_176 = arith.constant 9984 : i32
        %dma_wait3A_177 = arith.constant 0 : i32
        %dma_wait3A_178 = tpu.memref_slice %arg5[%arg0, %dma_wait3A_176, %dma_wait3A_177] : memref<2x10000x128xf32, #tpu.memory_space<hbm>> -> memref<1x16x128xf32, #tpu.memory_space<hbm>>
        %dma_wait3A_179 = tpu.memref_squeeze %dma_wait3A_178 : memref<1x16x128xf32, #tpu.memory_space<hbm>> -> memref<16x128xf32, #tpu.memory_space<hbm>>
        %dma_wait3A_180 = arith.constant 0 : i32
        %dma_wait3A_181 = arith.constant 0 : i32
        %dma_wait3A_182 = tpu.memref_slice %arg21[%dma_wait3A_180, %dma_wait3A_181] : memref<96x128xf32, #tpu.memory_space<vmem>> -> memref<16x128xf32, #tpu.memory_space<vmem>>
        tpu.wait_dma2 semaphore(%run_scoped3A : memref<!tpu.dma_semaphore, #tpu.memory_space<semaphore_mem>>) src(%dma_wait3A_182 : memref<16x128xf32, #tpu.memory_space<vmem>>) dst(%dma_wait3A_179 : memref<16x128xf32, #tpu.memory_space<hbm>>)
        tpu.yield
      }) : () -> ()
    } else {
    }
    %broadcast_in_dim3A_83 = arith.constant 0.000000e+00 : f32
    %broadcast_in_dim3A_84 = vector.broadcast %broadcast_in_dim3A_83 : f32 to vector<16xf32>
    %scan3A_85 = arith.constant 0 : i32
    %scan3A_86 = arith.constant 0 : i32
    %scan3A_87 = arith.constant 96 : i32
    %scan3A_88 = arith.addi %scan3A_86, %scan3A_87 : i32
    %scan3A_89 = arith.constant 1 : i32
    scf.for %scan3A_155 = %scan3A_86 to %scan3A_88 step %scan3A_89  : i32 {
      %swap3A = arith.index_cast %scan3A_155 : i32 to index
      %swap3A_156 = arith.constant 0 : index
      %swap3A_157 = tpu.vector_load %arg20[%swap3A, %swap3A_156] {strides = array<i32>} : memref<96x128xf32, #tpu.memory_space<vmem>>, vector<1x16xf32>,
      %swap3A_158 = vector.shape_cast %swap3A_157 : vector<1x16xf32> to vector<16xf32>
      %swap3A_159 = vector.shape_cast %broadcast_in_dim3A_84 : vector<16xf32> to vector<1x16xf32>
      tpu.vector_store %arg20[%swap3A, %swap3A_156], %swap3A_159 {strides = array<i32>} : memref<96x128xf32, #tpu.memory_space<vmem>>, vector<1x16xf32>,
      %swap3A_160 = arith.index_cast %scan3A_155 : i32 to index
      %swap3A_161 = arith.constant 16 : index
      %swap3A_162 = tpu.vector_load %arg20[%swap3A_160, %swap3A_161] {strides = array<i32>} : memref<96x128xf32, #tpu.memory_space<vmem>>, vector<1x16xf32>,
      %swap3A_163 = vector.shape_cast %swap3A_162 : vector<1x16xf32> to vector<16xf32>
      %swap3A_164 = vector.shape_cast %broadcast_in_dim3A_84 : vector<16xf32> to vector<1x16xf32>
      tpu.vector_store %arg20[%swap3A_160, %swap3A_161], %swap3A_164 {strides = array<i32>} : memref<96x128xf32, #tpu.memory_space<vmem>>, vector<1x16xf32>,
      %swap3A_165 = arith.index_cast %scan3A_155 : i32 to index
      %swap3A_166 = arith.constant 32 : index
      %swap3A_167 = tpu.vector_load %arg20[%swap3A_165, %swap3A_166] {strides = array<i32>} : memref<96x128xf32, #tpu.memory_space<vmem>>, vector<1x16xf32>,
      %swap3A_168 = vector.shape_cast %swap3A_167 : vector<1x16xf32> to vector<16xf32>
      %swap3A_169 = vector.shape_cast %broadcast_in_dim3A_84 : vector<16xf32> to vector<1x16xf32>
      tpu.vector_store %arg20[%swap3A_165, %swap3A_166], %swap3A_169 {strides = array<i32>} : memref<96x128xf32, #tpu.memory_space<vmem>>, vector<1x16xf32>,
      %swap3A_170 = arith.index_cast %scan3A_155 : i32 to index
      %swap3A_171 = arith.constant 48 : index
      %swap3A_172 = tpu.vector_load %arg20[%swap3A_170, %swap3A_171] {strides = array<i32>} : memref<96x128xf32, #tpu.memory_space<vmem>>, vector<1x16xf32>,
      %swap3A_173 = vector.shape_cast %swap3A_172 : vector<1x16xf32> to vector<16xf32>
      %swap3A_174 = vector.shape_cast %broadcast_in_dim3A_84 : vector<16xf32> to vector<1x16xf32>
      tpu.vector_store %arg20[%swap3A_170, %swap3A_171], %swap3A_174 {strides = array<i32>} : memref<96x128xf32, #tpu.memory_space<vmem>>, vector<1x16xf32>,
      %swap3A_175 = arith.index_cast %scan3A_155 : i32 to index
      %swap3A_176 = arith.constant 64 : index
      %swap3A_177 = tpu.vector_load %arg20[%swap3A_175, %swap3A_176] {strides = array<i32>} : memref<96x128xf32, #tpu.memory_space<vmem>>, vector<1x16xf32>,
      %swap3A_178 = vector.shape_cast %swap3A_177 : vector<1x16xf32> to vector<16xf32>
      %swap3A_179 = vector.shape_cast %broadcast_in_dim3A_84 : vector<16xf32> to vector<1x16xf32>
      tpu.vector_store %arg20[%swap3A_175, %swap3A_176], %swap3A_179 {strides = array<i32>} : memref<96x128xf32, #tpu.memory_space<vmem>>, vector<1x16xf32>,
      %swap3A_180 = arith.index_cast %scan3A_155 : i32 to index
      %swap3A_181 = arith.constant 80 : index
      %swap3A_182 = tpu.vector_load %arg20[%swap3A_180, %swap3A_181] {strides = array<i32>} : memref<96x128xf32, #tpu.memory_space<vmem>>, vector<1x16xf32>,
      %swap3A_183 = vector.shape_cast %swap3A_182 : vector<1x16xf32> to vector<16xf32>
      %swap3A_184 = vector.shape_cast %broadcast_in_dim3A_84 : vector<16xf32> to vector<1x16xf32>
      tpu.vector_store %arg20[%swap3A_180, %swap3A_181], %swap3A_184 {strides = array<i32>} : memref<96x128xf32, #tpu.memory_space<vmem>>, vector<1x16xf32>,
      %swap3A_185 = arith.index_cast %scan3A_155 : i32 to index
      %swap3A_186 = arith.constant 96 : index
      %swap3A_187 = tpu.vector_load %arg20[%swap3A_185, %swap3A_186] {strides = array<i32>} : memref<96x128xf32, #tpu.memory_space<vmem>>, vector<1x16xf32>,
      %swap3A_188 = vector.shape_cast %swap3A_187 : vector<1x16xf32> to vector<16xf32>
      %swap3A_189 = vector.shape_cast %broadcast_in_dim3A_84 : vector<16xf32> to vector<1x16xf32>
      tpu.vector_store %arg20[%swap3A_185, %swap3A_186], %swap3A_189 {strides = array<i32>} : memref<96x128xf32, #tpu.memory_space<vmem>>, vector<1x16xf32>,
      %swap3A_190 = arith.index_cast %scan3A_155 : i32 to index
      %swap3A_191 = arith.constant 112 : index
      %swap3A_192 = tpu.vector_load %arg20[%swap3A_190, %swap3A_191] {strides = array<i32>} : memref<96x128xf32, #tpu.memory_space<vmem>>, vector<1x16xf32>,
      %swap3A_193 = vector.shape_cast %swap3A_192 : vector<1x16xf32> to vector<16xf32>
      %swap3A_194 = vector.shape_cast %broadcast_in_dim3A_84 : vector<16xf32> to vector<1x16xf32>
      tpu.vector_store %arg20[%swap3A_190, %swap3A_191], %swap3A_194 {strides = array<i32>} : memref<96x128xf32, #tpu.memory_space<vmem>>, vector<1x16xf32>,
    }
    %scan3A_90 = arith.constant 96 : i32
    %scan3A_91 = arith.constant 0 : i32
    %scan3A_92 = arith.constant 0 : i32
    %scan3A_93 = arith.constant 6 : i32
    %scan3A_94 = arith.addi %scan3A_92, %scan3A_93 : i32
    %scan3A_95 = arith.constant 1 : i32
    scf.for %scan3A_155 = %scan3A_92 to %scan3A_94 step %scan3A_95  : i32 {
      %mul3A_156 = arith.constant 96 : i32
      %mul3A_157 = arith.muli %scan3A_155, %mul3A_156 : i32
      %add3A_158 = arith.addi %multiple_of3A, %mul3A_157 : i32
      "tpu.region"() ({
        %run_scoped3A = tpu.sem_alloc : memref<!tpu.dma_semaphore, #tpu.memory_space<semaphore_mem>>
        %dma_start3A_159 = arith.constant 0 : i32
        %dma_start3A_160 = tpu.memref_slice %arg7[%add3A_158, %dma_start3A_159] : memref<10008x128xf32, #tpu.memory_space<vmem_shared>> -> memref<96x128xf32, #tpu.memory_space<vmem_shared>>
        %dma_start3A_161 = arith.constant 0 : i32
        %dma_start3A_162 = tpu.memref_slice %arg7[%add3A_158, %dma_start3A_161] : memref<10008x128xf32, #tpu.memory_space<vmem_shared>> -> memref<96x128xf32, #tpu.memory_space<vmem_shared>>
        tpu.enqueue_dma source(%arg20 : memref<96x128xf32, #tpu.memory_space<vmem>>) target(%dma_start3A_162 : memref<96x128xf32, #tpu.memory_space<vmem_shared>>) target_semaphore(%run_scoped3A : memref<!tpu.dma_semaphore, #tpu.memory_space<semaphore_mem>>)
        %dma_wait3A_163 = arith.constant 0 : i32
        %dma_wait3A_164 = tpu.memref_slice %arg7[%add3A_158, %dma_wait3A_163] : memref<10008x128xf32, #tpu.memory_space<vmem_shared>> -> memref<96x128xf32, #tpu.memory_space<vmem_shared>>
        %dma_wait3A_165 = arith.constant 0 : i32
        %dma_wait3A_166 = tpu.memref_slice %arg7[%add3A_158, %dma_wait3A_165] : memref<10008x128xf32, #tpu.memory_space<vmem_shared>> -> memref<96x128xf32, #tpu.memory_space<vmem_shared>>
        tpu.wait_dma2 semaphore(%run_scoped3A : memref<!tpu.dma_semaphore, #tpu.memory_space<semaphore_mem>>) src(%arg20 : memref<96x128xf32, #tpu.memory_space<vmem>>) dst(%dma_wait3A_166 : memref<96x128xf32, #tpu.memory_space<vmem_shared>>)
        tpu.yield
      }) : () -> ()
    }
    %scan3A_96 = arith.constant 6 : i32
    %add3A_97 = arith.constant 576 : i32
    %add3A_98 = arith.addi %multiple_of3A, %add3A_97 : i32
    "tpu.region"() ({
      %run_scoped3A = tpu.sem_alloc : memref<!tpu.dma_semaphore, #tpu.memory_space<semaphore_mem>>
      %dma_start3A_155 = arith.constant 0 : i32
      %dma_start3A_156 = arith.constant 0 : i32
      %dma_start3A_157 = tpu.memref_slice %arg20[%dma_start3A_155, %dma_start3A_156] : memref<96x128xf32, #tpu.memory_space<vmem>> -> memref<48x128xf32, #tpu.memory_space<vmem>>
      %dma_start3A_158 = arith.constant 0 : i32
      %dma_start3A_159 = tpu.memref_slice %arg7[%add3A_98, %dma_start3A_158] : memref<10008x128xf32, #tpu.memory_space<vmem_shared>> -> memref<48x128xf32, #tpu.memory_space<vmem_shared>>
      %dma_start3A_160 = arith.constant 0 : i32
      %dma_start3A_161 = tpu.memref_slice %arg7[%add3A_98, %dma_start3A_160] : memref<10008x128xf32, #tpu.memory_space<vmem_shared>> -> memref<48x128xf32, #tpu.memory_space<vmem_shared>>
      %dma_start3A_162 = arith.constant 0 : i32
      %dma_start3A_163 = arith.constant 0 : i32
      %dma_start3A_164 = tpu.memref_slice %arg20[%dma_start3A_162, %dma_start3A_163] : memref<96x128xf32, #tpu.memory_space<vmem>> -> memref<48x128xf32, #tpu.memory_space<vmem>>
      tpu.enqueue_dma source(%dma_start3A_164 : memref<48x128xf32, #tpu.memory_space<vmem>>) target(%dma_start3A_161 : memref<48x128xf32, #tpu.memory_space<vmem_shared>>) target_semaphore(%run_scoped3A : memref<!tpu.dma_semaphore, #tpu.memory_space<semaphore_mem>>)
      %dma_wait3A_165 = arith.constant 0 : i32
      %dma_wait3A_166 = arith.constant 0 : i32
      %dma_wait3A_167 = tpu.memref_slice %arg20[%dma_wait3A_165, %dma_wait3A_166] : memref<96x128xf32, #tpu.memory_space<vmem>> -> memref<48x128xf32, #tpu.memory_space<vmem>>
      %dma_wait3A_168 = arith.constant 0 : i32
      %dma_wait3A_169 = tpu.memref_slice %arg7[%add3A_98, %dma_wait3A_168] : memref<10008x128xf32, #tpu.memory_space<vmem_shared>> -> memref<48x128xf32, #tpu.memory_space<vmem_shared>>
      %dma_wait3A_170 = arith.constant 0 : i32
      %dma_wait3A_171 = tpu.memref_slice %arg7[%add3A_98, %dma_wait3A_170] : memref<10008x128xf32, #tpu.memory_space<vmem_shared>> -> memref<48x128xf32, #tpu.memory_space<vmem_shared>>
      %dma_wait3A_172 = arith.constant 0 : i32
      %dma_wait3A_173 = arith.constant 0 : i32
      %dma_wait3A_174 = tpu.memref_slice %arg20[%dma_wait3A_172, %dma_wait3A_173] : memref<96x128xf32, #tpu.memory_space<vmem>> -> memref<48x128xf32, #tpu.memory_space<vmem>>
      tpu.wait_dma2 semaphore(%run_scoped3A : memref<!tpu.dma_semaphore, #tpu.memory_space<semaphore_mem>>) src(%dma_wait3A_174 : memref<48x128xf32, #tpu.memory_space<vmem>>) dst(%dma_wait3A_171 : memref<48x128xf32, #tpu.memory_space<vmem_shared>>)
      tpu.yield
    }) : () -> ()
    %eq3A_99 = arith.constant 0 : i32
    %eq3A_100 = arith.cmpi eq, %arg1, %eq3A_99 : i32
    %convert_element_type3A_101 = arith.extui %eq3A_100 : i1 to i32
    %cond3A_102 = arith.constant 0 : i32
    %cond3A_103 = arith.cmpi ne, %convert_element_type3A_101, %cond3A_102 : i32
    scf.if %cond3A_103 {
      "tpu.region"() ({
        %run_scoped3A = tpu.sem_alloc : memref<!tpu.dma_semaphore, #tpu.memory_space<semaphore_mem>>
        %dma_start3A_155 = arith.constant 0 : i32
        %dma_start3A_156 = arith.constant 0 : i32
        %dma_start3A_157 = tpu.memref_slice %arg20[%dma_start3A_155, %dma_start3A_156] : memref<96x128xf32, #tpu.memory_space<vmem>> -> memref<16x128xf32, #tpu.memory_space<vmem>>
        %dma_start3A_158 = arith.constant 9984 : i32
        %dma_start3A_159 = arith.constant 0 : i32
        %dma_start3A_160 = tpu.memref_slice %arg7[%dma_start3A_158, %dma_start3A_159] : memref<10008x128xf32, #tpu.memory_space<vmem_shared>> -> memref<16x128xf32, #tpu.memory_space<vmem_shared>>
        %dma_start3A_161 = arith.constant 9984 : i32
        %dma_start3A_162 = arith.constant 0 : i32
        %dma_start3A_163 = tpu.memref_slice %arg7[%dma_start3A_161, %dma_start3A_162] : memref<10008x128xf32, #tpu.memory_space<vmem_shared>> -> memref<16x128xf32, #tpu.memory_space<vmem_shared>>
        %dma_start3A_164 = arith.constant 0 : i32
        %dma_start3A_165 = arith.constant 0 : i32
        %dma_start3A_166 = tpu.memref_slice %arg20[%dma_start3A_164, %dma_start3A_165] : memref<96x128xf32, #tpu.memory_space<vmem>> -> memref<16x128xf32, #tpu.memory_space<vmem>>
        tpu.enqueue_dma source(%dma_start3A_166 : memref<16x128xf32, #tpu.memory_space<vmem>>) target(%dma_start3A_163 : memref<16x128xf32, #tpu.memory_space<vmem_shared>>) target_semaphore(%run_scoped3A : memref<!tpu.dma_semaphore, #tpu.memory_space<semaphore_mem>>)
        %dma_wait3A_167 = arith.constant 0 : i32
        %dma_wait3A_168 = arith.constant 0 : i32
        %dma_wait3A_169 = tpu.memref_slice %arg20[%dma_wait3A_167, %dma_wait3A_168] : memref<96x128xf32, #tpu.memory_space<vmem>> -> memref<16x128xf32, #tpu.memory_space<vmem>>
        %dma_wait3A_170 = arith.constant 9984 : i32
        %dma_wait3A_171 = arith.constant 0 : i32
        %dma_wait3A_172 = tpu.memref_slice %arg7[%dma_wait3A_170, %dma_wait3A_171] : memref<10008x128xf32, #tpu.memory_space<vmem_shared>> -> memref<16x128xf32, #tpu.memory_space<vmem_shared>>
        %dma_wait3A_173 = arith.constant 9984 : i32
        %dma_wait3A_174 = arith.constant 0 : i32
        %dma_wait3A_175 = tpu.memref_slice %arg7[%dma_wait3A_173, %dma_wait3A_174] : memref<10008x128xf32, #tpu.memory_space<vmem_shared>> -> memref<16x128xf32, #tpu.memory_space<vmem_shared>>
        %dma_wait3A_176 = arith.constant 0 : i32
        %dma_wait3A_177 = arith.constant 0 : i32
        %dma_wait3A_178 = tpu.memref_slice %arg20[%dma_wait3A_176, %dma_wait3A_177] : memref<96x128xf32, #tpu.memory_space<vmem>> -> memref<16x128xf32, #tpu.memory_space<vmem>>
        tpu.wait_dma2 semaphore(%run_scoped3A : memref<!tpu.dma_semaphore, #tpu.memory_space<semaphore_mem>>) src(%dma_wait3A_178 : memref<16x128xf32, #tpu.memory_space<vmem>>) dst(%dma_wait3A_175 : memref<16x128xf32, #tpu.memory_space<vmem_shared>>)
        tpu.yield
      }) : () -> ()
    } else {
    }
    %broadcast_in_dim3A_104 = arith.constant 1.000000e+00 : f32
    %broadcast_in_dim3A_105 = vector.broadcast %broadcast_in_dim3A_104 : f32 to vector<16xf32>
    %scan3A_106 = arith.constant 0 : i32
    %scan3A_107 = arith.constant 0 : i32
    %scan3A_108 = arith.constant 96 : i32
    %scan3A_109 = arith.addi %scan3A_107, %scan3A_108 : i32
    %scan3A_110 = arith.constant 1 : i32
    scf.for %scan3A_155 = %scan3A_107 to %scan3A_109 step %scan3A_110  : i32 {
      %swap3A = arith.index_cast %scan3A_155 : i32 to index
      %swap3A_156 = arith.constant 0 : index
      %swap3A_157 = tpu.vector_load %arg20[%swap3A, %swap3A_156] {strides = array<i32>} : memref<96x128xf32, #tpu.memory_space<vmem>>, vector<1x16xf32>,
      %swap3A_158 = vector.shape_cast %swap3A_157 : vector<1x16xf32> to vector<16xf32>
      %swap3A_159 = vector.shape_cast %broadcast_in_dim3A_105 : vector<16xf32> to vector<1x16xf32>
      tpu.vector_store %arg20[%swap3A, %swap3A_156], %swap3A_159 {strides = array<i32>} : memref<96x128xf32, #tpu.memory_space<vmem>>, vector<1x16xf32>,
      %swap3A_160 = arith.index_cast %scan3A_155 : i32 to index
      %swap3A_161 = arith.constant 16 : index
      %swap3A_162 = tpu.vector_load %arg20[%swap3A_160, %swap3A_161] {strides = array<i32>} : memref<96x128xf32, #tpu.memory_space<vmem>>, vector<1x16xf32>,
      %swap3A_163 = vector.shape_cast %swap3A_162 : vector<1x16xf32> to vector<16xf32>
      %swap3A_164 = vector.shape_cast %broadcast_in_dim3A_105 : vector<16xf32> to vector<1x16xf32>
      tpu.vector_store %arg20[%swap3A_160, %swap3A_161], %swap3A_164 {strides = array<i32>} : memref<96x128xf32, #tpu.memory_space<vmem>>, vector<1x16xf32>,
      %swap3A_165 = arith.index_cast %scan3A_155 : i32 to index
      %swap3A_166 = arith.constant 32 : index
      %swap3A_167 = tpu.vector_load %arg20[%swap3A_165, %swap3A_166] {strides = array<i32>} : memref<96x128xf32, #tpu.memory_space<vmem>>, vector<1x16xf32>,
      %swap3A_168 = vector.shape_cast %swap3A_167 : vector<1x16xf32> to vector<16xf32>
      %swap3A_169 = vector.shape_cast %broadcast_in_dim3A_105 : vector<16xf32> to vector<1x16xf32>
      tpu.vector_store %arg20[%swap3A_165, %swap3A_166], %swap3A_169 {strides = array<i32>} : memref<96x128xf32, #tpu.memory_space<vmem>>, vector<1x16xf32>,
      %swap3A_170 = arith.index_cast %scan3A_155 : i32 to index
      %swap3A_171 = arith.constant 48 : index
      %swap3A_172 = tpu.vector_load %arg20[%swap3A_170, %swap3A_171] {strides = array<i32>} : memref<96x128xf32, #tpu.memory_space<vmem>>, vector<1x16xf32>,
      %swap3A_173 = vector.shape_cast %swap3A_172 : vector<1x16xf32> to vector<16xf32>
      %swap3A_174 = vector.shape_cast %broadcast_in_dim3A_105 : vector<16xf32> to vector<1x16xf32>
      tpu.vector_store %arg20[%swap3A_170, %swap3A_171], %swap3A_174 {strides = array<i32>} : memref<96x128xf32, #tpu.memory_space<vmem>>, vector<1x16xf32>,
      %swap3A_175 = arith.index_cast %scan3A_155 : i32 to index
      %swap3A_176 = arith.constant 64 : index
      %swap3A_177 = tpu.vector_load %arg20[%swap3A_175, %swap3A_176] {strides = array<i32>} : memref<96x128xf32, #tpu.memory_space<vmem>>, vector<1x16xf32>,
      %swap3A_178 = vector.shape_cast %swap3A_177 : vector<1x16xf32> to vector<16xf32>
      %swap3A_179 = vector.shape_cast %broadcast_in_dim3A_105 : vector<16xf32> to vector<1x16xf32>
      tpu.vector_store %arg20[%swap3A_175, %swap3A_176], %swap3A_179 {strides = array<i32>} : memref<96x128xf32, #tpu.memory_space<vmem>>, vector<1x16xf32>,
      %swap3A_180 = arith.index_cast %scan3A_155 : i32 to index
      %swap3A_181 = arith.constant 80 : index
      %swap3A_182 = tpu.vector_load %arg20[%swap3A_180, %swap3A_181] {strides = array<i32>} : memref<96x128xf32, #tpu.memory_space<vmem>>, vector<1x16xf32>,
      %swap3A_183 = vector.shape_cast %swap3A_182 : vector<1x16xf32> to vector<16xf32>
      %swap3A_184 = vector.shape_cast %broadcast_in_dim3A_105 : vector<16xf32> to vector<1x16xf32>
      tpu.vector_store %arg20[%swap3A_180, %swap3A_181], %swap3A_184 {strides = array<i32>} : memref<96x128xf32, #tpu.memory_space<vmem>>, vector<1x16xf32>,
      %swap3A_185 = arith.index_cast %scan3A_155 : i32 to index
      %swap3A_186 = arith.constant 96 : index
      %swap3A_187 = tpu.vector_load %arg20[%swap3A_185, %swap3A_186] {strides = array<i32>} : memref<96x128xf32, #tpu.memory_space<vmem>>, vector<1x16xf32>,
      %swap3A_188 = vector.shape_cast %swap3A_187 : vector<1x16xf32> to vector<16xf32>
      %swap3A_189 = vector.shape_cast %broadcast_in_dim3A_105 : vector<16xf32> to vector<1x16xf32>
      tpu.vector_store %arg20[%swap3A_185, %swap3A_186], %swap3A_189 {strides = array<i32>} : memref<96x128xf32, #tpu.memory_space<vmem>>, vector<1x16xf32>,
      %swap3A_190 = arith.index_cast %scan3A_155 : i32 to index
      %swap3A_191 = arith.constant 112 : index
      %swap3A_192 = tpu.vector_load %arg20[%swap3A_190, %swap3A_191] {strides = array<i32>} : memref<96x128xf32, #tpu.memory_space<vmem>>, vector<1x16xf32>,
      %swap3A_193 = vector.shape_cast %swap3A_192 : vector<1x16xf32> to vector<16xf32>
      %swap3A_194 = vector.shape_cast %broadcast_in_dim3A_105 : vector<16xf32> to vector<1x16xf32>
      tpu.vector_store %arg20[%swap3A_190, %swap3A_191], %swap3A_194 {strides = array<i32>} : memref<96x128xf32, #tpu.memory_space<vmem>>, vector<1x16xf32>,
    }
    %scan3A_111 = arith.constant 96 : i32
    %barrier3A_112 = arith.constant 0 : index
    tpu.barrier barrier_id(%barrier3A_112)
    %add3A_113 = arith.constant 0 : i32
    %add3A_114 = arith.addi %mul3A_6, %add3A_113 : i32
    "tpu.region"() ({
      %run_scoped3A = tpu.sem_alloc : memref<!tpu.dma_semaphore, #tpu.memory_space<semaphore_mem>>
      %dma_start3A_155 = tpu.memref_slice %arg3[%add3A_114] : memref<322560xi32, #tpu.memory_space<hbm>> -> memref<96xi32, #tpu.memory_space<hbm>>
      %dma_start3A_156 = tpu.memref_slice %arg3[%add3A_114] : memref<322560xi32, #tpu.memory_space<hbm>> -> memref<96xi32, #tpu.memory_space<hbm>>
      tpu.enqueue_dma source(%dma_start3A_156 : memref<96xi32, #tpu.memory_space<hbm>>) target(%arg12 : memref<96xi32, #tpu.memory_space<vmem>>) target_semaphore(%run_scoped3A : memref<!tpu.dma_semaphore, #tpu.memory_space<semaphore_mem>>)
      %dma_wait3A_157 = tpu.memref_slice %arg3[%add3A_114] : memref<322560xi32, #tpu.memory_space<hbm>> -> memref<96xi32, #tpu.memory_space<hbm>>
      %dma_wait3A_158 = tpu.memref_slice %arg3[%add3A_114] : memref<322560xi32, #tpu.memory_space<hbm>> -> memref<96xi32, #tpu.memory_space<hbm>>
      tpu.wait_dma2 semaphore(%run_scoped3A : memref<!tpu.dma_semaphore, #tpu.memory_space<semaphore_mem>>) src(%dma_wait3A_158 : memref<96xi32, #tpu.memory_space<hbm>>) dst(%arg12 : memref<96xi32, #tpu.memory_space<vmem>>)
      tpu.yield
    }) : () -> ()
    %add3A_115 = arith.constant 96 : i32
    %add3A_116 = arith.addi %mul3A_6, %add3A_115 : i32
    "tpu.region"() ({
      %run_scoped3A = tpu.sem_alloc : memref<!tpu.dma_semaphore, #tpu.memory_space<semaphore_mem>>
      %dma_start3A_155 = tpu.memref_slice %arg3[%add3A_116] : memref<322560xi32, #tpu.memory_space<hbm>> -> memref<96xi32, #tpu.memory_space<hbm>>
      %dma_start3A_156 = tpu.memref_slice %arg3[%add3A_116] : memref<322560xi32, #tpu.memory_space<hbm>> -> memref<96xi32, #tpu.memory_space<hbm>>
      tpu.enqueue_dma source(%dma_start3A_156 : memref<96xi32, #tpu.memory_space<hbm>>) target(%arg14 : memref<96xi32, #tpu.memory_space<vmem>>) target_semaphore(%run_scoped3A : memref<!tpu.dma_semaphore, #tpu.memory_space<semaphore_mem>>)
      %dma_wait3A_157 = tpu.memref_slice %arg3[%add3A_116] : memref<322560xi32, #tpu.memory_space<hbm>> -> memref<96xi32, #tpu.memory_space<hbm>>
      %dma_wait3A_158 = tpu.memref_slice %arg3[%add3A_116] : memref<322560xi32, #tpu.memory_space<hbm>> -> memref<96xi32, #tpu.memory_space<hbm>>
      tpu.wait_dma2 semaphore(%run_scoped3A : memref<!tpu.dma_semaphore, #tpu.memory_space<semaphore_mem>>) src(%dma_wait3A_158 : memref<96xi32, #tpu.memory_space<hbm>>) dst(%arg14 : memref<96xi32, #tpu.memory_space<vmem>>)
      tpu.yield
    }) : () -> ()
    %add3A_117 = arith.constant 192 : i32
    %add3A_118 = arith.addi %mul3A_6, %add3A_117 : i32
    "tpu.region"() ({
      %run_scoped3A = tpu.sem_alloc : memref<!tpu.dma_semaphore, #tpu.memory_space<semaphore_mem>>
      %dma_start3A_155 = tpu.memref_slice %arg3[%add3A_118] : memref<322560xi32, #tpu.memory_space<hbm>> -> memref<96xi32, #tpu.memory_space<hbm>>
      %dma_start3A_156 = tpu.memref_slice %arg3[%add3A_118] : memref<322560xi32, #tpu.memory_space<hbm>> -> memref<96xi32, #tpu.memory_space<hbm>>
      tpu.enqueue_dma source(%dma_start3A_156 : memref<96xi32, #tpu.memory_space<hbm>>) target(%arg16 : memref<96xi32, #tpu.memory_space<vmem>>) target_semaphore(%run_scoped3A : memref<!tpu.dma_semaphore, #tpu.memory_space<semaphore_mem>>)
      %dma_wait3A_157 = tpu.memref_slice %arg3[%add3A_118] : memref<322560xi32, #tpu.memory_space<hbm>> -> memref<96xi32, #tpu.memory_space<hbm>>
      %dma_wait3A_158 = tpu.memref_slice %arg3[%add3A_118] : memref<322560xi32, #tpu.memory_space<hbm>> -> memref<96xi32, #tpu.memory_space<hbm>>
      tpu.wait_dma2 semaphore(%run_scoped3A : memref<!tpu.dma_semaphore, #tpu.memory_space<semaphore_mem>>) src(%dma_wait3A_158 : memref<96xi32, #tpu.memory_space<hbm>>) dst(%arg16 : memref<96xi32, #tpu.memory_space<vmem>>)
      tpu.yield
    }) : () -> ()
    %add3A_119 = arith.constant 288 : i32
    %add3A_120 = arith.addi %mul3A_6, %add3A_119 : i32
    "tpu.region"() ({
      %run_scoped3A = tpu.sem_alloc : memref<!tpu.dma_semaphore, #tpu.memory_space<semaphore_mem>>
      %dma_start3A_155 = tpu.memref_slice %arg3[%add3A_120] : memref<322560xi32, #tpu.memory_space<hbm>> -> memref<96xi32, #tpu.memory_space<hbm>>
      %dma_start3A_156 = tpu.memref_slice %arg3[%add3A_120] : memref<322560xi32, #tpu.memory_space<hbm>> -> memref<96xi32, #tpu.memory_space<hbm>>
      tpu.enqueue_dma source(%dma_start3A_156 : memref<96xi32, #tpu.memory_space<hbm>>) target(%arg18 : memref<96xi32, #tpu.memory_space<vmem>>) target_semaphore(%run_scoped3A : memref<!tpu.dma_semaphore, #tpu.memory_space<semaphore_mem>>)
      %dma_wait3A_157 = tpu.memref_slice %arg3[%add3A_120] : memref<322560xi32, #tpu.memory_space<hbm>> -> memref<96xi32, #tpu.memory_space<hbm>>
      %dma_wait3A_158 = tpu.memref_slice %arg3[%add3A_120] : memref<322560xi32, #tpu.memory_space<hbm>> -> memref<96xi32, #tpu.memory_space<hbm>>
      tpu.wait_dma2 semaphore(%run_scoped3A : memref<!tpu.dma_semaphore, #tpu.memory_space<semaphore_mem>>) src(%dma_wait3A_158 : memref<96xi32, #tpu.memory_space<hbm>>) dst(%arg18 : memref<96xi32, #tpu.memory_space<vmem>>)
      tpu.yield
    }) : () -> ()
    %scan3A_121 = arith.constant 0 : i32
    %scan3A_122 = arith.constant 0 : i32
    %scan3A_123 = arith.constant 14 : i32
    %scan3A_124 = arith.addi %scan3A_122, %scan3A_123 : i32
    %scan3A_125 = arith.constant 1 : i32
    scf.for %scan3A_155 = %scan3A_122 to %scan3A_124 step %scan3A_125  : i32 {
      %mul3A_156 = arith.constant 2 : i32
      %mul3A_157 = arith.muli %mul3A_156, %scan3A_155 : i32
      %add3A_158 = arith.constant 0 : i32
      %add3A_159 = arith.addi %mul3A_157, %add3A_158 : i32
      %mul3A_160 = arith.constant 4 : i32
      %mul3A_161 = arith.muli %add3A_159, %mul3A_160 : i32
      %add3A_162 = arith.constant 0 : i32
      %add3A_163 = arith.addi %mul3A_161, %add3A_162 : i32
      %lt3A = arith.constant 105 : i32
      %lt3A_164 = arith.cmpi slt, %add3A_163, %lt3A : i32
      %convert_element_type3A_165 = arith.extui %lt3A_164 : i1 to i32
      %cond3A_166 = arith.constant 0 : i32
      %cond3A_167 = arith.cmpi ne, %convert_element_type3A_165, %cond3A_166 : i32
      scf.if %cond3A_167 {
        %dma_start3A_259 = arith.constant 0 : i32
        %dma_start3A_260 = arith.constant 0 : i32
        %dma_start3A_261 = tpu.memref_slice %arg7[%dma_start3A_259, %dma_start3A_260] : memref<10008x128xf32, #tpu.memory_space<vmem_shared>> -> memref<10008x128xf32, #tpu.memory_space<vmem_shared>>
        tpu.enqueue_indirect_dma source(%arg20 : memref<96x128xf32, #tpu.memory_space<vmem>>) target(%dma_start3A_261 : memref<10008x128xf32, #tpu.memory_space<vmem_shared>>) offsets(%arg12 : memref<96xi32, #tpu.memory_space<vmem>>) semaphore(%arg28 : memref<!tpu.dma_semaphore, #tpu.memory_space<semaphore_mem>>) {add = true}
        %ge3A = arith.constant 4 : i32
        %ge3A_262 = arith.cmpi sge, %add3A_163, %ge3A : i32
        %convert_element_type3A_263 = arith.extui %ge3A_262 : i1 to i32
        %cond3A_264 = arith.constant 0 : i32
        %cond3A_265 = arith.cmpi ne, %convert_element_type3A_263, %cond3A_264 : i32
        scf.if %cond3A_265 {
          %dma_wait3A_273 = arith.constant 0 : i32
          %dma_wait3A_274 = arith.constant 0 : i32
          %dma_wait3A_275 = tpu.memref_slice %arg7[%dma_wait3A_273, %dma_wait3A_274] : memref<10008x128xf32, #tpu.memory_space<vmem_shared>> -> memref<10008x128xf32, #tpu.memory_space<vmem_shared>>
          tpu.wait_indirect_dma semaphore(%arg28 : memref<!tpu.dma_semaphore, #tpu.memory_space<semaphore_mem>>) src(%arg20 : memref<96x128xf32, #tpu.memory_space<vmem>>) dst(%dma_wait3A_275 : memref<10008x128xf32, #tpu.memory_space<vmem_shared>>)
        } else {
        }
        %add3A_266 = arith.constant 4 : i32
        %add3A_267 = arith.addi %add3A_163, %add3A_266 : i32
        %lt3A_268 = arith.constant 105 : i32
        %lt3A_269 = arith.cmpi slt, %add3A_267, %lt3A_268 : i32
        %convert_element_type3A_270 = arith.extui %lt3A_269 : i1 to i32
        %cond3A_271 = arith.constant 0 : i32
        %cond3A_272 = arith.cmpi ne, %convert_element_type3A_270, %cond3A_271 : i32
        scf.if %cond3A_272 {
          %add3A_273 = arith.constant 4 : i32
          %add3A_274 = arith.addi %add3A_163, %add3A_273 : i32
          %mul3A_275 = arith.constant 96 : i32
          %mul3A_276 = arith.muli %add3A_274, %mul3A_275 : i32
          %add3A_277 = arith.addi %mul3A_6, %mul3A_276 : i32
          "tpu.region"() ({
            %run_scoped3A = tpu.sem_alloc : memref<!tpu.dma_semaphore, #tpu.memory_space<semaphore_mem>>
            %dma_start3A_278 = tpu.memref_slice %arg3[%add3A_277] : memref<322560xi32, #tpu.memory_space<hbm>> -> memref<96xi32, #tpu.memory_space<hbm>>
            %dma_start3A_279 = tpu.memref_slice %arg3[%add3A_277] : memref<322560xi32, #tpu.memory_space<hbm>> -> memref<96xi32, #tpu.memory_space<hbm>>
            tpu.enqueue_dma source(%dma_start3A_279 : memref<96xi32, #tpu.memory_space<hbm>>) target(%arg13 : memref<96xi32, #tpu.memory_space<vmem>>) target_semaphore(%run_scoped3A : memref<!tpu.dma_semaphore, #tpu.memory_space<semaphore_mem>>)
            %dma_wait3A_280 = tpu.memref_slice %arg3[%add3A_277] : memref<322560xi32, #tpu.memory_space<hbm>> -> memref<96xi32, #tpu.memory_space<hbm>>
            %dma_wait3A_281 = tpu.memref_slice %arg3[%add3A_277] : memref<322560xi32, #tpu.memory_space<hbm>> -> memref<96xi32, #tpu.memory_space<hbm>>
            tpu.wait_dma2 semaphore(%run_scoped3A : memref<!tpu.dma_semaphore, #tpu.memory_space<semaphore_mem>>) src(%dma_wait3A_281 : memref<96xi32, #tpu.memory_space<hbm>>) dst(%arg13 : memref<96xi32, #tpu.memory_space<vmem>>)
            tpu.yield
          }) : () -> ()
        } else {
        }
      } else {
      }
      %mul3A_168 = arith.constant 2 : i32
      %mul3A_169 = arith.muli %mul3A_168, %scan3A_155 : i32
      %add3A_170 = arith.constant 0 : i32
      %add3A_171 = arith.addi %mul3A_169, %add3A_170 : i32
      %mul3A_172 = arith.constant 4 : i32
      %mul3A_173 = arith.muli %add3A_171, %mul3A_172 : i32
      %add3A_174 = arith.constant 1 : i32
      %add3A_175 = arith.addi %mul3A_173, %add3A_174 : i32
      %lt3A_176 = arith.constant 105 : i32
      %lt3A_177 = arith.cmpi slt, %add3A_175, %lt3A_176 : i32
      %convert_element_type3A_178 = arith.extui %lt3A_177 : i1 to i32
      %cond3A_179 = arith.constant 0 : i32
      %cond3A_180 = arith.cmpi ne, %convert_element_type3A_178, %cond3A_179 : i32
      scf.if %cond3A_180 {
        %dma_start3A_259 = arith.constant 0 : i32
        %dma_start3A_260 = arith.constant 0 : i32
        %dma_start3A_261 = tpu.memref_slice %arg7[%dma_start3A_259, %dma_start3A_260] : memref<10008x128xf32, #tpu.memory_space<vmem_shared>> -> memref<10008x128xf32, #tpu.memory_space<vmem_shared>>
        tpu.enqueue_indirect_dma source(%arg20 : memref<96x128xf32, #tpu.memory_space<vmem>>) target(%dma_start3A_261 : memref<10008x128xf32, #tpu.memory_space<vmem_shared>>) offsets(%arg14 : memref<96xi32, #tpu.memory_space<vmem>>) semaphore(%arg29 : memref<!tpu.dma_semaphore, #tpu.memory_space<semaphore_mem>>) {add = true}
        %ge3A = arith.constant 4 : i32
        %ge3A_262 = arith.cmpi sge, %add3A_175, %ge3A : i32
        %convert_element_type3A_263 = arith.extui %ge3A_262 : i1 to i32
        %cond3A_264 = arith.constant 0 : i32
        %cond3A_265 = arith.cmpi ne, %convert_element_type3A_263, %cond3A_264 : i32
        scf.if %cond3A_265 {
          %dma_wait3A_273 = arith.constant 0 : i32
          %dma_wait3A_274 = arith.constant 0 : i32
          %dma_wait3A_275 = tpu.memref_slice %arg7[%dma_wait3A_273, %dma_wait3A_274] : memref<10008x128xf32, #tpu.memory_space<vmem_shared>> -> memref<10008x128xf32, #tpu.memory_space<vmem_shared>>
          tpu.wait_indirect_dma semaphore(%arg29 : memref<!tpu.dma_semaphore, #tpu.memory_space<semaphore_mem>>) src(%arg20 : memref<96x128xf32, #tpu.memory_space<vmem>>) dst(%dma_wait3A_275 : memref<10008x128xf32, #tpu.memory_space<vmem_shared>>)
        } else {
        }
        %add3A_266 = arith.constant 4 : i32
        %add3A_267 = arith.addi %add3A_175, %add3A_266 : i32
        %lt3A_268 = arith.constant 105 : i32
        %lt3A_269 = arith.cmpi slt, %add3A_267, %lt3A_268 : i32
        %convert_element_type3A_270 = arith.extui %lt3A_269 : i1 to i32
        %cond3A_271 = arith.constant 0 : i32
        %cond3A_272 = arith.cmpi ne, %convert_element_type3A_270, %cond3A_271 : i32
        scf.if %cond3A_272 {
          %add3A_273 = arith.constant 4 : i32
          %add3A_274 = arith.addi %add3A_175, %add3A_273 : i32
          %mul3A_275 = arith.constant 96 : i32
          %mul3A_276 = arith.muli %add3A_274, %mul3A_275 : i32
          %add3A_277 = arith.addi %mul3A_6, %mul3A_276 : i32
          "tpu.region"() ({
            %run_scoped3A = tpu.sem_alloc : memref<!tpu.dma_semaphore, #tpu.memory_space<semaphore_mem>>
            %dma_start3A_278 = tpu.memref_slice %arg3[%add3A_277] : memref<322560xi32, #tpu.memory_space<hbm>> -> memref<96xi32, #tpu.memory_space<hbm>>
            %dma_start3A_279 = tpu.memref_slice %arg3[%add3A_277] : memref<322560xi32, #tpu.memory_space<hbm>> -> memref<96xi32, #tpu.memory_space<hbm>>
            tpu.enqueue_dma source(%dma_start3A_279 : memref<96xi32, #tpu.memory_space<hbm>>) target(%arg15 : memref<96xi32, #tpu.memory_space<vmem>>) target_semaphore(%run_scoped3A : memref<!tpu.dma_semaphore, #tpu.memory_space<semaphore_mem>>)
            %dma_wait3A_280 = tpu.memref_slice %arg3[%add3A_277] : memref<322560xi32, #tpu.memory_space<hbm>> -> memref<96xi32, #tpu.memory_space<hbm>>
            %dma_wait3A_281 = tpu.memref_slice %arg3[%add3A_277] : memref<322560xi32, #tpu.memory_space<hbm>> -> memref<96xi32, #tpu.memory_space<hbm>>
            tpu.wait_dma2 semaphore(%run_scoped3A : memref<!tpu.dma_semaphore, #tpu.memory_space<semaphore_mem>>) src(%dma_wait3A_281 : memref<96xi32, #tpu.memory_space<hbm>>) dst(%arg15 : memref<96xi32, #tpu.memory_space<vmem>>)
            tpu.yield
          }) : () -> ()
        } else {
        }
      } else {
      }
      %mul3A_181 = arith.constant 2 : i32
      %mul3A_182 = arith.muli %mul3A_181, %scan3A_155 : i32
      %add3A_183 = arith.constant 0 : i32
      %add3A_184 = arith.addi %mul3A_182, %add3A_183 : i32
      %mul3A_185 = arith.constant 4 : i32
      %mul3A_186 = arith.muli %add3A_184, %mul3A_185 : i32
      %add3A_187 = arith.constant 2 : i32
      %add3A_188 = arith.addi %mul3A_186, %add3A_187 : i32
      %lt3A_189 = arith.constant 105 : i32
      %lt3A_190 = arith.cmpi slt, %add3A_188, %lt3A_189 : i32
      %convert_element_type3A_191 = arith.extui %lt3A_190 : i1 to i32
      %cond3A_192 = arith.constant 0 : i32
      %cond3A_193 = arith.cmpi ne, %convert_element_type3A_191, %cond3A_192 : i32
      scf.if %cond3A_193 {
        %dma_start3A_259 = arith.constant 0 : i32
        %dma_start3A_260 = arith.constant 0 : i32
        %dma_start3A_261 = tpu.memref_slice %arg7[%dma_start3A_259, %dma_start3A_260] : memref<10008x128xf32, #tpu.memory_space<vmem_shared>> -> memref<10008x128xf32, #tpu.memory_space<vmem_shared>>
        tpu.enqueue_indirect_dma source(%arg20 : memref<96x128xf32, #tpu.memory_space<vmem>>) target(%dma_start3A_261 : memref<10008x128xf32, #tpu.memory_space<vmem_shared>>) offsets(%arg16 : memref<96xi32, #tpu.memory_space<vmem>>) semaphore(%arg30 : memref<!tpu.dma_semaphore, #tpu.memory_space<semaphore_mem>>) {add = true}
        %ge3A = arith.constant 4 : i32
        %ge3A_262 = arith.cmpi sge, %add3A_188, %ge3A : i32
        %convert_element_type3A_263 = arith.extui %ge3A_262 : i1 to i32
        %cond3A_264 = arith.constant 0 : i32
        %cond3A_265 = arith.cmpi ne, %convert_element_type3A_263, %cond3A_264 : i32
        scf.if %cond3A_265 {
          %dma_wait3A_273 = arith.constant 0 : i32
          %dma_wait3A_274 = arith.constant 0 : i32
          %dma_wait3A_275 = tpu.memref_slice %arg7[%dma_wait3A_273, %dma_wait3A_274] : memref<10008x128xf32, #tpu.memory_space<vmem_shared>> -> memref<10008x128xf32, #tpu.memory_space<vmem_shared>>
          tpu.wait_indirect_dma semaphore(%arg30 : memref<!tpu.dma_semaphore, #tpu.memory_space<semaphore_mem>>) src(%arg20 : memref<96x128xf32, #tpu.memory_space<vmem>>) dst(%dma_wait3A_275 : memref<10008x128xf32, #tpu.memory_space<vmem_shared>>)
        } else {
        }
        %add3A_266 = arith.constant 4 : i32
        %add3A_267 = arith.addi %add3A_188, %add3A_266 : i32
        %lt3A_268 = arith.constant 105 : i32
        %lt3A_269 = arith.cmpi slt, %add3A_267, %lt3A_268 : i32
        %convert_element_type3A_270 = arith.extui %lt3A_269 : i1 to i32
        %cond3A_271 = arith.constant 0 : i32
        %cond3A_272 = arith.cmpi ne, %convert_element_type3A_270, %cond3A_271 : i32
        scf.if %cond3A_272 {
          %add3A_273 = arith.constant 4 : i32
          %add3A_274 = arith.addi %add3A_188, %add3A_273 : i32
          %mul3A_275 = arith.constant 96 : i32
          %mul3A_276 = arith.muli %add3A_274, %mul3A_275 : i32
          %add3A_277 = arith.addi %mul3A_6, %mul3A_276 : i32
          "tpu.region"() ({
            %run_scoped3A = tpu.sem_alloc : memref<!tpu.dma_semaphore, #tpu.memory_space<semaphore_mem>>
            %dma_start3A_278 = tpu.memref_slice %arg3[%add3A_277] : memref<322560xi32, #tpu.memory_space<hbm>> -> memref<96xi32, #tpu.memory_space<hbm>>
            %dma_start3A_279 = tpu.memref_slice %arg3[%add3A_277] : memref<322560xi32, #tpu.memory_space<hbm>> -> memref<96xi32, #tpu.memory_space<hbm>>
            tpu.enqueue_dma source(%dma_start3A_279 : memref<96xi32, #tpu.memory_space<hbm>>) target(%arg17 : memref<96xi32, #tpu.memory_space<vmem>>) target_semaphore(%run_scoped3A : memref<!tpu.dma_semaphore, #tpu.memory_space<semaphore_mem>>)
            %dma_wait3A_280 = tpu.memref_slice %arg3[%add3A_277] : memref<322560xi32, #tpu.memory_space<hbm>> -> memref<96xi32, #tpu.memory_space<hbm>>
            %dma_wait3A_281 = tpu.memref_slice %arg3[%add3A_277] : memref<322560xi32, #tpu.memory_space<hbm>> -> memref<96xi32, #tpu.memory_space<hbm>>
            tpu.wait_dma2 semaphore(%run_scoped3A : memref<!tpu.dma_semaphore, #tpu.memory_space<semaphore_mem>>) src(%dma_wait3A_281 : memref<96xi32, #tpu.memory_space<hbm>>) dst(%arg17 : memref<96xi32, #tpu.memory_space<vmem>>)
            tpu.yield
          }) : () -> ()
        } else {
        }
      } else {
      }
      %mul3A_194 = arith.constant 2 : i32
      %mul3A_195 = arith.muli %mul3A_194, %scan3A_155 : i32
      %add3A_196 = arith.constant 0 : i32
      %add3A_197 = arith.addi %mul3A_195, %add3A_196 : i32
      %mul3A_198 = arith.constant 4 : i32
      %mul3A_199 = arith.muli %add3A_197, %mul3A_198 : i32
      %add3A_200 = arith.constant 3 : i32
      %add3A_201 = arith.addi %mul3A_199, %add3A_200 : i32
      %lt3A_202 = arith.constant 105 : i32
      %lt3A_203 = arith.cmpi slt, %add3A_201, %lt3A_202 : i32
      %convert_element_type3A_204 = arith.extui %lt3A_203 : i1 to i32
      %cond3A_205 = arith.constant 0 : i32
      %cond3A_206 = arith.cmpi ne, %convert_element_type3A_204, %cond3A_205 : i32
      scf.if %cond3A_206 {
        %dma_start3A_259 = arith.constant 0 : i32
        %dma_start3A_260 = arith.constant 0 : i32
        %dma_start3A_261 = tpu.memref_slice %arg7[%dma_start3A_259, %dma_start3A_260] : memref<10008x128xf32, #tpu.memory_space<vmem_shared>> -> memref<10008x128xf32, #tpu.memory_space<vmem_shared>>
        tpu.enqueue_indirect_dma source(%arg20 : memref<96x128xf32, #tpu.memory_space<vmem>>) target(%dma_start3A_261 : memref<10008x128xf32, #tpu.memory_space<vmem_shared>>) offsets(%arg18 : memref<96xi32, #tpu.memory_space<vmem>>) semaphore(%arg31 : memref<!tpu.dma_semaphore, #tpu.memory_space<semaphore_mem>>) {add = true}
        %ge3A = arith.constant 4 : i32
        %ge3A_262 = arith.cmpi sge, %add3A_201, %ge3A : i32
        %convert_element_type3A_263 = arith.extui %ge3A_262 : i1 to i32
        %cond3A_264 = arith.constant 0 : i32
        %cond3A_265 = arith.cmpi ne, %convert_element_type3A_263, %cond3A_264 : i32
        scf.if %cond3A_265 {
          %dma_wait3A_273 = arith.constant 0 : i32
          %dma_wait3A_274 = arith.constant 0 : i32
          %dma_wait3A_275 = tpu.memref_slice %arg7[%dma_wait3A_273, %dma_wait3A_274] : memref<10008x128xf32, #tpu.memory_space<vmem_shared>> -> memref<10008x128xf32, #tpu.memory_space<vmem_shared>>
          tpu.wait_indirect_dma semaphore(%arg31 : memref<!tpu.dma_semaphore, #tpu.memory_space<semaphore_mem>>) src(%arg20 : memref<96x128xf32, #tpu.memory_space<vmem>>) dst(%dma_wait3A_275 : memref<10008x128xf32, #tpu.memory_space<vmem_shared>>)
        } else {
        }
        %add3A_266 = arith.constant 4 : i32
        %add3A_267 = arith.addi %add3A_201, %add3A_266 : i32
        %lt3A_268 = arith.constant 105 : i32
        %lt3A_269 = arith.cmpi slt, %add3A_267, %lt3A_268 : i32
        %convert_element_type3A_270 = arith.extui %lt3A_269 : i1 to i32
        %cond3A_271 = arith.constant 0 : i32
        %cond3A_272 = arith.cmpi ne, %convert_element_type3A_270, %cond3A_271 : i32
        scf.if %cond3A_272 {
          %add3A_273 = arith.constant 4 : i32
          %add3A_274 = arith.addi %add3A_201, %add3A_273 : i32
          %mul3A_275 = arith.constant 96 : i32
          %mul3A_276 = arith.muli %add3A_274, %mul3A_275 : i32
          %add3A_277 = arith.addi %mul3A_6, %mul3A_276 : i32
          "tpu.region"() ({
            %run_scoped3A = tpu.sem_alloc : memref<!tpu.dma_semaphore, #tpu.memory_space<semaphore_mem>>
            %dma_start3A_278 = tpu.memref_slice %arg3[%add3A_277] : memref<322560xi32, #tpu.memory_space<hbm>> -> memref<96xi32, #tpu.memory_space<hbm>>
            %dma_start3A_279 = tpu.memref_slice %arg3[%add3A_277] : memref<322560xi32, #tpu.memory_space<hbm>> -> memref<96xi32, #tpu.memory_space<hbm>>
            tpu.enqueue_dma source(%dma_start3A_279 : memref<96xi32, #tpu.memory_space<hbm>>) target(%arg19 : memref<96xi32, #tpu.memory_space<vmem>>) target_semaphore(%run_scoped3A : memref<!tpu.dma_semaphore, #tpu.memory_space<semaphore_mem>>)
            %dma_wait3A_280 = tpu.memref_slice %arg3[%add3A_277] : memref<322560xi32, #tpu.memory_space<hbm>> -> memref<96xi32, #tpu.memory_space<hbm>>
            %dma_wait3A_281 = tpu.memref_slice %arg3[%add3A_277] : memref<322560xi32, #tpu.memory_space<hbm>> -> memref<96xi32, #tpu.memory_space<hbm>>
            tpu.wait_dma2 semaphore(%run_scoped3A : memref<!tpu.dma_semaphore, #tpu.memory_space<semaphore_mem>>) src(%dma_wait3A_281 : memref<96xi32, #tpu.memory_space<hbm>>) dst(%arg19 : memref<96xi32, #tpu.memory_space<vmem>>)
            tpu.yield
          }) : () -> ()
        } else {
        }
      } else {
      }
      %mul3A_207 = arith.constant 2 : i32
      %mul3A_208 = arith.muli %mul3A_207, %scan3A_155 : i32
      %add3A_209 = arith.constant 1 : i32
      %add3A_210 = arith.addi %mul3A_208, %add3A_209 : i32
      %mul3A_211 = arith.constant 4 : i32
      %mul3A_212 = arith.muli %add3A_210, %mul3A_211 : i32
      %add3A_213 = arith.constant 0 : i32
      %add3A_214 = arith.addi %mul3A_212, %add3A_213 : i32
      %lt3A_215 = arith.constant 105 : i32
      %lt3A_216 = arith.cmpi slt, %add3A_214, %lt3A_215 : i32
      %convert_element_type3A_217 = arith.extui %lt3A_216 : i1 to i32
      %cond3A_218 = arith.constant 0 : i32
      %cond3A_219 = arith.cmpi ne, %convert_element_type3A_217, %cond3A_218 : i32
      scf.if %cond3A_219 {
        %dma_start3A_259 = arith.constant 0 : i32
        %dma_start3A_260 = arith.constant 0 : i32
        %dma_start3A_261 = tpu.memref_slice %arg7[%dma_start3A_259, %dma_start3A_260] : memref<10008x128xf32, #tpu.memory_space<vmem_shared>> -> memref<10008x128xf32, #tpu.memory_space<vmem_shared>>
        tpu.enqueue_indirect_dma source(%arg20 : memref<96x128xf32, #tpu.memory_space<vmem>>) target(%dma_start3A_261 : memref<10008x128xf32, #tpu.memory_space<vmem_shared>>) offsets(%arg13 : memref<96xi32, #tpu.memory_space<vmem>>) semaphore(%arg28 : memref<!tpu.dma_semaphore, #tpu.memory_space<semaphore_mem>>) {add = true}
        %ge3A = arith.constant 4 : i32
        %ge3A_262 = arith.cmpi sge, %add3A_214, %ge3A : i32
        %convert_element_type3A_263 = arith.extui %ge3A_262 : i1 to i32
        %cond3A_264 = arith.constant 0 : i32
        %cond3A_265 = arith.cmpi ne, %convert_element_type3A_263, %cond3A_264 : i32
        scf.if %cond3A_265 {
          %dma_wait3A_273 = arith.constant 0 : i32
          %dma_wait3A_274 = arith.constant 0 : i32
          %dma_wait3A_275 = tpu.memref_slice %arg7[%dma_wait3A_273, %dma_wait3A_274] : memref<10008x128xf32, #tpu.memory_space<vmem_shared>> -> memref<10008x128xf32, #tpu.memory_space<vmem_shared>>
          tpu.wait_indirect_dma semaphore(%arg28 : memref<!tpu.dma_semaphore, #tpu.memory_space<semaphore_mem>>) src(%arg20 : memref<96x128xf32, #tpu.memory_space<vmem>>) dst(%dma_wait3A_275 : memref<10008x128xf32, #tpu.memory_space<vmem_shared>>)
        } else {
        }
        %add3A_266 = arith.constant 4 : i32
        %add3A_267 = arith.addi %add3A_214, %add3A_266 : i32
        %lt3A_268 = arith.constant 105 : i32
        %lt3A_269 = arith.cmpi slt, %add3A_267, %lt3A_268 : i32
        %convert_element_type3A_270 = arith.extui %lt3A_269 : i1 to i32
        %cond3A_271 = arith.constant 0 : i32
        %cond3A_272 = arith.cmpi ne, %convert_element_type3A_270, %cond3A_271 : i32
        scf.if %cond3A_272 {
          %add3A_273 = arith.constant 4 : i32
          %add3A_274 = arith.addi %add3A_214, %add3A_273 : i32
          %mul3A_275 = arith.constant 96 : i32
          %mul3A_276 = arith.muli %add3A_274, %mul3A_275 : i32
          %add3A_277 = arith.addi %mul3A_6, %mul3A_276 : i32
          "tpu.region"() ({
            %run_scoped3A = tpu.sem_alloc : memref<!tpu.dma_semaphore, #tpu.memory_space<semaphore_mem>>
            %dma_start3A_278 = tpu.memref_slice %arg3[%add3A_277] : memref<322560xi32, #tpu.memory_space<hbm>> -> memref<96xi32, #tpu.memory_space<hbm>>
            %dma_start3A_279 = tpu.memref_slice %arg3[%add3A_277] : memref<322560xi32, #tpu.memory_space<hbm>> -> memref<96xi32, #tpu.memory_space<hbm>>
            tpu.enqueue_dma source(%dma_start3A_279 : memref<96xi32, #tpu.memory_space<hbm>>) target(%arg12 : memref<96xi32, #tpu.memory_space<vmem>>) target_semaphore(%run_scoped3A : memref<!tpu.dma_semaphore, #tpu.memory_space<semaphore_mem>>)
            %dma_wait3A_280 = tpu.memref_slice %arg3[%add3A_277] : memref<322560xi32, #tpu.memory_space<hbm>> -> memref<96xi32, #tpu.memory_space<hbm>>
            %dma_wait3A_281 = tpu.memref_slice %arg3[%add3A_277] : memref<322560xi32, #tpu.memory_space<hbm>> -> memref<96xi32, #tpu.memory_space<hbm>>
            tpu.wait_dma2 semaphore(%run_scoped3A : memref<!tpu.dma_semaphore, #tpu.memory_space<semaphore_mem>>) src(%dma_wait3A_281 : memref<96xi32, #tpu.memory_space<hbm>>) dst(%arg12 : memref<96xi32, #tpu.memory_space<vmem>>)
            tpu.yield
          }) : () -> ()
        } else {
        }
      } else {
      }
      %mul3A_220 = arith.constant 2 : i32
      %mul3A_221 = arith.muli %mul3A_220, %scan3A_155 : i32
      %add3A_222 = arith.constant 1 : i32
      %add3A_223 = arith.addi %mul3A_221, %add3A_222 : i32
      %mul3A_224 = arith.constant 4 : i32
      %mul3A_225 = arith.muli %add3A_223, %mul3A_224 : i32
      %add3A_226 = arith.constant 1 : i32
      %add3A_227 = arith.addi %mul3A_225, %add3A_226 : i32
      %lt3A_228 = arith.constant 105 : i32
      %lt3A_229 = arith.cmpi slt, %add3A_227, %lt3A_228 : i32
      %convert_element_type3A_230 = arith.extui %lt3A_229 : i1 to i32
      %cond3A_231 = arith.constant 0 : i32
      %cond3A_232 = arith.cmpi ne, %convert_element_type3A_230, %cond3A_231 : i32
      scf.if %cond3A_232 {
        %dma_start3A_259 = arith.constant 0 : i32
        %dma_start3A_260 = arith.constant 0 : i32
        %dma_start3A_261 = tpu.memref_slice %arg7[%dma_start3A_259, %dma_start3A_260] : memref<10008x128xf32, #tpu.memory_space<vmem_shared>> -> memref<10008x128xf32, #tpu.memory_space<vmem_shared>>
        tpu.enqueue_indirect_dma source(%arg20 : memref<96x128xf32, #tpu.memory_space<vmem>>) target(%dma_start3A_261 : memref<10008x128xf32, #tpu.memory_space<vmem_shared>>) offsets(%arg15 : memref<96xi32, #tpu.memory_space<vmem>>) semaphore(%arg29 : memref<!tpu.dma_semaphore, #tpu.memory_space<semaphore_mem>>) {add = true}
        %ge3A = arith.constant 4 : i32
        %ge3A_262 = arith.cmpi sge, %add3A_227, %ge3A : i32
        %convert_element_type3A_263 = arith.extui %ge3A_262 : i1 to i32
        %cond3A_264 = arith.constant 0 : i32
        %cond3A_265 = arith.cmpi ne, %convert_element_type3A_263, %cond3A_264 : i32
        scf.if %cond3A_265 {
          %dma_wait3A_273 = arith.constant 0 : i32
          %dma_wait3A_274 = arith.constant 0 : i32
          %dma_wait3A_275 = tpu.memref_slice %arg7[%dma_wait3A_273, %dma_wait3A_274] : memref<10008x128xf32, #tpu.memory_space<vmem_shared>> -> memref<10008x128xf32, #tpu.memory_space<vmem_shared>>
          tpu.wait_indirect_dma semaphore(%arg29 : memref<!tpu.dma_semaphore, #tpu.memory_space<semaphore_mem>>) src(%arg20 : memref<96x128xf32, #tpu.memory_space<vmem>>) dst(%dma_wait3A_275 : memref<10008x128xf32, #tpu.memory_space<vmem_shared>>)
        } else {
        }
        %add3A_266 = arith.constant 4 : i32
        %add3A_267 = arith.addi %add3A_227, %add3A_266 : i32
        %lt3A_268 = arith.constant 105 : i32
        %lt3A_269 = arith.cmpi slt, %add3A_267, %lt3A_268 : i32
        %convert_element_type3A_270 = arith.extui %lt3A_269 : i1 to i32
        %cond3A_271 = arith.constant 0 : i32
        %cond3A_272 = arith.cmpi ne, %convert_element_type3A_270, %cond3A_271 : i32
        scf.if %cond3A_272 {
          %add3A_273 = arith.constant 4 : i32
          %add3A_274 = arith.addi %add3A_227, %add3A_273 : i32
          %mul3A_275 = arith.constant 96 : i32
          %mul3A_276 = arith.muli %add3A_274, %mul3A_275 : i32
          %add3A_277 = arith.addi %mul3A_6, %mul3A_276 : i32
          "tpu.region"() ({
            %run_scoped3A = tpu.sem_alloc : memref<!tpu.dma_semaphore, #tpu.memory_space<semaphore_mem>>
            %dma_start3A_278 = tpu.memref_slice %arg3[%add3A_277] : memref<322560xi32, #tpu.memory_space<hbm>> -> memref<96xi32, #tpu.memory_space<hbm>>
            %dma_start3A_279 = tpu.memref_slice %arg3[%add3A_277] : memref<322560xi32, #tpu.memory_space<hbm>> -> memref<96xi32, #tpu.memory_space<hbm>>
            tpu.enqueue_dma source(%dma_start3A_279 : memref<96xi32, #tpu.memory_space<hbm>>) target(%arg14 : memref<96xi32, #tpu.memory_space<vmem>>) target_semaphore(%run_scoped3A : memref<!tpu.dma_semaphore, #tpu.memory_space<semaphore_mem>>)
            %dma_wait3A_280 = tpu.memref_slice %arg3[%add3A_277] : memref<322560xi32, #tpu.memory_space<hbm>> -> memref<96xi32, #tpu.memory_space<hbm>>
            %dma_wait3A_281 = tpu.memref_slice %arg3[%add3A_277] : memref<322560xi32, #tpu.memory_space<hbm>> -> memref<96xi32, #tpu.memory_space<hbm>>
            tpu.wait_dma2 semaphore(%run_scoped3A : memref<!tpu.dma_semaphore, #tpu.memory_space<semaphore_mem>>) src(%dma_wait3A_281 : memref<96xi32, #tpu.memory_space<hbm>>) dst(%arg14 : memref<96xi32, #tpu.memory_space<vmem>>)
            tpu.yield
          }) : () -> ()
        } else {
        }
      } else {
      }
      %mul3A_233 = arith.constant 2 : i32
      %mul3A_234 = arith.muli %mul3A_233, %scan3A_155 : i32
      %add3A_235 = arith.constant 1 : i32
      %add3A_236 = arith.addi %mul3A_234, %add3A_235 : i32
      %mul3A_237 = arith.constant 4 : i32
      %mul3A_238 = arith.muli %add3A_236, %mul3A_237 : i32
      %add3A_239 = arith.constant 2 : i32
      %add3A_240 = arith.addi %mul3A_238, %add3A_239 : i32
      %lt3A_241 = arith.constant 105 : i32
      %lt3A_242 = arith.cmpi slt, %add3A_240, %lt3A_241 : i32
      %convert_element_type3A_243 = arith.extui %lt3A_242 : i1 to i32
      %cond3A_244 = arith.constant 0 : i32
      %cond3A_245 = arith.cmpi ne, %convert_element_type3A_243, %cond3A_244 : i32
      scf.if %cond3A_245 {
        %dma_start3A_259 = arith.constant 0 : i32
        %dma_start3A_260 = arith.constant 0 : i32
        %dma_start3A_261 = tpu.memref_slice %arg7[%dma_start3A_259, %dma_start3A_260] : memref<10008x128xf32, #tpu.memory_space<vmem_shared>> -> memref<10008x128xf32, #tpu.memory_space<vmem_shared>>
        tpu.enqueue_indirect_dma source(%arg20 : memref<96x128xf32, #tpu.memory_space<vmem>>) target(%dma_start3A_261 : memref<10008x128xf32, #tpu.memory_space<vmem_shared>>) offsets(%arg17 : memref<96xi32, #tpu.memory_space<vmem>>) semaphore(%arg30 : memref<!tpu.dma_semaphore, #tpu.memory_space<semaphore_mem>>) {add = true}
        %ge3A = arith.constant 4 : i32
        %ge3A_262 = arith.cmpi sge, %add3A_240, %ge3A : i32
        %convert_element_type3A_263 = arith.extui %ge3A_262 : i1 to i32
        %cond3A_264 = arith.constant 0 : i32
        %cond3A_265 = arith.cmpi ne, %convert_element_type3A_263, %cond3A_264 : i32
        scf.if %cond3A_265 {
          %dma_wait3A_273 = arith.constant 0 : i32
          %dma_wait3A_274 = arith.constant 0 : i32
          %dma_wait3A_275 = tpu.memref_slice %arg7[%dma_wait3A_273, %dma_wait3A_274] : memref<10008x128xf32, #tpu.memory_space<vmem_shared>> -> memref<10008x128xf32, #tpu.memory_space<vmem_shared>>
          tpu.wait_indirect_dma semaphore(%arg30 : memref<!tpu.dma_semaphore, #tpu.memory_space<semaphore_mem>>) src(%arg20 : memref<96x128xf32, #tpu.memory_space<vmem>>) dst(%dma_wait3A_275 : memref<10008x128xf32, #tpu.memory_space<vmem_shared>>)
        } else {
        }
        %add3A_266 = arith.constant 4 : i32
        %add3A_267 = arith.addi %add3A_240, %add3A_266 : i32
        %lt3A_268 = arith.constant 105 : i32
        %lt3A_269 = arith.cmpi slt, %add3A_267, %lt3A_268 : i32
        %convert_element_type3A_270 = arith.extui %lt3A_269 : i1 to i32
        %cond3A_271 = arith.constant 0 : i32
        %cond3A_272 = arith.cmpi ne, %convert_element_type3A_270, %cond3A_271 : i32
        scf.if %cond3A_272 {
          %add3A_273 = arith.constant 4 : i32
          %add3A_274 = arith.addi %add3A_240, %add3A_273 : i32
          %mul3A_275 = arith.constant 96 : i32
          %mul3A_276 = arith.muli %add3A_274, %mul3A_275 : i32
          %add3A_277 = arith.addi %mul3A_6, %mul3A_276 : i32
          "tpu.region"() ({
            %run_scoped3A = tpu.sem_alloc : memref<!tpu.dma_semaphore, #tpu.memory_space<semaphore_mem>>
            %dma_start3A_278 = tpu.memref_slice %arg3[%add3A_277] : memref<322560xi32, #tpu.memory_space<hbm>> -> memref<96xi32, #tpu.memory_space<hbm>>
            %dma_start3A_279 = tpu.memref_slice %arg3[%add3A_277] : memref<322560xi32, #tpu.memory_space<hbm>> -> memref<96xi32, #tpu.memory_space<hbm>>
            tpu.enqueue_dma source(%dma_start3A_279 : memref<96xi32, #tpu.memory_space<hbm>>) target(%arg16 : memref<96xi32, #tpu.memory_space<vmem>>) target_semaphore(%run_scoped3A : memref<!tpu.dma_semaphore, #tpu.memory_space<semaphore_mem>>)
            %dma_wait3A_280 = tpu.memref_slice %arg3[%add3A_277] : memref<322560xi32, #tpu.memory_space<hbm>> -> memref<96xi32, #tpu.memory_space<hbm>>
            %dma_wait3A_281 = tpu.memref_slice %arg3[%add3A_277] : memref<322560xi32, #tpu.memory_space<hbm>> -> memref<96xi32, #tpu.memory_space<hbm>>
            tpu.wait_dma2 semaphore(%run_scoped3A : memref<!tpu.dma_semaphore, #tpu.memory_space<semaphore_mem>>) src(%dma_wait3A_281 : memref<96xi32, #tpu.memory_space<hbm>>) dst(%arg16 : memref<96xi32, #tpu.memory_space<vmem>>)
            tpu.yield
          }) : () -> ()
        } else {
        }
      } else {
      }
      %mul3A_246 = arith.constant 2 : i32
      %mul3A_247 = arith.muli %mul3A_246, %scan3A_155 : i32
      %add3A_248 = arith.constant 1 : i32
      %add3A_249 = arith.addi %mul3A_247, %add3A_248 : i32
      %mul3A_250 = arith.constant 4 : i32
      %mul3A_251 = arith.muli %add3A_249, %mul3A_250 : i32
      %add3A_252 = arith.constant 3 : i32
      %add3A_253 = arith.addi %mul3A_251, %add3A_252 : i32
      %lt3A_254 = arith.constant 105 : i32
      %lt3A_255 = arith.cmpi slt, %add3A_253, %lt3A_254 : i32
      %convert_element_type3A_256 = arith.extui %lt3A_255 : i1 to i32
      %cond3A_257 = arith.constant 0 : i32
      %cond3A_258 = arith.cmpi ne, %convert_element_type3A_256, %cond3A_257 : i32
      scf.if %cond3A_258 {
        %dma_start3A_259 = arith.constant 0 : i32
        %dma_start3A_260 = arith.constant 0 : i32
        %dma_start3A_261 = tpu.memref_slice %arg7[%dma_start3A_259, %dma_start3A_260] : memref<10008x128xf32, #tpu.memory_space<vmem_shared>> -> memref<10008x128xf32, #tpu.memory_space<vmem_shared>>
        tpu.enqueue_indirect_dma source(%arg20 : memref<96x128xf32, #tpu.memory_space<vmem>>) target(%dma_start3A_261 : memref<10008x128xf32, #tpu.memory_space<vmem_shared>>) offsets(%arg19 : memref<96xi32, #tpu.memory_space<vmem>>) semaphore(%arg31 : memref<!tpu.dma_semaphore, #tpu.memory_space<semaphore_mem>>) {add = true}
        %ge3A = arith.constant 4 : i32
        %ge3A_262 = arith.cmpi sge, %add3A_253, %ge3A : i32
        %convert_element_type3A_263 = arith.extui %ge3A_262 : i1 to i32
        %cond3A_264 = arith.constant 0 : i32
        %cond3A_265 = arith.cmpi ne, %convert_element_type3A_263, %cond3A_264 : i32
        scf.if %cond3A_265 {
          %dma_wait3A_273 = arith.constant 0 : i32
          %dma_wait3A_274 = arith.constant 0 : i32
          %dma_wait3A_275 = tpu.memref_slice %arg7[%dma_wait3A_273, %dma_wait3A_274] : memref<10008x128xf32, #tpu.memory_space<vmem_shared>> -> memref<10008x128xf32, #tpu.memory_space<vmem_shared>>
          tpu.wait_indirect_dma semaphore(%arg31 : memref<!tpu.dma_semaphore, #tpu.memory_space<semaphore_mem>>) src(%arg20 : memref<96x128xf32, #tpu.memory_space<vmem>>) dst(%dma_wait3A_275 : memref<10008x128xf32, #tpu.memory_space<vmem_shared>>)
        } else {
        }
        %add3A_266 = arith.constant 4 : i32
        %add3A_267 = arith.addi %add3A_253, %add3A_266 : i32
        %lt3A_268 = arith.constant 105 : i32
        %lt3A_269 = arith.cmpi slt, %add3A_267, %lt3A_268 : i32
        %convert_element_type3A_270 = arith.extui %lt3A_269 : i1 to i32
        %cond3A_271 = arith.constant 0 : i32
        %cond3A_272 = arith.cmpi ne, %convert_element_type3A_270, %cond3A_271 : i32
        scf.if %cond3A_272 {
          %add3A_273 = arith.constant 4 : i32
          %add3A_274 = arith.addi %add3A_253, %add3A_273 : i32
          %mul3A_275 = arith.constant 96 : i32
          %mul3A_276 = arith.muli %add3A_274, %mul3A_275 : i32
          %add3A_277 = arith.addi %mul3A_6, %mul3A_276 : i32
          "tpu.region"() ({
            %run_scoped3A = tpu.sem_alloc : memref<!tpu.dma_semaphore, #tpu.memory_space<semaphore_mem>>
            %dma_start3A_278 = tpu.memref_slice %arg3[%add3A_277] : memref<322560xi32, #tpu.memory_space<hbm>> -> memref<96xi32, #tpu.memory_space<hbm>>
            %dma_start3A_279 = tpu.memref_slice %arg3[%add3A_277] : memref<322560xi32, #tpu.memory_space<hbm>> -> memref<96xi32, #tpu.memory_space<hbm>>
            tpu.enqueue_dma source(%dma_start3A_279 : memref<96xi32, #tpu.memory_space<hbm>>) target(%arg18 : memref<96xi32, #tpu.memory_space<vmem>>) target_semaphore(%run_scoped3A : memref<!tpu.dma_semaphore, #tpu.memory_space<semaphore_mem>>)
            %dma_wait3A_280 = tpu.memref_slice %arg3[%add3A_277] : memref<322560xi32, #tpu.memory_space<hbm>> -> memref<96xi32, #tpu.memory_space<hbm>>
            %dma_wait3A_281 = tpu.memref_slice %arg3[%add3A_277] : memref<322560xi32, #tpu.memory_space<hbm>> -> memref<96xi32, #tpu.memory_space<hbm>>
            tpu.wait_dma2 semaphore(%run_scoped3A : memref<!tpu.dma_semaphore, #tpu.memory_space<semaphore_mem>>) src(%dma_wait3A_281 : memref<96xi32, #tpu.memory_space<hbm>>) dst(%arg18 : memref<96xi32, #tpu.memory_space<vmem>>)
            tpu.yield
          }) : () -> ()
        } else {
        }
      } else {
      }
    }
    %scan3A_126 = arith.constant 14 : i32
    %dma_wait3A_127 = arith.constant 0 : i32
    %dma_wait3A_128 = arith.constant 0 : i32
    %dma_wait3A_129 = tpu.memref_slice %arg7[%dma_wait3A_127, %dma_wait3A_128] : memref<10008x128xf32, #tpu.memory_space<vmem_shared>> -> memref<10008x128xf32, #tpu.memory_space<vmem_shared>>
    tpu.wait_indirect_dma semaphore(%arg28 : memref<!tpu.dma_semaphore, #tpu.memory_space<semaphore_mem>>) src(%arg20 : memref<96x128xf32, #tpu.memory_space<vmem>>) dst(%dma_wait3A_129 : memref<10008x128xf32, #tpu.memory_space<vmem_shared>>)
    %dma_wait3A_130 = arith.constant 0 : i32
    %dma_wait3A_131 = arith.constant 0 : i32
    %dma_wait3A_132 = tpu.memref_slice %arg7[%dma_wait3A_130, %dma_wait3A_131] : memref<10008x128xf32, #tpu.memory_space<vmem_shared>> -> memref<10008x128xf32, #tpu.memory_space<vmem_shared>>
    tpu.wait_indirect_dma semaphore(%arg29 : memref<!tpu.dma_semaphore, #tpu.memory_space<semaphore_mem>>) src(%arg20 : memref<96x128xf32, #tpu.memory_space<vmem>>) dst(%dma_wait3A_132 : memref<10008x128xf32, #tpu.memory_space<vmem_shared>>)
    %dma_wait3A_133 = arith.constant 0 : i32
    %dma_wait3A_134 = arith.constant 0 : i32
    %dma_wait3A_135 = tpu.memref_slice %arg7[%dma_wait3A_133, %dma_wait3A_134] : memref<10008x128xf32, #tpu.memory_space<vmem_shared>> -> memref<10008x128xf32, #tpu.memory_space<vmem_shared>>
    tpu.wait_indirect_dma semaphore(%arg30 : memref<!tpu.dma_semaphore, #tpu.memory_space<semaphore_mem>>) src(%arg20 : memref<96x128xf32, #tpu.memory_space<vmem>>) dst(%dma_wait3A_135 : memref<10008x128xf32, #tpu.memory_space<vmem_shared>>)
    %dma_wait3A_136 = arith.constant 0 : i32
    %dma_wait3A_137 = arith.constant 0 : i32
    %dma_wait3A_138 = tpu.memref_slice %arg7[%dma_wait3A_136, %dma_wait3A_137] : memref<10008x128xf32, #tpu.memory_space<vmem_shared>> -> memref<10008x128xf32, #tpu.memory_space<vmem_shared>>
    tpu.wait_indirect_dma semaphore(%arg31 : memref<!tpu.dma_semaphore, #tpu.memory_space<semaphore_mem>>) src(%arg20 : memref<96x128xf32, #tpu.memory_space<vmem>>) dst(%dma_wait3A_138 : memref<10008x128xf32, #tpu.memory_space<vmem_shared>>)
    %barrier3A_139 = arith.constant 0 : index
    tpu.barrier barrier_id(%barrier3A_139)
    %scan3A_140 = arith.constant 0 : i32
    %scan3A_141 = arith.constant 0 : i32
    %scan3A_142 = arith.constant 6 : i32
    %scan3A_143 = arith.addi %scan3A_141, %scan3A_142 : i32
    %scan3A_144 = arith.constant 1 : i32
    scf.for %scan3A_155 = %scan3A_141 to %scan3A_143 step %scan3A_144  : i32 {
      %mul3A_156 = arith.constant 96 : i32
      %mul3A_157 = arith.muli %scan3A_155, %mul3A_156 : i32
      %add3A_158 = arith.addi %multiple_of3A, %mul3A_157 : i32
      "tpu.region"() ({
        %run_scoped3A = tpu.sem_alloc : memref<!tpu.dma_semaphore, #tpu.memory_space<semaphore_mem>>
        %dma_start3A_162 = arith.constant 0 : i32
        %dma_start3A_163 = tpu.memref_slice %arg7[%add3A_158, %dma_start3A_162] : memref<10008x128xf32, #tpu.memory_space<vmem_shared>> -> memref<96x128xf32, #tpu.memory_space<vmem_shared>>
        %dma_start3A_164 = arith.constant 0 : i32
        %dma_start3A_165 = tpu.memref_slice %arg7[%add3A_158, %dma_start3A_164] : memref<10008x128xf32, #tpu.memory_space<vmem_shared>> -> memref<96x128xf32, #tpu.memory_space<vmem_shared>>
        tpu.enqueue_dma source(%dma_start3A_165 : memref<96x128xf32, #tpu.memory_space<vmem_shared>>) target(%arg21 : memref<96x128xf32, #tpu.memory_space<vmem>>) target_semaphore(%run_scoped3A : memref<!tpu.dma_semaphore, #tpu.memory_space<semaphore_mem>>)
        %dma_wait3A_166 = arith.constant 0 : i32
        %dma_wait3A_167 = tpu.memref_slice %arg7[%add3A_158, %dma_wait3A_166] : memref<10008x128xf32, #tpu.memory_space<vmem_shared>> -> memref<96x128xf32, #tpu.memory_space<vmem_shared>>
        %dma_wait3A_168 = arith.constant 0 : i32
        %dma_wait3A_169 = tpu.memref_slice %arg7[%add3A_158, %dma_wait3A_168] : memref<10008x128xf32, #tpu.memory_space<vmem_shared>> -> memref<96x128xf32, #tpu.memory_space<vmem_shared>>
        tpu.wait_dma2 semaphore(%run_scoped3A : memref<!tpu.dma_semaphore, #tpu.memory_space<semaphore_mem>>) src(%dma_wait3A_169 : memref<96x128xf32, #tpu.memory_space<vmem_shared>>) dst(%arg21 : memref<96x128xf32, #tpu.memory_space<vmem>>)
        tpu.yield
      }) : () -> ()
      %mul3A_159 = arith.constant 96 : i32
      %mul3A_160 = arith.muli %scan3A_155, %mul3A_159 : i32
      %add3A_161 = arith.addi %multiple_of3A, %mul3A_160 : i32
      "tpu.region"() ({
        %run_scoped3A = tpu.sem_alloc : memref<!tpu.dma_semaphore, #tpu.memory_space<semaphore_mem>>
        %dma_start3A_162 = arith.constant 0 : i32
        %dma_start3A_163 = tpu.memref_slice %arg6[%arg0, %add3A_161, %dma_start3A_162] : memref<2x10000x128xf32, #tpu.memory_space<hbm>> -> memref<1x96x128xf32, #tpu.memory_space<hbm>>
        %dma_start3A_164 = tpu.memref_squeeze %dma_start3A_163 : memref<1x96x128xf32, #tpu.memory_space<hbm>> -> memref<96x128xf32, #tpu.memory_space<hbm>>
        %dma_start3A_165 = arith.constant 0 : i32
        %dma_start3A_166 = tpu.memref_slice %arg6[%arg0, %add3A_161, %dma_start3A_165] : memref<2x10000x128xf32, #tpu.memory_space<hbm>> -> memref<1x96x128xf32, #tpu.memory_space<hbm>>
        %dma_start3A_167 = tpu.memref_squeeze %dma_start3A_166 : memref<1x96x128xf32, #tpu.memory_space<hbm>> -> memref<96x128xf32, #tpu.memory_space<hbm>>
        tpu.enqueue_dma source(%arg21 : memref<96x128xf32, #tpu.memory_space<vmem>>) target(%dma_start3A_167 : memref<96x128xf32, #tpu.memory_space<hbm>>) target_semaphore(%run_scoped3A : memref<!tpu.dma_semaphore, #tpu.memory_space<semaphore_mem>>)
        %dma_wait3A_168 = arith.constant 0 : i32
        %dma_wait3A_169 = tpu.memref_slice %arg6[%arg0, %add3A_161, %dma_wait3A_168] : memref<2x10000x128xf32, #tpu.memory_space<hbm>> -> memref<1x96x128xf32, #tpu.memory_space<hbm>>
        %dma_wait3A_170 = tpu.memref_squeeze %dma_wait3A_169 : memref<1x96x128xf32, #tpu.memory_space<hbm>> -> memref<96x128xf32, #tpu.memory_space<hbm>>
        %dma_wait3A_171 = arith.constant 0 : i32
        %dma_wait3A_172 = tpu.memref_slice %arg6[%arg0, %add3A_161, %dma_wait3A_171] : memref<2x10000x128xf32, #tpu.memory_space<hbm>> -> memref<1x96x128xf32, #tpu.memory_space<hbm>>
        %dma_wait3A_173 = tpu.memref_squeeze %dma_wait3A_172 : memref<1x96x128xf32, #tpu.memory_space<hbm>> -> memref<96x128xf32, #tpu.memory_space<hbm>>
        tpu.wait_dma2 semaphore(%run_scoped3A : memref<!tpu.dma_semaphore, #tpu.memory_space<semaphore_mem>>) src(%arg21 : memref<96x128xf32, #tpu.memory_space<vmem>>) dst(%dma_wait3A_173 : memref<96x128xf32, #tpu.memory_space<hbm>>)
        tpu.yield
      }) : () -> ()
    }
    %scan3A_145 = arith.constant 6 : i32
    %add3A_146 = arith.constant 576 : i32
    %add3A_147 = arith.addi %multiple_of3A, %add3A_146 : i32
    "tpu.region"() ({
      %run_scoped3A = tpu.sem_alloc : memref<!tpu.dma_semaphore, #tpu.memory_space<semaphore_mem>>
      %dma_start3A_155 = arith.constant 0 : i32
      %dma_start3A_156 = arith.constant 0 : i32
      %dma_start3A_157 = tpu.memref_slice %arg21[%dma_start3A_155, %dma_start3A_156] : memref<96x128xf32, #tpu.memory_space<vmem>> -> memref<48x128xf32, #tpu.memory_space<vmem>>
      %dma_start3A_158 = arith.constant 0 : i32
      %dma_start3A_159 = tpu.memref_slice %arg7[%add3A_147, %dma_start3A_158] : memref<10008x128xf32, #tpu.memory_space<vmem_shared>> -> memref<48x128xf32, #tpu.memory_space<vmem_shared>>
      %dma_start3A_160 = arith.constant 0 : i32
      %dma_start3A_161 = arith.constant 0 : i32
      %dma_start3A_162 = tpu.memref_slice %arg21[%dma_start3A_160, %dma_start3A_161] : memref<96x128xf32, #tpu.memory_space<vmem>> -> memref<48x128xf32, #tpu.memory_space<vmem>>
      %dma_start3A_163 = arith.constant 0 : i32
      %dma_start3A_164 = tpu.memref_slice %arg7[%add3A_147, %dma_start3A_163] : memref<10008x128xf32, #tpu.memory_space<vmem_shared>> -> memref<48x128xf32, #tpu.memory_space<vmem_shared>>
      tpu.enqueue_dma source(%dma_start3A_164 : memref<48x128xf32, #tpu.memory_space<vmem_shared>>) target(%dma_start3A_162 : memref<48x128xf32, #tpu.memory_space<vmem>>) target_semaphore(%run_scoped3A : memref<!tpu.dma_semaphore, #tpu.memory_space<semaphore_mem>>)
      %dma_wait3A_165 = arith.constant 0 : i32
      %dma_wait3A_166 = arith.constant 0 : i32
      %dma_wait3A_167 = tpu.memref_slice %arg21[%dma_wait3A_165, %dma_wait3A_166] : memref<96x128xf32, #tpu.memory_space<vmem>> -> memref<48x128xf32, #tpu.memory_space<vmem>>
      %dma_wait3A_168 = arith.constant 0 : i32
      %dma_wait3A_169 = tpu.memref_slice %arg7[%add3A_147, %dma_wait3A_168] : memref<10008x128xf32, #tpu.memory_space<vmem_shared>> -> memref<48x128xf32, #tpu.memory_space<vmem_shared>>
      %dma_wait3A_170 = arith.constant 0 : i32
      %dma_wait3A_171 = arith.constant 0 : i32
      %dma_wait3A_172 = tpu.memref_slice %arg21[%dma_wait3A_170, %dma_wait3A_171] : memref<96x128xf32, #tpu.memory_space<vmem>> -> memref<48x128xf32, #tpu.memory_space<vmem>>
      %dma_wait3A_173 = arith.constant 0 : i32
      %dma_wait3A_174 = tpu.memref_slice %arg7[%add3A_147, %dma_wait3A_173] : memref<10008x128xf32, #tpu.memory_space<vmem_shared>> -> memref<48x128xf32, #tpu.memory_space<vmem_shared>>
      tpu.wait_dma2 semaphore(%run_scoped3A : memref<!tpu.dma_semaphore, #tpu.memory_space<semaphore_mem>>) src(%dma_wait3A_174 : memref<48x128xf32, #tpu.memory_space<vmem_shared>>) dst(%dma_wait3A_172 : memref<48x128xf32, #tpu.memory_space<vmem>>)
      tpu.yield
    }) : () -> ()
    %add3A_148 = arith.constant 576 : i32
    %add3A_149 = arith.addi %multiple_of3A, %add3A_148 : i32
    "tpu.region"() ({
      %run_scoped3A = tpu.sem_alloc : memref<!tpu.dma_semaphore, #tpu.memory_space<semaphore_mem>>
      %dma_start3A_155 = arith.constant 0 : i32
      %dma_start3A_156 = arith.constant 0 : i32
      %dma_start3A_157 = tpu.memref_slice %arg21[%dma_start3A_155, %dma_start3A_156] : memref<96x128xf32, #tpu.memory_space<vmem>> -> memref<48x128xf32, #tpu.memory_space<vmem>>
      %dma_start3A_158 = arith.constant 0 : i32
      %dma_start3A_159 = tpu.memref_slice %arg6[%arg0, %add3A_149, %dma_start3A_158] : memref<2x10000x128xf32, #tpu.memory_space<hbm>> -> memref<1x48x128xf32, #tpu.memory_space<hbm>>
      %dma_start3A_160 = tpu.memref_squeeze %dma_start3A_159 : memref<1x48x128xf32, #tpu.memory_space<hbm>> -> memref<48x128xf32, #tpu.memory_space<hbm>>
      %dma_start3A_161 = arith.constant 0 : i32
      %dma_start3A_162 = tpu.memref_slice %arg6[%arg0, %add3A_149, %dma_start3A_161] : memref<2x10000x128xf32, #tpu.memory_space<hbm>> -> memref<1x48x128xf32, #tpu.memory_space<hbm>>
      %dma_start3A_163 = tpu.memref_squeeze %dma_start3A_162 : memref<1x48x128xf32, #tpu.memory_space<hbm>> -> memref<48x128xf32, #tpu.memory_space<hbm>>
      %dma_start3A_164 = arith.constant 0 : i32
      %dma_start3A_165 = arith.constant 0 : i32
      %dma_start3A_166 = tpu.memref_slice %arg21[%dma_start3A_164, %dma_start3A_165] : memref<96x128xf32, #tpu.memory_space<vmem>> -> memref<48x128xf32, #tpu.memory_space<vmem>>
      tpu.enqueue_dma source(%dma_start3A_166 : memref<48x128xf32, #tpu.memory_space<vmem>>) target(%dma_start3A_163 : memref<48x128xf32, #tpu.memory_space<hbm>>) target_semaphore(%run_scoped3A : memref<!tpu.dma_semaphore, #tpu.memory_space<semaphore_mem>>)
      %dma_wait3A_167 = arith.constant 0 : i32
      %dma_wait3A_168 = arith.constant 0 : i32
      %dma_wait3A_169 = tpu.memref_slice %arg21[%dma_wait3A_167, %dma_wait3A_168] : memref<96x128xf32, #tpu.memory_space<vmem>> -> memref<48x128xf32, #tpu.memory_space<vmem>>
      %dma_wait3A_170 = arith.constant 0 : i32
      %dma_wait3A_171 = tpu.memref_slice %arg6[%arg0, %add3A_149, %dma_wait3A_170] : memref<2x10000x128xf32, #tpu.memory_space<hbm>> -> memref<1x48x128xf32, #tpu.memory_space<hbm>>
      %dma_wait3A_172 = tpu.memref_squeeze %dma_wait3A_171 : memref<1x48x128xf32, #tpu.memory_space<hbm>> -> memref<48x128xf32, #tpu.memory_space<hbm>>
      %dma_wait3A_173 = arith.constant 0 : i32
      %dma_wait3A_174 = tpu.memref_slice %arg6[%arg0, %add3A_149, %dma_wait3A_173] : memref<2x10000x128xf32, #tpu.memory_space<hbm>> -> memref<1x48x128xf32, #tpu.memory_space<hbm>>
      %dma_wait3A_175 = tpu.memref_squeeze %dma_wait3A_174 : memref<1x48x128xf32, #tpu.memory_space<hbm>> -> memref<48x128xf32, #tpu.memory_space<hbm>>
      %dma_wait3A_176 = arith.constant 0 : i32
      %dma_wait3A_177 = arith.constant 0 : i32
      %dma_wait3A_178 = tpu.memref_slice %arg21[%dma_wait3A_176, %dma_wait3A_177] : memref<96x128xf32, #tpu.memory_space<vmem>> -> memref<48x128xf32, #tpu.memory_space<vmem>>
      tpu.wait_dma2 semaphore(%run_scoped3A : memref<!tpu.dma_semaphore, #tpu.memory_space<semaphore_mem>>) src(%dma_wait3A_178 : memref<48x128xf32, #tpu.memory_space<vmem>>) dst(%dma_wait3A_175 : memref<48x128xf32, #tpu.memory_space<hbm>>)
      tpu.yield
    }) : () -> ()
    %eq3A_150 = arith.constant 0 : i32
    %eq3A_151 = arith.cmpi eq, %arg1, %eq3A_150 : i32
    %convert_element_type3A_152 = arith.extui %eq3A_151 : i1 to i32
    %cond3A_153 = arith.constant 0 : i32
    %cond3A_154 = arith.cmpi ne, %convert_element_type3A_152, %cond3A_153 : i32
    scf.if %cond3A_154 {
      "tpu.region"() ({
        %run_scoped3A = tpu.sem_alloc : memref<!tpu.dma_semaphore, #tpu.memory_space<semaphore_mem>>
        %dma_start3A_155 = arith.constant 0 : i32
        %dma_start3A_156 = arith.constant 0 : i32
        %dma_start3A_157 = tpu.memref_slice %arg21[%dma_start3A_155, %dma_start3A_156] : memref<96x128xf32, #tpu.memory_space<vmem>> -> memref<16x128xf32, #tpu.memory_space<vmem>>
        %dma_start3A_158 = arith.constant 9984 : i32
        %dma_start3A_159 = arith.constant 0 : i32
        %dma_start3A_160 = tpu.memref_slice %arg7[%dma_start3A_158, %dma_start3A_159] : memref<10008x128xf32, #tpu.memory_space<vmem_shared>> -> memref<16x128xf32, #tpu.memory_space<vmem_shared>>
        %dma_start3A_161 = arith.constant 0 : i32
        %dma_start3A_162 = arith.constant 0 : i32
        %dma_start3A_163 = tpu.memref_slice %arg21[%dma_start3A_161, %dma_start3A_162] : memref<96x128xf32, #tpu.memory_space<vmem>> -> memref<16x128xf32, #tpu.memory_space<vmem>>
        %dma_start3A_164 = arith.constant 9984 : i32
        %dma_start3A_165 = arith.constant 0 : i32
        %dma_start3A_166 = tpu.memref_slice %arg7[%dma_start3A_164, %dma_start3A_165] : memref<10008x128xf32, #tpu.memory_space<vmem_shared>> -> memref<16x128xf32, #tpu.memory_space<vmem_shared>>
        tpu.enqueue_dma source(%dma_start3A_166 : memref<16x128xf32, #tpu.memory_space<vmem_shared>>) target(%dma_start3A_163 : memref<16x128xf32, #tpu.memory_space<vmem>>) target_semaphore(%run_scoped3A : memref<!tpu.dma_semaphore, #tpu.memory_space<semaphore_mem>>)
        %dma_wait3A_167 = arith.constant 0 : i32
        %dma_wait3A_168 = arith.constant 0 : i32
        %dma_wait3A_169 = tpu.memref_slice %arg21[%dma_wait3A_167, %dma_wait3A_168] : memref<96x128xf32, #tpu.memory_space<vmem>> -> memref<16x128xf32, #tpu.memory_space<vmem>>
        %dma_wait3A_170 = arith.constant 9984 : i32
        %dma_wait3A_171 = arith.constant 0 : i32
        %dma_wait3A_172 = tpu.memref_slice %arg7[%dma_wait3A_170, %dma_wait3A_171] : memref<10008x128xf32, #tpu.memory_space<vmem_shared>> -> memref<16x128xf32, #tpu.memory_space<vmem_shared>>
        %dma_wait3A_173 = arith.constant 0 : i32
        %dma_wait3A_174 = arith.constant 0 : i32
        %dma_wait3A_175 = tpu.memref_slice %arg21[%dma_wait3A_173, %dma_wait3A_174] : memref<96x128xf32, #tpu.memory_space<vmem>> -> memref<16x128xf32, #tpu.memory_space<vmem>>
        %dma_wait3A_176 = arith.constant 9984 : i32
        %dma_wait3A_177 = arith.constant 0 : i32
        %dma_wait3A_178 = tpu.memref_slice %arg7[%dma_wait3A_176, %dma_wait3A_177] : memref<10008x128xf32, #tpu.memory_space<vmem_shared>> -> memref<16x128xf32, #tpu.memory_space<vmem_shared>>
        tpu.wait_dma2 semaphore(%run_scoped3A : memref<!tpu.dma_semaphore, #tpu.memory_space<semaphore_mem>>) src(%dma_wait3A_178 : memref<16x128xf32, #tpu.memory_space<vmem_shared>>) dst(%dma_wait3A_175 : memref<16x128xf32, #tpu.memory_space<vmem>>)
        tpu.yield
      }) : () -> ()
      "tpu.region"() ({
        %run_scoped3A = tpu.sem_alloc : memref<!tpu.dma_semaphore, #tpu.memory_space<semaphore_mem>>
        %dma_start3A_155 = arith.constant 0 : i32
        %dma_start3A_156 = arith.constant 0 : i32
        %dma_start3A_157 = tpu.memref_slice %arg21[%dma_start3A_155, %dma_start3A_156] : memref<96x128xf32, #tpu.memory_space<vmem>> -> memref<16x128xf32, #tpu.memory_space<vmem>>
        %dma_start3A_158 = arith.constant 9984 : i32
        %dma_start3A_159 = arith.constant 0 : i32
        %dma_start3A_160 = tpu.memref_slice %arg6[%arg0, %dma_start3A_158, %dma_start3A_159] : memref<2x10000x128xf32, #tpu.memory_space<hbm>> -> memref<1x16x128xf32, #tpu.memory_space<hbm>>
        %dma_start3A_161 = tpu.memref_squeeze %dma_start3A_160 : memref<1x16x128xf32, #tpu.memory_space<hbm>> -> memref<16x128xf32, #tpu.memory_space<hbm>>
        %dma_start3A_162 = arith.constant 9984 : i32
        %dma_start3A_163 = arith.constant 0 : i32
        %dma_start3A_164 = tpu.memref_slice %arg6[%arg0, %dma_start3A_162, %dma_start3A_163] : memref<2x10000x128xf32, #tpu.memory_space<hbm>> -> memref<1x16x128xf32, #tpu.memory_space<hbm>>
        %dma_start3A_165 = tpu.memref_squeeze %dma_start3A_164 : memref<1x16x128xf32, #tpu.memory_space<hbm>> -> memref<16x128xf32, #tpu.memory_space<hbm>>
        %dma_start3A_166 = arith.constant 0 : i32
        %dma_start3A_167 = arith.constant 0 : i32
        %dma_start3A_168 = tpu.memref_slice %arg21[%dma_start3A_166, %dma_start3A_167] : memref<96x128xf32, #tpu.memory_space<vmem>> -> memref<16x128xf32, #tpu.memory_space<vmem>>
        tpu.enqueue_dma source(%dma_start3A_168 : memref<16x128xf32, #tpu.memory_space<vmem>>) target(%dma_start3A_165 : memref<16x128xf32, #tpu.memory_space<hbm>>) target_semaphore(%run_scoped3A : memref<!tpu.dma_semaphore, #tpu.memory_space<semaphore_mem>>)
        %dma_wait3A_169 = arith.constant 0 : i32
        %dma_wait3A_170 = arith.constant 0 : i32
        %dma_wait3A_171 = tpu.memref_slice %arg21[%dma_wait3A_169, %dma_wait3A_170] : memref<96x128xf32, #tpu.memory_space<vmem>> -> memref<16x128xf32, #tpu.memory_space<vmem>>
        %dma_wait3A_172 = arith.constant 9984 : i32
        %dma_wait3A_173 = arith.constant 0 : i32
        %dma_wait3A_174 = tpu.memref_slice %arg6[%arg0, %dma_wait3A_172, %dma_wait3A_173] : memref<2x10000x128xf32, #tpu.memory_space<hbm>> -> memref<1x16x128xf32, #tpu.memory_space<hbm>>
        %dma_wait3A_175 = tpu.memref_squeeze %dma_wait3A_174 : memref<1x16x128xf32, #tpu.memory_space<hbm>> -> memref<16x128xf32, #tpu.memory_space<hbm>>
        %dma_wait3A_176 = arith.constant 9984 : i32
        %dma_wait3A_177 = arith.constant 0 : i32
        %dma_wait3A_178 = tpu.memref_slice %arg6[%arg0, %dma_wait3A_176, %dma_wait3A_177] : memref<2x10000x128xf32, #tpu.memory_space<hbm>> -> memref<1x16x128xf32, #tpu.memory_space<hbm>>
        %dma_wait3A_179 = tpu.memref_squeeze %dma_wait3A_178 : memref<1x16x128xf32, #tpu.memory_space<hbm>> -> memref<16x128xf32, #tpu.memory_space<hbm>>
        %dma_wait3A_180 = arith.constant 0 : i32
        %dma_wait3A_181 = arith.constant 0 : i32
        %dma_wait3A_182 = tpu.memref_slice %arg21[%dma_wait3A_180, %dma_wait3A_181] : memref<96x128xf32, #tpu.memory_space<vmem>> -> memref<16x128xf32, #tpu.memory_space<vmem>>
        tpu.wait_dma2 semaphore(%run_scoped3A : memref<!tpu.dma_semaphore, #tpu.memory_space<semaphore_mem>>) src(%dma_wait3A_182 : memref<16x128xf32, #tpu.memory_space<vmem>>) dst(%dma_wait3A_179 : memref<16x128xf32, #tpu.memory_space<hbm>>)
        tpu.yield
      }) : () -> ()
    } else {
    }
    return
  }
}

#map = affine_map<(d0, d1) -> (0)>
#map1 = affine_map<(d0, d1) -> (0, 0)>
#map2 = affine_map<(d0, d1) -> (0, 0, 0)>
module attributes {stable_mosaic.version = 14 : i64} {
  func.func @agg(%arg0: i32, %arg1: i32, %arg2: memref<322560xi32, #tpu.memory_space<hbm>>, %arg3: memref<322560xi32, #tpu.memory_space<hbm>>, %arg4: memref<10000x128xf32, #tpu.memory_space<hbm>>, %arg5: memref<2x10000x128xf32, #tpu.memory_space<hbm>>, %arg6: memref<10008x128xf32, #tpu.memory_space<vmem_shared>>, %arg7: memref<96xi32, #tpu.memory_space<vmem>>, %arg8: memref<96xi32, #tpu.memory_space<vmem>>, %arg9: memref<96xi32, #tpu.memory_space<vmem>>, %arg10: memref<96xi32, #tpu.memory_space<vmem>>, %arg11: memref<96xi32, #tpu.memory_space<vmem>>, %arg12: memref<96xi32, #tpu.memory_space<vmem>>, %arg13: memref<96xi32, #tpu.memory_space<vmem>>, %arg14: memref<96xi32, #tpu.memory_space<vmem>>, %arg15: memref<96xi32, #tpu.memory_space<vmem>>, %arg16: memref<96xi32, #tpu.memory_space<vmem>>, %arg17: memref<96xi32, #tpu.memory_space<vmem>>, %arg18: memref<96xi32, #tpu.memory_space<vmem>>, %arg19: memref<96x128xf32, #tpu.memory_space<vmem>>, %arg20: memref<96x128xf32, #tpu.memory_space<vmem>>, %arg21: memref<96x128xf32, #tpu.memory_space<vmem>>, %arg22: memref<96x128xf32, #tpu.memory_space<vmem>>, %arg23: memref<!tpu.dma_semaphore, #tpu.memory_space<semaphore_mem>>, %arg24: memref<!tpu.dma_semaphore, #tpu.memory_space<semaphore_mem>>, %arg25: memref<!tpu.dma_semaphore, #tpu.memory_space<semaphore_mem>>, %arg26: memref<!tpu.dma_semaphore, #tpu.memory_space<semaphore_mem>>, %arg27: memref<!tpu.dma_semaphore, #tpu.memory_space<semaphore_mem>>, %arg28: memref<!tpu.dma_semaphore, #tpu.memory_space<semaphore_mem>>, %arg29: memref<!tpu.dma_semaphore, #tpu.memory_space<semaphore_mem>>, %arg30: memref<!tpu.dma_semaphore, #tpu.memory_space<semaphore_mem>>) attributes {dimension_semantics = [#tpu.dimension_semantics<core_parallel>, #tpu.dimension_semantics<subcore_parallel>], iteration_bounds = array<i64: 2, 16>, scalar_prefetch = 0 : i64, scratch_operands = 25 : i64, tpu.core_type = #tpu.core_type<sc_vector_subcore>, window_params = [{transform_indices = #map}, {transform_indices = #map}, {transform_indices = #map1}, {transform_indices = #map2}]} {
    %mul3A = arith.constant 16 : i32
    %mul3A_0 = arith.muli %arg0, %mul3A : i32
    %add3A = arith.addi %mul3A_0, %arg1 : i32
    %mul3A_1 = arith.constant 624 : i32
    %mul3A_2 = arith.muli %arg1, %mul3A_1 : i32
    %multiple_of3A = tpu.assume_multiple %mul3A_2, 8 : i32
    %mul3A_3 = arith.constant 105 : i32
    %mul3A_4 = arith.muli %add3A, %mul3A_3 : i32
    %mul3A_5 = arith.constant 96 : i32
    %mul3A_6 = arith.muli %mul3A_4, %mul3A_5 : i32
    %broadcast_in_dim3A = arith.constant 0.000000e+00 : f32
    %broadcast_in_dim3A_7 = vector.broadcast %broadcast_in_dim3A : f32 to vector<16xf32>
    %scan3A = arith.constant 0 : i32
    %scan3A_8 = arith.constant 0 : i32
    %scan3A_9 = arith.constant 96 : i32
    %scan3A_10 = arith.addi %scan3A_8, %scan3A_9 : i32
    %scan3A_11 = arith.constant 1 : i32
    scf.for %scan3A_83 = %scan3A_8 to %scan3A_10 step %scan3A_11  : i32 {
      %swap3A = arith.index_cast %scan3A_83 : i32 to index
      %swap3A_84 = arith.constant 0 : index
      %swap3A_85 = tpu.vector_load %arg19[%swap3A, %swap3A_84] {strides = array<i32>} : memref<96x128xf32, #tpu.memory_space<vmem>>, vector<1x16xf32>,
      %swap3A_86 = vector.shape_cast %swap3A_85 : vector<1x16xf32> to vector<16xf32>
      %swap3A_87 = vector.shape_cast %broadcast_in_dim3A_7 : vector<16xf32> to vector<1x16xf32>
      tpu.vector_store %arg19[%swap3A, %swap3A_84], %swap3A_87 {strides = array<i32>} : memref<96x128xf32, #tpu.memory_space<vmem>>, vector<1x16xf32>,
      %swap3A_88 = arith.index_cast %scan3A_83 : i32 to index
      %swap3A_89 = arith.constant 16 : index
      %swap3A_90 = tpu.vector_load %arg19[%swap3A_88, %swap3A_89] {strides = array<i32>} : memref<96x128xf32, #tpu.memory_space<vmem>>, vector<1x16xf32>,
      %swap3A_91 = vector.shape_cast %swap3A_90 : vector<1x16xf32> to vector<16xf32>
      %swap3A_92 = vector.shape_cast %broadcast_in_dim3A_7 : vector<16xf32> to vector<1x16xf32>
      tpu.vector_store %arg19[%swap3A_88, %swap3A_89], %swap3A_92 {strides = array<i32>} : memref<96x128xf32, #tpu.memory_space<vmem>>, vector<1x16xf32>,
      %swap3A_93 = arith.index_cast %scan3A_83 : i32 to index
      %swap3A_94 = arith.constant 32 : index
      %swap3A_95 = tpu.vector_load %arg19[%swap3A_93, %swap3A_94] {strides = array<i32>} : memref<96x128xf32, #tpu.memory_space<vmem>>, vector<1x16xf32>,
      %swap3A_96 = vector.shape_cast %swap3A_95 : vector<1x16xf32> to vector<16xf32>
      %swap3A_97 = vector.shape_cast %broadcast_in_dim3A_7 : vector<16xf32> to vector<1x16xf32>
      tpu.vector_store %arg19[%swap3A_93, %swap3A_94], %swap3A_97 {strides = array<i32>} : memref<96x128xf32, #tpu.memory_space<vmem>>, vector<1x16xf32>,
      %swap3A_98 = arith.index_cast %scan3A_83 : i32 to index
      %swap3A_99 = arith.constant 48 : index
      %swap3A_100 = tpu.vector_load %arg19[%swap3A_98, %swap3A_99] {strides = array<i32>} : memref<96x128xf32, #tpu.memory_space<vmem>>, vector<1x16xf32>,
      %swap3A_101 = vector.shape_cast %swap3A_100 : vector<1x16xf32> to vector<16xf32>
      %swap3A_102 = vector.shape_cast %broadcast_in_dim3A_7 : vector<16xf32> to vector<1x16xf32>
      tpu.vector_store %arg19[%swap3A_98, %swap3A_99], %swap3A_102 {strides = array<i32>} : memref<96x128xf32, #tpu.memory_space<vmem>>, vector<1x16xf32>,
      %swap3A_103 = arith.index_cast %scan3A_83 : i32 to index
      %swap3A_104 = arith.constant 64 : index
      %swap3A_105 = tpu.vector_load %arg19[%swap3A_103, %swap3A_104] {strides = array<i32>} : memref<96x128xf32, #tpu.memory_space<vmem>>, vector<1x16xf32>,
      %swap3A_106 = vector.shape_cast %swap3A_105 : vector<1x16xf32> to vector<16xf32>
      %swap3A_107 = vector.shape_cast %broadcast_in_dim3A_7 : vector<16xf32> to vector<1x16xf32>
      tpu.vector_store %arg19[%swap3A_103, %swap3A_104], %swap3A_107 {strides = array<i32>} : memref<96x128xf32, #tpu.memory_space<vmem>>, vector<1x16xf32>,
      %swap3A_108 = arith.index_cast %scan3A_83 : i32 to index
      %swap3A_109 = arith.constant 80 : index
      %swap3A_110 = tpu.vector_load %arg19[%swap3A_108, %swap3A_109] {strides = array<i32>} : memref<96x128xf32, #tpu.memory_space<vmem>>, vector<1x16xf32>,
      %swap3A_111 = vector.shape_cast %swap3A_110 : vector<1x16xf32> to vector<16xf32>
      %swap3A_112 = vector.shape_cast %broadcast_in_dim3A_7 : vector<16xf32> to vector<1x16xf32>
      tpu.vector_store %arg19[%swap3A_108, %swap3A_109], %swap3A_112 {strides = array<i32>} : memref<96x128xf32, #tpu.memory_space<vmem>>, vector<1x16xf32>,
      %swap3A_113 = arith.index_cast %scan3A_83 : i32 to index
      %swap3A_114 = arith.constant 96 : index
      %swap3A_115 = tpu.vector_load %arg19[%swap3A_113, %swap3A_114] {strides = array<i32>} : memref<96x128xf32, #tpu.memory_space<vmem>>, vector<1x16xf32>,
      %swap3A_116 = vector.shape_cast %swap3A_115 : vector<1x16xf32> to vector<16xf32>
      %swap3A_117 = vector.shape_cast %broadcast_in_dim3A_7 : vector<16xf32> to vector<1x16xf32>
      tpu.vector_store %arg19[%swap3A_113, %swap3A_114], %swap3A_117 {strides = array<i32>} : memref<96x128xf32, #tpu.memory_space<vmem>>, vector<1x16xf32>,
      %swap3A_118 = arith.index_cast %scan3A_83 : i32 to index
      %swap3A_119 = arith.constant 112 : index
      %swap3A_120 = tpu.vector_load %arg19[%swap3A_118, %swap3A_119] {strides = array<i32>} : memref<96x128xf32, #tpu.memory_space<vmem>>, vector<1x16xf32>,
      %swap3A_121 = vector.shape_cast %swap3A_120 : vector<1x16xf32> to vector<16xf32>
      %swap3A_122 = vector.shape_cast %broadcast_in_dim3A_7 : vector<16xf32> to vector<1x16xf32>
      tpu.vector_store %arg19[%swap3A_118, %swap3A_119], %swap3A_122 {strides = array<i32>} : memref<96x128xf32, #tpu.memory_space<vmem>>, vector<1x16xf32>,
    }
    %scan3A_12 = arith.constant 96 : i32
    %scan3A_13 = arith.constant 0 : i32
    %scan3A_14 = arith.constant 0 : i32
    %scan3A_15 = arith.constant 6 : i32
    %scan3A_16 = arith.addi %scan3A_14, %scan3A_15 : i32
    %scan3A_17 = arith.constant 1 : i32
    scf.for %scan3A_83 = %scan3A_14 to %scan3A_16 step %scan3A_17  : i32 {
      %mul3A_84 = arith.constant 96 : i32
      %mul3A_85 = arith.muli %scan3A_83, %mul3A_84 : i32
      %add3A_86 = arith.addi %multiple_of3A, %mul3A_85 : i32
      "tpu.region"() ({
        %run_scoped3A = tpu.sem_alloc : memref<!tpu.dma_semaphore, #tpu.memory_space<semaphore_mem>>
        %dma_start3A_87 = arith.constant 0 : i32
        %dma_start3A_88 = tpu.memref_slice %arg6[%add3A_86, %dma_start3A_87] : memref<10008x128xf32, #tpu.memory_space<vmem_shared>> -> memref<96x128xf32, #tpu.memory_space<vmem_shared>>
        %dma_start3A_89 = arith.constant 0 : i32
        %dma_start3A_90 = tpu.memref_slice %arg6[%add3A_86, %dma_start3A_89] : memref<10008x128xf32, #tpu.memory_space<vmem_shared>> -> memref<96x128xf32, #tpu.memory_space<vmem_shared>>
        tpu.enqueue_dma source(%arg19 : memref<96x128xf32, #tpu.memory_space<vmem>>) target(%dma_start3A_90 : memref<96x128xf32, #tpu.memory_space<vmem_shared>>) target_semaphore(%run_scoped3A : memref<!tpu.dma_semaphore, #tpu.memory_space<semaphore_mem>>)
        %dma_wait3A_91 = arith.constant 0 : i32
        %dma_wait3A_92 = tpu.memref_slice %arg6[%add3A_86, %dma_wait3A_91] : memref<10008x128xf32, #tpu.memory_space<vmem_shared>> -> memref<96x128xf32, #tpu.memory_space<vmem_shared>>
        %dma_wait3A_93 = arith.constant 0 : i32
        %dma_wait3A_94 = tpu.memref_slice %arg6[%add3A_86, %dma_wait3A_93] : memref<10008x128xf32, #tpu.memory_space<vmem_shared>> -> memref<96x128xf32, #tpu.memory_space<vmem_shared>>
        tpu.wait_dma2 semaphore(%run_scoped3A : memref<!tpu.dma_semaphore, #tpu.memory_space<semaphore_mem>>) src(%arg19 : memref<96x128xf32, #tpu.memory_space<vmem>>) dst(%dma_wait3A_94 : memref<96x128xf32, #tpu.memory_space<vmem_shared>>)
        tpu.yield
      }) : () -> ()
    }
    %scan3A_18 = arith.constant 6 : i32
    %add3A_19 = arith.constant 576 : i32
    %add3A_20 = arith.addi %multiple_of3A, %add3A_19 : i32
    "tpu.region"() ({
      %run_scoped3A = tpu.sem_alloc : memref<!tpu.dma_semaphore, #tpu.memory_space<semaphore_mem>>
      %dma_start3A_83 = arith.constant 0 : i32
      %dma_start3A_84 = arith.constant 0 : i32
      %dma_start3A_85 = tpu.memref_slice %arg19[%dma_start3A_83, %dma_start3A_84] : memref<96x128xf32, #tpu.memory_space<vmem>> -> memref<48x128xf32, #tpu.memory_space<vmem>>
      %dma_start3A_86 = arith.constant 0 : i32
      %dma_start3A_87 = tpu.memref_slice %arg6[%add3A_20, %dma_start3A_86] : memref<10008x128xf32, #tpu.memory_space<vmem_shared>> -> memref<48x128xf32, #tpu.memory_space<vmem_shared>>
      %dma_start3A_88 = arith.constant 0 : i32
      %dma_start3A_89 = tpu.memref_slice %arg6[%add3A_20, %dma_start3A_88] : memref<10008x128xf32, #tpu.memory_space<vmem_shared>> -> memref<48x128xf32, #tpu.memory_space<vmem_shared>>
      %dma_start3A_90 = arith.constant 0 : i32
      %dma_start3A_91 = arith.constant 0 : i32
      %dma_start3A_92 = tpu.memref_slice %arg19[%dma_start3A_90, %dma_start3A_91] : memref<96x128xf32, #tpu.memory_space<vmem>> -> memref<48x128xf32, #tpu.memory_space<vmem>>
      tpu.enqueue_dma source(%dma_start3A_92 : memref<48x128xf32, #tpu.memory_space<vmem>>) target(%dma_start3A_89 : memref<48x128xf32, #tpu.memory_space<vmem_shared>>) target_semaphore(%run_scoped3A : memref<!tpu.dma_semaphore, #tpu.memory_space<semaphore_mem>>)
      %dma_wait3A_93 = arith.constant 0 : i32
      %dma_wait3A_94 = arith.constant 0 : i32
      %dma_wait3A_95 = tpu.memref_slice %arg19[%dma_wait3A_93, %dma_wait3A_94] : memref<96x128xf32, #tpu.memory_space<vmem>> -> memref<48x128xf32, #tpu.memory_space<vmem>>
      %dma_wait3A_96 = arith.constant 0 : i32
      %dma_wait3A_97 = tpu.memref_slice %arg6[%add3A_20, %dma_wait3A_96] : memref<10008x128xf32, #tpu.memory_space<vmem_shared>> -> memref<48x128xf32, #tpu.memory_space<vmem_shared>>
      %dma_wait3A_98 = arith.constant 0 : i32
      %dma_wait3A_99 = tpu.memref_slice %arg6[%add3A_20, %dma_wait3A_98] : memref<10008x128xf32, #tpu.memory_space<vmem_shared>> -> memref<48x128xf32, #tpu.memory_space<vmem_shared>>
      %dma_wait3A_100 = arith.constant 0 : i32
      %dma_wait3A_101 = arith.constant 0 : i32
      %dma_wait3A_102 = tpu.memref_slice %arg19[%dma_wait3A_100, %dma_wait3A_101] : memref<96x128xf32, #tpu.memory_space<vmem>> -> memref<48x128xf32, #tpu.memory_space<vmem>>
      tpu.wait_dma2 semaphore(%run_scoped3A : memref<!tpu.dma_semaphore, #tpu.memory_space<semaphore_mem>>) src(%dma_wait3A_102 : memref<48x128xf32, #tpu.memory_space<vmem>>) dst(%dma_wait3A_99 : memref<48x128xf32, #tpu.memory_space<vmem_shared>>)
      tpu.yield
    }) : () -> ()
    %eq3A = arith.constant 0 : i32
    %eq3A_21 = arith.cmpi eq, %arg1, %eq3A : i32
    %convert_element_type3A = arith.extui %eq3A_21 : i1 to i32
    %cond3A = arith.constant 0 : i32
    %cond3A_22 = arith.cmpi ne, %convert_element_type3A, %cond3A : i32
    scf.if %cond3A_22 {
      "tpu.region"() ({
        %run_scoped3A = tpu.sem_alloc : memref<!tpu.dma_semaphore, #tpu.memory_space<semaphore_mem>>
        %dma_start3A_83 = arith.constant 0 : i32
        %dma_start3A_84 = arith.constant 0 : i32
        %dma_start3A_85 = tpu.memref_slice %arg19[%dma_start3A_83, %dma_start3A_84] : memref<96x128xf32, #tpu.memory_space<vmem>> -> memref<16x128xf32, #tpu.memory_space<vmem>>
        %dma_start3A_86 = arith.constant 9984 : i32
        %dma_start3A_87 = arith.constant 0 : i32
        %dma_start3A_88 = tpu.memref_slice %arg6[%dma_start3A_86, %dma_start3A_87] : memref<10008x128xf32, #tpu.memory_space<vmem_shared>> -> memref<16x128xf32, #tpu.memory_space<vmem_shared>>
        %dma_start3A_89 = arith.constant 9984 : i32
        %dma_start3A_90 = arith.constant 0 : i32
        %dma_start3A_91 = tpu.memref_slice %arg6[%dma_start3A_89, %dma_start3A_90] : memref<10008x128xf32, #tpu.memory_space<vmem_shared>> -> memref<16x128xf32, #tpu.memory_space<vmem_shared>>
        %dma_start3A_92 = arith.constant 0 : i32
        %dma_start3A_93 = arith.constant 0 : i32
        %dma_start3A_94 = tpu.memref_slice %arg19[%dma_start3A_92, %dma_start3A_93] : memref<96x128xf32, #tpu.memory_space<vmem>> -> memref<16x128xf32, #tpu.memory_space<vmem>>
        tpu.enqueue_dma source(%dma_start3A_94 : memref<16x128xf32, #tpu.memory_space<vmem>>) target(%dma_start3A_91 : memref<16x128xf32, #tpu.memory_space<vmem_shared>>) target_semaphore(%run_scoped3A : memref<!tpu.dma_semaphore, #tpu.memory_space<semaphore_mem>>)
        %dma_wait3A_95 = arith.constant 0 : i32
        %dma_wait3A_96 = arith.constant 0 : i32
        %dma_wait3A_97 = tpu.memref_slice %arg19[%dma_wait3A_95, %dma_wait3A_96] : memref<96x128xf32, #tpu.memory_space<vmem>> -> memref<16x128xf32, #tpu.memory_space<vmem>>
        %dma_wait3A_98 = arith.constant 9984 : i32
        %dma_wait3A_99 = arith.constant 0 : i32
        %dma_wait3A_100 = tpu.memref_slice %arg6[%dma_wait3A_98, %dma_wait3A_99] : memref<10008x128xf32, #tpu.memory_space<vmem_shared>> -> memref<16x128xf32, #tpu.memory_space<vmem_shared>>
        %dma_wait3A_101 = arith.constant 9984 : i32
        %dma_wait3A_102 = arith.constant 0 : i32
        %dma_wait3A_103 = tpu.memref_slice %arg6[%dma_wait3A_101, %dma_wait3A_102] : memref<10008x128xf32, #tpu.memory_space<vmem_shared>> -> memref<16x128xf32, #tpu.memory_space<vmem_shared>>
        %dma_wait3A_104 = arith.constant 0 : i32
        %dma_wait3A_105 = arith.constant 0 : i32
        %dma_wait3A_106 = tpu.memref_slice %arg19[%dma_wait3A_104, %dma_wait3A_105] : memref<96x128xf32, #tpu.memory_space<vmem>> -> memref<16x128xf32, #tpu.memory_space<vmem>>
        tpu.wait_dma2 semaphore(%run_scoped3A : memref<!tpu.dma_semaphore, #tpu.memory_space<semaphore_mem>>) src(%dma_wait3A_106 : memref<16x128xf32, #tpu.memory_space<vmem>>) dst(%dma_wait3A_103 : memref<16x128xf32, #tpu.memory_space<vmem_shared>>)
        tpu.yield
      }) : () -> ()
    } else {
    }
    %barrier3A = arith.constant 0 : index
    tpu.barrier barrier_id(%barrier3A)
    %add3A_23 = arith.constant 0 : i32
    %add3A_24 = arith.addi %mul3A_6, %add3A_23 : i32
    "tpu.region"() ({
      %run_scoped3A = tpu.sem_alloc : memref<!tpu.dma_semaphore, #tpu.memory_space<semaphore_mem>>
      %dma_start3A_83 = tpu.memref_slice %arg2[%add3A_24] : memref<322560xi32, #tpu.memory_space<hbm>> -> memref<96xi32, #tpu.memory_space<hbm>>
      %dma_start3A_84 = tpu.memref_slice %arg2[%add3A_24] : memref<322560xi32, #tpu.memory_space<hbm>> -> memref<96xi32, #tpu.memory_space<hbm>>
      tpu.enqueue_dma source(%dma_start3A_84 : memref<96xi32, #tpu.memory_space<hbm>>) target(%arg7 : memref<96xi32, #tpu.memory_space<vmem>>) target_semaphore(%run_scoped3A : memref<!tpu.dma_semaphore, #tpu.memory_space<semaphore_mem>>)
      %dma_wait3A_85 = tpu.memref_slice %arg2[%add3A_24] : memref<322560xi32, #tpu.memory_space<hbm>> -> memref<96xi32, #tpu.memory_space<hbm>>
      %dma_wait3A_86 = tpu.memref_slice %arg2[%add3A_24] : memref<322560xi32, #tpu.memory_space<hbm>> -> memref<96xi32, #tpu.memory_space<hbm>>
      tpu.wait_dma2 semaphore(%run_scoped3A : memref<!tpu.dma_semaphore, #tpu.memory_space<semaphore_mem>>) src(%dma_wait3A_86 : memref<96xi32, #tpu.memory_space<hbm>>) dst(%arg7 : memref<96xi32, #tpu.memory_space<vmem>>)
      tpu.yield
    }) : () -> ()
    %add3A_25 = arith.constant 0 : i32
    %add3A_26 = arith.addi %mul3A_6, %add3A_25 : i32
    "tpu.region"() ({
      %run_scoped3A = tpu.sem_alloc : memref<!tpu.dma_semaphore, #tpu.memory_space<semaphore_mem>>
      %dma_start3A_83 = tpu.memref_slice %arg3[%add3A_26] : memref<322560xi32, #tpu.memory_space<hbm>> -> memref<96xi32, #tpu.memory_space<hbm>>
      %dma_start3A_84 = tpu.memref_slice %arg3[%add3A_26] : memref<322560xi32, #tpu.memory_space<hbm>> -> memref<96xi32, #tpu.memory_space<hbm>>
      tpu.enqueue_dma source(%dma_start3A_84 : memref<96xi32, #tpu.memory_space<hbm>>) target(%arg11 : memref<96xi32, #tpu.memory_space<vmem>>) target_semaphore(%run_scoped3A : memref<!tpu.dma_semaphore, #tpu.memory_space<semaphore_mem>>)
      %dma_wait3A_85 = tpu.memref_slice %arg3[%add3A_26] : memref<322560xi32, #tpu.memory_space<hbm>> -> memref<96xi32, #tpu.memory_space<hbm>>
      %dma_wait3A_86 = tpu.memref_slice %arg3[%add3A_26] : memref<322560xi32, #tpu.memory_space<hbm>> -> memref<96xi32, #tpu.memory_space<hbm>>
      tpu.wait_dma2 semaphore(%run_scoped3A : memref<!tpu.dma_semaphore, #tpu.memory_space<semaphore_mem>>) src(%dma_wait3A_86 : memref<96xi32, #tpu.memory_space<hbm>>) dst(%arg11 : memref<96xi32, #tpu.memory_space<vmem>>)
      tpu.yield
    }) : () -> ()
    %dma_start3A = arith.constant 0 : i32
    %dma_start3A_27 = arith.constant 0 : i32
    %dma_start3A_28 = tpu.memref_slice %arg4[%dma_start3A, %dma_start3A_27] : memref<10000x128xf32, #tpu.memory_space<hbm>> -> memref<10000x128xf32, #tpu.memory_space<hbm>>
    tpu.enqueue_indirect_dma source(%dma_start3A_28 : memref<10000x128xf32, #tpu.memory_space<hbm>>) target(%arg19 : memref<96x128xf32, #tpu.memory_space<vmem>>) offsets(%arg7 : memref<96xi32, #tpu.memory_space<vmem>>) semaphore(%arg23 : memref<!tpu.dma_semaphore, #tpu.memory_space<semaphore_mem>>)
    %add3A_29 = arith.constant 96 : i32
    %add3A_30 = arith.addi %mul3A_6, %add3A_29 : i32
    "tpu.region"() ({
      %run_scoped3A = tpu.sem_alloc : memref<!tpu.dma_semaphore, #tpu.memory_space<semaphore_mem>>
      %dma_start3A_83 = tpu.memref_slice %arg2[%add3A_30] : memref<322560xi32, #tpu.memory_space<hbm>> -> memref<96xi32, #tpu.memory_space<hbm>>
      %dma_start3A_84 = tpu.memref_slice %arg2[%add3A_30] : memref<322560xi32, #tpu.memory_space<hbm>> -> memref<96xi32, #tpu.memory_space<hbm>>
      tpu.enqueue_dma source(%dma_start3A_84 : memref<96xi32, #tpu.memory_space<hbm>>) target(%arg8 : memref<96xi32, #tpu.memory_space<vmem>>) target_semaphore(%run_scoped3A : memref<!tpu.dma_semaphore, #tpu.memory_space<semaphore_mem>>)
      %dma_wait3A_85 = tpu.memref_slice %arg2[%add3A_30] : memref<322560xi32, #tpu.memory_space<hbm>> -> memref<96xi32, #tpu.memory_space<hbm>>
      %dma_wait3A_86 = tpu.memref_slice %arg2[%add3A_30] : memref<322560xi32, #tpu.memory_space<hbm>> -> memref<96xi32, #tpu.memory_space<hbm>>
      tpu.wait_dma2 semaphore(%run_scoped3A : memref<!tpu.dma_semaphore, #tpu.memory_space<semaphore_mem>>) src(%dma_wait3A_86 : memref<96xi32, #tpu.memory_space<hbm>>) dst(%arg8 : memref<96xi32, #tpu.memory_space<vmem>>)
      tpu.yield
    }) : () -> ()
    %add3A_31 = arith.constant 96 : i32
    %add3A_32 = arith.addi %mul3A_6, %add3A_31 : i32
    "tpu.region"() ({
      %run_scoped3A = tpu.sem_alloc : memref<!tpu.dma_semaphore, #tpu.memory_space<semaphore_mem>>
      %dma_start3A_83 = tpu.memref_slice %arg3[%add3A_32] : memref<322560xi32, #tpu.memory_space<hbm>> -> memref<96xi32, #tpu.memory_space<hbm>>
      %dma_start3A_84 = tpu.memref_slice %arg3[%add3A_32] : memref<322560xi32, #tpu.memory_space<hbm>> -> memref<96xi32, #tpu.memory_space<hbm>>
      tpu.enqueue_dma source(%dma_start3A_84 : memref<96xi32, #tpu.memory_space<hbm>>) target(%arg13 : memref<96xi32, #tpu.memory_space<vmem>>) target_semaphore(%run_scoped3A : memref<!tpu.dma_semaphore, #tpu.memory_space<semaphore_mem>>)
      %dma_wait3A_85 = tpu.memref_slice %arg3[%add3A_32] : memref<322560xi32, #tpu.memory_space<hbm>> -> memref<96xi32, #tpu.memory_space<hbm>>
      %dma_wait3A_86 = tpu.memref_slice %arg3[%add3A_32] : memref<322560xi32, #tpu.memory_space<hbm>> -> memref<96xi32, #tpu.memory_space<hbm>>
      tpu.wait_dma2 semaphore(%run_scoped3A : memref<!tpu.dma_semaphore, #tpu.memory_space<semaphore_mem>>) src(%dma_wait3A_86 : memref<96xi32, #tpu.memory_space<hbm>>) dst(%arg13 : memref<96xi32, #tpu.memory_space<vmem>>)
      tpu.yield
    }) : () -> ()
    %dma_start3A_33 = arith.constant 0 : i32
    %dma_start3A_34 = arith.constant 0 : i32
    %dma_start3A_35 = tpu.memref_slice %arg4[%dma_start3A_33, %dma_start3A_34] : memref<10000x128xf32, #tpu.memory_space<hbm>> -> memref<10000x128xf32, #tpu.memory_space<hbm>>
    tpu.enqueue_indirect_dma source(%dma_start3A_35 : memref<10000x128xf32, #tpu.memory_space<hbm>>) target(%arg20 : memref<96x128xf32, #tpu.memory_space<vmem>>) offsets(%arg8 : memref<96xi32, #tpu.memory_space<vmem>>) semaphore(%arg24 : memref<!tpu.dma_semaphore, #tpu.memory_space<semaphore_mem>>)
    %add3A_36 = arith.constant 192 : i32
    %add3A_37 = arith.addi %mul3A_6, %add3A_36 : i32
    "tpu.region"() ({
      %run_scoped3A = tpu.sem_alloc : memref<!tpu.dma_semaphore, #tpu.memory_space<semaphore_mem>>
      %dma_start3A_83 = tpu.memref_slice %arg2[%add3A_37] : memref<322560xi32, #tpu.memory_space<hbm>> -> memref<96xi32, #tpu.memory_space<hbm>>
      %dma_start3A_84 = tpu.memref_slice %arg2[%add3A_37] : memref<322560xi32, #tpu.memory_space<hbm>> -> memref<96xi32, #tpu.memory_space<hbm>>
      tpu.enqueue_dma source(%dma_start3A_84 : memref<96xi32, #tpu.memory_space<hbm>>) target(%arg9 : memref<96xi32, #tpu.memory_space<vmem>>) target_semaphore(%run_scoped3A : memref<!tpu.dma_semaphore, #tpu.memory_space<semaphore_mem>>)
      %dma_wait3A_85 = tpu.memref_slice %arg2[%add3A_37] : memref<322560xi32, #tpu.memory_space<hbm>> -> memref<96xi32, #tpu.memory_space<hbm>>
      %dma_wait3A_86 = tpu.memref_slice %arg2[%add3A_37] : memref<322560xi32, #tpu.memory_space<hbm>> -> memref<96xi32, #tpu.memory_space<hbm>>
      tpu.wait_dma2 semaphore(%run_scoped3A : memref<!tpu.dma_semaphore, #tpu.memory_space<semaphore_mem>>) src(%dma_wait3A_86 : memref<96xi32, #tpu.memory_space<hbm>>) dst(%arg9 : memref<96xi32, #tpu.memory_space<vmem>>)
      tpu.yield
    }) : () -> ()
    %add3A_38 = arith.constant 192 : i32
    %add3A_39 = arith.addi %mul3A_6, %add3A_38 : i32
    "tpu.region"() ({
      %run_scoped3A = tpu.sem_alloc : memref<!tpu.dma_semaphore, #tpu.memory_space<semaphore_mem>>
      %dma_start3A_83 = tpu.memref_slice %arg3[%add3A_39] : memref<322560xi32, #tpu.memory_space<hbm>> -> memref<96xi32, #tpu.memory_space<hbm>>
      %dma_start3A_84 = tpu.memref_slice %arg3[%add3A_39] : memref<322560xi32, #tpu.memory_space<hbm>> -> memref<96xi32, #tpu.memory_space<hbm>>
      tpu.enqueue_dma source(%dma_start3A_84 : memref<96xi32, #tpu.memory_space<hbm>>) target(%arg15 : memref<96xi32, #tpu.memory_space<vmem>>) target_semaphore(%run_scoped3A : memref<!tpu.dma_semaphore, #tpu.memory_space<semaphore_mem>>)
      %dma_wait3A_85 = tpu.memref_slice %arg3[%add3A_39] : memref<322560xi32, #tpu.memory_space<hbm>> -> memref<96xi32, #tpu.memory_space<hbm>>
      %dma_wait3A_86 = tpu.memref_slice %arg3[%add3A_39] : memref<322560xi32, #tpu.memory_space<hbm>> -> memref<96xi32, #tpu.memory_space<hbm>>
      tpu.wait_dma2 semaphore(%run_scoped3A : memref<!tpu.dma_semaphore, #tpu.memory_space<semaphore_mem>>) src(%dma_wait3A_86 : memref<96xi32, #tpu.memory_space<hbm>>) dst(%arg15 : memref<96xi32, #tpu.memory_space<vmem>>)
      tpu.yield
    }) : () -> ()
    %dma_start3A_40 = arith.constant 0 : i32
    %dma_start3A_41 = arith.constant 0 : i32
    %dma_start3A_42 = tpu.memref_slice %arg4[%dma_start3A_40, %dma_start3A_41] : memref<10000x128xf32, #tpu.memory_space<hbm>> -> memref<10000x128xf32, #tpu.memory_space<hbm>>
    tpu.enqueue_indirect_dma source(%dma_start3A_42 : memref<10000x128xf32, #tpu.memory_space<hbm>>) target(%arg21 : memref<96x128xf32, #tpu.memory_space<vmem>>) offsets(%arg9 : memref<96xi32, #tpu.memory_space<vmem>>) semaphore(%arg25 : memref<!tpu.dma_semaphore, #tpu.memory_space<semaphore_mem>>)
    %add3A_43 = arith.constant 288 : i32
    %add3A_44 = arith.addi %mul3A_6, %add3A_43 : i32
    "tpu.region"() ({
      %run_scoped3A = tpu.sem_alloc : memref<!tpu.dma_semaphore, #tpu.memory_space<semaphore_mem>>
      %dma_start3A_83 = tpu.memref_slice %arg2[%add3A_44] : memref<322560xi32, #tpu.memory_space<hbm>> -> memref<96xi32, #tpu.memory_space<hbm>>
      %dma_start3A_84 = tpu.memref_slice %arg2[%add3A_44] : memref<322560xi32, #tpu.memory_space<hbm>> -> memref<96xi32, #tpu.memory_space<hbm>>
      tpu.enqueue_dma source(%dma_start3A_84 : memref<96xi32, #tpu.memory_space<hbm>>) target(%arg10 : memref<96xi32, #tpu.memory_space<vmem>>) target_semaphore(%run_scoped3A : memref<!tpu.dma_semaphore, #tpu.memory_space<semaphore_mem>>)
      %dma_wait3A_85 = tpu.memref_slice %arg2[%add3A_44] : memref<322560xi32, #tpu.memory_space<hbm>> -> memref<96xi32, #tpu.memory_space<hbm>>
      %dma_wait3A_86 = tpu.memref_slice %arg2[%add3A_44] : memref<322560xi32, #tpu.memory_space<hbm>> -> memref<96xi32, #tpu.memory_space<hbm>>
      tpu.wait_dma2 semaphore(%run_scoped3A : memref<!tpu.dma_semaphore, #tpu.memory_space<semaphore_mem>>) src(%dma_wait3A_86 : memref<96xi32, #tpu.memory_space<hbm>>) dst(%arg10 : memref<96xi32, #tpu.memory_space<vmem>>)
      tpu.yield
    }) : () -> ()
    %add3A_45 = arith.constant 288 : i32
    %add3A_46 = arith.addi %mul3A_6, %add3A_45 : i32
    "tpu.region"() ({
      %run_scoped3A = tpu.sem_alloc : memref<!tpu.dma_semaphore, #tpu.memory_space<semaphore_mem>>
      %dma_start3A_83 = tpu.memref_slice %arg3[%add3A_46] : memref<322560xi32, #tpu.memory_space<hbm>> -> memref<96xi32, #tpu.memory_space<hbm>>
      %dma_start3A_84 = tpu.memref_slice %arg3[%add3A_46] : memref<322560xi32, #tpu.memory_space<hbm>> -> memref<96xi32, #tpu.memory_space<hbm>>
      tpu.enqueue_dma source(%dma_start3A_84 : memref<96xi32, #tpu.memory_space<hbm>>) target(%arg17 : memref<96xi32, #tpu.memory_space<vmem>>) target_semaphore(%run_scoped3A : memref<!tpu.dma_semaphore, #tpu.memory_space<semaphore_mem>>)
      %dma_wait3A_85 = tpu.memref_slice %arg3[%add3A_46] : memref<322560xi32, #tpu.memory_space<hbm>> -> memref<96xi32, #tpu.memory_space<hbm>>
      %dma_wait3A_86 = tpu.memref_slice %arg3[%add3A_46] : memref<322560xi32, #tpu.memory_space<hbm>> -> memref<96xi32, #tpu.memory_space<hbm>>
      tpu.wait_dma2 semaphore(%run_scoped3A : memref<!tpu.dma_semaphore, #tpu.memory_space<semaphore_mem>>) src(%dma_wait3A_86 : memref<96xi32, #tpu.memory_space<hbm>>) dst(%arg17 : memref<96xi32, #tpu.memory_space<vmem>>)
      tpu.yield
    }) : () -> ()
    %dma_start3A_47 = arith.constant 0 : i32
    %dma_start3A_48 = arith.constant 0 : i32
    %dma_start3A_49 = tpu.memref_slice %arg4[%dma_start3A_47, %dma_start3A_48] : memref<10000x128xf32, #tpu.memory_space<hbm>> -> memref<10000x128xf32, #tpu.memory_space<hbm>>
    tpu.enqueue_indirect_dma source(%dma_start3A_49 : memref<10000x128xf32, #tpu.memory_space<hbm>>) target(%arg22 : memref<96x128xf32, #tpu.memory_space<vmem>>) offsets(%arg10 : memref<96xi32, #tpu.memory_space<vmem>>) semaphore(%arg26 : memref<!tpu.dma_semaphore, #tpu.memory_space<semaphore_mem>>)
    %scan3A_50 = arith.constant 0 : i32
    %scan3A_51 = arith.constant 0 : i32
    %scan3A_52 = arith.constant 14 : i32
    %scan3A_53 = arith.addi %scan3A_51, %scan3A_52 : i32
    %scan3A_54 = arith.constant 1 : i32
    scf.for %scan3A_83 = %scan3A_51 to %scan3A_53 step %scan3A_54  : i32 {
      %mul3A_84 = arith.constant 2 : i32
      %mul3A_85 = arith.muli %mul3A_84, %scan3A_83 : i32
      %add3A_86 = arith.constant 0 : i32
      %add3A_87 = arith.addi %mul3A_85, %add3A_86 : i32
      %mul3A_88 = arith.constant 4 : i32
      %mul3A_89 = arith.muli %add3A_87, %mul3A_88 : i32
      %add3A_90 = arith.constant 0 : i32
      %add3A_91 = arith.addi %mul3A_89, %add3A_90 : i32
      %lt3A = arith.constant 105 : i32
      %lt3A_92 = arith.cmpi slt, %add3A_91, %lt3A : i32
      %convert_element_type3A_93 = arith.extui %lt3A_92 : i1 to i32
      %cond3A_94 = arith.constant 0 : i32
      %cond3A_95 = arith.cmpi ne, %convert_element_type3A_93, %cond3A_94 : i32
      scf.if %cond3A_95 {
        %dma_wait3A_187 = arith.constant 0 : i32
        %dma_wait3A_188 = arith.constant 0 : i32
        %dma_wait3A_189 = tpu.memref_slice %arg4[%dma_wait3A_187, %dma_wait3A_188] : memref<10000x128xf32, #tpu.memory_space<hbm>> -> memref<10000x128xf32, #tpu.memory_space<hbm>>
        tpu.wait_indirect_dma semaphore(%arg23 : memref<!tpu.dma_semaphore, #tpu.memory_space<semaphore_mem>>) src(%dma_wait3A_189 : memref<10000x128xf32, #tpu.memory_space<hbm>>) dst(%arg19 : memref<96x128xf32, #tpu.memory_space<vmem>>)
        %dma_start3A_190 = arith.constant 0 : i32
        %dma_start3A_191 = arith.constant 0 : i32
        %dma_start3A_192 = tpu.memref_slice %arg6[%dma_start3A_190, %dma_start3A_191] : memref<10008x128xf32, #tpu.memory_space<vmem_shared>> -> memref<10008x128xf32, #tpu.memory_space<vmem_shared>>
        tpu.enqueue_indirect_dma source(%arg19 : memref<96x128xf32, #tpu.memory_space<vmem>>) target(%dma_start3A_192 : memref<10008x128xf32, #tpu.memory_space<vmem_shared>>) offsets(%arg11 : memref<96xi32, #tpu.memory_space<vmem>>) semaphore(%arg27 : memref<!tpu.dma_semaphore, #tpu.memory_space<semaphore_mem>>) {add = true}
        %add3A_193 = arith.constant 4 : i32
        %add3A_194 = arith.addi %add3A_91, %add3A_193 : i32
        %lt3A_195 = arith.constant 105 : i32
        %lt3A_196 = arith.cmpi slt, %add3A_194, %lt3A_195 : i32
        %convert_element_type3A_197 = arith.extui %lt3A_196 : i1 to i32
        %cond3A_198 = arith.constant 0 : i32
        %cond3A_199 = arith.cmpi ne, %convert_element_type3A_197, %cond3A_198 : i32
        scf.if %cond3A_199 {
          %add3A_200 = arith.constant 4 : i32
          %add3A_201 = arith.addi %add3A_91, %add3A_200 : i32
          %mul3A_202 = arith.constant 96 : i32
          %mul3A_203 = arith.muli %add3A_201, %mul3A_202 : i32
          %add3A_204 = arith.addi %mul3A_6, %mul3A_203 : i32
          "tpu.region"() ({
            %run_scoped3A = tpu.sem_alloc : memref<!tpu.dma_semaphore, #tpu.memory_space<semaphore_mem>>
            %dma_start3A_214 = tpu.memref_slice %arg2[%add3A_204] : memref<322560xi32, #tpu.memory_space<hbm>> -> memref<96xi32, #tpu.memory_space<hbm>>
            %dma_start3A_215 = tpu.memref_slice %arg2[%add3A_204] : memref<322560xi32, #tpu.memory_space<hbm>> -> memref<96xi32, #tpu.memory_space<hbm>>
            tpu.enqueue_dma source(%dma_start3A_215 : memref<96xi32, #tpu.memory_space<hbm>>) target(%arg7 : memref<96xi32, #tpu.memory_space<vmem>>) target_semaphore(%run_scoped3A : memref<!tpu.dma_semaphore, #tpu.memory_space<semaphore_mem>>)
            %dma_wait3A_216 = tpu.memref_slice %arg2[%add3A_204] : memref<322560xi32, #tpu.memory_space<hbm>> -> memref<96xi32, #tpu.memory_space<hbm>>
            %dma_wait3A_217 = tpu.memref_slice %arg2[%add3A_204] : memref<322560xi32, #tpu.memory_space<hbm>> -> memref<96xi32, #tpu.memory_space<hbm>>
            tpu.wait_dma2 semaphore(%run_scoped3A : memref<!tpu.dma_semaphore, #tpu.memory_space<semaphore_mem>>) src(%dma_wait3A_217 : memref<96xi32, #tpu.memory_space<hbm>>) dst(%arg7 : memref<96xi32, #tpu.memory_space<vmem>>)
            tpu.yield
          }) : () -> ()
          %mul3A_205 = arith.constant 96 : i32
          %mul3A_206 = arith.muli %add3A_201, %mul3A_205 : i32
          %add3A_207 = arith.addi %mul3A_6, %mul3A_206 : i32
          "tpu.region"() ({
            %run_scoped3A = tpu.sem_alloc : memref<!tpu.dma_semaphore, #tpu.memory_space<semaphore_mem>>
            %dma_start3A_214 = tpu.memref_slice %arg3[%add3A_207] : memref<322560xi32, #tpu.memory_space<hbm>> -> memref<96xi32, #tpu.memory_space<hbm>>
            %dma_start3A_215 = tpu.memref_slice %arg3[%add3A_207] : memref<322560xi32, #tpu.memory_space<hbm>> -> memref<96xi32, #tpu.memory_space<hbm>>
            tpu.enqueue_dma source(%dma_start3A_215 : memref<96xi32, #tpu.memory_space<hbm>>) target(%arg12 : memref<96xi32, #tpu.memory_space<vmem>>) target_semaphore(%run_scoped3A : memref<!tpu.dma_semaphore, #tpu.memory_space<semaphore_mem>>)
            %dma_wait3A_216 = tpu.memref_slice %arg3[%add3A_207] : memref<322560xi32, #tpu.memory_space<hbm>> -> memref<96xi32, #tpu.memory_space<hbm>>
            %dma_wait3A_217 = tpu.memref_slice %arg3[%add3A_207] : memref<322560xi32, #tpu.memory_space<hbm>> -> memref<96xi32, #tpu.memory_space<hbm>>
            tpu.wait_dma2 semaphore(%run_scoped3A : memref<!tpu.dma_semaphore, #tpu.memory_space<semaphore_mem>>) src(%dma_wait3A_217 : memref<96xi32, #tpu.memory_space<hbm>>) dst(%arg12 : memref<96xi32, #tpu.memory_space<vmem>>)
            tpu.yield
          }) : () -> ()
          %dma_wait3A_208 = arith.constant 0 : i32
          %dma_wait3A_209 = arith.constant 0 : i32
          %dma_wait3A_210 = tpu.memref_slice %arg6[%dma_wait3A_208, %dma_wait3A_209] : memref<10008x128xf32, #tpu.memory_space<vmem_shared>> -> memref<10008x128xf32, #tpu.memory_space<vmem_shared>>
          tpu.wait_indirect_dma semaphore(%arg27 : memref<!tpu.dma_semaphore, #tpu.memory_space<semaphore_mem>>) src(%arg19 : memref<96x128xf32, #tpu.memory_space<vmem>>) dst(%dma_wait3A_210 : memref<10008x128xf32, #tpu.memory_space<vmem_shared>>)
          %dma_start3A_211 = arith.constant 0 : i32
          %dma_start3A_212 = arith.constant 0 : i32
          %dma_start3A_213 = tpu.memref_slice %arg4[%dma_start3A_211, %dma_start3A_212] : memref<10000x128xf32, #tpu.memory_space<hbm>> -> memref<10000x128xf32, #tpu.memory_space<hbm>>
          tpu.enqueue_indirect_dma source(%dma_start3A_213 : memref<10000x128xf32, #tpu.memory_space<hbm>>) target(%arg19 : memref<96x128xf32, #tpu.memory_space<vmem>>) offsets(%arg7 : memref<96xi32, #tpu.memory_space<vmem>>) semaphore(%arg23 : memref<!tpu.dma_semaphore, #tpu.memory_space<semaphore_mem>>)
        } else {
        }
      } else {
      }
      %mul3A_96 = arith.constant 2 : i32
      %mul3A_97 = arith.muli %mul3A_96, %scan3A_83 : i32
      %add3A_98 = arith.constant 0 : i32
      %add3A_99 = arith.addi %mul3A_97, %add3A_98 : i32
      %mul3A_100 = arith.constant 4 : i32
      %mul3A_101 = arith.muli %add3A_99, %mul3A_100 : i32
      %add3A_102 = arith.constant 1 : i32
      %add3A_103 = arith.addi %mul3A_101, %add3A_102 : i32
      %lt3A_104 = arith.constant 105 : i32
      %lt3A_105 = arith.cmpi slt, %add3A_103, %lt3A_104 : i32
      %convert_element_type3A_106 = arith.extui %lt3A_105 : i1 to i32
      %cond3A_107 = arith.constant 0 : i32
      %cond3A_108 = arith.cmpi ne, %convert_element_type3A_106, %cond3A_107 : i32
      scf.if %cond3A_108 {
        %dma_wait3A_187 = arith.constant 0 : i32
        %dma_wait3A_188 = arith.constant 0 : i32
        %dma_wait3A_189 = tpu.memref_slice %arg4[%dma_wait3A_187, %dma_wait3A_188] : memref<10000x128xf32, #tpu.memory_space<hbm>> -> memref<10000x128xf32, #tpu.memory_space<hbm>>
        tpu.wait_indirect_dma semaphore(%arg24 : memref<!tpu.dma_semaphore, #tpu.memory_space<semaphore_mem>>) src(%dma_wait3A_189 : memref<10000x128xf32, #tpu.memory_space<hbm>>) dst(%arg20 : memref<96x128xf32, #tpu.memory_space<vmem>>)
        %dma_start3A_190 = arith.constant 0 : i32
        %dma_start3A_191 = arith.constant 0 : i32
        %dma_start3A_192 = tpu.memref_slice %arg6[%dma_start3A_190, %dma_start3A_191] : memref<10008x128xf32, #tpu.memory_space<vmem_shared>> -> memref<10008x128xf32, #tpu.memory_space<vmem_shared>>
        tpu.enqueue_indirect_dma source(%arg20 : memref<96x128xf32, #tpu.memory_space<vmem>>) target(%dma_start3A_192 : memref<10008x128xf32, #tpu.memory_space<vmem_shared>>) offsets(%arg13 : memref<96xi32, #tpu.memory_space<vmem>>) semaphore(%arg28 : memref<!tpu.dma_semaphore, #tpu.memory_space<semaphore_mem>>) {add = true}
        %add3A_193 = arith.constant 4 : i32
        %add3A_194 = arith.addi %add3A_103, %add3A_193 : i32
        %lt3A_195 = arith.constant 105 : i32
        %lt3A_196 = arith.cmpi slt, %add3A_194, %lt3A_195 : i32
        %convert_element_type3A_197 = arith.extui %lt3A_196 : i1 to i32
        %cond3A_198 = arith.constant 0 : i32
        %cond3A_199 = arith.cmpi ne, %convert_element_type3A_197, %cond3A_198 : i32
        scf.if %cond3A_199 {
          %add3A_200 = arith.constant 4 : i32
          %add3A_201 = arith.addi %add3A_103, %add3A_200 : i32
          %mul3A_202 = arith.constant 96 : i32
          %mul3A_203 = arith.muli %add3A_201, %mul3A_202 : i32
          %add3A_204 = arith.addi %mul3A_6, %mul3A_203 : i32
          "tpu.region"() ({
            %run_scoped3A = tpu.sem_alloc : memref<!tpu.dma_semaphore, #tpu.memory_space<semaphore_mem>>
            %dma_start3A_214 = tpu.memref_slice %arg2[%add3A_204] : memref<322560xi32, #tpu.memory_space<hbm>> -> memref<96xi32, #tpu.memory_space<hbm>>
            %dma_start3A_215 = tpu.memref_slice %arg2[%add3A_204] : memref<322560xi32, #tpu.memory_space<hbm>> -> memref<96xi32, #tpu.memory_space<hbm>>
            tpu.enqueue_dma source(%dma_start3A_215 : memref<96xi32, #tpu.memory_space<hbm>>) target(%arg8 : memref<96xi32, #tpu.memory_space<vmem>>) target_semaphore(%run_scoped3A : memref<!tpu.dma_semaphore, #tpu.memory_space<semaphore_mem>>)
            %dma_wait3A_216 = tpu.memref_slice %arg2[%add3A_204] : memref<322560xi32, #tpu.memory_space<hbm>> -> memref<96xi32, #tpu.memory_space<hbm>>
            %dma_wait3A_217 = tpu.memref_slice %arg2[%add3A_204] : memref<322560xi32, #tpu.memory_space<hbm>> -> memref<96xi32, #tpu.memory_space<hbm>>
            tpu.wait_dma2 semaphore(%run_scoped3A : memref<!tpu.dma_semaphore, #tpu.memory_space<semaphore_mem>>) src(%dma_wait3A_217 : memref<96xi32, #tpu.memory_space<hbm>>) dst(%arg8 : memref<96xi32, #tpu.memory_space<vmem>>)
            tpu.yield
          }) : () -> ()
          %mul3A_205 = arith.constant 96 : i32
          %mul3A_206 = arith.muli %add3A_201, %mul3A_205 : i32
          %add3A_207 = arith.addi %mul3A_6, %mul3A_206 : i32
          "tpu.region"() ({
            %run_scoped3A = tpu.sem_alloc : memref<!tpu.dma_semaphore, #tpu.memory_space<semaphore_mem>>
            %dma_start3A_214 = tpu.memref_slice %arg3[%add3A_207] : memref<322560xi32, #tpu.memory_space<hbm>> -> memref<96xi32, #tpu.memory_space<hbm>>
            %dma_start3A_215 = tpu.memref_slice %arg3[%add3A_207] : memref<322560xi32, #tpu.memory_space<hbm>> -> memref<96xi32, #tpu.memory_space<hbm>>
            tpu.enqueue_dma source(%dma_start3A_215 : memref<96xi32, #tpu.memory_space<hbm>>) target(%arg14 : memref<96xi32, #tpu.memory_space<vmem>>) target_semaphore(%run_scoped3A : memref<!tpu.dma_semaphore, #tpu.memory_space<semaphore_mem>>)
            %dma_wait3A_216 = tpu.memref_slice %arg3[%add3A_207] : memref<322560xi32, #tpu.memory_space<hbm>> -> memref<96xi32, #tpu.memory_space<hbm>>
            %dma_wait3A_217 = tpu.memref_slice %arg3[%add3A_207] : memref<322560xi32, #tpu.memory_space<hbm>> -> memref<96xi32, #tpu.memory_space<hbm>>
            tpu.wait_dma2 semaphore(%run_scoped3A : memref<!tpu.dma_semaphore, #tpu.memory_space<semaphore_mem>>) src(%dma_wait3A_217 : memref<96xi32, #tpu.memory_space<hbm>>) dst(%arg14 : memref<96xi32, #tpu.memory_space<vmem>>)
            tpu.yield
          }) : () -> ()
          %dma_wait3A_208 = arith.constant 0 : i32
          %dma_wait3A_209 = arith.constant 0 : i32
          %dma_wait3A_210 = tpu.memref_slice %arg6[%dma_wait3A_208, %dma_wait3A_209] : memref<10008x128xf32, #tpu.memory_space<vmem_shared>> -> memref<10008x128xf32, #tpu.memory_space<vmem_shared>>
          tpu.wait_indirect_dma semaphore(%arg28 : memref<!tpu.dma_semaphore, #tpu.memory_space<semaphore_mem>>) src(%arg20 : memref<96x128xf32, #tpu.memory_space<vmem>>) dst(%dma_wait3A_210 : memref<10008x128xf32, #tpu.memory_space<vmem_shared>>)
          %dma_start3A_211 = arith.constant 0 : i32
          %dma_start3A_212 = arith.constant 0 : i32
          %dma_start3A_213 = tpu.memref_slice %arg4[%dma_start3A_211, %dma_start3A_212] : memref<10000x128xf32, #tpu.memory_space<hbm>> -> memref<10000x128xf32, #tpu.memory_space<hbm>>
          tpu.enqueue_indirect_dma source(%dma_start3A_213 : memref<10000x128xf32, #tpu.memory_space<hbm>>) target(%arg20 : memref<96x128xf32, #tpu.memory_space<vmem>>) offsets(%arg8 : memref<96xi32, #tpu.memory_space<vmem>>) semaphore(%arg24 : memref<!tpu.dma_semaphore, #tpu.memory_space<semaphore_mem>>)
        } else {
        }
      } else {
      }
      %mul3A_109 = arith.constant 2 : i32
      %mul3A_110 = arith.muli %mul3A_109, %scan3A_83 : i32
      %add3A_111 = arith.constant 0 : i32
      %add3A_112 = arith.addi %mul3A_110, %add3A_111 : i32
      %mul3A_113 = arith.constant 4 : i32
      %mul3A_114 = arith.muli %add3A_112, %mul3A_113 : i32
      %add3A_115 = arith.constant 2 : i32
      %add3A_116 = arith.addi %mul3A_114, %add3A_115 : i32
      %lt3A_117 = arith.constant 105 : i32
      %lt3A_118 = arith.cmpi slt, %add3A_116, %lt3A_117 : i32
      %convert_element_type3A_119 = arith.extui %lt3A_118 : i1 to i32
      %cond3A_120 = arith.constant 0 : i32
      %cond3A_121 = arith.cmpi ne, %convert_element_type3A_119, %cond3A_120 : i32
      scf.if %cond3A_121 {
        %dma_wait3A_187 = arith.constant 0 : i32
        %dma_wait3A_188 = arith.constant 0 : i32
        %dma_wait3A_189 = tpu.memref_slice %arg4[%dma_wait3A_187, %dma_wait3A_188] : memref<10000x128xf32, #tpu.memory_space<hbm>> -> memref<10000x128xf32, #tpu.memory_space<hbm>>
        tpu.wait_indirect_dma semaphore(%arg25 : memref<!tpu.dma_semaphore, #tpu.memory_space<semaphore_mem>>) src(%dma_wait3A_189 : memref<10000x128xf32, #tpu.memory_space<hbm>>) dst(%arg21 : memref<96x128xf32, #tpu.memory_space<vmem>>)
        %dma_start3A_190 = arith.constant 0 : i32
        %dma_start3A_191 = arith.constant 0 : i32
        %dma_start3A_192 = tpu.memref_slice %arg6[%dma_start3A_190, %dma_start3A_191] : memref<10008x128xf32, #tpu.memory_space<vmem_shared>> -> memref<10008x128xf32, #tpu.memory_space<vmem_shared>>
        tpu.enqueue_indirect_dma source(%arg21 : memref<96x128xf32, #tpu.memory_space<vmem>>) target(%dma_start3A_192 : memref<10008x128xf32, #tpu.memory_space<vmem_shared>>) offsets(%arg15 : memref<96xi32, #tpu.memory_space<vmem>>) semaphore(%arg29 : memref<!tpu.dma_semaphore, #tpu.memory_space<semaphore_mem>>) {add = true}
        %add3A_193 = arith.constant 4 : i32
        %add3A_194 = arith.addi %add3A_116, %add3A_193 : i32
        %lt3A_195 = arith.constant 105 : i32
        %lt3A_196 = arith.cmpi slt, %add3A_194, %lt3A_195 : i32
        %convert_element_type3A_197 = arith.extui %lt3A_196 : i1 to i32
        %cond3A_198 = arith.constant 0 : i32
        %cond3A_199 = arith.cmpi ne, %convert_element_type3A_197, %cond3A_198 : i32
        scf.if %cond3A_199 {
          %add3A_200 = arith.constant 4 : i32
          %add3A_201 = arith.addi %add3A_116, %add3A_200 : i32
          %mul3A_202 = arith.constant 96 : i32
          %mul3A_203 = arith.muli %add3A_201, %mul3A_202 : i32
          %add3A_204 = arith.addi %mul3A_6, %mul3A_203 : i32
          "tpu.region"() ({
            %run_scoped3A = tpu.sem_alloc : memref<!tpu.dma_semaphore, #tpu.memory_space<semaphore_mem>>
            %dma_start3A_214 = tpu.memref_slice %arg2[%add3A_204] : memref<322560xi32, #tpu.memory_space<hbm>> -> memref<96xi32, #tpu.memory_space<hbm>>
            %dma_start3A_215 = tpu.memref_slice %arg2[%add3A_204] : memref<322560xi32, #tpu.memory_space<hbm>> -> memref<96xi32, #tpu.memory_space<hbm>>
            tpu.enqueue_dma source(%dma_start3A_215 : memref<96xi32, #tpu.memory_space<hbm>>) target(%arg9 : memref<96xi32, #tpu.memory_space<vmem>>) target_semaphore(%run_scoped3A : memref<!tpu.dma_semaphore, #tpu.memory_space<semaphore_mem>>)
            %dma_wait3A_216 = tpu.memref_slice %arg2[%add3A_204] : memref<322560xi32, #tpu.memory_space<hbm>> -> memref<96xi32, #tpu.memory_space<hbm>>
            %dma_wait3A_217 = tpu.memref_slice %arg2[%add3A_204] : memref<322560xi32, #tpu.memory_space<hbm>> -> memref<96xi32, #tpu.memory_space<hbm>>
            tpu.wait_dma2 semaphore(%run_scoped3A : memref<!tpu.dma_semaphore, #tpu.memory_space<semaphore_mem>>) src(%dma_wait3A_217 : memref<96xi32, #tpu.memory_space<hbm>>) dst(%arg9 : memref<96xi32, #tpu.memory_space<vmem>>)
            tpu.yield
          }) : () -> ()
          %mul3A_205 = arith.constant 96 : i32
          %mul3A_206 = arith.muli %add3A_201, %mul3A_205 : i32
          %add3A_207 = arith.addi %mul3A_6, %mul3A_206 : i32
          "tpu.region"() ({
            %run_scoped3A = tpu.sem_alloc : memref<!tpu.dma_semaphore, #tpu.memory_space<semaphore_mem>>
            %dma_start3A_214 = tpu.memref_slice %arg3[%add3A_207] : memref<322560xi32, #tpu.memory_space<hbm>> -> memref<96xi32, #tpu.memory_space<hbm>>
            %dma_start3A_215 = tpu.memref_slice %arg3[%add3A_207] : memref<322560xi32, #tpu.memory_space<hbm>> -> memref<96xi32, #tpu.memory_space<hbm>>
            tpu.enqueue_dma source(%dma_start3A_215 : memref<96xi32, #tpu.memory_space<hbm>>) target(%arg16 : memref<96xi32, #tpu.memory_space<vmem>>) target_semaphore(%run_scoped3A : memref<!tpu.dma_semaphore, #tpu.memory_space<semaphore_mem>>)
            %dma_wait3A_216 = tpu.memref_slice %arg3[%add3A_207] : memref<322560xi32, #tpu.memory_space<hbm>> -> memref<96xi32, #tpu.memory_space<hbm>>
            %dma_wait3A_217 = tpu.memref_slice %arg3[%add3A_207] : memref<322560xi32, #tpu.memory_space<hbm>> -> memref<96xi32, #tpu.memory_space<hbm>>
            tpu.wait_dma2 semaphore(%run_scoped3A : memref<!tpu.dma_semaphore, #tpu.memory_space<semaphore_mem>>) src(%dma_wait3A_217 : memref<96xi32, #tpu.memory_space<hbm>>) dst(%arg16 : memref<96xi32, #tpu.memory_space<vmem>>)
            tpu.yield
          }) : () -> ()
          %dma_wait3A_208 = arith.constant 0 : i32
          %dma_wait3A_209 = arith.constant 0 : i32
          %dma_wait3A_210 = tpu.memref_slice %arg6[%dma_wait3A_208, %dma_wait3A_209] : memref<10008x128xf32, #tpu.memory_space<vmem_shared>> -> memref<10008x128xf32, #tpu.memory_space<vmem_shared>>
          tpu.wait_indirect_dma semaphore(%arg29 : memref<!tpu.dma_semaphore, #tpu.memory_space<semaphore_mem>>) src(%arg21 : memref<96x128xf32, #tpu.memory_space<vmem>>) dst(%dma_wait3A_210 : memref<10008x128xf32, #tpu.memory_space<vmem_shared>>)
          %dma_start3A_211 = arith.constant 0 : i32
          %dma_start3A_212 = arith.constant 0 : i32
          %dma_start3A_213 = tpu.memref_slice %arg4[%dma_start3A_211, %dma_start3A_212] : memref<10000x128xf32, #tpu.memory_space<hbm>> -> memref<10000x128xf32, #tpu.memory_space<hbm>>
          tpu.enqueue_indirect_dma source(%dma_start3A_213 : memref<10000x128xf32, #tpu.memory_space<hbm>>) target(%arg21 : memref<96x128xf32, #tpu.memory_space<vmem>>) offsets(%arg9 : memref<96xi32, #tpu.memory_space<vmem>>) semaphore(%arg25 : memref<!tpu.dma_semaphore, #tpu.memory_space<semaphore_mem>>)
        } else {
        }
      } else {
      }
      %mul3A_122 = arith.constant 2 : i32
      %mul3A_123 = arith.muli %mul3A_122, %scan3A_83 : i32
      %add3A_124 = arith.constant 0 : i32
      %add3A_125 = arith.addi %mul3A_123, %add3A_124 : i32
      %mul3A_126 = arith.constant 4 : i32
      %mul3A_127 = arith.muli %add3A_125, %mul3A_126 : i32
      %add3A_128 = arith.constant 3 : i32
      %add3A_129 = arith.addi %mul3A_127, %add3A_128 : i32
      %lt3A_130 = arith.constant 105 : i32
      %lt3A_131 = arith.cmpi slt, %add3A_129, %lt3A_130 : i32
      %convert_element_type3A_132 = arith.extui %lt3A_131 : i1 to i32
      %cond3A_133 = arith.constant 0 : i32
      %cond3A_134 = arith.cmpi ne, %convert_element_type3A_132, %cond3A_133 : i32
      scf.if %cond3A_134 {
        %dma_wait3A_187 = arith.constant 0 : i32
        %dma_wait3A_188 = arith.constant 0 : i32
        %dma_wait3A_189 = tpu.memref_slice %arg4[%dma_wait3A_187, %dma_wait3A_188] : memref<10000x128xf32, #tpu.memory_space<hbm>> -> memref<10000x128xf32, #tpu.memory_space<hbm>>
        tpu.wait_indirect_dma semaphore(%arg26 : memref<!tpu.dma_semaphore, #tpu.memory_space<semaphore_mem>>) src(%dma_wait3A_189 : memref<10000x128xf32, #tpu.memory_space<hbm>>) dst(%arg22 : memref<96x128xf32, #tpu.memory_space<vmem>>)
        %dma_start3A_190 = arith.constant 0 : i32
        %dma_start3A_191 = arith.constant 0 : i32
        %dma_start3A_192 = tpu.memref_slice %arg6[%dma_start3A_190, %dma_start3A_191] : memref<10008x128xf32, #tpu.memory_space<vmem_shared>> -> memref<10008x128xf32, #tpu.memory_space<vmem_shared>>
        tpu.enqueue_indirect_dma source(%arg22 : memref<96x128xf32, #tpu.memory_space<vmem>>) target(%dma_start3A_192 : memref<10008x128xf32, #tpu.memory_space<vmem_shared>>) offsets(%arg17 : memref<96xi32, #tpu.memory_space<vmem>>) semaphore(%arg30 : memref<!tpu.dma_semaphore, #tpu.memory_space<semaphore_mem>>) {add = true}
        %add3A_193 = arith.constant 4 : i32
        %add3A_194 = arith.addi %add3A_129, %add3A_193 : i32
        %lt3A_195 = arith.constant 105 : i32
        %lt3A_196 = arith.cmpi slt, %add3A_194, %lt3A_195 : i32
        %convert_element_type3A_197 = arith.extui %lt3A_196 : i1 to i32
        %cond3A_198 = arith.constant 0 : i32
        %cond3A_199 = arith.cmpi ne, %convert_element_type3A_197, %cond3A_198 : i32
        scf.if %cond3A_199 {
          %add3A_200 = arith.constant 4 : i32
          %add3A_201 = arith.addi %add3A_129, %add3A_200 : i32
          %mul3A_202 = arith.constant 96 : i32
          %mul3A_203 = arith.muli %add3A_201, %mul3A_202 : i32
          %add3A_204 = arith.addi %mul3A_6, %mul3A_203 : i32
          "tpu.region"() ({
            %run_scoped3A = tpu.sem_alloc : memref<!tpu.dma_semaphore, #tpu.memory_space<semaphore_mem>>
            %dma_start3A_214 = tpu.memref_slice %arg2[%add3A_204] : memref<322560xi32, #tpu.memory_space<hbm>> -> memref<96xi32, #tpu.memory_space<hbm>>
            %dma_start3A_215 = tpu.memref_slice %arg2[%add3A_204] : memref<322560xi32, #tpu.memory_space<hbm>> -> memref<96xi32, #tpu.memory_space<hbm>>
            tpu.enqueue_dma source(%dma_start3A_215 : memref<96xi32, #tpu.memory_space<hbm>>) target(%arg10 : memref<96xi32, #tpu.memory_space<vmem>>) target_semaphore(%run_scoped3A : memref<!tpu.dma_semaphore, #tpu.memory_space<semaphore_mem>>)
            %dma_wait3A_216 = tpu.memref_slice %arg2[%add3A_204] : memref<322560xi32, #tpu.memory_space<hbm>> -> memref<96xi32, #tpu.memory_space<hbm>>
            %dma_wait3A_217 = tpu.memref_slice %arg2[%add3A_204] : memref<322560xi32, #tpu.memory_space<hbm>> -> memref<96xi32, #tpu.memory_space<hbm>>
            tpu.wait_dma2 semaphore(%run_scoped3A : memref<!tpu.dma_semaphore, #tpu.memory_space<semaphore_mem>>) src(%dma_wait3A_217 : memref<96xi32, #tpu.memory_space<hbm>>) dst(%arg10 : memref<96xi32, #tpu.memory_space<vmem>>)
            tpu.yield
          }) : () -> ()
          %mul3A_205 = arith.constant 96 : i32
          %mul3A_206 = arith.muli %add3A_201, %mul3A_205 : i32
          %add3A_207 = arith.addi %mul3A_6, %mul3A_206 : i32
          "tpu.region"() ({
            %run_scoped3A = tpu.sem_alloc : memref<!tpu.dma_semaphore, #tpu.memory_space<semaphore_mem>>
            %dma_start3A_214 = tpu.memref_slice %arg3[%add3A_207] : memref<322560xi32, #tpu.memory_space<hbm>> -> memref<96xi32, #tpu.memory_space<hbm>>
            %dma_start3A_215 = tpu.memref_slice %arg3[%add3A_207] : memref<322560xi32, #tpu.memory_space<hbm>> -> memref<96xi32, #tpu.memory_space<hbm>>
            tpu.enqueue_dma source(%dma_start3A_215 : memref<96xi32, #tpu.memory_space<hbm>>) target(%arg18 : memref<96xi32, #tpu.memory_space<vmem>>) target_semaphore(%run_scoped3A : memref<!tpu.dma_semaphore, #tpu.memory_space<semaphore_mem>>)
            %dma_wait3A_216 = tpu.memref_slice %arg3[%add3A_207] : memref<322560xi32, #tpu.memory_space<hbm>> -> memref<96xi32, #tpu.memory_space<hbm>>
            %dma_wait3A_217 = tpu.memref_slice %arg3[%add3A_207] : memref<322560xi32, #tpu.memory_space<hbm>> -> memref<96xi32, #tpu.memory_space<hbm>>
            tpu.wait_dma2 semaphore(%run_scoped3A : memref<!tpu.dma_semaphore, #tpu.memory_space<semaphore_mem>>) src(%dma_wait3A_217 : memref<96xi32, #tpu.memory_space<hbm>>) dst(%arg18 : memref<96xi32, #tpu.memory_space<vmem>>)
            tpu.yield
          }) : () -> ()
          %dma_wait3A_208 = arith.constant 0 : i32
          %dma_wait3A_209 = arith.constant 0 : i32
          %dma_wait3A_210 = tpu.memref_slice %arg6[%dma_wait3A_208, %dma_wait3A_209] : memref<10008x128xf32, #tpu.memory_space<vmem_shared>> -> memref<10008x128xf32, #tpu.memory_space<vmem_shared>>
          tpu.wait_indirect_dma semaphore(%arg30 : memref<!tpu.dma_semaphore, #tpu.memory_space<semaphore_mem>>) src(%arg22 : memref<96x128xf32, #tpu.memory_space<vmem>>) dst(%dma_wait3A_210 : memref<10008x128xf32, #tpu.memory_space<vmem_shared>>)
          %dma_start3A_211 = arith.constant 0 : i32
          %dma_start3A_212 = arith.constant 0 : i32
          %dma_start3A_213 = tpu.memref_slice %arg4[%dma_start3A_211, %dma_start3A_212] : memref<10000x128xf32, #tpu.memory_space<hbm>> -> memref<10000x128xf32, #tpu.memory_space<hbm>>
          tpu.enqueue_indirect_dma source(%dma_start3A_213 : memref<10000x128xf32, #tpu.memory_space<hbm>>) target(%arg22 : memref<96x128xf32, #tpu.memory_space<vmem>>) offsets(%arg10 : memref<96xi32, #tpu.memory_space<vmem>>) semaphore(%arg26 : memref<!tpu.dma_semaphore, #tpu.memory_space<semaphore_mem>>)
        } else {
        }
      } else {
      }
      %mul3A_135 = arith.constant 2 : i32
      %mul3A_136 = arith.muli %mul3A_135, %scan3A_83 : i32
      %add3A_137 = arith.constant 1 : i32
      %add3A_138 = arith.addi %mul3A_136, %add3A_137 : i32
      %mul3A_139 = arith.constant 4 : i32
      %mul3A_140 = arith.muli %add3A_138, %mul3A_139 : i32
      %add3A_141 = arith.constant 0 : i32
      %add3A_142 = arith.addi %mul3A_140, %add3A_141 : i32
      %lt3A_143 = arith.constant 105 : i32
      %lt3A_144 = arith.cmpi slt, %add3A_142, %lt3A_143 : i32
      %convert_element_type3A_145 = arith.extui %lt3A_144 : i1 to i32
      %cond3A_146 = arith.constant 0 : i32
      %cond3A_147 = arith.cmpi ne, %convert_element_type3A_145, %cond3A_146 : i32
      scf.if %cond3A_147 {
        %dma_wait3A_187 = arith.constant 0 : i32
        %dma_wait3A_188 = arith.constant 0 : i32
        %dma_wait3A_189 = tpu.memref_slice %arg4[%dma_wait3A_187, %dma_wait3A_188] : memref<10000x128xf32, #tpu.memory_space<hbm>> -> memref<10000x128xf32, #tpu.memory_space<hbm>>
        tpu.wait_indirect_dma semaphore(%arg23 : memref<!tpu.dma_semaphore, #tpu.memory_space<semaphore_mem>>) src(%dma_wait3A_189 : memref<10000x128xf32, #tpu.memory_space<hbm>>) dst(%arg19 : memref<96x128xf32, #tpu.memory_space<vmem>>)
        %dma_start3A_190 = arith.constant 0 : i32
        %dma_start3A_191 = arith.constant 0 : i32
        %dma_start3A_192 = tpu.memref_slice %arg6[%dma_start3A_190, %dma_start3A_191] : memref<10008x128xf32, #tpu.memory_space<vmem_shared>> -> memref<10008x128xf32, #tpu.memory_space<vmem_shared>>
        tpu.enqueue_indirect_dma source(%arg19 : memref<96x128xf32, #tpu.memory_space<vmem>>) target(%dma_start3A_192 : memref<10008x128xf32, #tpu.memory_space<vmem_shared>>) offsets(%arg12 : memref<96xi32, #tpu.memory_space<vmem>>) semaphore(%arg27 : memref<!tpu.dma_semaphore, #tpu.memory_space<semaphore_mem>>) {add = true}
        %add3A_193 = arith.constant 4 : i32
        %add3A_194 = arith.addi %add3A_142, %add3A_193 : i32
        %lt3A_195 = arith.constant 105 : i32
        %lt3A_196 = arith.cmpi slt, %add3A_194, %lt3A_195 : i32
        %convert_element_type3A_197 = arith.extui %lt3A_196 : i1 to i32
        %cond3A_198 = arith.constant 0 : i32
        %cond3A_199 = arith.cmpi ne, %convert_element_type3A_197, %cond3A_198 : i32
        scf.if %cond3A_199 {
          %add3A_200 = arith.constant 4 : i32
          %add3A_201 = arith.addi %add3A_142, %add3A_200 : i32
          %mul3A_202 = arith.constant 96 : i32
          %mul3A_203 = arith.muli %add3A_201, %mul3A_202 : i32
          %add3A_204 = arith.addi %mul3A_6, %mul3A_203 : i32
          "tpu.region"() ({
            %run_scoped3A = tpu.sem_alloc : memref<!tpu.dma_semaphore, #tpu.memory_space<semaphore_mem>>
            %dma_start3A_214 = tpu.memref_slice %arg2[%add3A_204] : memref<322560xi32, #tpu.memory_space<hbm>> -> memref<96xi32, #tpu.memory_space<hbm>>
            %dma_start3A_215 = tpu.memref_slice %arg2[%add3A_204] : memref<322560xi32, #tpu.memory_space<hbm>> -> memref<96xi32, #tpu.memory_space<hbm>>
            tpu.enqueue_dma source(%dma_start3A_215 : memref<96xi32, #tpu.memory_space<hbm>>) target(%arg7 : memref<96xi32, #tpu.memory_space<vmem>>) target_semaphore(%run_scoped3A : memref<!tpu.dma_semaphore, #tpu.memory_space<semaphore_mem>>)
            %dma_wait3A_216 = tpu.memref_slice %arg2[%add3A_204] : memref<322560xi32, #tpu.memory_space<hbm>> -> memref<96xi32, #tpu.memory_space<hbm>>
            %dma_wait3A_217 = tpu.memref_slice %arg2[%add3A_204] : memref<322560xi32, #tpu.memory_space<hbm>> -> memref<96xi32, #tpu.memory_space<hbm>>
            tpu.wait_dma2 semaphore(%run_scoped3A : memref<!tpu.dma_semaphore, #tpu.memory_space<semaphore_mem>>) src(%dma_wait3A_217 : memref<96xi32, #tpu.memory_space<hbm>>) dst(%arg7 : memref<96xi32, #tpu.memory_space<vmem>>)
            tpu.yield
          }) : () -> ()
          %mul3A_205 = arith.constant 96 : i32
          %mul3A_206 = arith.muli %add3A_201, %mul3A_205 : i32
          %add3A_207 = arith.addi %mul3A_6, %mul3A_206 : i32
          "tpu.region"() ({
            %run_scoped3A = tpu.sem_alloc : memref<!tpu.dma_semaphore, #tpu.memory_space<semaphore_mem>>
            %dma_start3A_214 = tpu.memref_slice %arg3[%add3A_207] : memref<322560xi32, #tpu.memory_space<hbm>> -> memref<96xi32, #tpu.memory_space<hbm>>
            %dma_start3A_215 = tpu.memref_slice %arg3[%add3A_207] : memref<322560xi32, #tpu.memory_space<hbm>> -> memref<96xi32, #tpu.memory_space<hbm>>
            tpu.enqueue_dma source(%dma_start3A_215 : memref<96xi32, #tpu.memory_space<hbm>>) target(%arg11 : memref<96xi32, #tpu.memory_space<vmem>>) target_semaphore(%run_scoped3A : memref<!tpu.dma_semaphore, #tpu.memory_space<semaphore_mem>>)
            %dma_wait3A_216 = tpu.memref_slice %arg3[%add3A_207] : memref<322560xi32, #tpu.memory_space<hbm>> -> memref<96xi32, #tpu.memory_space<hbm>>
            %dma_wait3A_217 = tpu.memref_slice %arg3[%add3A_207] : memref<322560xi32, #tpu.memory_space<hbm>> -> memref<96xi32, #tpu.memory_space<hbm>>
            tpu.wait_dma2 semaphore(%run_scoped3A : memref<!tpu.dma_semaphore, #tpu.memory_space<semaphore_mem>>) src(%dma_wait3A_217 : memref<96xi32, #tpu.memory_space<hbm>>) dst(%arg11 : memref<96xi32, #tpu.memory_space<vmem>>)
            tpu.yield
          }) : () -> ()
          %dma_wait3A_208 = arith.constant 0 : i32
          %dma_wait3A_209 = arith.constant 0 : i32
          %dma_wait3A_210 = tpu.memref_slice %arg6[%dma_wait3A_208, %dma_wait3A_209] : memref<10008x128xf32, #tpu.memory_space<vmem_shared>> -> memref<10008x128xf32, #tpu.memory_space<vmem_shared>>
          tpu.wait_indirect_dma semaphore(%arg27 : memref<!tpu.dma_semaphore, #tpu.memory_space<semaphore_mem>>) src(%arg19 : memref<96x128xf32, #tpu.memory_space<vmem>>) dst(%dma_wait3A_210 : memref<10008x128xf32, #tpu.memory_space<vmem_shared>>)
          %dma_start3A_211 = arith.constant 0 : i32
          %dma_start3A_212 = arith.constant 0 : i32
          %dma_start3A_213 = tpu.memref_slice %arg4[%dma_start3A_211, %dma_start3A_212] : memref<10000x128xf32, #tpu.memory_space<hbm>> -> memref<10000x128xf32, #tpu.memory_space<hbm>>
          tpu.enqueue_indirect_dma source(%dma_start3A_213 : memref<10000x128xf32, #tpu.memory_space<hbm>>) target(%arg19 : memref<96x128xf32, #tpu.memory_space<vmem>>) offsets(%arg7 : memref<96xi32, #tpu.memory_space<vmem>>) semaphore(%arg23 : memref<!tpu.dma_semaphore, #tpu.memory_space<semaphore_mem>>)
        } else {
        }
      } else {
      }
      %mul3A_148 = arith.constant 2 : i32
      %mul3A_149 = arith.muli %mul3A_148, %scan3A_83 : i32
      %add3A_150 = arith.constant 1 : i32
      %add3A_151 = arith.addi %mul3A_149, %add3A_150 : i32
      %mul3A_152 = arith.constant 4 : i32
      %mul3A_153 = arith.muli %add3A_151, %mul3A_152 : i32
      %add3A_154 = arith.constant 1 : i32
      %add3A_155 = arith.addi %mul3A_153, %add3A_154 : i32
      %lt3A_156 = arith.constant 105 : i32
      %lt3A_157 = arith.cmpi slt, %add3A_155, %lt3A_156 : i32
      %convert_element_type3A_158 = arith.extui %lt3A_157 : i1 to i32
      %cond3A_159 = arith.constant 0 : i32
      %cond3A_160 = arith.cmpi ne, %convert_element_type3A_158, %cond3A_159 : i32
      scf.if %cond3A_160 {
        %dma_wait3A_187 = arith.constant 0 : i32
        %dma_wait3A_188 = arith.constant 0 : i32
        %dma_wait3A_189 = tpu.memref_slice %arg4[%dma_wait3A_187, %dma_wait3A_188] : memref<10000x128xf32, #tpu.memory_space<hbm>> -> memref<10000x128xf32, #tpu.memory_space<hbm>>
        tpu.wait_indirect_dma semaphore(%arg24 : memref<!tpu.dma_semaphore, #tpu.memory_space<semaphore_mem>>) src(%dma_wait3A_189 : memref<10000x128xf32, #tpu.memory_space<hbm>>) dst(%arg20 : memref<96x128xf32, #tpu.memory_space<vmem>>)
        %dma_start3A_190 = arith.constant 0 : i32
        %dma_start3A_191 = arith.constant 0 : i32
        %dma_start3A_192 = tpu.memref_slice %arg6[%dma_start3A_190, %dma_start3A_191] : memref<10008x128xf32, #tpu.memory_space<vmem_shared>> -> memref<10008x128xf32, #tpu.memory_space<vmem_shared>>
        tpu.enqueue_indirect_dma source(%arg20 : memref<96x128xf32, #tpu.memory_space<vmem>>) target(%dma_start3A_192 : memref<10008x128xf32, #tpu.memory_space<vmem_shared>>) offsets(%arg14 : memref<96xi32, #tpu.memory_space<vmem>>) semaphore(%arg28 : memref<!tpu.dma_semaphore, #tpu.memory_space<semaphore_mem>>) {add = true}
        %add3A_193 = arith.constant 4 : i32
        %add3A_194 = arith.addi %add3A_155, %add3A_193 : i32
        %lt3A_195 = arith.constant 105 : i32
        %lt3A_196 = arith.cmpi slt, %add3A_194, %lt3A_195 : i32
        %convert_element_type3A_197 = arith.extui %lt3A_196 : i1 to i32
        %cond3A_198 = arith.constant 0 : i32
        %cond3A_199 = arith.cmpi ne, %convert_element_type3A_197, %cond3A_198 : i32
        scf.if %cond3A_199 {
          %add3A_200 = arith.constant 4 : i32
          %add3A_201 = arith.addi %add3A_155, %add3A_200 : i32
          %mul3A_202 = arith.constant 96 : i32
          %mul3A_203 = arith.muli %add3A_201, %mul3A_202 : i32
          %add3A_204 = arith.addi %mul3A_6, %mul3A_203 : i32
          "tpu.region"() ({
            %run_scoped3A = tpu.sem_alloc : memref<!tpu.dma_semaphore, #tpu.memory_space<semaphore_mem>>
            %dma_start3A_214 = tpu.memref_slice %arg2[%add3A_204] : memref<322560xi32, #tpu.memory_space<hbm>> -> memref<96xi32, #tpu.memory_space<hbm>>
            %dma_start3A_215 = tpu.memref_slice %arg2[%add3A_204] : memref<322560xi32, #tpu.memory_space<hbm>> -> memref<96xi32, #tpu.memory_space<hbm>>
            tpu.enqueue_dma source(%dma_start3A_215 : memref<96xi32, #tpu.memory_space<hbm>>) target(%arg8 : memref<96xi32, #tpu.memory_space<vmem>>) target_semaphore(%run_scoped3A : memref<!tpu.dma_semaphore, #tpu.memory_space<semaphore_mem>>)
            %dma_wait3A_216 = tpu.memref_slice %arg2[%add3A_204] : memref<322560xi32, #tpu.memory_space<hbm>> -> memref<96xi32, #tpu.memory_space<hbm>>
            %dma_wait3A_217 = tpu.memref_slice %arg2[%add3A_204] : memref<322560xi32, #tpu.memory_space<hbm>> -> memref<96xi32, #tpu.memory_space<hbm>>
            tpu.wait_dma2 semaphore(%run_scoped3A : memref<!tpu.dma_semaphore, #tpu.memory_space<semaphore_mem>>) src(%dma_wait3A_217 : memref<96xi32, #tpu.memory_space<hbm>>) dst(%arg8 : memref<96xi32, #tpu.memory_space<vmem>>)
            tpu.yield
          }) : () -> ()
          %mul3A_205 = arith.constant 96 : i32
          %mul3A_206 = arith.muli %add3A_201, %mul3A_205 : i32
          %add3A_207 = arith.addi %mul3A_6, %mul3A_206 : i32
          "tpu.region"() ({
            %run_scoped3A = tpu.sem_alloc : memref<!tpu.dma_semaphore, #tpu.memory_space<semaphore_mem>>
            %dma_start3A_214 = tpu.memref_slice %arg3[%add3A_207] : memref<322560xi32, #tpu.memory_space<hbm>> -> memref<96xi32, #tpu.memory_space<hbm>>
            %dma_start3A_215 = tpu.memref_slice %arg3[%add3A_207] : memref<322560xi32, #tpu.memory_space<hbm>> -> memref<96xi32, #tpu.memory_space<hbm>>
            tpu.enqueue_dma source(%dma_start3A_215 : memref<96xi32, #tpu.memory_space<hbm>>) target(%arg13 : memref<96xi32, #tpu.memory_space<vmem>>) target_semaphore(%run_scoped3A : memref<!tpu.dma_semaphore, #tpu.memory_space<semaphore_mem>>)
            %dma_wait3A_216 = tpu.memref_slice %arg3[%add3A_207] : memref<322560xi32, #tpu.memory_space<hbm>> -> memref<96xi32, #tpu.memory_space<hbm>>
            %dma_wait3A_217 = tpu.memref_slice %arg3[%add3A_207] : memref<322560xi32, #tpu.memory_space<hbm>> -> memref<96xi32, #tpu.memory_space<hbm>>
            tpu.wait_dma2 semaphore(%run_scoped3A : memref<!tpu.dma_semaphore, #tpu.memory_space<semaphore_mem>>) src(%dma_wait3A_217 : memref<96xi32, #tpu.memory_space<hbm>>) dst(%arg13 : memref<96xi32, #tpu.memory_space<vmem>>)
            tpu.yield
          }) : () -> ()
          %dma_wait3A_208 = arith.constant 0 : i32
          %dma_wait3A_209 = arith.constant 0 : i32
          %dma_wait3A_210 = tpu.memref_slice %arg6[%dma_wait3A_208, %dma_wait3A_209] : memref<10008x128xf32, #tpu.memory_space<vmem_shared>> -> memref<10008x128xf32, #tpu.memory_space<vmem_shared>>
          tpu.wait_indirect_dma semaphore(%arg28 : memref<!tpu.dma_semaphore, #tpu.memory_space<semaphore_mem>>) src(%arg20 : memref<96x128xf32, #tpu.memory_space<vmem>>) dst(%dma_wait3A_210 : memref<10008x128xf32, #tpu.memory_space<vmem_shared>>)
          %dma_start3A_211 = arith.constant 0 : i32
          %dma_start3A_212 = arith.constant 0 : i32
          %dma_start3A_213 = tpu.memref_slice %arg4[%dma_start3A_211, %dma_start3A_212] : memref<10000x128xf32, #tpu.memory_space<hbm>> -> memref<10000x128xf32, #tpu.memory_space<hbm>>
          tpu.enqueue_indirect_dma source(%dma_start3A_213 : memref<10000x128xf32, #tpu.memory_space<hbm>>) target(%arg20 : memref<96x128xf32, #tpu.memory_space<vmem>>) offsets(%arg8 : memref<96xi32, #tpu.memory_space<vmem>>) semaphore(%arg24 : memref<!tpu.dma_semaphore, #tpu.memory_space<semaphore_mem>>)
        } else {
        }
      } else {
      }
      %mul3A_161 = arith.constant 2 : i32
      %mul3A_162 = arith.muli %mul3A_161, %scan3A_83 : i32
      %add3A_163 = arith.constant 1 : i32
      %add3A_164 = arith.addi %mul3A_162, %add3A_163 : i32
      %mul3A_165 = arith.constant 4 : i32
      %mul3A_166 = arith.muli %add3A_164, %mul3A_165 : i32
      %add3A_167 = arith.constant 2 : i32
      %add3A_168 = arith.addi %mul3A_166, %add3A_167 : i32
      %lt3A_169 = arith.constant 105 : i32
      %lt3A_170 = arith.cmpi slt, %add3A_168, %lt3A_169 : i32
      %convert_element_type3A_171 = arith.extui %lt3A_170 : i1 to i32
      %cond3A_172 = arith.constant 0 : i32
      %cond3A_173 = arith.cmpi ne, %convert_element_type3A_171, %cond3A_172 : i32
      scf.if %cond3A_173 {
        %dma_wait3A_187 = arith.constant 0 : i32
        %dma_wait3A_188 = arith.constant 0 : i32
        %dma_wait3A_189 = tpu.memref_slice %arg4[%dma_wait3A_187, %dma_wait3A_188] : memref<10000x128xf32, #tpu.memory_space<hbm>> -> memref<10000x128xf32, #tpu.memory_space<hbm>>
        tpu.wait_indirect_dma semaphore(%arg25 : memref<!tpu.dma_semaphore, #tpu.memory_space<semaphore_mem>>) src(%dma_wait3A_189 : memref<10000x128xf32, #tpu.memory_space<hbm>>) dst(%arg21 : memref<96x128xf32, #tpu.memory_space<vmem>>)
        %dma_start3A_190 = arith.constant 0 : i32
        %dma_start3A_191 = arith.constant 0 : i32
        %dma_start3A_192 = tpu.memref_slice %arg6[%dma_start3A_190, %dma_start3A_191] : memref<10008x128xf32, #tpu.memory_space<vmem_shared>> -> memref<10008x128xf32, #tpu.memory_space<vmem_shared>>
        tpu.enqueue_indirect_dma source(%arg21 : memref<96x128xf32, #tpu.memory_space<vmem>>) target(%dma_start3A_192 : memref<10008x128xf32, #tpu.memory_space<vmem_shared>>) offsets(%arg16 : memref<96xi32, #tpu.memory_space<vmem>>) semaphore(%arg29 : memref<!tpu.dma_semaphore, #tpu.memory_space<semaphore_mem>>) {add = true}
        %add3A_193 = arith.constant 4 : i32
        %add3A_194 = arith.addi %add3A_168, %add3A_193 : i32
        %lt3A_195 = arith.constant 105 : i32
        %lt3A_196 = arith.cmpi slt, %add3A_194, %lt3A_195 : i32
        %convert_element_type3A_197 = arith.extui %lt3A_196 : i1 to i32
        %cond3A_198 = arith.constant 0 : i32
        %cond3A_199 = arith.cmpi ne, %convert_element_type3A_197, %cond3A_198 : i32
        scf.if %cond3A_199 {
          %add3A_200 = arith.constant 4 : i32
          %add3A_201 = arith.addi %add3A_168, %add3A_200 : i32
          %mul3A_202 = arith.constant 96 : i32
          %mul3A_203 = arith.muli %add3A_201, %mul3A_202 : i32
          %add3A_204 = arith.addi %mul3A_6, %mul3A_203 : i32
          "tpu.region"() ({
            %run_scoped3A = tpu.sem_alloc : memref<!tpu.dma_semaphore, #tpu.memory_space<semaphore_mem>>
            %dma_start3A_214 = tpu.memref_slice %arg2[%add3A_204] : memref<322560xi32, #tpu.memory_space<hbm>> -> memref<96xi32, #tpu.memory_space<hbm>>
            %dma_start3A_215 = tpu.memref_slice %arg2[%add3A_204] : memref<322560xi32, #tpu.memory_space<hbm>> -> memref<96xi32, #tpu.memory_space<hbm>>
            tpu.enqueue_dma source(%dma_start3A_215 : memref<96xi32, #tpu.memory_space<hbm>>) target(%arg9 : memref<96xi32, #tpu.memory_space<vmem>>) target_semaphore(%run_scoped3A : memref<!tpu.dma_semaphore, #tpu.memory_space<semaphore_mem>>)
            %dma_wait3A_216 = tpu.memref_slice %arg2[%add3A_204] : memref<322560xi32, #tpu.memory_space<hbm>> -> memref<96xi32, #tpu.memory_space<hbm>>
            %dma_wait3A_217 = tpu.memref_slice %arg2[%add3A_204] : memref<322560xi32, #tpu.memory_space<hbm>> -> memref<96xi32, #tpu.memory_space<hbm>>
            tpu.wait_dma2 semaphore(%run_scoped3A : memref<!tpu.dma_semaphore, #tpu.memory_space<semaphore_mem>>) src(%dma_wait3A_217 : memref<96xi32, #tpu.memory_space<hbm>>) dst(%arg9 : memref<96xi32, #tpu.memory_space<vmem>>)
            tpu.yield
          }) : () -> ()
          %mul3A_205 = arith.constant 96 : i32
          %mul3A_206 = arith.muli %add3A_201, %mul3A_205 : i32
          %add3A_207 = arith.addi %mul3A_6, %mul3A_206 : i32
          "tpu.region"() ({
            %run_scoped3A = tpu.sem_alloc : memref<!tpu.dma_semaphore, #tpu.memory_space<semaphore_mem>>
            %dma_start3A_214 = tpu.memref_slice %arg3[%add3A_207] : memref<322560xi32, #tpu.memory_space<hbm>> -> memref<96xi32, #tpu.memory_space<hbm>>
            %dma_start3A_215 = tpu.memref_slice %arg3[%add3A_207] : memref<322560xi32, #tpu.memory_space<hbm>> -> memref<96xi32, #tpu.memory_space<hbm>>
            tpu.enqueue_dma source(%dma_start3A_215 : memref<96xi32, #tpu.memory_space<hbm>>) target(%arg15 : memref<96xi32, #tpu.memory_space<vmem>>) target_semaphore(%run_scoped3A : memref<!tpu.dma_semaphore, #tpu.memory_space<semaphore_mem>>)
            %dma_wait3A_216 = tpu.memref_slice %arg3[%add3A_207] : memref<322560xi32, #tpu.memory_space<hbm>> -> memref<96xi32, #tpu.memory_space<hbm>>
            %dma_wait3A_217 = tpu.memref_slice %arg3[%add3A_207] : memref<322560xi32, #tpu.memory_space<hbm>> -> memref<96xi32, #tpu.memory_space<hbm>>
            tpu.wait_dma2 semaphore(%run_scoped3A : memref<!tpu.dma_semaphore, #tpu.memory_space<semaphore_mem>>) src(%dma_wait3A_217 : memref<96xi32, #tpu.memory_space<hbm>>) dst(%arg15 : memref<96xi32, #tpu.memory_space<vmem>>)
            tpu.yield
          }) : () -> ()
          %dma_wait3A_208 = arith.constant 0 : i32
          %dma_wait3A_209 = arith.constant 0 : i32
          %dma_wait3A_210 = tpu.memref_slice %arg6[%dma_wait3A_208, %dma_wait3A_209] : memref<10008x128xf32, #tpu.memory_space<vmem_shared>> -> memref<10008x128xf32, #tpu.memory_space<vmem_shared>>
          tpu.wait_indirect_dma semaphore(%arg29 : memref<!tpu.dma_semaphore, #tpu.memory_space<semaphore_mem>>) src(%arg21 : memref<96x128xf32, #tpu.memory_space<vmem>>) dst(%dma_wait3A_210 : memref<10008x128xf32, #tpu.memory_space<vmem_shared>>)
          %dma_start3A_211 = arith.constant 0 : i32
          %dma_start3A_212 = arith.constant 0 : i32
          %dma_start3A_213 = tpu.memref_slice %arg4[%dma_start3A_211, %dma_start3A_212] : memref<10000x128xf32, #tpu.memory_space<hbm>> -> memref<10000x128xf32, #tpu.memory_space<hbm>>
          tpu.enqueue_indirect_dma source(%dma_start3A_213 : memref<10000x128xf32, #tpu.memory_space<hbm>>) target(%arg21 : memref<96x128xf32, #tpu.memory_space<vmem>>) offsets(%arg9 : memref<96xi32, #tpu.memory_space<vmem>>) semaphore(%arg25 : memref<!tpu.dma_semaphore, #tpu.memory_space<semaphore_mem>>)
        } else {
        }
      } else {
      }
      %mul3A_174 = arith.constant 2 : i32
      %mul3A_175 = arith.muli %mul3A_174, %scan3A_83 : i32
      %add3A_176 = arith.constant 1 : i32
      %add3A_177 = arith.addi %mul3A_175, %add3A_176 : i32
      %mul3A_178 = arith.constant 4 : i32
      %mul3A_179 = arith.muli %add3A_177, %mul3A_178 : i32
      %add3A_180 = arith.constant 3 : i32
      %add3A_181 = arith.addi %mul3A_179, %add3A_180 : i32
      %lt3A_182 = arith.constant 105 : i32
      %lt3A_183 = arith.cmpi slt, %add3A_181, %lt3A_182 : i32
      %convert_element_type3A_184 = arith.extui %lt3A_183 : i1 to i32
      %cond3A_185 = arith.constant 0 : i32
      %cond3A_186 = arith.cmpi ne, %convert_element_type3A_184, %cond3A_185 : i32
      scf.if %cond3A_186 {
        %dma_wait3A_187 = arith.constant 0 : i32
        %dma_wait3A_188 = arith.constant 0 : i32
        %dma_wait3A_189 = tpu.memref_slice %arg4[%dma_wait3A_187, %dma_wait3A_188] : memref<10000x128xf32, #tpu.memory_space<hbm>> -> memref<10000x128xf32, #tpu.memory_space<hbm>>
        tpu.wait_indirect_dma semaphore(%arg26 : memref<!tpu.dma_semaphore, #tpu.memory_space<semaphore_mem>>) src(%dma_wait3A_189 : memref<10000x128xf32, #tpu.memory_space<hbm>>) dst(%arg22 : memref<96x128xf32, #tpu.memory_space<vmem>>)
        %dma_start3A_190 = arith.constant 0 : i32
        %dma_start3A_191 = arith.constant 0 : i32
        %dma_start3A_192 = tpu.memref_slice %arg6[%dma_start3A_190, %dma_start3A_191] : memref<10008x128xf32, #tpu.memory_space<vmem_shared>> -> memref<10008x128xf32, #tpu.memory_space<vmem_shared>>
        tpu.enqueue_indirect_dma source(%arg22 : memref<96x128xf32, #tpu.memory_space<vmem>>) target(%dma_start3A_192 : memref<10008x128xf32, #tpu.memory_space<vmem_shared>>) offsets(%arg18 : memref<96xi32, #tpu.memory_space<vmem>>) semaphore(%arg30 : memref<!tpu.dma_semaphore, #tpu.memory_space<semaphore_mem>>) {add = true}
        %add3A_193 = arith.constant 4 : i32
        %add3A_194 = arith.addi %add3A_181, %add3A_193 : i32
        %lt3A_195 = arith.constant 105 : i32
        %lt3A_196 = arith.cmpi slt, %add3A_194, %lt3A_195 : i32
        %convert_element_type3A_197 = arith.extui %lt3A_196 : i1 to i32
        %cond3A_198 = arith.constant 0 : i32
        %cond3A_199 = arith.cmpi ne, %convert_element_type3A_197, %cond3A_198 : i32
        scf.if %cond3A_199 {
          %add3A_200 = arith.constant 4 : i32
          %add3A_201 = arith.addi %add3A_181, %add3A_200 : i32
          %mul3A_202 = arith.constant 96 : i32
          %mul3A_203 = arith.muli %add3A_201, %mul3A_202 : i32
          %add3A_204 = arith.addi %mul3A_6, %mul3A_203 : i32
          "tpu.region"() ({
            %run_scoped3A = tpu.sem_alloc : memref<!tpu.dma_semaphore, #tpu.memory_space<semaphore_mem>>
            %dma_start3A_214 = tpu.memref_slice %arg2[%add3A_204] : memref<322560xi32, #tpu.memory_space<hbm>> -> memref<96xi32, #tpu.memory_space<hbm>>
            %dma_start3A_215 = tpu.memref_slice %arg2[%add3A_204] : memref<322560xi32, #tpu.memory_space<hbm>> -> memref<96xi32, #tpu.memory_space<hbm>>
            tpu.enqueue_dma source(%dma_start3A_215 : memref<96xi32, #tpu.memory_space<hbm>>) target(%arg10 : memref<96xi32, #tpu.memory_space<vmem>>) target_semaphore(%run_scoped3A : memref<!tpu.dma_semaphore, #tpu.memory_space<semaphore_mem>>)
            %dma_wait3A_216 = tpu.memref_slice %arg2[%add3A_204] : memref<322560xi32, #tpu.memory_space<hbm>> -> memref<96xi32, #tpu.memory_space<hbm>>
            %dma_wait3A_217 = tpu.memref_slice %arg2[%add3A_204] : memref<322560xi32, #tpu.memory_space<hbm>> -> memref<96xi32, #tpu.memory_space<hbm>>
            tpu.wait_dma2 semaphore(%run_scoped3A : memref<!tpu.dma_semaphore, #tpu.memory_space<semaphore_mem>>) src(%dma_wait3A_217 : memref<96xi32, #tpu.memory_space<hbm>>) dst(%arg10 : memref<96xi32, #tpu.memory_space<vmem>>)
            tpu.yield
          }) : () -> ()
          %mul3A_205 = arith.constant 96 : i32
          %mul3A_206 = arith.muli %add3A_201, %mul3A_205 : i32
          %add3A_207 = arith.addi %mul3A_6, %mul3A_206 : i32
          "tpu.region"() ({
            %run_scoped3A = tpu.sem_alloc : memref<!tpu.dma_semaphore, #tpu.memory_space<semaphore_mem>>
            %dma_start3A_214 = tpu.memref_slice %arg3[%add3A_207] : memref<322560xi32, #tpu.memory_space<hbm>> -> memref<96xi32, #tpu.memory_space<hbm>>
            %dma_start3A_215 = tpu.memref_slice %arg3[%add3A_207] : memref<322560xi32, #tpu.memory_space<hbm>> -> memref<96xi32, #tpu.memory_space<hbm>>
            tpu.enqueue_dma source(%dma_start3A_215 : memref<96xi32, #tpu.memory_space<hbm>>) target(%arg17 : memref<96xi32, #tpu.memory_space<vmem>>) target_semaphore(%run_scoped3A : memref<!tpu.dma_semaphore, #tpu.memory_space<semaphore_mem>>)
            %dma_wait3A_216 = tpu.memref_slice %arg3[%add3A_207] : memref<322560xi32, #tpu.memory_space<hbm>> -> memref<96xi32, #tpu.memory_space<hbm>>
            %dma_wait3A_217 = tpu.memref_slice %arg3[%add3A_207] : memref<322560xi32, #tpu.memory_space<hbm>> -> memref<96xi32, #tpu.memory_space<hbm>>
            tpu.wait_dma2 semaphore(%run_scoped3A : memref<!tpu.dma_semaphore, #tpu.memory_space<semaphore_mem>>) src(%dma_wait3A_217 : memref<96xi32, #tpu.memory_space<hbm>>) dst(%arg17 : memref<96xi32, #tpu.memory_space<vmem>>)
            tpu.yield
          }) : () -> ()
          %dma_wait3A_208 = arith.constant 0 : i32
          %dma_wait3A_209 = arith.constant 0 : i32
          %dma_wait3A_210 = tpu.memref_slice %arg6[%dma_wait3A_208, %dma_wait3A_209] : memref<10008x128xf32, #tpu.memory_space<vmem_shared>> -> memref<10008x128xf32, #tpu.memory_space<vmem_shared>>
          tpu.wait_indirect_dma semaphore(%arg30 : memref<!tpu.dma_semaphore, #tpu.memory_space<semaphore_mem>>) src(%arg22 : memref<96x128xf32, #tpu.memory_space<vmem>>) dst(%dma_wait3A_210 : memref<10008x128xf32, #tpu.memory_space<vmem_shared>>)
          %dma_start3A_211 = arith.constant 0 : i32
          %dma_start3A_212 = arith.constant 0 : i32
          %dma_start3A_213 = tpu.memref_slice %arg4[%dma_start3A_211, %dma_start3A_212] : memref<10000x128xf32, #tpu.memory_space<hbm>> -> memref<10000x128xf32, #tpu.memory_space<hbm>>
          tpu.enqueue_indirect_dma source(%dma_start3A_213 : memref<10000x128xf32, #tpu.memory_space<hbm>>) target(%arg22 : memref<96x128xf32, #tpu.memory_space<vmem>>) offsets(%arg10 : memref<96xi32, #tpu.memory_space<vmem>>) semaphore(%arg26 : memref<!tpu.dma_semaphore, #tpu.memory_space<semaphore_mem>>)
        } else {
        }
      } else {
      }
    }
    %scan3A_55 = arith.constant 14 : i32
    %dma_wait3A = arith.constant 0 : i32
    %dma_wait3A_56 = arith.constant 0 : i32
    %dma_wait3A_57 = tpu.memref_slice %arg6[%dma_wait3A, %dma_wait3A_56] : memref<10008x128xf32, #tpu.memory_space<vmem_shared>> -> memref<10008x128xf32, #tpu.memory_space<vmem_shared>>
    tpu.wait_indirect_dma semaphore(%arg27 : memref<!tpu.dma_semaphore, #tpu.memory_space<semaphore_mem>>) src(%arg19 : memref<96x128xf32, #tpu.memory_space<vmem>>) dst(%dma_wait3A_57 : memref<10008x128xf32, #tpu.memory_space<vmem_shared>>)
    %dma_wait3A_58 = arith.constant 0 : i32
    %dma_wait3A_59 = arith.constant 0 : i32
    %dma_wait3A_60 = tpu.memref_slice %arg6[%dma_wait3A_58, %dma_wait3A_59] : memref<10008x128xf32, #tpu.memory_space<vmem_shared>> -> memref<10008x128xf32, #tpu.memory_space<vmem_shared>>
    tpu.wait_indirect_dma semaphore(%arg28 : memref<!tpu.dma_semaphore, #tpu.memory_space<semaphore_mem>>) src(%arg20 : memref<96x128xf32, #tpu.memory_space<vmem>>) dst(%dma_wait3A_60 : memref<10008x128xf32, #tpu.memory_space<vmem_shared>>)
    %dma_wait3A_61 = arith.constant 0 : i32
    %dma_wait3A_62 = arith.constant 0 : i32
    %dma_wait3A_63 = tpu.memref_slice %arg6[%dma_wait3A_61, %dma_wait3A_62] : memref<10008x128xf32, #tpu.memory_space<vmem_shared>> -> memref<10008x128xf32, #tpu.memory_space<vmem_shared>>
    tpu.wait_indirect_dma semaphore(%arg29 : memref<!tpu.dma_semaphore, #tpu.memory_space<semaphore_mem>>) src(%arg21 : memref<96x128xf32, #tpu.memory_space<vmem>>) dst(%dma_wait3A_63 : memref<10008x128xf32, #tpu.memory_space<vmem_shared>>)
    %dma_wait3A_64 = arith.constant 0 : i32
    %dma_wait3A_65 = arith.constant 0 : i32
    %dma_wait3A_66 = tpu.memref_slice %arg6[%dma_wait3A_64, %dma_wait3A_65] : memref<10008x128xf32, #tpu.memory_space<vmem_shared>> -> memref<10008x128xf32, #tpu.memory_space<vmem_shared>>
    tpu.wait_indirect_dma semaphore(%arg30 : memref<!tpu.dma_semaphore, #tpu.memory_space<semaphore_mem>>) src(%arg22 : memref<96x128xf32, #tpu.memory_space<vmem>>) dst(%dma_wait3A_66 : memref<10008x128xf32, #tpu.memory_space<vmem_shared>>)
    %barrier3A_67 = arith.constant 0 : index
    tpu.barrier barrier_id(%barrier3A_67)
    %scan3A_68 = arith.constant 0 : i32
    %scan3A_69 = arith.constant 0 : i32
    %scan3A_70 = arith.constant 6 : i32
    %scan3A_71 = arith.addi %scan3A_69, %scan3A_70 : i32
    %scan3A_72 = arith.constant 1 : i32
    scf.for %scan3A_83 = %scan3A_69 to %scan3A_71 step %scan3A_72  : i32 {
      %mul3A_84 = arith.constant 96 : i32
      %mul3A_85 = arith.muli %scan3A_83, %mul3A_84 : i32
      %add3A_86 = arith.addi %multiple_of3A, %mul3A_85 : i32
      "tpu.region"() ({
        %run_scoped3A = tpu.sem_alloc : memref<!tpu.dma_semaphore, #tpu.memory_space<semaphore_mem>>
        %dma_start3A_90 = arith.constant 0 : i32
        %dma_start3A_91 = tpu.memref_slice %arg6[%add3A_86, %dma_start3A_90] : memref<10008x128xf32, #tpu.memory_space<vmem_shared>> -> memref<96x128xf32, #tpu.memory_space<vmem_shared>>
        %dma_start3A_92 = arith.constant 0 : i32
        %dma_start3A_93 = tpu.memref_slice %arg6[%add3A_86, %dma_start3A_92] : memref<10008x128xf32, #tpu.memory_space<vmem_shared>> -> memref<96x128xf32, #tpu.memory_space<vmem_shared>>
        tpu.enqueue_dma source(%dma_start3A_93 : memref<96x128xf32, #tpu.memory_space<vmem_shared>>) target(%arg20 : memref<96x128xf32, #tpu.memory_space<vmem>>) target_semaphore(%run_scoped3A : memref<!tpu.dma_semaphore, #tpu.memory_space<semaphore_mem>>)
        %dma_wait3A_94 = arith.constant 0 : i32
        %dma_wait3A_95 = tpu.memref_slice %arg6[%add3A_86, %dma_wait3A_94] : memref<10008x128xf32, #tpu.memory_space<vmem_shared>> -> memref<96x128xf32, #tpu.memory_space<vmem_shared>>
        %dma_wait3A_96 = arith.constant 0 : i32
        %dma_wait3A_97 = tpu.memref_slice %arg6[%add3A_86, %dma_wait3A_96] : memref<10008x128xf32, #tpu.memory_space<vmem_shared>> -> memref<96x128xf32, #tpu.memory_space<vmem_shared>>
        tpu.wait_dma2 semaphore(%run_scoped3A : memref<!tpu.dma_semaphore, #tpu.memory_space<semaphore_mem>>) src(%dma_wait3A_97 : memref<96x128xf32, #tpu.memory_space<vmem_shared>>) dst(%arg20 : memref<96x128xf32, #tpu.memory_space<vmem>>)
        tpu.yield
      }) : () -> ()
      %mul3A_87 = arith.constant 96 : i32
      %mul3A_88 = arith.muli %scan3A_83, %mul3A_87 : i32
      %add3A_89 = arith.addi %multiple_of3A, %mul3A_88 : i32
      "tpu.region"() ({
        %run_scoped3A = tpu.sem_alloc : memref<!tpu.dma_semaphore, #tpu.memory_space<semaphore_mem>>
        %dma_start3A_90 = arith.constant 0 : i32
        %dma_start3A_91 = tpu.memref_slice %arg5[%arg0, %add3A_89, %dma_start3A_90] : memref<2x10000x128xf32, #tpu.memory_space<hbm>> -> memref<1x96x128xf32, #tpu.memory_space<hbm>>
        %dma_start3A_92 = tpu.memref_squeeze %dma_start3A_91 : memref<1x96x128xf32, #tpu.memory_space<hbm>> -> memref<96x128xf32, #tpu.memory_space<hbm>>
        %dma_start3A_93 = arith.constant 0 : i32
        %dma_start3A_94 = tpu.memref_slice %arg5[%arg0, %add3A_89, %dma_start3A_93] : memref<2x10000x128xf32, #tpu.memory_space<hbm>> -> memref<1x96x128xf32, #tpu.memory_space<hbm>>
        %dma_start3A_95 = tpu.memref_squeeze %dma_start3A_94 : memref<1x96x128xf32, #tpu.memory_space<hbm>> -> memref<96x128xf32, #tpu.memory_space<hbm>>
        tpu.enqueue_dma source(%arg20 : memref<96x128xf32, #tpu.memory_space<vmem>>) target(%dma_start3A_95 : memref<96x128xf32, #tpu.memory_space<hbm>>) target_semaphore(%run_scoped3A : memref<!tpu.dma_semaphore, #tpu.memory_space<semaphore_mem>>)
        %dma_wait3A_96 = arith.constant 0 : i32
        %dma_wait3A_97 = tpu.memref_slice %arg5[%arg0, %add3A_89, %dma_wait3A_96] : memref<2x10000x128xf32, #tpu.memory_space<hbm>> -> memref<1x96x128xf32, #tpu.memory_space<hbm>>
        %dma_wait3A_98 = tpu.memref_squeeze %dma_wait3A_97 : memref<1x96x128xf32, #tpu.memory_space<hbm>> -> memref<96x128xf32, #tpu.memory_space<hbm>>
        %dma_wait3A_99 = arith.constant 0 : i32
        %dma_wait3A_100 = tpu.memref_slice %arg5[%arg0, %add3A_89, %dma_wait3A_99] : memref<2x10000x128xf32, #tpu.memory_space<hbm>> -> memref<1x96x128xf32, #tpu.memory_space<hbm>>
        %dma_wait3A_101 = tpu.memref_squeeze %dma_wait3A_100 : memref<1x96x128xf32, #tpu.memory_space<hbm>> -> memref<96x128xf32, #tpu.memory_space<hbm>>
        tpu.wait_dma2 semaphore(%run_scoped3A : memref<!tpu.dma_semaphore, #tpu.memory_space<semaphore_mem>>) src(%arg20 : memref<96x128xf32, #tpu.memory_space<vmem>>) dst(%dma_wait3A_101 : memref<96x128xf32, #tpu.memory_space<hbm>>)
        tpu.yield
      }) : () -> ()
    }
    %scan3A_73 = arith.constant 6 : i32
    %add3A_74 = arith.constant 576 : i32
    %add3A_75 = arith.addi %multiple_of3A, %add3A_74 : i32
    "tpu.region"() ({
      %run_scoped3A = tpu.sem_alloc : memref<!tpu.dma_semaphore, #tpu.memory_space<semaphore_mem>>
      %dma_start3A_83 = arith.constant 0 : i32
      %dma_start3A_84 = arith.constant 0 : i32
      %dma_start3A_85 = tpu.memref_slice %arg20[%dma_start3A_83, %dma_start3A_84] : memref<96x128xf32, #tpu.memory_space<vmem>> -> memref<48x128xf32, #tpu.memory_space<vmem>>
      %dma_start3A_86 = arith.constant 0 : i32
      %dma_start3A_87 = tpu.memref_slice %arg6[%add3A_75, %dma_start3A_86] : memref<10008x128xf32, #tpu.memory_space<vmem_shared>> -> memref<48x128xf32, #tpu.memory_space<vmem_shared>>
      %dma_start3A_88 = arith.constant 0 : i32
      %dma_start3A_89 = arith.constant 0 : i32
      %dma_start3A_90 = tpu.memref_slice %arg20[%dma_start3A_88, %dma_start3A_89] : memref<96x128xf32, #tpu.memory_space<vmem>> -> memref<48x128xf32, #tpu.memory_space<vmem>>
      %dma_start3A_91 = arith.constant 0 : i32
      %dma_start3A_92 = tpu.memref_slice %arg6[%add3A_75, %dma_start3A_91] : memref<10008x128xf32, #tpu.memory_space<vmem_shared>> -> memref<48x128xf32, #tpu.memory_space<vmem_shared>>
      tpu.enqueue_dma source(%dma_start3A_92 : memref<48x128xf32, #tpu.memory_space<vmem_shared>>) target(%dma_start3A_90 : memref<48x128xf32, #tpu.memory_space<vmem>>) target_semaphore(%run_scoped3A : memref<!tpu.dma_semaphore, #tpu.memory_space<semaphore_mem>>)
      %dma_wait3A_93 = arith.constant 0 : i32
      %dma_wait3A_94 = arith.constant 0 : i32
      %dma_wait3A_95 = tpu.memref_slice %arg20[%dma_wait3A_93, %dma_wait3A_94] : memref<96x128xf32, #tpu.memory_space<vmem>> -> memref<48x128xf32, #tpu.memory_space<vmem>>
      %dma_wait3A_96 = arith.constant 0 : i32
      %dma_wait3A_97 = tpu.memref_slice %arg6[%add3A_75, %dma_wait3A_96] : memref<10008x128xf32, #tpu.memory_space<vmem_shared>> -> memref<48x128xf32, #tpu.memory_space<vmem_shared>>
      %dma_wait3A_98 = arith.constant 0 : i32
      %dma_wait3A_99 = arith.constant 0 : i32
      %dma_wait3A_100 = tpu.memref_slice %arg20[%dma_wait3A_98, %dma_wait3A_99] : memref<96x128xf32, #tpu.memory_space<vmem>> -> memref<48x128xf32, #tpu.memory_space<vmem>>
      %dma_wait3A_101 = arith.constant 0 : i32
      %dma_wait3A_102 = tpu.memref_slice %arg6[%add3A_75, %dma_wait3A_101] : memref<10008x128xf32, #tpu.memory_space<vmem_shared>> -> memref<48x128xf32, #tpu.memory_space<vmem_shared>>
      tpu.wait_dma2 semaphore(%run_scoped3A : memref<!tpu.dma_semaphore, #tpu.memory_space<semaphore_mem>>) src(%dma_wait3A_102 : memref<48x128xf32, #tpu.memory_space<vmem_shared>>) dst(%dma_wait3A_100 : memref<48x128xf32, #tpu.memory_space<vmem>>)
      tpu.yield
    }) : () -> ()
    %add3A_76 = arith.constant 576 : i32
    %add3A_77 = arith.addi %multiple_of3A, %add3A_76 : i32
    "tpu.region"() ({
      %run_scoped3A = tpu.sem_alloc : memref<!tpu.dma_semaphore, #tpu.memory_space<semaphore_mem>>
      %dma_start3A_83 = arith.constant 0 : i32
      %dma_start3A_84 = arith.constant 0 : i32
      %dma_start3A_85 = tpu.memref_slice %arg20[%dma_start3A_83, %dma_start3A_84] : memref<96x128xf32, #tpu.memory_space<vmem>> -> memref<48x128xf32, #tpu.memory_space<vmem>>
      %dma_start3A_86 = arith.constant 0 : i32
      %dma_start3A_87 = tpu.memref_slice %arg5[%arg0, %add3A_77, %dma_start3A_86] : memref<2x10000x128xf32, #tpu.memory_space<hbm>> -> memref<1x48x128xf32, #tpu.memory_space<hbm>>
      %dma_start3A_88 = tpu.memref_squeeze %dma_start3A_87 : memref<1x48x128xf32, #tpu.memory_space<hbm>> -> memref<48x128xf32, #tpu.memory_space<hbm>>
      %dma_start3A_89 = arith.constant 0 : i32
      %dma_start3A_90 = tpu.memref_slice %arg5[%arg0, %add3A_77, %dma_start3A_89] : memref<2x10000x128xf32, #tpu.memory_space<hbm>> -> memref<1x48x128xf32, #tpu.memory_space<hbm>>
      %dma_start3A_91 = tpu.memref_squeeze %dma_start3A_90 : memref<1x48x128xf32, #tpu.memory_space<hbm>> -> memref<48x128xf32, #tpu.memory_space<hbm>>
      %dma_start3A_92 = arith.constant 0 : i32
      %dma_start3A_93 = arith.constant 0 : i32
      %dma_start3A_94 = tpu.memref_slice %arg20[%dma_start3A_92, %dma_start3A_93] : memref<96x128xf32, #tpu.memory_space<vmem>> -> memref<48x128xf32, #tpu.memory_space<vmem>>
      tpu.enqueue_dma source(%dma_start3A_94 : memref<48x128xf32, #tpu.memory_space<vmem>>) target(%dma_start3A_91 : memref<48x128xf32, #tpu.memory_space<hbm>>) target_semaphore(%run_scoped3A : memref<!tpu.dma_semaphore, #tpu.memory_space<semaphore_mem>>)
      %dma_wait3A_95 = arith.constant 0 : i32
      %dma_wait3A_96 = arith.constant 0 : i32
      %dma_wait3A_97 = tpu.memref_slice %arg20[%dma_wait3A_95, %dma_wait3A_96] : memref<96x128xf32, #tpu.memory_space<vmem>> -> memref<48x128xf32, #tpu.memory_space<vmem>>
      %dma_wait3A_98 = arith.constant 0 : i32
      %dma_wait3A_99 = tpu.memref_slice %arg5[%arg0, %add3A_77, %dma_wait3A_98] : memref<2x10000x128xf32, #tpu.memory_space<hbm>> -> memref<1x48x128xf32, #tpu.memory_space<hbm>>
      %dma_wait3A_100 = tpu.memref_squeeze %dma_wait3A_99 : memref<1x48x128xf32, #tpu.memory_space<hbm>> -> memref<48x128xf32, #tpu.memory_space<hbm>>
      %dma_wait3A_101 = arith.constant 0 : i32
      %dma_wait3A_102 = tpu.memref_slice %arg5[%arg0, %add3A_77, %dma_wait3A_101] : memref<2x10000x128xf32, #tpu.memory_space<hbm>> -> memref<1x48x128xf32, #tpu.memory_space<hbm>>
      %dma_wait3A_103 = tpu.memref_squeeze %dma_wait3A_102 : memref<1x48x128xf32, #tpu.memory_space<hbm>> -> memref<48x128xf32, #tpu.memory_space<hbm>>
      %dma_wait3A_104 = arith.constant 0 : i32
      %dma_wait3A_105 = arith.constant 0 : i32
      %dma_wait3A_106 = tpu.memref_slice %arg20[%dma_wait3A_104, %dma_wait3A_105] : memref<96x128xf32, #tpu.memory_space<vmem>> -> memref<48x128xf32, #tpu.memory_space<vmem>>
      tpu.wait_dma2 semaphore(%run_scoped3A : memref<!tpu.dma_semaphore, #tpu.memory_space<semaphore_mem>>) src(%dma_wait3A_106 : memref<48x128xf32, #tpu.memory_space<vmem>>) dst(%dma_wait3A_103 : memref<48x128xf32, #tpu.memory_space<hbm>>)
      tpu.yield
    }) : () -> ()
    %eq3A_78 = arith.constant 0 : i32
    %eq3A_79 = arith.cmpi eq, %arg1, %eq3A_78 : i32
    %convert_element_type3A_80 = arith.extui %eq3A_79 : i1 to i32
    %cond3A_81 = arith.constant 0 : i32
    %cond3A_82 = arith.cmpi ne, %convert_element_type3A_80, %cond3A_81 : i32
    scf.if %cond3A_82 {
      "tpu.region"() ({
        %run_scoped3A = tpu.sem_alloc : memref<!tpu.dma_semaphore, #tpu.memory_space<semaphore_mem>>
        %dma_start3A_83 = arith.constant 0 : i32
        %dma_start3A_84 = arith.constant 0 : i32
        %dma_start3A_85 = tpu.memref_slice %arg20[%dma_start3A_83, %dma_start3A_84] : memref<96x128xf32, #tpu.memory_space<vmem>> -> memref<16x128xf32, #tpu.memory_space<vmem>>
        %dma_start3A_86 = arith.constant 9984 : i32
        %dma_start3A_87 = arith.constant 0 : i32
        %dma_start3A_88 = tpu.memref_slice %arg6[%dma_start3A_86, %dma_start3A_87] : memref<10008x128xf32, #tpu.memory_space<vmem_shared>> -> memref<16x128xf32, #tpu.memory_space<vmem_shared>>
        %dma_start3A_89 = arith.constant 0 : i32
        %dma_start3A_90 = arith.constant 0 : i32
        %dma_start3A_91 = tpu.memref_slice %arg20[%dma_start3A_89, %dma_start3A_90] : memref<96x128xf32, #tpu.memory_space<vmem>> -> memref<16x128xf32, #tpu.memory_space<vmem>>
        %dma_start3A_92 = arith.constant 9984 : i32
        %dma_start3A_93 = arith.constant 0 : i32
        %dma_start3A_94 = tpu.memref_slice %arg6[%dma_start3A_92, %dma_start3A_93] : memref<10008x128xf32, #tpu.memory_space<vmem_shared>> -> memref<16x128xf32, #tpu.memory_space<vmem_shared>>
        tpu.enqueue_dma source(%dma_start3A_94 : memref<16x128xf32, #tpu.memory_space<vmem_shared>>) target(%dma_start3A_91 : memref<16x128xf32, #tpu.memory_space<vmem>>) target_semaphore(%run_scoped3A : memref<!tpu.dma_semaphore, #tpu.memory_space<semaphore_mem>>)
        %dma_wait3A_95 = arith.constant 0 : i32
        %dma_wait3A_96 = arith.constant 0 : i32
        %dma_wait3A_97 = tpu.memref_slice %arg20[%dma_wait3A_95, %dma_wait3A_96] : memref<96x128xf32, #tpu.memory_space<vmem>> -> memref<16x128xf32, #tpu.memory_space<vmem>>
        %dma_wait3A_98 = arith.constant 9984 : i32
        %dma_wait3A_99 = arith.constant 0 : i32
        %dma_wait3A_100 = tpu.memref_slice %arg6[%dma_wait3A_98, %dma_wait3A_99] : memref<10008x128xf32, #tpu.memory_space<vmem_shared>> -> memref<16x128xf32, #tpu.memory_space<vmem_shared>>
        %dma_wait3A_101 = arith.constant 0 : i32
        %dma_wait3A_102 = arith.constant 0 : i32
        %dma_wait3A_103 = tpu.memref_slice %arg20[%dma_wait3A_101, %dma_wait3A_102] : memref<96x128xf32, #tpu.memory_space<vmem>> -> memref<16x128xf32, #tpu.memory_space<vmem>>
        %dma_wait3A_104 = arith.constant 9984 : i32
        %dma_wait3A_105 = arith.constant 0 : i32
        %dma_wait3A_106 = tpu.memref_slice %arg6[%dma_wait3A_104, %dma_wait3A_105] : memref<10008x128xf32, #tpu.memory_space<vmem_shared>> -> memref<16x128xf32, #tpu.memory_space<vmem_shared>>
        tpu.wait_dma2 semaphore(%run_scoped3A : memref<!tpu.dma_semaphore, #tpu.memory_space<semaphore_mem>>) src(%dma_wait3A_106 : memref<16x128xf32, #tpu.memory_space<vmem_shared>>) dst(%dma_wait3A_103 : memref<16x128xf32, #tpu.memory_space<vmem>>)
        tpu.yield
      }) : () -> ()
      "tpu.region"() ({
        %run_scoped3A = tpu.sem_alloc : memref<!tpu.dma_semaphore, #tpu.memory_space<semaphore_mem>>
        %dma_start3A_83 = arith.constant 0 : i32
        %dma_start3A_84 = arith.constant 0 : i32
        %dma_start3A_85 = tpu.memref_slice %arg20[%dma_start3A_83, %dma_start3A_84] : memref<96x128xf32, #tpu.memory_space<vmem>> -> memref<16x128xf32, #tpu.memory_space<vmem>>
        %dma_start3A_86 = arith.constant 9984 : i32
        %dma_start3A_87 = arith.constant 0 : i32
        %dma_start3A_88 = tpu.memref_slice %arg5[%arg0, %dma_start3A_86, %dma_start3A_87] : memref<2x10000x128xf32, #tpu.memory_space<hbm>> -> memref<1x16x128xf32, #tpu.memory_space<hbm>>
        %dma_start3A_89 = tpu.memref_squeeze %dma_start3A_88 : memref<1x16x128xf32, #tpu.memory_space<hbm>> -> memref<16x128xf32, #tpu.memory_space<hbm>>
        %dma_start3A_90 = arith.constant 9984 : i32
        %dma_start3A_91 = arith.constant 0 : i32
        %dma_start3A_92 = tpu.memref_slice %arg5[%arg0, %dma_start3A_90, %dma_start3A_91] : memref<2x10000x128xf32, #tpu.memory_space<hbm>> -> memref<1x16x128xf32, #tpu.memory_space<hbm>>
        %dma_start3A_93 = tpu.memref_squeeze %dma_start3A_92 : memref<1x16x128xf32, #tpu.memory_space<hbm>> -> memref<16x128xf32, #tpu.memory_space<hbm>>
        %dma_start3A_94 = arith.constant 0 : i32
        %dma_start3A_95 = arith.constant 0 : i32
        %dma_start3A_96 = tpu.memref_slice %arg20[%dma_start3A_94, %dma_start3A_95] : memref<96x128xf32, #tpu.memory_space<vmem>> -> memref<16x128xf32, #tpu.memory_space<vmem>>
        tpu.enqueue_dma source(%dma_start3A_96 : memref<16x128xf32, #tpu.memory_space<vmem>>) target(%dma_start3A_93 : memref<16x128xf32, #tpu.memory_space<hbm>>) target_semaphore(%run_scoped3A : memref<!tpu.dma_semaphore, #tpu.memory_space<semaphore_mem>>)
        %dma_wait3A_97 = arith.constant 0 : i32
        %dma_wait3A_98 = arith.constant 0 : i32
        %dma_wait3A_99 = tpu.memref_slice %arg20[%dma_wait3A_97, %dma_wait3A_98] : memref<96x128xf32, #tpu.memory_space<vmem>> -> memref<16x128xf32, #tpu.memory_space<vmem>>
        %dma_wait3A_100 = arith.constant 9984 : i32
        %dma_wait3A_101 = arith.constant 0 : i32
        %dma_wait3A_102 = tpu.memref_slice %arg5[%arg0, %dma_wait3A_100, %dma_wait3A_101] : memref<2x10000x128xf32, #tpu.memory_space<hbm>> -> memref<1x16x128xf32, #tpu.memory_space<hbm>>
        %dma_wait3A_103 = tpu.memref_squeeze %dma_wait3A_102 : memref<1x16x128xf32, #tpu.memory_space<hbm>> -> memref<16x128xf32, #tpu.memory_space<hbm>>
        %dma_wait3A_104 = arith.constant 9984 : i32
        %dma_wait3A_105 = arith.constant 0 : i32
        %dma_wait3A_106 = tpu.memref_slice %arg5[%arg0, %dma_wait3A_104, %dma_wait3A_105] : memref<2x10000x128xf32, #tpu.memory_space<hbm>> -> memref<1x16x128xf32, #tpu.memory_space<hbm>>
        %dma_wait3A_107 = tpu.memref_squeeze %dma_wait3A_106 : memref<1x16x128xf32, #tpu.memory_space<hbm>> -> memref<16x128xf32, #tpu.memory_space<hbm>>
        %dma_wait3A_108 = arith.constant 0 : i32
        %dma_wait3A_109 = arith.constant 0 : i32
        %dma_wait3A_110 = tpu.memref_slice %arg20[%dma_wait3A_108, %dma_wait3A_109] : memref<96x128xf32, #tpu.memory_space<vmem>> -> memref<16x128xf32, #tpu.memory_space<vmem>>
        tpu.wait_dma2 semaphore(%run_scoped3A : memref<!tpu.dma_semaphore, #tpu.memory_space<semaphore_mem>>) src(%dma_wait3A_110 : memref<16x128xf32, #tpu.memory_space<vmem>>) dst(%dma_wait3A_107 : memref<16x128xf32, #tpu.memory_space<hbm>>)
        tpu.yield
      }) : () -> ()
    } else {
    }
    return
  }
}

module attributes {stable_mosaic.version = 14 : i64} {
  func.func @body(%arg0: i32, %arg1: memref<400x128xf32, #tpu.memory_space<vmem>>, %arg2: memref<2x400x128xf32, #tpu.memory_space<vmem>>, %arg3: memref<2x400x128xf32, #tpu.memory_space<vmem>>, %arg4: memref<128x128xf32, #tpu.memory_space<vmem>>, %arg5: memref<128x128xf32, #tpu.memory_space<vmem>>, %arg6: memref<1x128xf32, #tpu.memory_space<vmem>>, %arg7: memref<128x16xf32, #tpu.memory_space<vmem>>, %arg8: memref<1x16xf32, #tpu.memory_space<vmem>>, %arg9: memref<400x128xf32, #tpu.memory_space<vmem>>, %arg10: memref<400x128xf32, #tpu.memory_space<vmem>>, %arg11: memref<400x16xf32, #tpu.memory_space<vmem>>) attributes {dimension_semantics = [#tpu.dimension_semantics<arbitrary>], iteration_bounds = array<i64: 25>, scalar_prefetch = 0 : i64, scratch_operands = 0 : i64, tpu.core_type = #tpu.core_type<tc>, window_params = [{transform_indices = @transform_0, window_bounds = array<i64: 400, 128>}, {transform_indices = @transform_1, window_bounds = array<i64: 2, 400, 128>}, {transform_indices = @transform_2, window_bounds = array<i64: 2, 400, 128>}, {pipeline_mode = #tpu.pipeline_mode<synchronous>, transform_indices = @transform_3, window_bounds = array<i64: 128, 128>}, {pipeline_mode = #tpu.pipeline_mode<synchronous>, transform_indices = @transform_4, window_bounds = array<i64: 128, 128>}, {pipeline_mode = #tpu.pipeline_mode<synchronous>, transform_indices = @transform_5, window_bounds = array<i64: 1, 128>}, {pipeline_mode = #tpu.pipeline_mode<synchronous>, transform_indices = @transform_6, window_bounds = array<i64: 128, 16>}, {pipeline_mode = #tpu.pipeline_mode<synchronous>, transform_indices = @transform_7, window_bounds = array<i64: 1, 16>}, {transform_indices = @transform_8, window_bounds = array<i64: 400, 128>}, {transform_indices = @transform_9, window_bounds = array<i64: 400, 128>}, {transform_indices = @transform_10, window_bounds = array<i64: 400, 16>}]} {
    %get3A = arith.constant 0 : index
    %get3A_0 = arith.constant 0 : index
    %get3A_1 = arith.constant 0 : index
    %get3A_2 = vector.load %arg3[%get3A, %get3A_0, %get3A_1] : memref<2x400x128xf32, #tpu.memory_space<vmem>>, vector<2x400x128xf32>
    %slice3A = vector.extract_strided_slice %get3A_2 {offsets = [0, 0, 0], sizes = [1, 400, 1], strides = [1, 1, 1]} : vector<2x400x128xf32> to vector<1x400x1xf32>
    %squeeze3A = vector.shape_cast %slice3A : vector<1x400x1xf32> to vector<400x1xf32>
    %slice3A_3 = vector.extract_strided_slice %get3A_2 {offsets = [1, 0, 0], sizes = [1, 400, 1], strides = [1, 1, 1]} : vector<2x400x128xf32> to vector<1x400x1xf32>
    %squeeze3A_4 = vector.shape_cast %slice3A_3 : vector<1x400x1xf32> to vector<400x1xf32>
    %add3A = arith.addf %squeeze3A, %squeeze3A_4 : vector<400x1xf32>
    %max3A = arith.constant 1.000000e+00 : f32
    %max3A_5 = vector.broadcast %max3A : f32 to vector<400x1xf32>
    %max3A_6 = arith.maximumf %add3A, %max3A_5 : vector<400x1xf32>
    %get3A_7 = arith.constant 0 : index
    %get3A_8 = arith.constant 0 : index
    %get3A_9 = arith.constant 0 : index
    %get3A_10 = vector.load %arg2[%get3A_7, %get3A_8, %get3A_9] : memref<2x400x128xf32, #tpu.memory_space<vmem>>, vector<2x400x128xf32>
    %slice3A_11 = vector.extract_strided_slice %get3A_10 {offsets = [0, 0, 0], sizes = [1, 400, 128], strides = [1, 1, 1]} : vector<2x400x128xf32> to vector<1x400x128xf32>
    %squeeze3A_12 = vector.shape_cast %slice3A_11 : vector<1x400x128xf32> to vector<400x128xf32>
    %slice3A_13 = vector.extract_strided_slice %get3A_10 {offsets = [1, 0, 0], sizes = [1, 400, 128], strides = [1, 1, 1]} : vector<2x400x128xf32> to vector<1x400x128xf32>
    %squeeze3A_14 = vector.shape_cast %slice3A_13 : vector<1x400x128xf32> to vector<400x128xf32>
    %add3A_15 = arith.addf %squeeze3A_12, %squeeze3A_14 : vector<400x128xf32>
    %div3A = vector.broadcast %max3A_6 : vector<400x1xf32> to vector<400x128xf32>
    %div3A_16 = arith.divf %add3A_15, %div3A : vector<400x128xf32>
    %get3A_17 = arith.constant 0 : index
    %get3A_18 = arith.constant 0 : index
    %get3A_19 = vector.load %arg1[%get3A_17, %get3A_18] : memref<400x128xf32, #tpu.memory_space<vmem>>, vector<400x128xf32>
    %get3A_20 = arith.constant 0 : index
    %get3A_21 = arith.constant 0 : index
    %get3A_22 = vector.load %arg4[%get3A_20, %get3A_21] : memref<128x128xf32, #tpu.memory_space<vmem>>, vector<128x128xf32>
    %dot_general3A = arith.constant dense<0.000000e+00> : vector<400x128xf32>
    %dot_general3A_23 = tpu.matmul %get3A_19, %get3A_22, %dot_general3A {dimension_numbers = #tpu.dot_dimension_numbers<[1], [0], [0], [1], [0, 0, 1, 1], [], []>, transpose_lhs_hint = false} : vector<400x128xf32>, vector<128x128xf32>, vector<400x128xf32> -> vector<400x128xf32>
    %get3A_24 = arith.constant 0 : index
    %get3A_25 = arith.constant 0 : index
    %get3A_26 = vector.load %arg5[%get3A_24, %get3A_25] : memref<128x128xf32, #tpu.memory_space<vmem>>, vector<128x128xf32>
    %dot_general3A_27 = arith.constant dense<0.000000e+00> : vector<400x128xf32>
    %dot_general3A_28 = tpu.matmul %div3A_16, %get3A_26, %dot_general3A_27 {dimension_numbers = #tpu.dot_dimension_numbers<[1], [0], [0], [1], [0, 0, 1, 1], [], []>, transpose_lhs_hint = false} : vector<400x128xf32>, vector<128x128xf32>, vector<400x128xf32> -> vector<400x128xf32>
    %add3A_29 = arith.addf %dot_general3A_23, %dot_general3A_28 : vector<400x128xf32>
    %get3A_30 = arith.constant 0 : index
    %get3A_31 = arith.constant 0 : index
    %get3A_32 = vector.load %arg6[%get3A_30, %get3A_31] : memref<1x128xf32, #tpu.memory_space<vmem>>, vector<1x128xf32>
    %add3A_33 = vector.broadcast %get3A_32 : vector<1x128xf32> to vector<400x128xf32>
    %add3A_34 = arith.addf %add3A_29, %add3A_33 : vector<400x128xf32>
    %swap3A = arith.constant 0 : index
    %swap3A_35 = arith.constant 0 : index
    %swap3A_36 = vector.load %arg9[%swap3A, %swap3A_35] : memref<400x128xf32, #tpu.memory_space<vmem>>, vector<400x128xf32>
    tpu.vector_store %arg9[%swap3A, %swap3A_35], %add3A_34 {strides = array<i32>} : memref<400x128xf32, #tpu.memory_space<vmem>>, vector<400x128xf32>,
    %max3A_37 = arith.constant 0.000000e+00 : f32
    %max3A_38 = vector.broadcast %max3A_37 : f32 to vector<400x128xf32>
    %max3A_39 = arith.maximumf %add3A_34, %max3A_38 : vector<400x128xf32>
    %swap3A_40 = arith.constant 0 : index
    %swap3A_41 = arith.constant 0 : index
    %swap3A_42 = vector.load %arg10[%swap3A_40, %swap3A_41] : memref<400x128xf32, #tpu.memory_space<vmem>>, vector<400x128xf32>
    tpu.vector_store %arg10[%swap3A_40, %swap3A_41], %max3A_39 {strides = array<i32>} : memref<400x128xf32, #tpu.memory_space<vmem>>, vector<400x128xf32>,
    %get3A_43 = arith.constant 0 : index
    %get3A_44 = arith.constant 0 : index
    %get3A_45 = vector.load %arg7[%get3A_43, %get3A_44] : memref<128x16xf32, #tpu.memory_space<vmem>>, vector<128x16xf32>
    %dot_general3A_46 = arith.constant dense<0.000000e+00> : vector<400x16xf32>
    %dot_general3A_47 = tpu.matmul %max3A_39, %get3A_45, %dot_general3A_46 {dimension_numbers = #tpu.dot_dimension_numbers<[1], [0], [0], [1], [0, 0, 1, 1], [], []>, transpose_lhs_hint = false} : vector<400x128xf32>, vector<128x16xf32>, vector<400x16xf32> -> vector<400x16xf32>
    %get3A_48 = arith.constant 0 : index
    %get3A_49 = arith.constant 0 : index
    %get3A_50 = vector.load %arg8[%get3A_48, %get3A_49] : memref<1x16xf32, #tpu.memory_space<vmem>>, vector<1x16xf32>
    %add3A_51 = vector.broadcast %get3A_50 : vector<1x16xf32> to vector<400x16xf32>
    %add3A_52 = arith.addf %dot_general3A_47, %add3A_51 : vector<400x16xf32>
    %swap3A_53 = arith.constant 0 : index
    %swap3A_54 = arith.constant 0 : index
    %swap3A_55 = vector.load %arg11[%swap3A_53, %swap3A_54] : memref<400x16xf32, #tpu.memory_space<vmem>>, vector<400x16xf32>
    tpu.vector_store %arg11[%swap3A_53, %swap3A_54], %add3A_52 {strides = array<i32>} : memref<400x16xf32, #tpu.memory_space<vmem>>, vector<400x16xf32>,
    return
  }
  func.func @transform_0(%arg0: i32) -> (i32, i32) {
    %c0_i32 = arith.constant 0 : i32
    %c0_i32_0 = arith.constant 0 : i32
    return %arg0, %c0_i32 : i32, i32
  }
  func.func @transform_1(%arg0: i32) -> (i32, i32, i32) {
    %c0_i32 = arith.constant 0 : i32
    %c0_i32_0 = arith.constant 0 : i32
    %c0_i32_1 = arith.constant 0 : i32
    return %c0_i32, %arg0, %c0_i32_0 : i32, i32, i32
  }
  func.func @transform_2(%arg0: i32) -> (i32, i32, i32) {
    %c0_i32 = arith.constant 0 : i32
    %c0_i32_0 = arith.constant 0 : i32
    %c0_i32_1 = arith.constant 0 : i32
    return %c0_i32, %arg0, %c0_i32_0 : i32, i32, i32
  }
  func.func @transform_3(%arg0: i32) -> (i32, i32) {
    %c0_i32 = arith.constant 0 : i32
    %c0_i32_0 = arith.constant 0 : i32
    %c0_i32_1 = arith.constant 0 : i32
    return %c0_i32, %c0_i32_0 : i32, i32
  }
  func.func @transform_4(%arg0: i32) -> (i32, i32) {
    %c0_i32 = arith.constant 0 : i32
    %c0_i32_0 = arith.constant 0 : i32
    %c0_i32_1 = arith.constant 0 : i32
    return %c0_i32, %c0_i32_0 : i32, i32
  }
  func.func @transform_5(%arg0: i32) -> (i32, i32) {
    %c0_i32 = arith.constant 0 : i32
    %c0_i32_0 = arith.constant 0 : i32
    %c0_i32_1 = arith.constant 0 : i32
    return %c0_i32, %c0_i32_0 : i32, i32
  }
  func.func @transform_6(%arg0: i32) -> (i32, i32) {
    %c0_i32 = arith.constant 0 : i32
    %c0_i32_0 = arith.constant 0 : i32
    %c0_i32_1 = arith.constant 0 : i32
    return %c0_i32, %c0_i32_0 : i32, i32
  }
  func.func @transform_7(%arg0: i32) -> (i32, i32) {
    %c0_i32 = arith.constant 0 : i32
    %c0_i32_0 = arith.constant 0 : i32
    %c0_i32_1 = arith.constant 0 : i32
    return %c0_i32, %c0_i32_0 : i32, i32
  }
  func.func @transform_8(%arg0: i32) -> (i32, i32) {
    %c0_i32 = arith.constant 0 : i32
    %c0_i32_0 = arith.constant 0 : i32
    return %arg0, %c0_i32 : i32, i32
  }
  func.func @transform_9(%arg0: i32) -> (i32, i32) {
    %c0_i32 = arith.constant 0 : i32
    %c0_i32_0 = arith.constant 0 : i32
    return %arg0, %c0_i32 : i32, i32
  }
  func.func @transform_10(%arg0: i32) -> (i32, i32) {
    %c0_i32 = arith.constant 0 : i32
    %c0_i32_0 = arith.constant 0 : i32
    return %arg0, %c0_i32 : i32, i32
  }
}

module attributes {stable_mosaic.version = 14 : i64} {
  func.func @body(%arg0: i32, %arg1: memref<400x16xf32, #tpu.memory_space<vmem>>, %arg2: memref<2x400x128xf32, #tpu.memory_space<vmem>>, %arg3: memref<2x400x128xf32, #tpu.memory_space<vmem>>, %arg4: memref<128x16xf32, #tpu.memory_space<vmem>>, %arg5: memref<400x16xf32, #tpu.memory_space<vmem>>) attributes {dimension_semantics = [#tpu.dimension_semantics<arbitrary>], iteration_bounds = array<i64: 25>, scalar_prefetch = 0 : i64, scratch_operands = 0 : i64, tpu.core_type = #tpu.core_type<tc>, window_params = [{transform_indices = @transform_0, window_bounds = array<i64: 400, 16>}, {transform_indices = @transform_1, window_bounds = array<i64: 2, 400, 128>}, {transform_indices = @transform_2, window_bounds = array<i64: 2, 400, 128>}, {pipeline_mode = #tpu.pipeline_mode<synchronous>, transform_indices = @transform_3, window_bounds = array<i64: 128, 16>}, {transform_indices = @transform_4, window_bounds = array<i64: 400, 16>}]} {
    %get3A = arith.constant 0 : index
    %get3A_0 = arith.constant 0 : index
    %get3A_1 = arith.constant 0 : index
    %get3A_2 = vector.load %arg3[%get3A, %get3A_0, %get3A_1] : memref<2x400x128xf32, #tpu.memory_space<vmem>>, vector<2x400x128xf32>
    %slice3A = vector.extract_strided_slice %get3A_2 {offsets = [0, 0, 0], sizes = [1, 400, 1], strides = [1, 1, 1]} : vector<2x400x128xf32> to vector<1x400x1xf32>
    %squeeze3A = vector.shape_cast %slice3A : vector<1x400x1xf32> to vector<400x1xf32>
    %slice3A_3 = vector.extract_strided_slice %get3A_2 {offsets = [1, 0, 0], sizes = [1, 400, 1], strides = [1, 1, 1]} : vector<2x400x128xf32> to vector<1x400x1xf32>
    %squeeze3A_4 = vector.shape_cast %slice3A_3 : vector<1x400x1xf32> to vector<400x1xf32>
    %add3A = arith.addf %squeeze3A, %squeeze3A_4 : vector<400x1xf32>
    %max3A = arith.constant 1.000000e+00 : f32
    %max3A_5 = vector.broadcast %max3A : f32 to vector<400x1xf32>
    %max3A_6 = arith.maximumf %add3A, %max3A_5 : vector<400x1xf32>
    %get3A_7 = arith.constant 0 : index
    %get3A_8 = arith.constant 0 : index
    %get3A_9 = arith.constant 0 : index
    %get3A_10 = vector.load %arg2[%get3A_7, %get3A_8, %get3A_9] : memref<2x400x128xf32, #tpu.memory_space<vmem>>, vector<2x400x128xf32>
    %slice3A_11 = vector.extract_strided_slice %get3A_10 {offsets = [0, 0, 0], sizes = [1, 400, 128], strides = [1, 1, 1]} : vector<2x400x128xf32> to vector<1x400x128xf32>
    %squeeze3A_12 = vector.shape_cast %slice3A_11 : vector<1x400x128xf32> to vector<400x128xf32>
    %slice3A_13 = vector.extract_strided_slice %get3A_10 {offsets = [1, 0, 0], sizes = [1, 400, 128], strides = [1, 1, 1]} : vector<2x400x128xf32> to vector<1x400x128xf32>
    %squeeze3A_14 = vector.shape_cast %slice3A_13 : vector<1x400x128xf32> to vector<400x128xf32>
    %add3A_15 = arith.addf %squeeze3A_12, %squeeze3A_14 : vector<400x128xf32>
    %div3A = vector.broadcast %max3A_6 : vector<400x1xf32> to vector<400x128xf32>
    %div3A_16 = arith.divf %add3A_15, %div3A : vector<400x128xf32>
    %get3A_17 = arith.constant 0 : index
    %get3A_18 = arith.constant 0 : index
    %get3A_19 = vector.load %arg1[%get3A_17, %get3A_18] : memref<400x16xf32, #tpu.memory_space<vmem>>, vector<400x16xf32>
    %get3A_20 = arith.constant 0 : index
    %get3A_21 = arith.constant 0 : index
    %get3A_22 = vector.load %arg4[%get3A_20, %get3A_21] : memref<128x16xf32, #tpu.memory_space<vmem>>, vector<128x16xf32>
    %dot_general3A = arith.constant dense<0.000000e+00> : vector<400x16xf32>
    %dot_general3A_23 = tpu.matmul %div3A_16, %get3A_22, %dot_general3A {dimension_numbers = #tpu.dot_dimension_numbers<[1], [0], [0], [1], [0, 0, 1, 1], [], []>, transpose_lhs_hint = false} : vector<400x128xf32>, vector<128x16xf32>, vector<400x16xf32> -> vector<400x16xf32>
    %add3A_24 = arith.addf %get3A_19, %dot_general3A_23 : vector<400x16xf32>
    %swap3A = arith.constant 0 : index
    %swap3A_25 = arith.constant 0 : index
    %swap3A_26 = vector.load %arg5[%swap3A, %swap3A_25] : memref<400x16xf32, #tpu.memory_space<vmem>>, vector<400x16xf32>
    tpu.vector_store %arg5[%swap3A, %swap3A_25], %add3A_24 {strides = array<i32>} : memref<400x16xf32, #tpu.memory_space<vmem>>, vector<400x16xf32>,
    return
  }
  func.func @transform_0(%arg0: i32) -> (i32, i32) {
    %c0_i32 = arith.constant 0 : i32
    %c0_i32_0 = arith.constant 0 : i32
    return %arg0, %c0_i32 : i32, i32
  }
  func.func @transform_1(%arg0: i32) -> (i32, i32, i32) {
    %c0_i32 = arith.constant 0 : i32
    %c0_i32_0 = arith.constant 0 : i32
    %c0_i32_1 = arith.constant 0 : i32
    return %c0_i32, %arg0, %c0_i32_0 : i32, i32, i32
  }
  func.func @transform_2(%arg0: i32) -> (i32, i32, i32) {
    %c0_i32 = arith.constant 0 : i32
    %c0_i32_0 = arith.constant 0 : i32
    %c0_i32_1 = arith.constant 0 : i32
    return %c0_i32, %arg0, %c0_i32_0 : i32, i32, i32
  }
  func.func @transform_3(%arg0: i32) -> (i32, i32) {
    %c0_i32 = arith.constant 0 : i32
    %c0_i32_0 = arith.constant 0 : i32
    %c0_i32_1 = arith.constant 0 : i32
    return %c0_i32, %c0_i32_0 : i32, i32
  }
  func.func @transform_4(%arg0: i32) -> (i32, i32) {
    %c0_i32 = arith.constant 0 : i32
    %c0_i32_0 = arith.constant 0 : i32
    return %arg0, %c0_i32 : i32, i32
  }
}

</mosaic_0001>

<sc_bundles>
// kernel: kernel.6.cloned.1.call-start
scs
__scs_entry_jumppad:
0x0: {  	(pc) =	sbr.rel $0x88, $3  }
0x1: {  	(tag) =	ssettag $0x0;
	lr =	simm.s32 $0x1  }
0x2: {  	[smem:$0x3F99] =	sst lr;
	_ =	strace $0xD0000000  }
0x3: {  	_ = 	snop  }
0x4: {  	_ = 	snop  }
0x5: {  	_ = 	snop  }
0x6: {  	_ = 	snop  }
0x7: {  	_ = 	snop  }
__scs_overlays_trampoline_lowered:
0x8: {  	[smem:$0x3FA8] =	sst s0  }
0x9: {  	[smem:$0x3FA9] =	sst s1  }
0xa: {  	[smem:$0x3FAA] =	sst s2  }
0xb: {  	[smem:$0x3FAB] =	sst s3  }
0xc: {  	[smem:$0x3FAC] =	sst s4  }
0xd: {  	[smem:$0x3FAD] =	sst s5  }
0xe: {  	[smem:$0x3FAE] =	sst s6  }
0xf: {  	[smem:$0x3FAF] =	sst s7  }
0x10: {  	[smem:$0x3FB0] =	sst s8  }
0x11: {  	[smem:$0x3FB1] =	sst s9;
	s0 =	simm.s32 @!p0 $0x0  }
0x12: {  	s1 =	sld [smem:$0x3F97];
	s0 =	simm.s32 @p0 $0x1  }
0x13: {  	[smem:$0x3FB2] =	sst s0;
	s0 =	simm.s32 @!p1 $0x0  }
0x14: {  	s2 =	sld [smem:$0x3F96];
	s0 =	simm.s32 @p1 $0x1  }
0x15: {  	[smem:$0x3FB3] =	sst s0;
	s0 =	simm.s32 @!p2 $0x0  }
0x16: {  	s3 =	sld [smem:$0x3FDB];
	s0 =	simm.s32 @p2 $0x1  }
0x17: {  	s4 =	simm.s32 $0x1BF5;
	[smem:$0x3FB5] =	sst s0  }
0x18: {  	s0 =	sld [smem:$0x3F98];
	_ =	swait.ge [sflag:s4], $0x0  }
0x19: {  	s7 =	sld [smem:$0x3F99]  }
0x1a: {  	s8 =	sadd.s32 $0xFFFFE003, lr  }
0x1b: {  	s9 =	sadd.s32 $0xFFFFFEF7, lr;
	s5 =	simm.s32 $0xFFFFFFFF;
	p2 =	slt.u32 s8, $0xFFFFF086  }
0x1c: {  	p1 =	slt.u32 s9, $0xF7A;
	s5 =	simm.s32 @!p2 $0x0  }
0x1d: {  	s5 =	simm.s32 @p1 $0x1;
	p0 =	seq.s32 s7, s2  }
0x1e: {  	s7 =	smul.u32 @!p0 $0xF7A, s2;
	p2 =	seq.s32 @!p0 s5, $0x0  }
0x1f: {  	s9 =	smul.u32 $0xF7A, s1;
	s8 =	simm.s32 @!p0 $0x1BF5;
	p2 =	por !p2, p0  }
0x20: {  	[sflag:s8] =	ssyncset.s32 @!p0 $0xFFFFF086;
	s6 =	sadd.s32 @!p0 s3, s7;
	s7 =	simm.s32 @!p0 $0x108  }
0x21: {  	s3 =	sadd.s32 s3, s9;
	s6 =	sadd.s32 @!p0 $0x88, s6;
	s7 =	simm.s32 @p2 $0x1082  }
0x22: {  	[simem:s7], [sflag:s8] =	dma.local @!p0 [hbm:s6], $0xF7A  }
0x23: {  	s9 =	sor.u32 $0xD0000000, s2;
	s6 =	simm.s32 $0x108;
	_ =	swait.ge @!p0 [sflag:s8], $0x0  }
0x24: {  	s3 =	sadd.s32 $0x88, s3;
	s6 =	simm.s32 @!p1 $0x1082;
	[sflag:s4] =	ssyncset.s32 $0xFFFFF086  }
0x25: {  	[simem:s6], [sflag:s4] =	dma.local [hbm:s3], $0xF7A  }
0x26: {  	[smem:$0x3F99] =	sst s1;
	(tag) =	ssettag s2;
	_ =	strace s9  }
0x27: {  	s1 =	sld [smem:$0x3FA9]  }
0x28: {  	s2 =	sld [smem:$0x3FAA]  }
0x29: {  	s4 =	sld [smem:$0x3FAC]  }
0x2a: {  	p0 =	seq.s32 s5, $0x0;
	s5 =	sld [smem:$0x3FAD]  }
0x2b: {  	s6 =	sld [smem:$0x3FAE]  }
0x2c: {  	s7 =	sld [smem:$0x3FAF]  }
0x2d: {  	s3 =	simm.s32 $0x108;
	s8 =	sld [smem:$0x3FB0]  }
0x2e: {  	s3 =	simm.s32 @!p0 $0x1082;
	s9 =	sld [smem:$0x3FB1]  }
0x2f: {  	lr =	sadd.s32 s0, s3;
	s0 =	sld [smem:$0x3FA8]  }
0x30: {  	s3 =	sld [smem:$0x3FAB]  }
0x31: {  	[smem:$0x3FB4] =	sst s10  }
0x32: {  	s10 =	sld [smem:$0x3FB2];
	_ =	sdelay $0x3  }
0x33: {  	p0 =	seq.s32 s10, $0x1;
	s10 =	sld [smem:$0x3FB4];
	_ =	sdelay $0x3  }
0x34: {  	[smem:$0x3FB4] =	sst s10  }
0x35: {  	s10 =	sld [smem:$0x3FB3];
	_ =	sdelay $0x3  }
0x36: {  	p1 =	seq.s32 s10, $0x1;
	s10 =	sld [smem:$0x3FB4];
	_ =	sdelay $0x3  }
0x37: {  	[smem:$0x3FB4] =	sst s10  }
0x38: {  	s10 =	sld [smem:$0x3FB5]  }
0x39: {  	_ = 	snop;
	(pc) =	sbr.ind lr, $3  }
0x3a: {  	_ = 	snop  }
0x3b: {  	_ = 	snop  }
0x3c: {  	p2 =	seq.s32 s10, $0x1;
	s10 =	sld [smem:$0x3FB4]  }
0x3d: {  	_ =	shalt  }
0x3e: {  	_ =	shalt  }
0x3f: {  	_ =	shalt  }
0x40: {  	_ =	shalt  }
0x41: {  	_ =	shalt  }
0x42: {  	_ =	shalt  }
0x43: {  	_ =	shalt  }
0x44: {  	_ =	shalt  }
0x45: {  	_ =	shalt  }
0x46: {  	_ =	shalt  }
0x47: {  	_ =	shalt  }
0x48: {  	_ =	shalt  }
0x49: {  	_ =	shalt  }
0x4a: {  	_ =	shalt  }
0x4b: {  	_ =	shalt  }
0x4c: {  	_ =	shalt  }
0x4d: {  	_ =	shalt  }
0x4e: {  	_ =	shalt  }
0x4f: {  	_ =	shalt  }
0x50: {  	_ =	shalt  }
0x51: {  	_ =	shalt  }
0x52: {  	_ =	shalt  }
0x53: {  	_ =	shalt  }
0x54: {  	_ =	shalt  }
0x55: {  	_ =	shalt  }
0x56: {  	_ =	shalt  }
0x57: {  	_ =	shalt  }
0x58: {  	_ =	shalt  }
0x59: {  	_ =	shalt  }
0x5a: {  	_ =	shalt  }
0x5b: {  	_ =	shalt  }
0x5c: {  	_ =	shalt  }
0x5d: {  	_ =	shalt  }
0x5e: {  	_ =	shalt  }
0x5f: {  	_ =	shalt  }
0x60: {  	_ =	shalt  }
0x61: {  	_ =	shalt  }
0x62: {  	_ =	shalt  }
0x63: {  	_ =	shalt  }
0x64: {  	_ =	shalt  }
0x65: {  	_ =	shalt  }
0x66: {  	_ =	shalt  }
0x67: {  	_ =	shalt  }
0x68: {  	_ =	shalt  }
0x69: {  	_ =	shalt  }
0x6a: {  	_ =	shalt  }
0x6b: {  	_ =	shalt  }
0x6c: {  	_ =	shalt  }
0x6d: {  	_ =	shalt  }
0x6e: {  	_ =	shalt  }
0x6f: {  	_ =	shalt  }
0x70: {  	_ =	shalt  }
0x71: {  	_ =	shalt  }
0x72: {  	_ =	shalt  }
0x73: {  	_ =	shalt  }
0x74: {  	_ =	shalt  }
0x75: {  	_ =	shalt  }
0x76: {  	_ =	shalt  }
0x77: {  	_ =	shalt  }
0x78: {  	_ =	shalt  }
0x79: {  	_ =	shalt  }
0x7a: {  	_ =	shalt  }
0x7b: {  	_ =	shalt  }
0x7c: {  	_ =	shalt  }
0x7d: {  	_ =	shalt  }
0x7e: {  	_ =	shalt  }
0x7f: {  	_ =	shalt  }
0x80: {  	_ =	shalt  }
0x81: {  	_ =	shalt  }
0x82: {  	_ =	shalt  }
0x83: {  	_ =	shalt  }
0x84: {  	_ =	shalt  }
0x85: {  	_ =	shalt  }
0x86: {  	_ =	shalt  }
0x87: {  	_ =	shalt  }
.Lfunc_end0:
.L_simem_size_0:
called_computation_lowered:
.L_overlay_start_0:
0x88: {  	s2 =	sld [smem:$0x3FD9]  }
0x89: {  	s3 =	sld [smem:$0x3FFE];
	_ =	sdelay $0x1  }
0x8a: {  	s1 =	srdreg.scid  }
0x8b: {  	s0 =	sand.u32 $0x1, s1  }
0x8c: {  	s17 =	sshll.u32 s0, $0xA;
	s2 =	sadd.s32 s3, s2  }
0x8d: {  	s2 =	sadd.s32 s2, s17  }
0x8e: {  	[smem:$0x3FC0] =	sst s2  }
0x8f: {  	_ = 	snop  }
0x90: {  	s2 =	sld [smem:$0x3FC9];
	(tm) =	ssettm $0x1  }
0x91: {  	s18 =	sld [smem:$0x3FFB];
	_ =	sdelay $0x3  }
0x92: {  	_ =	strace s18  }
0x93: {  	s3 =	sld [smem:$0x3FFC];
	_ =	sdelay $0x3  }
0x94: {  	_ =	strace s3  }
0x95: {  	s3 =	sld [smem:$0x3FFD];
	_ =	sdelay $0x3  }
0x96: {  	_ =	strace s3  }
0x97: {  	_ =	strace $0x8FFFFFFF  }
0x98: {  	s19 =	sld [smem:$0x3FDB];
	_ =	sdelay $0x1  }
0x99: {  	s4 =	simm.s32 $_scs_section_size  }
0x9a: {  	s5 =	simm.s32 $_size__tile_overlayer_lowered;
	s6 =	simm.s32 $_tile_overlayer_lowered  }
0x9b: {  	s22 =	simm.s32 $0x1BFF;
	s21 =	sshll.u32 s6, $0x1;
	s3 =	sadd.s32 s4, s19  }
0x9c: {  	s7 =	simm.s32 $0x0;
	s20 =	sshll.u32 s5, $0x1;
	s5 =	sadd.s32 s21, s3  }
0x9d: {  	[timem:s7], [sflag:s22] =	dma.local [hbm:s5], s20  }
0x9e: {  	_ =	swait.ge [sflag:s22], s20  }
0x9f: {  	s4 =	ssub.s32 $0x0, s20;
	[sflag:s22] =	ssyncset.done $0x0  }
0xa0: {  	[sflag:s22] =	ssyncadd.s32 s4;
	_ =	sdelay $0x1  }
0xa1: {  	s23 =	simm.s32 $0x1B8B  }
0xa2: {  	_ =	swait.ge [sflag:s23], $0x1  }
0xa3: {  	[sflag:s23] =	ssyncset.done $0x0  }
0xa4: {  	s25 =	simm.s32 $0x1B8E;
	s24 =	sld [smem:$0x3FFE];
	[sflag:s23] =	ssyncadd.s32 $0xFFFFFFFF  }
0xa5: {  	s26 =	simm.s32 $execute0_lowered;
	[smem:$0x3FD2] =	sst s25  }
0xa6: {  	s5 =	sshll.u32 s26, $0x1;
	_ =	strace $0x80000046;
	[dreg:$0x1] =	wrdreg $0xFFFFFFFF  }
0xa7: {  	s28 =	simm.s32 $_size_execute0_lowered;
	s3 =	sadd.s32 s3, s5;
	[dreg:$0x0] =	wrdreg $0x0  }
0xa8: {  	s5 =	sshll.u32 s28, $0x1;
	[dreg:$0x2] =	wrdreg s3  }
0xa9: {  	[dreg:$0x3] =	wrdreg s5  }
0xaa: {  	[dreg:$0x4] =	wrdreg $0xC0  }
0xab: {  	_ =	task [dreg:s7], $0x5FFFF  }
0xac: {  	[dreg:$0x1] =	wrdreg $0xFFFFFFFF  }
0xad: {  	[dreg:$0x0] =	wrdreg $0x60  }
0xae: {  	[dreg:$0x2] =	wrdreg s24  }
0xaf: {  	[dreg:$0x3] =	wrdreg s2  }
0xb0: {  	[dreg:$0x4] =	wrdreg $0x0  }
0xb1: {  	[dreg:$0x5] =	wrdreg $0x9  }
0xb2: {  	_ =	task.clear_ibuf [dreg:s7], $0x6FFFF;
	_ =	strace $0x90000046  }
0xb3: {  	s29 =	simm.s32 $0x9;
	_ =	strace $0x80000048  }
0xb4: {  	_ =	swait.ge [sflag:s29], $0x1  }
0xb5: {  	[sflag:s29] =	ssyncadd.s32 $0xFFFFFFFF  }
0xb6: {  	_ =	strace $0x90000048  }
0xb7: {  	_ =	sfence  }
0xb8: {  	s30 =	sld [smem:$0x0];
	_ =	sdelay $0x2  }
0xb9: {  	s31 =	sshll.u32 s1, $0xD;
	s1 =	sshrl.u32 s1, $0x2  }
0xba: {  	s3 =	sand.u32 $0x4000, s31;
	s1 =	sadd.s32 s1, s30  }
0xbb: {  	s0 =	sor.u32 s3, s0;
	s1 =	sshll.u32 s1, $0x11  }
0xbc: {  	s0 =	sor.u32 s1, s0  }
0xbd: {  	s0 =	sadd.s32 $0x8F2B, s0  }
0xbe: {  	[sflag:s0] =	ssyncadd.remote.s32 $0x1  }
0xbf: {  	_ =	sfence.sel $0xFFFF  }
0xc0: {  	[dreg:$0x0] =	wrdreg $0xFFFFFFFF;
	(pc) =	sbr.abs _section_cstart, $3  }
0xc1: {  	[dreg:$0x1] =	wrdreg $0xFFFFFFFF  }
0xc2: {  	_ =	task.clear_ibuf [dreg:s7], $0x2FFFF;
	_ =	strace $0x9FFFFFFF  }
0xc3: {  	(tm) =	ssettm $0x7FFFFFFF  }
tec
execute0_lowered:
.L_overlay_start_1:
0x0: {  	(tag) =	ssettag $0x1  }
0x1: {  	s3 =	rddreg [dreg:$0x0];
	s0 =	simm.s32 $0x0;
	s1 =	srdreg.scid  }
0x2: {  	s2 =	stileid.u32;
	[smem:$0x7FF] =	sst s0;
	s4 =	sand.u32 $0x1, s1  }
0x3: {  	s5 =	sadd.s32 $0x15A00, s3;
	s6 =	smul.u32 $0x13800, s2;
	s7 =	sadd.s32 $0x63C00, s3  }
0x4: {  	s1 =	ssub.s32 $0x2, s4;
	s9 =	smul.u32 $0x138800, s4;
	s16 =	sshll.u32 s4, $0x4  }
0x5: {  	s8 =	sshrl.u32 s1, $0x1;
	s10 =	sadd.s32 $0x12000, s6;
	s13 =	sadd.s32 $0xC000, s6  }
0x6: {  	s1 =	ssub.s32 s1, s8;
	s8 =	sor.u32 s2, s16;
	s11 =	sadd.s32 s9, s10  }
0x7: {  	s12 =	sshrl.u32 s9, $0x3;
	s14 =	sadd.s32 s9, s6;
	s17 =	sshrl.u32 s11, $0x3  }
0x8: {  	s21 =	smul.u32 $0x2760, s8;
	s18 =	sadd.s32 $0x27000, s12;
	s19 =	sadd.s32 s5, s17  }
0x9: {  	s11 =	sadd.s32 $0x6000, s6;
	s20 =	sadd.s32 s5, s18;
	[dreg:$0x5] =	wrdreg s19  }
0xa: {  	s14 =	sshrl.u32 s14, $0x3;
	s8 =	sadd.s32 s7, s17;
	[dreg:$0x6] =	wrdreg s20  }
0xb: {  	s22 =	sadd.s32 s7, s18;
	s16 =	sadd.s32 s5, s14;
	[dreg:$0x7] =	wrdreg s8  }
0xc: {  	s23 =	sadd.s32 s9, s11;
	s18 =	sadd.s32 s9, s13;
	[dreg:$0x8] =	wrdreg s22  }
0xd: {  	[dreg:$0x9] =	wrdreg s16;
	s16 =	sshrl.u32 s23, $0x3;
	s20 =	sadd.s32 s7, s14  }
0xe: {  	s18 =	sshrl.u32 s18, $0x3;
	s19 =	sadd.s32 s5, s16;
	[dreg:$0xf] =	wrdreg s20  }
0xf: {  	s12 =	sadd.s32 $0x9000, s6;
	s26 =	sadd.s32 s5, s18;
	[dreg:$0xb] =	wrdreg s19  }
0x10: {  	s8 =	sadd.s32 $0x3000, s6;
	s23 =	sadd.s32 s7, s16;
	[dreg:$0xd] =	wrdreg s26  }
0x11: {  	s6 =	sadd.s32 $0xF000, s6;
	s15 =	sadd.s32 s9, s8;
	[dreg:$0x11] =	wrdreg s23  }
0x12: {  	s15 =	sshrl.u32 s15, $0x3;
	s26 =	sadd.s32 s7, s18;
	s19 =	rddreg [dreg:$0x2]  }
0x13: {  	s17 =	sadd.s32 s5, s15;
	s22 =	sadd.s32 s7, s15;
	s15 =	rddreg [dreg:$0x1]  }
0x14: {  	s24 =	sadd.s32 s9, s12;
	s9 =	sadd.s32 s9, s6;
	[dreg:$0x13] =	wrdreg s26  }
0x15: {  	s16 =	sshrl.u32 s21, $0x3;
	[dreg:$0xa] =	wrdreg s17;
	s17 =	sshrl.u32 s24, $0x3  }
0x16: {  	s9 =	sshrl.u32 s9, $0x3;
	[dreg:$0x10] =	wrdreg s22;
	s25 =	sadd.s32 s5, s17  }
0x17: {  	s23 =	sadd.s32 $0x18, s16;
	s5 =	sadd.s32 s5, s9;
	[dreg:$0xc] =	wrdreg s25  }
0x18: {  	s22 =	sadd.s32 $0x1E00, s3;
	[dreg:$0xe] =	wrdreg s5;
	s25 =	sadd.s32 s7, s17  }
0x19: {  	s7 =	sadd.s32 s7, s9;
	s5 =	sadd.s32 $0x24, s16;
	[dreg:$0x12] =	wrdreg s25  }
0x1a: {  	[dreg:$0x14] =	wrdreg s7;
	s7 =	sadd.s32 $0xBC00, s3;
	s3 =	sadd.s32 s22, s23  }
0x1b: {  	s26 =	sadd.s32 s22, s5;
	_ =	strace $0x80000047;
	[dreg:$0x1c] =	wrdreg s3  }
0x1c: {  	s30 =	simm.s32 $0x13C40;
	s1 =	smax.u32 s1, $0x1;
	[dreg:$0x1e] =	wrdreg s26  }
0x1d: {  	s29 =	sadd.s32 s10, s19;
	s10 =	sadd.s32 s12, s19;
	[dreg:$0x1f] =	wrdreg s1  }
0x1e: {  	s4 =	smul.u32 $0x27600, s4;
	s12 =	sadd.s32 s6, s19;
	[smem:$0x7E7] =	sst s10  }
0x1f: {  	p0 =	sne.s32 s2, $0x0;
	s24 =	smul.u32 $0x2760, s2;
	[smem:$0x7E9] =	sst s12  }
0x20: {  	s2 =	smul.u32 $0x4E000, s2;
	s9 =	sadd.s32 s22, s16;
	[dreg:$0x15] =	wrdreg s7  }
0x21: {  	s28 =	simm.s32 $0xA;
	s4 =	sadd.s32 s24, s4;
	[dreg:$0x1a] =	wrdreg s9  }
0x22: {  	s17 =	sadd.s32 $0xC, s16;
	s2 =	sshrl.u32 s2, $0x2;
	[dreg:$0x4] =	wrdreg s21  }
0x23: {  	s31 =	sadd.s32 s22, s17;
	s14 =	sadd.s32 $0x3C0, s4;
	[dreg:$0x16] =	wrdreg s29  }
0x24: {  	s6 =	sadd.s32 $0x240, s4;
	s18 =	sadd.s32 s7, s17;
	[dreg:$0x18] =	wrdreg s31  }
0x25: {  	s20 =	sadd.s32 s7, s16;
	s24 =	sadd.s32 s7, s23;
	[dreg:$0x17] =	wrdreg s18  }
0x26: {  	s25 =	sadd.s32 s7, s5;
	s16 =	sadd.s32 s2, s19;
	[dreg:$0x19] =	wrdreg s20  }
0x27: {  	s5 =	sadd.s32 s11, s19;
	s11 =	sadd.s32 s13, s19;
	[dreg:$0x1b] =	wrdreg s24  }
0x28: {  	s17 =	sshrl.u32 s14, $0x3;
	s23 =	sadd.s32 $0x2A0, s4;
	[dreg:$0x1d] =	wrdreg s25  }
0x29: {  	s10 =	sadd.s32 $0x1E0, s4;
	s3 =	simm.s32 $0x9;
	[smem:$0x7E6] =	sst s5  }
0x2a: {  	s25 =	sadd.s32 s8, s19;
	s8 =	sadd.s32 $0x420, s4;
	[smem:$0x7E8] =	sst s11  }
0x2b: {  	s18 =	sadd.s32 $0x360, s4;
	s20 =	sadd.s32 s17, s22;
	[smem:$0x7FC] =	sst s16  }
0x2c: {  	s24 =	sshrl.u32 s23, $0x3;
	s23 =	sadd.s32 $0x1E0, s21;
	[smem:$0x7EC] =	sst s20  }
0x2d: {  	s11 =	sadd.s32 $0x180, s4;
	s1 =	sshrl.u32 s8, $0x3;
	[smem:$0x7F9] =	sst s23  }
0x2e: {  	s2 =	sshrl.u32 s18, $0x3;
	s5 =	sadd.s32 s24, s22;
	[smem:$0x7FD] =	sst s25  }
0x2f: {  	s8 =	sshrl.u32 s6, $0x3;
	s18 =	sadd.s32 $0x138000, s19;
	[smem:$0x7F0] =	sst s5  }
0x30: {  	s12 =	sshrl.u32 s11, $0x3;
	s13 =	sadd.s32 s1, s22;
	[smem:$0x7F8] =	sst s18  }
0x31: {  	s23 =	simm.s32 $0x13EC0;
	s1 =	sadd.s32 s1, s7;
	[smem:$0x7EA] =	sst s13  }
0x32: {  	s6 =	simm.s32 $0x4;
	s26 =	sadd.s32 s2, s22;
	[smem:$0x7EB] =	sst s1  }
0x33: {  	s2 =	sadd.s32 s2, s7;
	s20 =	sadd.s32 s8, s22;
	[smem:$0x7EE] =	sst s26  }
0x34: {  	s14 =	sadd.s32 s12, s22;
	s5 =	simm.s32 $0x60;
	[smem:$0x7EF] =	sst s2  }
0x35: {  	s18 =	simm.s32 $0x13CC0;
	s1 =	sadd.s32 s17, s7;
	[smem:$0x7F5] =	sst s14  }
0x36: {  	s2 =	sshrl.u32 s10, $0x3;
	s17 =	sadd.s32 $0x300, s4;
	[smem:$0x7ED] =	sst s1  }
0x37: {  	s26 =	sadd.s32 $0x48, s9;
	s4 =	simm.s32 $0x13AC0;
	[smem:$0x7F7] =	sst s17  }
0x38: {  	s14 =	simm.s32 $0x1;
	s1 =	sadd.s32 s24, s7;
	[smem:$0x7FB] =	sst s26  }
0x39: {  	s10 =	simm.s32 $0x8;
	s13 =	sadd.s32 s2, s22;
	[smem:$0x7F1] =	sst s1  }
.Ltmp0:
0x3a: {  	s2 =	sadd.s32 s2, s7;
	[smem:$0x7F3] =	sst s13;
	(pc) =	sbr.rel .LBB2_1-.Ltmp0, $4  }
0x3b: {  	s24 =	sadd.s32 $0x2A0, s21;
	s17 =	simm.s32 $0x2;
	[smem:$0x7F4] =	sst s2  }
0x3c: {  	s26 =	simm.s32 $0x3;
	s1 =	sadd.s32 s8, s7;
	[smem:$0x7FA] =	sst s24  }
0x3d: {  	s8 =	simm.s32 $0x16EC0;
	[smem:$0x7F2] =	sst s1;
	s1 =	sadd.s32 s12, s7  }
0x3e: {  	v0 =	vimm.f32 $0.0e+00;
	v1 =	vimm.f32 $1.000000000e+00;
	s24 =	simm.s32 $0x6;
	s7 =	simm.s32 $0x0;
	[smem:$0x7F6] =	sst s1  }
.LBB2_24:
0x3f: {  	s1 =	simm.s32 $0x5  }
0x40: {  	_ =	swait.ge [sflag:s1], $0x3000  }
0x41: {  	[sflag:s1] =	ssyncset.done $0x0  }
0x42: {  	[sflag:s1] =	ssyncadd.s32 $0xFFFFD000  }
0x43: {  	_ =	swait.ge [sflag:s24], $0x3000  }
0x44: {  	[sflag:s24] =	ssyncset.done $0x0  }
0x45: {  	s2 =	simm.s32 $0x7;
	[sflag:s24] =	ssyncadd.s32 $0xFFFFD000  }
0x46: {  	_ =	swait.ge [sflag:s2], $0x3000  }
0x47: {  	[sflag:s2] =	ssyncset.done $0x0  }
0x48: {  	[sflag:s2] =	ssyncadd.s32 $0xFFFFD000  }
0x49: {  	_ =	swait.ge [sflag:s10], $0x3000  }
0x4a: {  	[sflag:s10] =	ssyncset.done $0x0  }
0x4b: {  	[sflag:s10] =	ssyncadd.s32 $0xFFFFD000  }
0x4c: {  	[bflag:$0x0] =	sbarrier.arrive $0xFFFF  }
0x4d: {  	s16 =	sld [smem:$0x7FC];
	_ =	sdelay $0x2  }
0x4e: {  	[tilespmem:s8], [sflag:$0x9] =	stream.linear.gather [spmem:s16], $0x3000, $0x38;
	[tilespmem:$0x1FEC0] =	vst v63  }
0x4f: {  	_ =	swait.ge [sflag:s3], $0x3000  }
0x50: {  	[sflag:s3] =	ssyncset.done $0x0  }
0x51: {  	s7 =	rddreg [dreg:$0xf];
	[sflag:s3] =	ssyncadd.s32 $0xFFFFD000  }
0x52: {  	[hbm4b:s7+s0] =	stream.linear.scatter [tilespmem:s8], [sflag:$0x9], $0x3000, $0x38;
	[tilespmem:$0x1FEC0] =	vst v63  }
0x53: {  	_ =	swait.ge [sflag:s3], $0x3000  }
0x54: {  	s25 =	sld [smem:$0x7FD]  }
0x55: {  	[sflag:s3] =	ssyncset.done $0x0  }
0x56: {  	[sflag:s3] =	ssyncadd.s32 $0xFFFFD000  }
0x57: {  	[tilespmem:s8], [sflag:$0x9] =	stream.linear.gather [spmem:s25], $0x3000, $0x38;
	[tilespmem:$0x1FEC0] =	vst v63  }
0x58: {  	_ =	swait.ge [sflag:s3], $0x3000  }
0x59: {  	[sflag:s3] =	ssyncset.done $0x0  }
0x5a: {  	s9 =	rddreg [dreg:$0x10];
	[sflag:s3] =	ssyncadd.s32 $0xFFFFD000  }
0x5b: {  	[hbm4b:s9+s0] =	stream.linear.scatter [tilespmem:s8], [sflag:$0x9], $0x3000, $0x38;
	[tilespmem:$0x1FEC0] =	vst v63  }
0x5c: {  	_ =	swait.ge [sflag:s3], $0x3000  }
0x5d: {  	s11 =	sld [smem:$0x7E6]  }
0x5e: {  	[sflag:s3] =	ssyncset.done $0x0  }
0x5f: {  	[sflag:s3] =	ssyncadd.s32 $0xFFFFD000  }
0x60: {  	[tilespmem:s8], [sflag:$0x9] =	stream.linear.gather [spmem:s11], $0x3000, $0x38;
	[tilespmem:$0x1FEC0] =	vst v63  }
0x61: {  	_ =	swait.ge [sflag:s3], $0x3000  }
0x62: {  	[sflag:s3] =	ssyncset.done $0x0  }
0x63: {  	s12 =	rddreg [dreg:$0x11];
	[sflag:s3] =	ssyncadd.s32 $0xFFFFD000  }
0x64: {  	[hbm4b:s12+s0] =	stream.linear.scatter [tilespmem:s8], [sflag:$0x9], $0x3000, $0x38;
	[tilespmem:$0x1FEC0] =	vst v63  }
0x65: {  	_ =	swait.ge [sflag:s3], $0x3000  }
0x66: {  	s13 =	sld [smem:$0x7E7]  }
0x67: {  	[sflag:s3] =	ssyncset.done $0x0  }
0x68: {  	[sflag:s3] =	ssyncadd.s32 $0xFFFFD000  }
0x69: {  	[tilespmem:s8], [sflag:$0x9] =	stream.linear.gather [spmem:s13], $0x3000, $0x38;
	[tilespmem:$0x1FEC0] =	vst v63  }
0x6a: {  	_ =	swait.ge [sflag:s3], $0x3000  }
0x6b: {  	[sflag:s3] =	ssyncset.done $0x0  }
0x6c: {  	s21 =	rddreg [dreg:$0x12];
	[sflag:s3] =	ssyncadd.s32 $0xFFFFD000  }
0x6d: {  	[hbm4b:s21+s0] =	stream.linear.scatter [tilespmem:s8], [sflag:$0x9], $0x3000, $0x38;
	[tilespmem:$0x1FEC0] =	vst v63  }
0x6e: {  	_ =	swait.ge [sflag:s3], $0x3000  }
0x6f: {  	s2 =	sld [smem:$0x7E8]  }
0x70: {  	[sflag:s3] =	ssyncset.done $0x0  }
0x71: {  	[sflag:s3] =	ssyncadd.s32 $0xFFFFD000  }
0x72: {  	[tilespmem:s8], [sflag:$0x9] =	stream.linear.gather [spmem:s2], $0x3000, $0x38;
	[tilespmem:$0x1FEC0] =	vst v63  }
0x73: {  	_ =	swait.ge [sflag:s3], $0x3000  }
0x74: {  	[sflag:s3] =	ssyncset.done $0x0  }
0x75: {  	s7 =	rddreg [dreg:$0x13];
	[sflag:s3] =	ssyncadd.s32 $0xFFFFD000  }
0x76: {  	[hbm4b:s7+s0] =	stream.linear.scatter [tilespmem:s8], [sflag:$0x9], $0x3000, $0x38;
	[tilespmem:$0x1FEC0] =	vst v63  }
0x77: {  	_ =	swait.ge [sflag:s3], $0x3000  }
0x78: {  	s9 =	sld [smem:$0x7E9]  }
0x79: {  	[sflag:s3] =	ssyncset.done $0x0  }
0x7a: {  	[sflag:s3] =	ssyncadd.s32 $0xFFFFD000  }
0x7b: {  	[tilespmem:s8], [sflag:$0x9] =	stream.linear.gather [spmem:s9], $0x3000, $0x38;
	[tilespmem:$0x1FEC0] =	vst v63  }
0x7c: {  	_ =	swait.ge [sflag:s3], $0x3000  }
0x7d: {  	[sflag:s3] =	ssyncset.done $0x0  }
0x7e: {  	s11 =	rddreg [dreg:$0x14];
	[sflag:s3] =	ssyncadd.s32 $0xFFFFD000  }
0x7f: {  	[hbm4b:s11+s0] =	stream.linear.scatter [tilespmem:s8], [sflag:$0x9], $0x3000, $0x38;
	[tilespmem:$0x1FEC0] =	vst v63  }
0x80: {  	_ =	swait.ge [sflag:s3], $0x3000  }
0x81: {  	[sflag:s3] =	ssyncset.done $0x0  }
0x82: {  	[sflag:s3] =	ssyncadd.s32 $0xFFFFD000  }
0x83: {  	[tilespmem:s8], [sflag:$0x9] =	stream.linear.gather [spmem:s29], $0x1800, $0x38;
	[tilespmem:$0x1FEC0] =	vst v63  }
0x84: {  	_ =	swait.ge [sflag:s3], $0x1800  }
0x85: {  	[sflag:s3] =	ssyncset.done $0x0  }
0x86: {  	s12 =	rddreg [dreg:$0x7];
	[sflag:s3] =	ssyncadd.s32 $0xFFFFE800  }
0x87: {  	[hbm4b:s12+s0] =	stream.linear.scatter [tilespmem:s8], [sflag:$0x9], $0x1800, $0x38;
	[tilespmem:$0x1FEC0] =	vst v63  }
0x88: {  	_ =	swait.ge [sflag:s3], $0x1800  }
0x89: {  	s2 =	sld [smem:$0x7F8]  }
0x8a: {  	[sflag:s3] =	ssyncset.done $0x0  }
0x8b: {  	s1 =	simm.s32 @!p0 $0x16EC0;
	[sflag:s3] =	ssyncadd.s32 $0xFFFFE800  }
0x8c: {  	[tilespmem:s1], [sflag:$0x9] =	stream.linear.gather @!p0 [spmem:s2], $0x800, $0x38;
	[tilespmem:$0x1FEC0] =	vst v63  }
0x8d: {  	s2 =	simm.s32 @!p0 $0x9  }
0x8e: {  	_ =	swait.ge @!p0 [sflag:s2], $0x800  }
0x8f: {  	[sflag:s2] =	ssyncset.done @!p0 $0x0  }
0x90: {  	s7 =	simm.s32 @!p0 $0x0;
	s9 =	rddreg [dreg:$0x8];
	[sflag:s2] =	ssyncadd.s32 @!p0 $0xFFFFF800  }
0x91: {  	[hbm4b:s9+s7] =	stream.linear.scatter @!p0 [tilespmem:s1], [sflag:$0x9], $0x800, $0x38;
	[tilespmem:$0x1FEC0] =	vst v63  }
0x92: {  	_ =	swait.ge @!p0 [sflag:s2], $0x800  }
0x93: {  	s13 =	sld [smem:$0x7E5];
	_ =	sdelay $0x2  }
0x94: {  	s21 =	rddreg [dreg:$0x1f];
	s7 =	sadd.s32 $0x1, s13  }
0x95: {  	p1 =	sne.s32 s7, s21  }
.Ltmp1:
0x96: {  	_ = 	snop;
	(pc) =	sbr.rel @!p1 .LBB2_25-.Ltmp1, $3  }
0x97: {  	_ =	sdelay $0x1  }
0x98: {  	[sflag:s2] =	ssyncset.done @!p0 $0x0  }
0x99: {  	[sflag:s2] =	ssyncadd.s32 @!p0 $0xFFFFF800  }
.LBB2_1:
0x9a: {  	[smem:$0x7E5] =	sst s7;
	s1 =	simm.s32 $0x0;
	s2 =	simm.s32 $0x200  }
.LBB2_2:
0x9b: {  	p1 =	sne.s32 s2, $0xBE00;
	[tilespmem:s1+$0x13F30] =	vst v0  }
0x9c: {  	[tilespmem:s1+$0x13EC0] =	vst v0  }
0x9d: {  	[tilespmem:s1+$0x13ED0] =	vst v0  }
.Ltmp2:
0x9e: {  	[tilespmem:s1+$0x13EE0] =	vst v0;
	(pc) =	sbr.rel @p1 .LBB2_2-.Ltmp2, $4  }
0x9f: {  	[tilespmem:s1+$0x13EF0] =	vst v0  }
0xa0: {  	[tilespmem:s1+$0x13F00] =	vst v0  }
0xa1: {  	[tilespmem:s1+$0x13F10] =	vst v0  }
0xa2: {  	[tilespmem:s1+$0x13F20] =	vst v0;
	s1 =	sshra.s32 s2, $0x2;
	s2 =	sadd.s32 $0x200, s2  }
0xa3: {  	[tilespmem:s1+$0x13F30] =	vst v0  }
0xa4: {  	[tilespmem:s1+$0x13EC0] =	vst v0  }
0xa5: {  	[tilespmem:s1+$0x13ED0] =	vst v0  }
0xa6: {  	[tilespmem:s1+$0x13EE0] =	vst v0  }
0xa7: {  	[tilespmem:s1+$0x13EF0] =	vst v0  }
0xa8: {  	[tilespmem:s1+$0x13F00] =	vst v0  }
0xa9: {  	[tilespmem:s1+$0x13F10] =	vst v0  }
0xaa: {  	[tilespmem:s1+$0x13F20] =	vst v0  }
0xab: {  	[spmem:s16] =	stream.linear.scatter [tilespmem:s23], [sflag:$0x9], $0x3000, $0x38;
	[tilespmem:$0x1FEC0] =	vst v63  }
0xac: {  	_ =	swait.ge [sflag:s3], $0x3000  }
0xad: {  	[sflag:s3] =	ssyncset.done $0x0  }
0xae: {  	[sflag:s3] =	ssyncadd.s32 $0xFFFFD000  }
0xaf: {  	[spmem:s25] =	stream.linear.scatter [tilespmem:s23], [sflag:$0x9], $0x3000, $0x38;
	[tilespmem:$0x1FEC0] =	vst v63  }
0xb0: {  	_ =	swait.ge [sflag:s3], $0x3000  }
0xb1: {  	s2 =	sld [smem:$0x7E6]  }
0xb2: {  	[sflag:s3] =	ssyncset.done $0x0  }
0xb3: {  	[sflag:s3] =	ssyncadd.s32 $0xFFFFD000  }
0xb4: {  	[spmem:s2] =	stream.linear.scatter [tilespmem:s23], [sflag:$0x9], $0x3000, $0x38;
	[tilespmem:$0x1FEC0] =	vst v63  }
0xb5: {  	_ =	swait.ge [sflag:s3], $0x3000  }
0xb6: {  	s7 =	sld [smem:$0x7E7]  }
0xb7: {  	[sflag:s3] =	ssyncset.done $0x0  }
0xb8: {  	[sflag:s3] =	ssyncadd.s32 $0xFFFFD000  }
0xb9: {  	[spmem:s7] =	stream.linear.scatter [tilespmem:s23], [sflag:$0x9], $0x3000, $0x38;
	[tilespmem:$0x1FEC0] =	vst v63  }
0xba: {  	_ =	swait.ge [sflag:s3], $0x3000  }
0xbb: {  	s9 =	sld [smem:$0x7E8]  }
0xbc: {  	[sflag:s3] =	ssyncset.done $0x0  }
0xbd: {  	[sflag:s3] =	ssyncadd.s32 $0xFFFFD000  }
0xbe: {  	[spmem:s9] =	stream.linear.scatter [tilespmem:s23], [sflag:$0x9], $0x3000, $0x38;
	[tilespmem:$0x1FEC0] =	vst v63  }
0xbf: {  	_ =	swait.ge [sflag:s3], $0x3000  }
0xc0: {  	s11 =	sld [smem:$0x7E9]  }
0xc1: {  	[sflag:s3] =	ssyncset.done $0x0  }
0xc2: {  	[sflag:s3] =	ssyncadd.s32 $0xFFFFD000  }
0xc3: {  	[spmem:s11] =	stream.linear.scatter [tilespmem:s23], [sflag:$0x9], $0x3000, $0x38;
	[tilespmem:$0x1FEC0] =	vst v63  }
0xc4: {  	_ =	swait.ge [sflag:s3], $0x3000  }
0xc5: {  	[sflag:s3] =	ssyncset.done $0x0  }
0xc6: {  	[sflag:s3] =	ssyncadd.s32 $0xFFFFD000  }
0xc7: {  	[spmem:s29] =	stream.linear.scatter [tilespmem:s23], [sflag:$0x9], $0x1800, $0x38;
	[tilespmem:$0x1FEC0] =	vst v63  }
0xc8: {  	_ =	swait.ge [sflag:s3], $0x1800  }
0xc9: {  	s2 =	sld [smem:$0x7F8]  }
0xca: {  	[sflag:s3] =	ssyncset.done $0x0  }
0xcb: {  	s1 =	simm.s32 @!p0 $0x13EC0;
	[sflag:s3] =	ssyncadd.s32 $0xFFFFE800  }
0xcc: {  	[spmem:s2] =	stream.linear.scatter @!p0 [tilespmem:s1], [sflag:$0x9], $0x800, $0x38;
	[tilespmem:$0x1FEC0] =	vst v63  }
0xcd: {  	s1 =	simm.s32 @!p0 $0x9  }
0xce: {  	_ =	swait.ge @!p0 [sflag:s1], $0x800  }
0xcf: {  	[sflag:s1] =	ssyncset.done @!p0 $0x0  }
0xd0: {  	[sflag:s1] =	ssyncadd.s32 @!p0 $0xFFFFF800  }
0xd1: {  	[bflag:$0x0] =	sbarrier.arrive $0xFFFF  }
0xd2: {  	s13 =	simm.s32 $0x138C0;
	s25 =	simm.s32 $0x0;
	s12 =	rddreg [dreg:$0x19]  }
0xd3: {  	[tilespmem:s13], [sflag:$0x9] =	stream.linear.gather [hbm4b:s12+s25], $0x60, $0x38;
	[tilespmem:$0x1FEC0] =	vst v63  }
0xd4: {  	_ =	swait.ge [sflag:s3], $0x60  }
0xd5: {  	[sflag:s3] =	ssyncset.done $0x0  }
0xd6: {  	s16 =	rddreg [dreg:$0x1a];
	[sflag:s3] =	ssyncadd.s32 $0xFFFFFFA0  }
0xd7: {  	[tilespmem:s4], [sflag:$0x9] =	stream.linear.gather [hbm4b:s16+s25], $0x60, $0x38;
	[tilespmem:$0x1FEC0] =	vst v63  }
0xd8: {  	_ =	swait.ge [sflag:s3], $0x60  }
0xd9: {  	[sflag:s3] =	ssyncset.done $0x0  }
0xda: {  	[sflag:s3] =	ssyncadd.s32 $0xFFFFFFA0  }
0xdb: {  	[tilespmem:s23], [sflag:$0x1] =	stream.indirect.gather [hbm4b:s15+s5], $0x80, s13, s5, $0xb8;
	[tilespmem:$0x1FEC0] =	vst v63  }
0xdc: {  	s29 =	simm.s32 $0x13940;
	s21 =	rddreg [dreg:$0x17]  }
0xdd: {  	[tilespmem:s29], [sflag:$0x9] =	stream.linear.gather [hbm4b:s21+s25], $0x60, $0x38;
	[tilespmem:$0x1FEC0] =	vst v63  }
0xde: {  	_ =	swait.ge [sflag:s3], $0x60  }
0xdf: {  	[sflag:s3] =	ssyncset.done $0x0  }
0xe0: {  	s7 =	simm.s32 $0x13BC0;
	[sflag:s3] =	ssyncadd.s32 $0xFFFFFFA0  }
0xe1: {  	[tilespmem:s7], [sflag:$0x9] =	stream.linear.gather [hbm4b:s31+s25], $0x60, $0x38;
	[tilespmem:$0x1FEC0] =	vst v63  }
0xe2: {  	_ =	swait.ge [sflag:s3], $0x60  }
0xe3: {  	[sflag:s3] =	ssyncset.done $0x0  }
0xe4: {  	[sflag:s3] =	ssyncadd.s32 $0xFFFFFFA0  }
0xe5: {  	[tilespmem:s8], [sflag:$0x2] =	stream.indirect.gather [hbm4b:s15+s5], $0x80, s29, s5, $0xb8;
	[tilespmem:$0x1FEC0] =	vst v63  }
0xe6: {  	s11 =	simm.s32 $0x139C0;
	s9 =	rddreg [dreg:$0x1b]  }
0xe7: {  	[tilespmem:s11], [sflag:$0x9] =	stream.linear.gather [hbm4b:s9+s25], $0x60, $0x38;
	[tilespmem:$0x1FEC0] =	vst v63  }
0xe8: {  	_ =	swait.ge [sflag:s3], $0x60  }
0xe9: {  	[sflag:s3] =	ssyncset.done $0x0  }
0xea: {  	s12 =	rddreg [dreg:$0x1c];
	[sflag:s3] =	ssyncadd.s32 $0xFFFFFFA0  }
0xeb: {  	[tilespmem:s18], [sflag:$0x9] =	stream.linear.gather [hbm4b:s12+s25], $0x60, $0x38;
	[tilespmem:$0x1FEC0] =	vst v63  }
0xec: {  	_ =	swait.ge [sflag:s3], $0x60  }
0xed: {  	[sflag:s3] =	ssyncset.done $0x0  }
0xee: {  	s13 =	simm.s32 $0x19EC0;
	[sflag:s3] =	ssyncadd.s32 $0xFFFFFFA0  }
0xef: {  	[tilespmem:s13], [sflag:$0x3] =	stream.indirect.gather [hbm4b:s15+s5], $0x80, s11, s5, $0xb8;
	[tilespmem:$0x1FEC0] =	vst v63  }
0xf0: {  	s21 =	simm.s32 $0x13A40;
	s16 =	rddreg [dreg:$0x1d]  }
0xf1: {  	[tilespmem:s21], [sflag:$0x9] =	stream.linear.gather [hbm4b:s16+s25], $0x60, $0x38;
	[tilespmem:$0x1FEC0] =	vst v63  }
0xf2: {  	_ =	swait.ge [sflag:s3], $0x60  }
0xf3: {  	[sflag:s3] =	ssyncset.done $0x0  }
0xf4: {  	s7 =	simm.s32 $0x13DC0;
	s29 =	rddreg [dreg:$0x1e];
	[sflag:s3] =	ssyncadd.s32 $0xFFFFFFA0  }
0xf5: {  	[tilespmem:s7], [sflag:$0x9] =	stream.linear.gather [hbm4b:s29+s25], $0x60, $0x38;
	[tilespmem:$0x1FEC0] =	vst v63  }
.Ltmp3:
0xf6: {  	_ = 	snop;
	(pc) =	sbr.rel .LBB2_4-.Ltmp3, $4  }
0xf7: {  	_ =	swait.ge [sflag:s3], $0x60  }
0xf8: {  	s31 =	simm.s32 $0x1CEC0;
	s16 =	simm.s32 $0x0;
	[sflag:s3] =	ssyncset.done $0x0  }
0xf9: {  	s7 =	simm.s32 $0x4;
	s1 =	sld [smem:$0x7F7];
	[sflag:s3] =	ssyncadd.s32 $0xFFFFFFA0  }
0xfa: {  	[tilespmem:s31], [sflag:$0x4] =	stream.indirect.gather [hbm4b:s15+s5], $0x80, s21, s5, $0xb8;
	[tilespmem:$0x1FEC0] =	vst v63  }
.LBB2_8:
0xfb: {  	s25 =	sadd.s32 $0x60, s25  }
0xfc: {  	p1 =	sne.s32 s25, $0x540  }
.Ltmp4:
0xfd: {  	_ = 	snop;
	(pc) =	sbr.rel @!p1 .LBB2_9-.Ltmp4, $2  }
0xfe: {  	_ =	sdelay $0x2  }
0xff: {  	s16 =	sadd.s32 $0x1, s16;
	s7 =	sadd.s32 $0x8, s7;
	s1 =	sadd.s32 $0x300, s1  }
.LBB2_4:
0x100: {  	_ =	swait.ge [sflag:s14], $0x3000  }
0x101: {  	p1 =	sgt.u32 s7, $0x68;
	[sflag:s14] =	ssyncset.done $0x0;
	s2 =	sld [smem:$0x7F6]  }
0x102: {  	s29 =	simm.s32 @!p1 $0x0;
	[sflag:s14] =	ssyncadd.s32 $0xFFFFD000  }
0x103: {  	[spmem:s19] =	stream.indirect.scatter.add.f32 [tilespmem:s23], [sflag:$0x5], $0x80, s4, s5, $0xb8;
	[tilespmem:$0x1FEC0] =	vst v63  }
0x104: {  	s12 =	simm.s32 @!p1 $0x138C0;
	s21 =	simm.s32 @!p1 $0x9;
	s2 =	sadd.s32 @!p1 s25, s2  }
0x105: {  	[tilespmem:s12], [sflag:$0x9] =	stream.linear.gather @!p1 [hbm4b:s2+s29], $0x60, $0x38;
	[tilespmem:$0x1FEC0] =	vst v63  }
0x106: {  	_ =	swait.ge @!p1 [sflag:s21], $0x60  }
0x107: {  	s2 =	sld [smem:$0x7F5];
	_ =	sdelay $0x1  }
0x108: {  	[sflag:s21] =	ssyncset.done @!p1 $0x0  }
0x109: {  	s11 =	simm.s32 @!p1 $0x13B40;
	[sflag:s21] =	ssyncadd.s32 @!p1 $0xFFFFFFA0;
	s2 =	sadd.s32 @!p1 s25, s2  }
0x10a: {  	[tilespmem:s11], [sflag:$0x9] =	stream.linear.gather @!p1 [hbm4b:s2+s29], $0x60, $0x38;
	[tilespmem:$0x1FEC0] =	vst v63  }
0x10b: {  	_ =	swait.ge @!p1 [sflag:s21], $0x60  }
0x10c: {  	p2 =	sgt.u32 s16, $0xC;
	[sflag:s21] =	ssyncset.done @!p1 $0x0  }
.Ltmp5:
0x10d: {  	s31 =	simm.s32 @!p1 $0x5;
	[sflag:s21] =	ssyncadd.s32 @!p1 $0xFFFFFFA0;
	(pc) =	sbr.rel @p2 .LBB2_6-.Ltmp5, $4  }
0x10e: {  	_ =	swait.ge @!p1 [sflag:s31], $0x3000  }
0x10f: {  	[sflag:s31] =	ssyncset.done @!p1 $0x0  }
0x110: {  	s9 =	simm.s32 @!p1 $0x13EC0;
	s2 =	simm.s32 @!p1 $0x60;
	[sflag:s31] =	ssyncadd.s32 @!p1 $0xFFFFD000  }
0x111: {  	[tilespmem:s9], [sflag:$0x1] =	stream.indirect.gather @!p1 [hbm4b:s15+s2], $0x80, s12, s2, $0xb8;
	[tilespmem:$0x1FEC0] =	vst v63  }
0x112: {  	_ =	swait.ge [sflag:s17], $0x3000  }
0x113: {  	[sflag:s17] =	ssyncset.done $0x0;
	s13 =	sld [smem:$0x7F4]  }
0x114: {  	s4 =	simm.s32 $0x13BC0;
	[sflag:s17] =	ssyncadd.s32 $0xFFFFD000  }
0x115: {  	[spmem:s19] =	stream.indirect.scatter.add.f32 [tilespmem:s8], [sflag:$0x6], $0x80, s4, s5, $0xb8;
	[tilespmem:$0x1FEC0] =	vst v63  }
0x116: {  	s4 =	simm.s32 $0x13940;
	s13 =	sadd.s32 s25, s13  }
0x117: {  	[tilespmem:s4], [sflag:$0x9] =	stream.linear.gather [hbm4b:s13+s0], $0x60, $0x38;
	[tilespmem:$0x1FEC0] =	vst v63  }
0x118: {  	_ =	swait.ge [sflag:s3], $0x60  }
0x119: {  	s14 =	sld [smem:$0x7F3];
	_ =	sdelay $0x1  }
0x11a: {  	[sflag:s3] =	ssyncset.done $0x0  }
0x11b: {  	[sflag:s3] =	ssyncadd.s32 $0xFFFFFFA0;
	s13 =	sadd.s32 s25, s14  }
0x11c: {  	[tilespmem:s30], [sflag:$0x9] =	stream.linear.gather [hbm4b:s13+s0], $0x60, $0x38;
	[tilespmem:$0x1FEC0] =	vst v63  }
0x11d: {  	_ =	swait.ge [sflag:s3], $0x60  }
0x11e: {  	[sflag:s3] =	ssyncset.done $0x0  }
0x11f: {  	[sflag:s3] =	ssyncadd.s32 $0xFFFFFFA0  }
0x120: {  	_ =	swait.ge [sflag:s24], $0x3000  }
0x121: {  	[sflag:s24] =	ssyncset.done $0x0  }
0x122: {  	[sflag:s24] =	ssyncadd.s32 $0xFFFFD000  }
0x123: {  	[tilespmem:s8], [sflag:$0x2] =	stream.indirect.gather [hbm4b:s15+s5], $0x80, s4, s5, $0xb8;
	[tilespmem:$0x1FEC0] =	vst v63  }
0x124: {  	_ =	swait.ge [sflag:s26], $0x3000  }
0x125: {  	[sflag:s26] =	ssyncset.done $0x0  }
0x126: {  	s30 =	simm.s32 $0x19EC0;
	[sflag:s26] =	ssyncadd.s32 $0xFFFFD000  }
0x127: {  	[spmem:s19] =	stream.indirect.scatter.add.f32 [tilespmem:s30], [sflag:$0x7], $0x80, s18, s5, $0xb8;
	[tilespmem:$0x1FEC0] =	vst v63  }
0x128: {  	s18 =	sld [smem:$0x7F2];
	_ =	sdelay $0x2  }
0x129: {  	s13 =	sadd.s32 s25, s18;
	s18 =	simm.s32 $0x139C0  }
0x12a: {  	[tilespmem:s18], [sflag:$0x9] =	stream.linear.gather [hbm4b:s13+s0], $0x60, $0x38;
	[tilespmem:$0x1FEC0] =	vst v63  }
0x12b: {  	_ =	swait.ge [sflag:s3], $0x60  }
0x12c: {  	[sflag:s3] =	ssyncset.done $0x0  }
0x12d: {  	s14 =	simm.s32 $0x13D40;
	s8 =	sadd.s32 s25, s20;
	[sflag:s3] =	ssyncadd.s32 $0xFFFFFFA0  }
0x12e: {  	[tilespmem:s14], [sflag:$0x9] =	stream.linear.gather [hbm4b:s8+s0], $0x60, $0x38;
	[tilespmem:$0x1FEC0] =	vst v63  }
0x12f: {  	_ =	swait.ge [sflag:s3], $0x60  }
0x130: {  	[sflag:s3] =	ssyncset.done $0x0  }
0x131: {  	s13 =	simm.s32 $0x7;
	[sflag:s3] =	ssyncadd.s32 $0xFFFFFFA0  }
0x132: {  	_ =	swait.ge [sflag:s13], $0x3000  }
0x133: {  	[sflag:s13] =	ssyncset.done $0x0  }
0x134: {  	[sflag:s13] =	ssyncadd.s32 $0xFFFFD000  }
0x135: {  	[tilespmem:s30], [sflag:$0x3] =	stream.indirect.gather [hbm4b:s15+s5], $0x80, s18, s5, $0xb8;
	[tilespmem:$0x1FEC0] =	vst v63  }
0x136: {  	_ =	swait.ge [sflag:s6], $0x3000  }
0x137: {  	[sflag:s6] =	ssyncset.done $0x0  }
0x138: {  	s14 =	simm.s32 $0x13DC0;
	s8 =	simm.s32 $0x1CEC0;
	[sflag:s6] =	ssyncadd.s32 $0xFFFFD000  }
0x139: {  	[spmem:s19] =	stream.indirect.scatter.add.f32 [tilespmem:s8], [sflag:$0x8], $0x80, s14, s5, $0xb8;
	[tilespmem:$0x1FEC0] =	vst v63  }
0x13a: {  	s14 =	sld [smem:$0x7F1];
	_ =	sdelay $0x2  }
0x13b: {  	s30 =	simm.s32 $0x13A40;
	s13 =	sadd.s32 s25, s14  }
0x13c: {  	[tilespmem:s30], [sflag:$0x9] =	stream.linear.gather [hbm4b:s13+s0], $0x60, $0x38;
	[tilespmem:$0x1FEC0] =	vst v63  }
0x13d: {  	_ =	swait.ge [sflag:s3], $0x60  }
0x13e: {  	s14 =	sld [smem:$0x7F0];
	_ =	sdelay $0x1  }
0x13f: {  	[sflag:s3] =	ssyncset.done $0x0  }
0x140: {  	[sflag:s3] =	ssyncadd.s32 $0xFFFFFFA0;
	s13 =	sadd.s32 s25, s14;
	s14 =	simm.s32 $0x13E40  }
0x141: {  	[tilespmem:s14], [sflag:$0x9] =	stream.linear.gather [hbm4b:s13+s0], $0x60, $0x38;
	[tilespmem:$0x1FEC0] =	vst v63  }
0x142: {  	_ =	swait.ge [sflag:s3], $0x60  }
0x143: {  	[sflag:s3] =	ssyncset.done $0x0  }
0x144: {  	[sflag:s3] =	ssyncadd.s32 $0xFFFFFFA0  }
0x145: {  	_ =	swait.ge [sflag:s10], $0x3000  }
0x146: {  	[sflag:s10] =	ssyncset.done $0x0  }
0x147: {  	s4 =	simm.s32 $0x13AC0;
	s18 =	simm.s32 $0x13CC0;
	[sflag:s10] =	ssyncadd.s32 $0xFFFFD000  }
0x148: {  	[tilespmem:s8], [sflag:$0x4] =	stream.indirect.gather [hbm4b:s15+s5], $0x80, s30, s5, $0xb8;
	[tilespmem:$0x1FEC0] =	vst v63  }
0x149: {  	s14 =	simm.s32 $0x1;
	s30 =	simm.s32 $0x13C40;
	s8 =	simm.s32 $0x16EC0  }
.LBB2_6:
0x14a: {  	s13 =	simm.s32 @!p1 $0x1  }
0x14b: {  	_ =	swait.ge @!p1 [sflag:s13], $0x3000  }
0x14c: {  	[sflag:s13] =	ssyncset.done @!p1 $0x0  }
0x14d: {  	[sflag:s13] =	ssyncadd.s32 @!p1 $0xFFFFD000  }
0x14e: {  	[spmem:s19] =	stream.indirect.scatter.add.f32 @!p1 [tilespmem:s9], [sflag:$0x5], $0x80, s11, s2, $0xb8;
	[tilespmem:$0x1FEC0] =	vst v63  }
0x14f: {  	s13 =	rddreg [dreg:$0x15];
	s11 =	sshrl.u32 @!p1 s1, $0x3  }
0x150: {  	s13 =	sadd.s32 @!p1 s13, s11  }
0x151: {  	[tilespmem:s12], [sflag:$0x9] =	stream.linear.gather @!p1 [hbm4b:s13+s29], $0x60, $0x38;
	[tilespmem:$0x1FEC0] =	vst v63  }
0x152: {  	_ =	swait.ge @!p1 [sflag:s21], $0x60  }
0x153: {  	[sflag:s21] =	ssyncset.done @!p1 $0x0  }
0x154: {  	s11 =	sadd.s32 @!p1 s22, s11;
	s13 =	simm.s32 @!p1 $0x13AC0;
	[sflag:s21] =	ssyncadd.s32 @!p1 $0xFFFFFFA0  }
0x155: {  	[tilespmem:s13], [sflag:$0x9] =	stream.linear.gather @!p1 [hbm4b:s11+s29], $0x60, $0x38;
	[tilespmem:$0x1FEC0] =	vst v63  }
0x156: {  	_ =	swait.ge @!p1 [sflag:s21], $0x60  }
0x157: {  	[sflag:s21] =	ssyncset.done @!p1 $0x0  }
.Ltmp6:
0x158: {  	[sflag:s21] =	ssyncadd.s32 @!p1 $0xFFFFFFA0;
	(pc) =	sbr.rel @p2 .LBB2_8-.Ltmp6, $4  }
0x159: {  	_ =	swait.ge @!p1 [sflag:s31], $0x3000  }
0x15a: {  	[sflag:s31] =	ssyncset.done @!p1 $0x0  }
0x15b: {  	[sflag:s31] =	ssyncadd.s32 @!p1 $0xFFFFD000  }
0x15c: {  	[tilespmem:s9], [sflag:$0x1] =	stream.indirect.gather @!p1 [hbm4b:s15+s2], $0x80, s12, s2, $0xb8;
	[tilespmem:$0x1FEC0] =	vst v63  }
0x15d: {  	_ =	swait.ge [sflag:s17], $0x3000  }
0x15e: {  	[sflag:s17] =	ssyncset.done $0x0;
	s2 =	sld [smem:$0x7EF]  }
0x15f: {  	p1 =	seq.s32 s25, $0x480;
	[sflag:s17] =	ssyncadd.s32 $0xFFFFD000  }
0x160: {  	[spmem:s19] =	stream.indirect.scatter.add.f32 [tilespmem:s8], [sflag:$0x6], $0x80, s30, s5, $0xb8;
	[tilespmem:$0x1FEC0] =	vst v63  }
0x161: {  	s9 =	simm.s32 @!p1 $0x0;
	s11 =	simm.s32 @!p1 $0x13940;
	s2 =	sadd.s32 @!p1 s25, s2  }
0x162: {  	[tilespmem:s11], [sflag:$0x9] =	stream.linear.gather @!p1 [hbm4b:s2+s9], $0x60, $0x38;
	[tilespmem:$0x1FEC0] =	vst v63  }
0x163: {  	s2 =	simm.s32 @!p1 $0x9  }
0x164: {  	_ =	swait.ge @!p1 [sflag:s2], $0x60  }
0x165: {  	s12 =	sld [smem:$0x7EE];
	_ =	sdelay $0x1  }
0x166: {  	[sflag:s2] =	ssyncset.done @!p1 $0x0  }
0x167: {  	s13 =	simm.s32 @!p1 $0x13BC0;
	[sflag:s2] =	ssyncadd.s32 @!p1 $0xFFFFFFA0;
	s12 =	sadd.s32 @!p1 s25, s12  }
0x168: {  	[tilespmem:s13], [sflag:$0x9] =	stream.linear.gather @!p1 [hbm4b:s12+s9], $0x60, $0x38;
	[tilespmem:$0x1FEC0] =	vst v63  }
0x169: {  	_ =	swait.ge @!p1 [sflag:s2], $0x60  }
0x16a: {  	[sflag:s2] =	ssyncset.done @!p1 $0x0  }
0x16b: {  	s12 =	simm.s32 @!p1 $0x6;
	[sflag:s2] =	ssyncadd.s32 @!p1 $0xFFFFFFA0  }
0x16c: {  	_ =	swait.ge @!p1 [sflag:s12], $0x3000  }
0x16d: {  	[sflag:s12] =	ssyncset.done @!p1 $0x0  }
0x16e: {  	s13 =	simm.s32 @!p1 $0x16EC0;
	[sflag:s12] =	ssyncadd.s32 @!p1 $0xFFFFD000;
	s12 =	simm.s32 @!p1 $0x60  }
0x16f: {  	[tilespmem:s13], [sflag:$0x2] =	stream.indirect.gather @!p1 [hbm4b:s15+s12], $0x80, s11, s12, $0xb8;
	[tilespmem:$0x1FEC0] =	vst v63  }
0x170: {  	_ =	swait.ge [sflag:s26], $0x3000  }
0x171: {  	[sflag:s26] =	ssyncset.done $0x0;
	s11 =	sld [smem:$0x7ED]  }
0x172: {  	s21 =	simm.s32 $0x13D40;
	s13 =	simm.s32 $0x19EC0;
	[sflag:s26] =	ssyncadd.s32 $0xFFFFD000  }
0x173: {  	[spmem:s19] =	stream.indirect.scatter.add.f32 [tilespmem:s13], [sflag:$0x7], $0x80, s21, s5, $0xb8;
	[tilespmem:$0x1FEC0] =	vst v63  }
0x174: {  	s13 =	simm.s32 @!p1 $0x139C0;
	s11 =	sadd.s32 @!p1 s25, s11  }
0x175: {  	[tilespmem:s13], [sflag:$0x9] =	stream.linear.gather @!p1 [hbm4b:s11+s9], $0x60, $0x38;
	[tilespmem:$0x1FEC0] =	vst v63  }
0x176: {  	_ =	swait.ge @!p1 [sflag:s2], $0x60  }
0x177: {  	s11 =	sld [smem:$0x7EC];
	_ =	sdelay $0x1  }
0x178: {  	[sflag:s2] =	ssyncset.done @!p1 $0x0  }
0x179: {  	s21 =	simm.s32 @!p1 $0x13CC0;
	[sflag:s2] =	ssyncadd.s32 @!p1 $0xFFFFFFA0;
	s11 =	sadd.s32 @!p1 s25, s11  }
0x17a: {  	[tilespmem:s21], [sflag:$0x9] =	stream.linear.gather @!p1 [hbm4b:s11+s9], $0x60, $0x38;
	[tilespmem:$0x1FEC0] =	vst v63  }
0x17b: {  	_ =	swait.ge @!p1 [sflag:s2], $0x60  }
0x17c: {  	[sflag:s2] =	ssyncset.done @!p1 $0x0  }
0x17d: {  	s11 =	simm.s32 @!p1 $0x7;
	[sflag:s2] =	ssyncadd.s32 @!p1 $0xFFFFFFA0  }
0x17e: {  	_ =	swait.ge @!p1 [sflag:s11], $0x3000  }
0x17f: {  	[sflag:s11] =	ssyncset.done @!p1 $0x0  }
0x180: {  	[sflag:s11] =	ssyncadd.s32 @!p1 $0xFFFFD000;
	s11 =	simm.s32 @!p1 $0x19EC0  }
0x181: {  	[tilespmem:s11], [sflag:$0x3] =	stream.indirect.gather @!p1 [hbm4b:s15+s12], $0x80, s13, s12, $0xb8;
	[tilespmem:$0x1FEC0] =	vst v63  }
0x182: {  	_ =	swait.ge [sflag:s6], $0x3000  }
0x183: {  	[sflag:s6] =	ssyncset.done $0x0;
	s11 =	sld [smem:$0x7EB]  }
0x184: {  	s29 =	simm.s32 $0x1CEC0;
	s31 =	simm.s32 $0x13E40;
	[sflag:s6] =	ssyncadd.s32 $0xFFFFD000  }
0x185: {  	[spmem:s19] =	stream.indirect.scatter.add.f32 [tilespmem:s29], [sflag:$0x8], $0x80, s31, s5, $0xb8;
	[tilespmem:$0x1FEC0] =	vst v63  }
0x186: {  	s13 =	simm.s32 @!p1 $0x13A40;
	s11 =	sadd.s32 @!p1 s25, s11  }
0x187: {  	[tilespmem:s13], [sflag:$0x9] =	stream.linear.gather @!p1 [hbm4b:s11+s9], $0x60, $0x38;
	[tilespmem:$0x1FEC0] =	vst v63  }
0x188: {  	_ =	swait.ge @!p1 [sflag:s2], $0x60  }
0x189: {  	s11 =	sld [smem:$0x7EA];
	_ =	sdelay $0x1  }
0x18a: {  	[sflag:s2] =	ssyncset.done @!p1 $0x0  }
0x18b: {  	s21 =	simm.s32 @!p1 $0x13DC0;
	[sflag:s2] =	ssyncadd.s32 @!p1 $0xFFFFFFA0;
	s11 =	sadd.s32 @!p1 s25, s11  }
0x18c: {  	[tilespmem:s21], [sflag:$0x9] =	stream.linear.gather @!p1 [hbm4b:s11+s9], $0x60, $0x38;
	[tilespmem:$0x1FEC0] =	vst v63  }
0x18d: {  	_ =	swait.ge @!p1 [sflag:s2], $0x60  }
0x18e: {  	[sflag:s2] =	ssyncset.done @!p1 $0x0  }
.Ltmp7:
0x18f: {  	[sflag:s2] =	ssyncadd.s32 @!p1 $0xFFFFFFA0;
	s2 =	simm.s32 @!p1 $0x8;
	(pc) =	sbr.rel .LBB2_8-.Ltmp7, $4  }
0x190: {  	_ =	swait.ge @!p1 [sflag:s2], $0x3000  }
0x191: {  	[sflag:s2] =	ssyncset.done @!p1 $0x0  }
0x192: {  	[sflag:s2] =	ssyncadd.s32 @!p1 $0xFFFFD000;
	s2 =	simm.s32 @!p1 $0x1CEC0  }
0x193: {  	[tilespmem:s2], [sflag:$0x4] =	stream.indirect.gather @!p1 [hbm4b:s15+s12], $0x80, s13, s12, $0xb8;
	[tilespmem:$0x1FEC0] =	vst v63  }
.LBB2_9:
0x194: {  	s1 =	simm.s32 $0x5  }
0x195: {  	_ =	swait.ge [sflag:s1], $0x3000  }
0x196: {  	[sflag:s1] =	ssyncset.done $0x0  }
0x197: {  	[sflag:s1] =	ssyncadd.s32 $0xFFFFD000  }
0x198: {  	_ =	swait.ge [sflag:s24], $0x3000  }
0x199: {  	[sflag:s24] =	ssyncset.done $0x0  }
0x19a: {  	s16 =	simm.s32 $0x7;
	[sflag:s24] =	ssyncadd.s32 $0xFFFFD000  }
0x19b: {  	_ =	swait.ge [sflag:s16], $0x3000  }
0x19c: {  	[sflag:s16] =	ssyncset.done $0x0  }
0x19d: {  	[sflag:s16] =	ssyncadd.s32 $0xFFFFD000  }
0x19e: {  	_ =	swait.ge [sflag:s10], $0x3000  }
0x19f: {  	[sflag:s10] =	ssyncset.done $0x0  }
0x1a0: {  	[sflag:s10] =	ssyncadd.s32 $0xFFFFD000  }
0x1a1: {  	[bflag:$0x0] =	sbarrier.arrive $0xFFFF  }
0x1a2: {  	s11 =	sld [smem:$0x7FC];
	_ =	sdelay $0x2  }
0x1a3: {  	[tilespmem:s8], [sflag:$0x9] =	stream.linear.gather [spmem:s11], $0x3000, $0x38;
	[tilespmem:$0x1FEC0] =	vst v63  }
0x1a4: {  	_ =	swait.ge [sflag:s3], $0x3000  }
0x1a5: {  	[sflag:s3] =	ssyncset.done $0x0  }
0x1a6: {  	s21 =	rddreg [dreg:$0x9];
	[sflag:s3] =	ssyncadd.s32 $0xFFFFD000  }
0x1a7: {  	[hbm4b:s21+s0] =	stream.linear.scatter [tilespmem:s8], [sflag:$0x9], $0x3000, $0x38;
	[tilespmem:$0x1FEC0] =	vst v63  }
0x1a8: {  	_ =	swait.ge [sflag:s3], $0x3000  }
0x1a9: {  	s12 =	sld [smem:$0x7FD]  }
0x1aa: {  	[sflag:s3] =	ssyncset.done $0x0  }
0x1ab: {  	[sflag:s3] =	ssyncadd.s32 $0xFFFFD000  }
0x1ac: {  	[tilespmem:s8], [sflag:$0x9] =	stream.linear.gather [spmem:s12], $0x3000, $0x38;
	[tilespmem:$0x1FEC0] =	vst v63  }
0x1ad: {  	_ =	swait.ge [sflag:s3], $0x3000  }
0x1ae: {  	[sflag:s3] =	ssyncset.done $0x0  }
0x1af: {  	s25 =	rddreg [dreg:$0xa];
	[sflag:s3] =	ssyncadd.s32 $0xFFFFD000  }
0x1b0: {  	[hbm4b:s25+s0] =	stream.linear.scatter [tilespmem:s8], [sflag:$0x9], $0x3000, $0x38;
	[tilespmem:$0x1FEC0] =	vst v63  }
0x1b1: {  	_ =	swait.ge [sflag:s3], $0x3000  }
0x1b2: {  	s31 =	sld [smem:$0x7E6]  }
0x1b3: {  	[sflag:s3] =	ssyncset.done $0x0  }
0x1b4: {  	[sflag:s3] =	ssyncadd.s32 $0xFFFFD000  }
0x1b5: {  	[tilespmem:s8], [sflag:$0x9] =	stream.linear.gather [spmem:s31], $0x3000, $0x38;
	[tilespmem:$0x1FEC0] =	vst v63  }
0x1b6: {  	_ =	swait.ge [sflag:s3], $0x3000  }
0x1b7: {  	[sflag:s3] =	ssyncset.done $0x0  }
0x1b8: {  	s2 =	rddreg [dreg:$0xb];
	[sflag:s3] =	ssyncadd.s32 $0xFFFFD000  }
0x1b9: {  	[hbm4b:s2+s0] =	stream.linear.scatter [tilespmem:s8], [sflag:$0x9], $0x3000, $0x38;
	[tilespmem:$0x1FEC0] =	vst v63  }
0x1ba: {  	_ =	swait.ge [sflag:s3], $0x3000  }
0x1bb: {  	s7 =	sld [smem:$0x7E7]  }
0x1bc: {  	[sflag:s3] =	ssyncset.done $0x0  }
0x1bd: {  	[sflag:s3] =	ssyncadd.s32 $0xFFFFD000  }
0x1be: {  	[tilespmem:s8], [sflag:$0x9] =	stream.linear.gather [spmem:s7], $0x3000, $0x38;
	[tilespmem:$0x1FEC0] =	vst v63  }
0x1bf: {  	_ =	swait.ge [sflag:s3], $0x3000  }
0x1c0: {  	[sflag:s3] =	ssyncset.done $0x0  }
0x1c1: {  	s9 =	rddreg [dreg:$0xc];
	[sflag:s3] =	ssyncadd.s32 $0xFFFFD000  }
0x1c2: {  	[hbm4b:s9+s0] =	stream.linear.scatter [tilespmem:s8], [sflag:$0x9], $0x3000, $0x38;
	[tilespmem:$0x1FEC0] =	vst v63  }
0x1c3: {  	_ =	swait.ge [sflag:s3], $0x3000  }
0x1c4: {  	s13 =	sld [smem:$0x7E8]  }
0x1c5: {  	[sflag:s3] =	ssyncset.done $0x0  }
0x1c6: {  	[sflag:s3] =	ssyncadd.s32 $0xFFFFD000  }
0x1c7: {  	[tilespmem:s8], [sflag:$0x9] =	stream.linear.gather [spmem:s13], $0x3000, $0x38;
	[tilespmem:$0x1FEC0] =	vst v63  }
0x1c8: {  	_ =	swait.ge [sflag:s3], $0x3000  }
0x1c9: {  	[sflag:s3] =	ssyncset.done $0x0  }
0x1ca: {  	s16 =	rddreg [dreg:$0xd];
	[sflag:s3] =	ssyncadd.s32 $0xFFFFD000  }
0x1cb: {  	[hbm4b:s16+s0] =	stream.linear.scatter [tilespmem:s8], [sflag:$0x9], $0x3000, $0x38;
	[tilespmem:$0x1FEC0] =	vst v63  }
0x1cc: {  	_ =	swait.ge [sflag:s3], $0x3000  }
0x1cd: {  	s21 =	sld [smem:$0x7E9]  }
0x1ce: {  	[sflag:s3] =	ssyncset.done $0x0  }
0x1cf: {  	[sflag:s3] =	ssyncadd.s32 $0xFFFFD000  }
0x1d0: {  	[tilespmem:s8], [sflag:$0x9] =	stream.linear.gather [spmem:s21], $0x3000, $0x38;
	[tilespmem:$0x1FEC0] =	vst v63  }
0x1d1: {  	_ =	swait.ge [sflag:s3], $0x3000  }
0x1d2: {  	[sflag:s3] =	ssyncset.done $0x0  }
0x1d3: {  	s25 =	rddreg [dreg:$0xe];
	[sflag:s3] =	ssyncadd.s32 $0xFFFFD000  }
0x1d4: {  	[hbm4b:s25+s0] =	stream.linear.scatter [tilespmem:s8], [sflag:$0x9], $0x3000, $0x38;
	[tilespmem:$0x1FEC0] =	vst v63  }
0x1d5: {  	_ =	swait.ge [sflag:s3], $0x3000  }
0x1d6: {  	[sflag:s3] =	ssyncset.done $0x0  }
0x1d7: {  	s29 =	rddreg [dreg:$0x16];
	[sflag:s3] =	ssyncadd.s32 $0xFFFFD000  }
0x1d8: {  	[tilespmem:s8], [sflag:$0x9] =	stream.linear.gather [spmem:s29], $0x1800, $0x38;
	[tilespmem:$0x1FEC0] =	vst v63  }
0x1d9: {  	_ =	swait.ge [sflag:s3], $0x1800  }
0x1da: {  	[sflag:s3] =	ssyncset.done $0x0  }
0x1db: {  	s31 =	rddreg [dreg:$0x5];
	[sflag:s3] =	ssyncadd.s32 $0xFFFFE800  }
0x1dc: {  	[hbm4b:s31+s0] =	stream.linear.scatter [tilespmem:s8], [sflag:$0x9], $0x1800, $0x38;
	[tilespmem:$0x1FEC0] =	vst v63  }
0x1dd: {  	_ =	swait.ge [sflag:s3], $0x1800  }
0x1de: {  	s2 =	sld [smem:$0x7F8]  }
0x1df: {  	[sflag:s3] =	ssyncset.done $0x0  }
0x1e0: {  	s1 =	simm.s32 @!p0 $0x16EC0;
	[sflag:s3] =	ssyncadd.s32 $0xFFFFE800  }
0x1e1: {  	[tilespmem:s1], [sflag:$0x9] =	stream.linear.gather @!p0 [spmem:s2], $0x800, $0x38;
	[tilespmem:$0x1FEC0] =	vst v63  }
0x1e2: {  	s2 =	simm.s32 @!p0 $0x9  }
0x1e3: {  	_ =	swait.ge @!p0 [sflag:s2], $0x800  }
0x1e4: {  	[sflag:s2] =	ssyncset.done @!p0 $0x0  }
0x1e5: {  	s7 =	simm.s32 @!p0 $0x0;
	s9 =	rddreg [dreg:$0x6];
	[sflag:s2] =	ssyncadd.s32 @!p0 $0xFFFFF800  }
0x1e6: {  	[hbm4b:s9+s7] =	stream.linear.scatter @!p0 [tilespmem:s1], [sflag:$0x9], $0x800, $0x38;
	[tilespmem:$0x1FEC0] =	vst v63  }
0x1e7: {  	_ =	swait.ge @!p0 [sflag:s2], $0x800  }
0x1e8: {  	[sflag:s2] =	ssyncset.done @!p0 $0x0  }
0x1e9: {  	s1 =	simm.s32 $0x0;
	[sflag:s2] =	ssyncadd.s32 @!p0 $0xFFFFF800;
	s2 =	simm.s32 $0x200  }
.LBB2_10:
0x1ea: {  	p1 =	sne.s32 s2, $0xBE00;
	[tilespmem:s1+$0x13F30] =	vst v0  }
0x1eb: {  	[tilespmem:s1+$0x13EC0] =	vst v0  }
0x1ec: {  	[tilespmem:s1+$0x13ED0] =	vst v0  }
.Ltmp8:
0x1ed: {  	[tilespmem:s1+$0x13EE0] =	vst v0;
	(pc) =	sbr.rel @p1 .LBB2_10-.Ltmp8, $4  }
0x1ee: {  	[tilespmem:s1+$0x13EF0] =	vst v0  }
0x1ef: {  	[tilespmem:s1+$0x13F00] =	vst v0  }
0x1f0: {  	[tilespmem:s1+$0x13F10] =	vst v0  }
0x1f1: {  	[tilespmem:s1+$0x13F20] =	vst v0;
	s1 =	sshra.s32 s2, $0x2;
	s2 =	sadd.s32 $0x200, s2  }
0x1f2: {  	[tilespmem:s1+$0x13F30] =	vst v0  }
0x1f3: {  	[tilespmem:s1+$0x13EC0] =	vst v0  }
0x1f4: {  	[tilespmem:s1+$0x13ED0] =	vst v0  }
0x1f5: {  	[tilespmem:s1+$0x13EE0] =	vst v0  }
0x1f6: {  	[tilespmem:s1+$0x13EF0] =	vst v0  }
0x1f7: {  	[tilespmem:s1+$0x13F00] =	vst v0  }
0x1f8: {  	[tilespmem:s1+$0x13F10] =	vst v0  }
0x1f9: {  	[tilespmem:s1+$0x13F20] =	vst v0  }
0x1fa: {  	[spmem:s11] =	stream.linear.scatter [tilespmem:s23], [sflag:$0x9], $0x3000, $0x38;
	[tilespmem:$0x1FEC0] =	vst v63  }
0x1fb: {  	_ =	swait.ge [sflag:s3], $0x3000  }
0x1fc: {  	[sflag:s3] =	ssyncset.done $0x0  }
0x1fd: {  	[sflag:s3] =	ssyncadd.s32 $0xFFFFD000  }
0x1fe: {  	[spmem:s12] =	stream.linear.scatter [tilespmem:s23], [sflag:$0x9], $0x3000, $0x38;
	[tilespmem:$0x1FEC0] =	vst v63  }
0x1ff: {  	_ =	swait.ge [sflag:s3], $0x3000  }
0x200: {  	s13 =	sld [smem:$0x7E6]  }
0x201: {  	[sflag:s3] =	ssyncset.done $0x0  }
0x202: {  	[sflag:s3] =	ssyncadd.s32 $0xFFFFD000  }
0x203: {  	[spmem:s13] =	stream.linear.scatter [tilespmem:s23], [sflag:$0x9], $0x3000, $0x38;
	[tilespmem:$0x1FEC0] =	vst v63  }
0x204: {  	_ =	swait.ge [sflag:s3], $0x3000  }
0x205: {  	s16 =	sld [smem:$0x7E7]  }
0x206: {  	[sflag:s3] =	ssyncset.done $0x0  }
0x207: {  	[sflag:s3] =	ssyncadd.s32 $0xFFFFD000  }
0x208: {  	[spmem:s16] =	stream.linear.scatter [tilespmem:s23], [sflag:$0x9], $0x3000, $0x38;
	[tilespmem:$0x1FEC0] =	vst v63  }
0x209: {  	_ =	swait.ge [sflag:s3], $0x3000  }
0x20a: {  	s21 =	sld [smem:$0x7E8]  }
0x20b: {  	[sflag:s3] =	ssyncset.done $0x0  }
0x20c: {  	[sflag:s3] =	ssyncadd.s32 $0xFFFFD000  }
0x20d: {  	[spmem:s21] =	stream.linear.scatter [tilespmem:s23], [sflag:$0x9], $0x3000, $0x38;
	[tilespmem:$0x1FEC0] =	vst v63  }
0x20e: {  	_ =	swait.ge [sflag:s3], $0x3000  }
0x20f: {  	s25 =	sld [smem:$0x7E9]  }
0x210: {  	[sflag:s3] =	ssyncset.done $0x0  }
0x211: {  	[sflag:s3] =	ssyncadd.s32 $0xFFFFD000  }
0x212: {  	[spmem:s25] =	stream.linear.scatter [tilespmem:s23], [sflag:$0x9], $0x3000, $0x38;
	[tilespmem:$0x1FEC0] =	vst v63  }
0x213: {  	_ =	swait.ge [sflag:s3], $0x3000  }
0x214: {  	[sflag:s3] =	ssyncset.done $0x0  }
0x215: {  	[sflag:s3] =	ssyncadd.s32 $0xFFFFD000  }
0x216: {  	[spmem:s29] =	stream.linear.scatter [tilespmem:s23], [sflag:$0x9], $0x1800, $0x38;
	[tilespmem:$0x1FEC0] =	vst v63  }
0x217: {  	_ =	swait.ge [sflag:s3], $0x1800  }
0x218: {  	s2 =	sld [smem:$0x7F8]  }
0x219: {  	[sflag:s3] =	ssyncset.done $0x0  }
0x21a: {  	s1 =	simm.s32 @!p0 $0x13EC0;
	[sflag:s3] =	ssyncadd.s32 $0xFFFFE800  }
0x21b: {  	[spmem:s2] =	stream.linear.scatter @!p0 [tilespmem:s1], [sflag:$0x9], $0x800, $0x38;
	[tilespmem:$0x1FEC0] =	vst v63  }
0x21c: {  	s1 =	simm.s32 @!p0 $0x9  }
0x21d: {  	_ =	swait.ge @!p0 [sflag:s1], $0x800  }
0x21e: {  	s2 =	simm.s32 $0x200;
	[sflag:s1] =	ssyncset.done @!p0 $0x0;
	s21 =	rddreg [dreg:$0x4]  }
0x21f: {  	s31 =	rddreg [dreg:$0x18];
	[sflag:s1] =	ssyncadd.s32 @!p0 $0xFFFFF800;
	s1 =	simm.s32 $0x0  }
.LBB2_12:
0x220: {  	p1 =	sne.s32 s2, $0xBE00;
	[tilespmem:s1+$0x13F30] =	vst v1  }
0x221: {  	[tilespmem:s1+$0x13EC0] =	vst v1  }
0x222: {  	[tilespmem:s1+$0x13ED0] =	vst v1  }
.Ltmp9:
0x223: {  	[tilespmem:s1+$0x13EE0] =	vst v1;
	(pc) =	sbr.rel @p1 .LBB2_12-.Ltmp9, $4  }
0x224: {  	[tilespmem:s1+$0x13EF0] =	vst v1  }
0x225: {  	[tilespmem:s1+$0x13F00] =	vst v1  }
0x226: {  	[tilespmem:s1+$0x13F10] =	vst v1  }
0x227: {  	[tilespmem:s1+$0x13F20] =	vst v1;
	s1 =	sshra.s32 s2, $0x2;
	s2 =	sadd.s32 $0x200, s2  }
0x228: {  	[tilespmem:s1+$0x13F30] =	vst v1  }
0x229: {  	[tilespmem:s1+$0x13EC0] =	vst v1  }
0x22a: {  	[tilespmem:s1+$0x13ED0] =	vst v1  }
0x22b: {  	[tilespmem:s1+$0x13EE0] =	vst v1  }
0x22c: {  	[tilespmem:s1+$0x13EF0] =	vst v1  }
0x22d: {  	[tilespmem:s1+$0x13F00] =	vst v1  }
0x22e: {  	[tilespmem:s1+$0x13F10] =	vst v1  }
0x22f: {  	[tilespmem:s1+$0x13F20] =	vst v1  }
0x230: {  	[bflag:$0x0] =	sbarrier.arrive $0xFFFF  }
0x231: {  	s1 =	simm.s32 $0x0;
	s2 =	rddreg [dreg:$0x1a]  }
0x232: {  	[tilespmem:s4], [sflag:$0x9] =	stream.linear.gather [hbm4b:s2+s1], $0x60, $0x38;
	[tilespmem:$0x1FEC0] =	vst v63  }
0x233: {  	_ =	swait.ge [sflag:s3], $0x60  }
0x234: {  	[sflag:s3] =	ssyncset.done $0x0  }
0x235: {  	s13 =	simm.s32 $0x13BC0;
	[sflag:s3] =	ssyncadd.s32 $0xFFFFFFA0  }
0x236: {  	[tilespmem:s13], [sflag:$0x9] =	stream.linear.gather [hbm4b:s31+s1], $0x60, $0x38;
	[tilespmem:$0x1FEC0] =	vst v63  }
0x237: {  	_ =	swait.ge [sflag:s3], $0x60  }
0x238: {  	[sflag:s3] =	ssyncset.done $0x0  }
0x239: {  	s16 =	rddreg [dreg:$0x1c];
	[sflag:s3] =	ssyncadd.s32 $0xFFFFFFA0  }
0x23a: {  	[tilespmem:s18], [sflag:$0x9] =	stream.linear.gather [hbm4b:s16+s1], $0x60, $0x38;
	[tilespmem:$0x1FEC0] =	vst v63  }
0x23b: {  	_ =	swait.ge [sflag:s3], $0x60  }
0x23c: {  	s7 =	simm.s32 $0x13DC0;
	[sflag:s3] =	ssyncset.done $0x0  }
.Ltmp10:
0x23d: {  	s25 =	rddreg [dreg:$0x1e];
	[sflag:s3] =	ssyncadd.s32 $0xFFFFFFA0;
	(pc) =	sbr.rel .LBB2_14-.Ltmp10, $4  }
0x23e: {  	[tilespmem:s7], [sflag:$0x9] =	stream.linear.gather [hbm4b:s25+s1], $0x60, $0x38;
	[tilespmem:$0x1FEC0] =	vst v63  }
0x23f: {  	_ =	swait.ge [sflag:s3], $0x60  }
0x240: {  	s12 =	simm.s32 $0x13E40;
	s7 =	simm.s32 $0x4;
	[sflag:s3] =	ssyncset.done $0x0  }
0x241: {  	s25 =	simm.s32 $0x0;
	s16 =	sld [smem:$0x7F7];
	[sflag:s3] =	ssyncadd.s32 $0xFFFFFFA0  }
.LBB2_22:
0x242: {  	[spmem:s19] =	stream.indirect.scatter.add.f32 [tilespmem:s23], [sflag:$0x6], $0x80, s30, s5, $0xb8;
	[tilespmem:$0x1FEC0] =	vst v63  }
0x243: {  	p1 =	sgt.u32 s25, $0xB;
	_ =	swait.ge [sflag:s24], $0x3000  }
0x244: {  	s2 =	simm.s32 @p1 $0x60;
	[sflag:s24] =	ssyncset.done $0x0  }
0x245: {  	s9 =	simm.s32 @p1 $0x13D40;
	s11 =	simm.s32 @p1 $0x13EC0;
	[sflag:s24] =	ssyncadd.s32 $0xFFFFD000  }
0x246: {  	[spmem:s19] =	stream.indirect.scatter.add.f32 @p1 [tilespmem:s11], [sflag:$0x7], $0x80, s9, s2, $0xb8;
	[tilespmem:$0x1FEC0] =	vst v63  }
0x247: {  	s2 =	simm.s32 @p1 $0x7  }
0x248: {  	_ =	swait.ge @p1 [sflag:s2], $0x3000  }
0x249: {  	[sflag:s2] =	ssyncset.done @p1 $0x0  }
0x24a: {  	[sflag:s2] =	ssyncadd.s32 @p1 $0xFFFFD000;
	s2 =	sld [smem:$0x7EE];
	_ =	sdelay $0x2  }
0x24b: {  	s9 =	simm.s32 @!p1 $0x0;
	s11 =	simm.s32 @!p1 $0x13BC0;
	s2 =	sadd.s32 @!p1 s1, s2  }
0x24c: {  	[tilespmem:s11], [sflag:$0xA] =	stream.linear.gather @!p1 [hbm4b:s2+s9], $0x60, $0x38;
	[tilespmem:$0x1FEC0] =	vst v63  }
0x24d: {  	s2 =	simm.s32 @!p1 $0xA  }
0x24e: {  	_ =	swait.ge @!p1 [sflag:s2], $0x60  }
0x24f: {  	s12 =	simm.s32 @!p1 $0x13D40;
	[sflag:s2] =	ssyncset.done @!p1 $0x0  }
0x250: {  	s13 =	simm.s32 @!p1 $0x13EC0;
	s11 =	simm.s32 @!p1 $0x60;
	[sflag:s2] =	ssyncadd.s32 @!p1 $0xFFFFFFA0  }
0x251: {  	[spmem:s19] =	stream.indirect.scatter.add.f32 @!p1 [tilespmem:s13], [sflag:$0x7], $0x80, s12, s11, $0xb8;
	[tilespmem:$0x1FEC0] =	vst v63  }
0x252: {  	s11 =	simm.s32 @!p1 $0x7  }
0x253: {  	_ =	swait.ge @!p1 [sflag:s11], $0x3000  }
0x254: {  	[sflag:s11] =	ssyncset.done @!p1 $0x0  }
0x255: {  	[sflag:s11] =	ssyncadd.s32 @!p1 $0xFFFFD000;
	s11 =	sld [smem:$0x7EC];
	_ =	sdelay $0x2  }
0x256: {  	s12 =	simm.s32 @!p1 $0x13CC0;
	s11 =	sadd.s32 @!p1 s1, s11  }
0x257: {  	[tilespmem:s12], [sflag:$0xA] =	stream.linear.gather @!p1 [hbm4b:s11+s9], $0x60, $0x38;
	[tilespmem:$0x1FEC0] =	vst v63  }
0x258: {  	_ =	swait.ge @!p1 [sflag:s2], $0x60  }
0x259: {  	[sflag:s2] =	ssyncset.done @!p1 $0x0  }
0x25a: {  	s12 =	simm.s32 $0x13E40;
	[sflag:s2] =	ssyncadd.s32 @!p1 $0xFFFFFFA0  }
0x25b: {  	[spmem:s19] =	stream.indirect.scatter.add.f32 [tilespmem:s23], [sflag:$0x8], $0x80, s12, s5, $0xb8;
	[tilespmem:$0x1FEC0] =	vst v63  }
0x25c: {  	_ =	swait.ge [sflag:s10], $0x3000  }
0x25d: {  	s2 =	sld [smem:$0x7EA];
	_ =	sdelay $0x1  }
0x25e: {  	[sflag:s10] =	ssyncset.done $0x0  }
0x25f: {  	s11 =	simm.s32 @!p1 $0x13DC0;
	[sflag:s10] =	ssyncadd.s32 $0xFFFFD000;
	s2 =	sadd.s32 @!p1 s1, s2  }
0x260: {  	[tilespmem:s11], [sflag:$0x9] =	stream.linear.gather @!p1 [hbm4b:s2+s9], $0x60, $0x38;
	[tilespmem:$0x1FEC0] =	vst v63  }
0x261: {  	s2 =	simm.s32 @!p1 $0x9  }
0x262: {  	_ =	swait.ge @!p1 [sflag:s2], $0x60  }
0x263: {  	[sflag:s2] =	ssyncset.done @!p1 $0x0  }
0x264: {  	[sflag:s2] =	ssyncadd.s32 @!p1 $0xFFFFFFA0  }
.LBB2_23:
0x265: {  	s1 =	sadd.s32 $0x60, s1  }
0x266: {  	p1 =	sne.s32 s1, $0x540  }
.Ltmp11:
0x267: {  	_ = 	snop;
	(pc) =	sbr.rel @!p1 .LBB2_24-.Ltmp11, $2  }
0x268: {  	_ =	sdelay $0x2  }
0x269: {  	s25 =	sadd.s32 $0x1, s25;
	s16 =	sadd.s32 $0x300, s16;
	s7 =	sadd.s32 $0x8, s7  }
.LBB2_14:
0x26a: {  	[spmem:s19] =	stream.indirect.scatter.add.f32 [tilespmem:s23], [sflag:$0x5], $0x80, s4, s5, $0xb8;
	[tilespmem:$0x1FEC0] =	vst v63  }
0x26b: {  	p1 =	seq.s32 s1, $0x0  }
0x26c: {  	p2 =	sgt.u32 @!p1 s7, $0x68  }
0x26d: {  	p2 =	por p1, !p2  }
.Ltmp12:
0x26e: {  	_ = 	snop;
	(pc) =	sbr.rel @!p2 .LBB2_16-.Ltmp12, $4  }
0x26f: {  	s2 =	simm.s32 @!p1 $0x5  }
0x270: {  	_ =	swait.ge @!p1 [sflag:s2], $0x3000  }
0x271: {  	[sflag:s2] =	ssyncset.done @!p1 $0x0  }
0x272: {  	[sflag:s2] =	ssyncadd.s32 @!p1 $0xFFFFD000  }
0x273: {  	s2 =	smov.u32 s7  }
0x274: {  	s2 =	simm.s32 @p1 $0x4  }
0x275: {  	s2 =	smul.u32 $0x60, s2;
	_ =	sdelay $0x1  }
0x276: {  	s2 =	sadd.s32 s21, s2  }
0x277: {  	s2 =	sshrl.u32 s2, $0x3  }
0x278: {  	s9 =	simm.s32 $0x13B40;
	s2 =	sadd.s32 s22, s2  }
0x279: {  	[tilespmem:s9], [sflag:$0xA] =	stream.linear.gather [hbm4b:s2+s0], $0x60, $0x38;
	[tilespmem:$0x1FEC0] =	vst v63  }
.Ltmp13:
0x27a: {  	_ = 	snop;
	(pc) =	sbr.rel @!p1 .LBB2_18-.Ltmp13, $4  }
.Ltmp14:
0x27b: {  	_ =	swait.ge [sflag:s28], $0x60;
	(pc) =	sbr.rel @p1 .LBB2_19-.Ltmp14, $4  }
0x27c: {  	s13 =	simm.s32 $0x13BC0;
	[sflag:s28] =	ssyncset.done $0x0  }
0x27d: {  	p2 =	por $0x1, $0x1;
	s2 =	sld [smem:$0x7F9];
	[sflag:s28] =	ssyncadd.s32 $0xFFFFFFA0  }
0x27e: {  	[spmem:s19] =	stream.indirect.scatter.add.f32 [tilespmem:s23], [sflag:$0x6], $0x80, s13, s5, $0xb8;
	[tilespmem:$0x1FEC0] =	vst v63  }
0x27f: {  	_ = 	snop  }
.LBB2_16:
0x280: {  	p2 =	sgt.u32 s25, $0xC  }
.Ltmp15:
0x281: {  	_ = 	snop;
	(pc) =	sbr.rel @p2 .LBB2_23-.Ltmp15, $1  }
0x282: {  	_ =	sdelay $0x3  }
0x283: {  	s2 =	simm.s32 $0x13BC0;
	p2 =	por $0x0, $0x0  }
0x284: {  	[spmem:s19] =	stream.indirect.scatter.add.f32 [tilespmem:s23], [sflag:$0x6], $0x80, s2, s5, $0xb8;
	[tilespmem:$0x1FEC0] =	vst v63  }
.LBB2_18:
0x285: {  	_ =	swait.ge [sflag:s24], $0x3000  }
0x286: {  	[sflag:s24] =	ssyncset.done $0x0  }
0x287: {  	s2 =	sadd.s32 $0xFFFFFEE0, s16;
	[sflag:s24] =	ssyncadd.s32 $0xFFFFD000  }
.LBB2_19:
0x288: {  	s2 =	sshrl.u32 s2, $0x3  }
0x289: {  	s2 =	sadd.s32 s22, s2  }
0x28a: {  	[tilespmem:s30], [sflag:$0xA] =	stream.linear.gather [hbm4b:s2+s0], $0x60, $0x38;
	[tilespmem:$0x1FEC0] =	vst v63  }
0x28b: {  	_ =	swait.ge [sflag:s28], $0x60  }
0x28c: {  	[sflag:s28] =	ssyncset.done $0x0  }
0x28d: {  	s11 =	sld [smem:$0x7FB];
	[sflag:s28] =	ssyncadd.s32 $0xFFFFFFA0  }
0x28e: {  	[spmem:s19] =	stream.indirect.scatter.add.f32 [tilespmem:s23], [sflag:$0x7], $0x80, s18, s5, $0xb8;
	[tilespmem:$0x1FEC0] =	vst v63  }
0x28f: {  	s9 =	simm.s32 @p1 $0x13D40;
	s2 =	simm.s32 @p1 $0x0  }
0x290: {  	[tilespmem:s9], [sflag:$0xA] =	stream.linear.gather @p1 [hbm4b:s11+s2], $0x60, $0x38;
	[tilespmem:$0x1FEC0] =	vst v63  }
0x291: {  	s2 =	simm.s32 @p1 $0xA  }
0x292: {  	_ =	swait.ge @p1 [sflag:s2], $0x60  }
0x293: {  	s9 =	simm.s32 @p1 $0x13DC0;
	[sflag:s2] =	ssyncset.done @p1 $0x0  }
0x294: {  	s11 =	simm.s32 @p1 $0x13EC0;
	[sflag:s2] =	ssyncadd.s32 @p1 $0xFFFFFFA0;
	s2 =	simm.s32 @p1 $0x60  }
0x295: {  	[spmem:s19] =	stream.indirect.scatter.add.f32 @p1 [tilespmem:s11], [sflag:$0x8], $0x80, s9, s2, $0xb8;
	[tilespmem:$0x1FEC0] =	vst v63  }
0x296: {  	s2 =	simm.s32 @!p1 $0x7  }
0x297: {  	_ =	swait.ge @!p1 [sflag:s2], $0x3000  }
0x298: {  	s9 =	simm.s32 @!p1 $0x0;
	[sflag:s2] =	ssyncset.done @!p1 $0x0  }
0x299: {  	s11 =	simm.s32 @!p1 $0x13D40;
	[sflag:s2] =	ssyncadd.s32 @!p1 $0xFFFFD000;
	s2 =	sadd.s32 @!p1 s1, s20  }
0x29a: {  	[tilespmem:s11], [sflag:$0xA] =	stream.linear.gather @!p1 [hbm4b:s2+s9], $0x60, $0x38;
	[tilespmem:$0x1FEC0] =	vst v63  }
0x29b: {  	s2 =	simm.s32 @!p1 $0xA  }
0x29c: {  	_ =	swait.ge @!p1 [sflag:s2], $0x60  }
0x29d: {  	s9 =	simm.s32 @!p1 $0x13DC0;
	[sflag:s2] =	ssyncset.done @!p1 $0x0  }
0x29e: {  	s11 =	simm.s32 @!p1 $0x13EC0;
	[sflag:s2] =	ssyncadd.s32 @!p1 $0xFFFFFFA0;
	s2 =	simm.s32 @!p1 $0x60  }
0x29f: {  	[spmem:s19] =	stream.indirect.scatter.add.f32 @!p1 [tilespmem:s11], [sflag:$0x8], $0x80, s9, s2, $0xb8;
	[tilespmem:$0x1FEC0] =	vst v63  }
0x2a0: {  	s2 =	simm.s32 @!p1 $0x8  }
0x2a1: {  	_ =	swait.ge @!p1 [sflag:s2], $0x3000  }
0x2a2: {  	s11 =	sld [smem:$0x7FA];
	_ =	sdelay $0x1  }
0x2a3: {  	s9 =	sadd.s32 @!p1 $0xFFFFFFA0, s16  }
0x2a4: {  	s9 =	smov.u32 @p1 s11  }
0x2a5: {  	[sflag:s2] =	ssyncset.done @!p1 $0x0;
	s9 =	sshrl.u32 s9, $0x3  }
.Ltmp16:
0x2a6: {  	[sflag:s2] =	ssyncadd.s32 @!p1 $0xFFFFD000;
	s13 =	sadd.s32 s22, s9;
	(pc) =	sbr.rel @!p2 .LBB2_22-.Ltmp16, $4  }
0x2a7: {  	[tilespmem:s12], [sflag:$0xA] =	stream.linear.gather [hbm4b:s13+s0], $0x60, $0x38;
	[tilespmem:$0x1FEC0] =	vst v63  }
0x2a8: {  	_ =	swait.ge [sflag:s28], $0x60  }
0x2a9: {  	[sflag:s28] =	ssyncset.done $0x0  }
0x2aa: {  	[sflag:s28] =	ssyncadd.s32 $0xFFFFFFA0  }
0x2ab: {  	p1 =	seq.s32 s1, $0x4E0  }
.Ltmp17:
0x2ac: {  	s2 =	simm.s32 $0x13B40;
	s13 =	simm.s32 $0x5;
	(pc) =	sbr.rel @p1 .LBB2_24-.Ltmp17, $4  }
0x2ad: {  	[spmem:s19] =	stream.indirect.scatter.add.f32 [tilespmem:s23], [sflag:$0x5], $0x80, s2, s5, $0xb8;
	[tilespmem:$0x1FEC0] =	vst v63  }
0x2ae: {  	_ =	swait.ge [sflag:s13], $0x3000  }
0x2af: {  	[sflag:s13] =	ssyncset.done $0x0  }
0x2b0: {  	[sflag:s13] =	ssyncadd.s32 $0xFFFFD000  }
0x2b1: {  	s2 =	sshrl.u32 s16, $0x3  }
.Ltmp18:
0x2b2: {  	s2 =	sadd.s32 s22, s2;
	(pc) =	sbr.rel .LBB2_22-.Ltmp18, $4  }
0x2b3: {  	[tilespmem:s4], [sflag:$0xA] =	stream.linear.gather [hbm4b:s2+s0], $0x60, $0x38;
	[tilespmem:$0x1FEC0] =	vst v63  }
0x2b4: {  	_ =	swait.ge [sflag:s28], $0x60  }
0x2b5: {  	[sflag:s28] =	ssyncset.done $0x0  }
0x2b6: {  	[sflag:s28] =	ssyncadd.s32 $0xFFFFFFA0  }
.LBB2_25:
0x2b7: {  	_ =	sfence.sel $0x180000  }
0x2b8: {  	[bflag:$0x0] =	sbarrier.arrive $0xFFFF  }
0x2b9: {  	_ =	strace $0x90000047  }
0x2ba: {  	[bflag:$0x2] =	sbarrier.arrive $0xFFFF  }
0x2bb: {  	s0 =	rddreg [dreg:$0x3]  }
0x2bc: {  	s0 =	sadd.s32 @!p0 $0x100000, s0  }
0x2bd: {  	[sflag:s0] =	ssyncadd.tile.s32 @!p0 $0x1;
	_ =	shalt  }
.Lfunc_end2:
_tile_overlayer_lowered:
.L_overlay_start_2:
0x2be: {  	(tag) =	ssettag $0x2  }
0x2bf: {  	s0 =	rddreg [dreg:$0x0];
	s2 =	stileid.u32  }
0x2c0: {  	s1 =	rddreg [dreg:$0x1];
	p0 =	sne.s32 s2, $0x0  }
0x2c1: {  	s3 =	rddreg [dreg:$0x2];
	[bflag:$0x3] =	sbarrier.arrive $0xFFFF;
	s2 =	simm.s32 @!p0 $0x1C09  }
0x2c2: {  	[timem:s3], [sflag:s2] =	dma.local @!p0 [hbm:s0], s1  }
0x2c3: {  	s0 =	simm.s32 @!p0 $0x9  }
0x2c4: {  	_ =	swait.ge @!p0 [sflag:s0], s1  }
0x2c5: {  	s1 =	ssub.s32 @!p0 $0x0, s1;
	[sflag:s0] =	ssyncset.done @!p0 $0x0  }
0x2c6: {  	[sflag:s0] =	ssyncadd.s32 @!p0 s1  }
0x2c7: {  	[bflag:$0x3] =	sbarrier.arrive $0xFFFF  }
0x2c8: {  	_ =	shalt  }

// kernel: kernel.9.cloned.1.call-start
scs
__scs_entry_jumppad:
0x0: {  	(pc) =	sbr.rel $0x88, $3  }
0x1: {  	(tag) =	ssettag $0x0;
	lr =	simm.s32 $0x1  }
0x2: {  	[smem:$0x3F99] =	sst lr;
	_ =	strace $0xD0000000  }
0x3: {  	_ = 	snop  }
0x4: {  	_ = 	snop  }
0x5: {  	_ = 	snop  }
0x6: {  	_ = 	snop  }
0x7: {  	_ = 	snop  }
__scs_overlays_trampoline_lowered:
0x8: {  	[smem:$0x3FA8] =	sst s0  }
0x9: {  	[smem:$0x3FA9] =	sst s1  }
0xa: {  	[smem:$0x3FAA] =	sst s2  }
0xb: {  	[smem:$0x3FAB] =	sst s3  }
0xc: {  	[smem:$0x3FAC] =	sst s4  }
0xd: {  	[smem:$0x3FAD] =	sst s5  }
0xe: {  	[smem:$0x3FAE] =	sst s6  }
0xf: {  	[smem:$0x3FAF] =	sst s7  }
0x10: {  	[smem:$0x3FB0] =	sst s8  }
0x11: {  	[smem:$0x3FB1] =	sst s9;
	s0 =	simm.s32 @!p0 $0x0  }
0x12: {  	s1 =	sld [smem:$0x3F97];
	s0 =	simm.s32 @p0 $0x1  }
0x13: {  	[smem:$0x3FB2] =	sst s0;
	s0 =	simm.s32 @!p1 $0x0  }
0x14: {  	s2 =	sld [smem:$0x3F96];
	s0 =	simm.s32 @p1 $0x1  }
0x15: {  	[smem:$0x3FB3] =	sst s0;
	s0 =	simm.s32 @!p2 $0x0  }
0x16: {  	s3 =	sld [smem:$0x3FDB];
	s0 =	simm.s32 @p2 $0x1  }
0x17: {  	s4 =	simm.s32 $0x1BF5;
	[smem:$0x3FB5] =	sst s0  }
0x18: {  	s0 =	sld [smem:$0x3F98];
	_ =	swait.ge [sflag:s4], $0x0  }
0x19: {  	s7 =	sld [smem:$0x3F99]  }
0x1a: {  	s8 =	sadd.s32 $0xFFFFE003, lr  }
0x1b: {  	s9 =	sadd.s32 $0xFFFFFEF7, lr;
	s5 =	simm.s32 $0xFFFFFFFF;
	p2 =	slt.u32 s8, $0xFFFFF086  }
0x1c: {  	p1 =	slt.u32 s9, $0xF7A;
	s5 =	simm.s32 @!p2 $0x0  }
0x1d: {  	s5 =	simm.s32 @p1 $0x1;
	p0 =	seq.s32 s7, s2  }
0x1e: {  	s7 =	smul.u32 @!p0 $0xF7A, s2;
	p2 =	seq.s32 @!p0 s5, $0x0  }
0x1f: {  	s9 =	smul.u32 $0xF7A, s1;
	s8 =	simm.s32 @!p0 $0x1BF5;
	p2 =	por !p2, p0  }
0x20: {  	[sflag:s8] =	ssyncset.s32 @!p0 $0xFFFFF086;
	s6 =	sadd.s32 @!p0 s3, s7;
	s7 =	simm.s32 @!p0 $0x108  }
0x21: {  	s3 =	sadd.s32 s3, s9;
	s6 =	sadd.s32 @!p0 $0x88, s6;
	s7 =	simm.s32 @p2 $0x1082  }
0x22: {  	[simem:s7], [sflag:s8] =	dma.local @!p0 [hbm:s6], $0xF7A  }
0x23: {  	s9 =	sor.u32 $0xD0000000, s2;
	s6 =	simm.s32 $0x108;
	_ =	swait.ge @!p0 [sflag:s8], $0x0  }
0x24: {  	s3 =	sadd.s32 $0x88, s3;
	s6 =	simm.s32 @!p1 $0x1082;
	[sflag:s4] =	ssyncset.s32 $0xFFFFF086  }
0x25: {  	[simem:s6], [sflag:s4] =	dma.local [hbm:s3], $0xF7A  }
0x26: {  	[smem:$0x3F99] =	sst s1;
	(tag) =	ssettag s2;
	_ =	strace s9  }
0x27: {  	s1 =	sld [smem:$0x3FA9]  }
0x28: {  	s2 =	sld [smem:$0x3FAA]  }
0x29: {  	s4 =	sld [smem:$0x3FAC]  }
0x2a: {  	p0 =	seq.s32 s5, $0x0;
	s5 =	sld [smem:$0x3FAD]  }
0x2b: {  	s6 =	sld [smem:$0x3FAE]  }
0x2c: {  	s7 =	sld [smem:$0x3FAF]  }
0x2d: {  	s3 =	simm.s32 $0x108;
	s8 =	sld [smem:$0x3FB0]  }
0x2e: {  	s3 =	simm.s32 @!p0 $0x1082;
	s9 =	sld [smem:$0x3FB1]  }
0x2f: {  	lr =	sadd.s32 s0, s3;
	s0 =	sld [smem:$0x3FA8]  }
0x30: {  	s3 =	sld [smem:$0x3FAB]  }
0x31: {  	[smem:$0x3FB4] =	sst s10  }
0x32: {  	s10 =	sld [smem:$0x3FB2];
	_ =	sdelay $0x3  }
0x33: {  	p0 =	seq.s32 s10, $0x1;
	s10 =	sld [smem:$0x3FB4];
	_ =	sdelay $0x3  }
0x34: {  	[smem:$0x3FB4] =	sst s10  }
0x35: {  	s10 =	sld [smem:$0x3FB3];
	_ =	sdelay $0x3  }
0x36: {  	p1 =	seq.s32 s10, $0x1;
	s10 =	sld [smem:$0x3FB4];
	_ =	sdelay $0x3  }
0x37: {  	[smem:$0x3FB4] =	sst s10  }
0x38: {  	s10 =	sld [smem:$0x3FB5]  }
0x39: {  	_ = 	snop;
	(pc) =	sbr.ind lr, $3  }
0x3a: {  	_ = 	snop  }
0x3b: {  	_ = 	snop  }
0x3c: {  	p2 =	seq.s32 s10, $0x1;
	s10 =	sld [smem:$0x3FB4]  }
0x3d: {  	_ =	shalt  }
0x3e: {  	_ =	shalt  }
0x3f: {  	_ =	shalt  }
0x40: {  	_ =	shalt  }
0x41: {  	_ =	shalt  }
0x42: {  	_ =	shalt  }
0x43: {  	_ =	shalt  }
0x44: {  	_ =	shalt  }
0x45: {  	_ =	shalt  }
0x46: {  	_ =	shalt  }
0x47: {  	_ =	shalt  }
0x48: {  	_ =	shalt  }
0x49: {  	_ =	shalt  }
0x4a: {  	_ =	shalt  }
0x4b: {  	_ =	shalt  }
0x4c: {  	_ =	shalt  }
0x4d: {  	_ =	shalt  }
0x4e: {  	_ =	shalt  }
0x4f: {  	_ =	shalt  }
0x50: {  	_ =	shalt  }
0x51: {  	_ =	shalt  }
0x52: {  	_ =	shalt  }
0x53: {  	_ =	shalt  }
0x54: {  	_ =	shalt  }
0x55: {  	_ =	shalt  }
0x56: {  	_ =	shalt  }
0x57: {  	_ =	shalt  }
0x58: {  	_ =	shalt  }
0x59: {  	_ =	shalt  }
0x5a: {  	_ =	shalt  }
0x5b: {  	_ =	shalt  }
0x5c: {  	_ =	shalt  }
0x5d: {  	_ =	shalt  }
0x5e: {  	_ =	shalt  }
0x5f: {  	_ =	shalt  }
0x60: {  	_ =	shalt  }
0x61: {  	_ =	shalt  }
0x62: {  	_ =	shalt  }
0x63: {  	_ =	shalt  }
0x64: {  	_ =	shalt  }
0x65: {  	_ =	shalt  }
0x66: {  	_ =	shalt  }
0x67: {  	_ =	shalt  }
0x68: {  	_ =	shalt  }
0x69: {  	_ =	shalt  }
0x6a: {  	_ =	shalt  }
0x6b: {  	_ =	shalt  }
0x6c: {  	_ =	shalt  }
0x6d: {  	_ =	shalt  }
0x6e: {  	_ =	shalt  }
0x6f: {  	_ =	shalt  }
0x70: {  	_ =	shalt  }
0x71: {  	_ =	shalt  }
0x72: {  	_ =	shalt  }
0x73: {  	_ =	shalt  }
0x74: {  	_ =	shalt  }
0x75: {  	_ =	shalt  }
0x76: {  	_ =	shalt  }
0x77: {  	_ =	shalt  }
0x78: {  	_ =	shalt  }
0x79: {  	_ =	shalt  }
0x7a: {  	_ =	shalt  }
0x7b: {  	_ =	shalt  }
0x7c: {  	_ =	shalt  }
0x7d: {  	_ =	shalt  }
0x7e: {  	_ =	shalt  }
0x7f: {  	_ =	shalt  }
0x80: {  	_ =	shalt  }
0x81: {  	_ =	shalt  }
0x82: {  	_ =	shalt  }
0x83: {  	_ =	shalt  }
0x84: {  	_ =	shalt  }
0x85: {  	_ =	shalt  }
0x86: {  	_ =	shalt  }
0x87: {  	_ =	shalt  }
.Lfunc_end0:
.L_simem_size_0:
called_computation.1_lowered:
.L_overlay_start_0:
0x88: {  	s2 =	sld [smem:$0x3FD9]  }
0x89: {  	s3 =	sld [smem:$0x3FFE];
	_ =	sdelay $0x1  }
0x8a: {  	s1 =	srdreg.scid  }
0x8b: {  	s0 =	sand.u32 $0x1, s1  }
0x8c: {  	s14 =	sshll.u32 s0, $0xA;
	s2 =	sadd.s32 s3, s2  }
0x8d: {  	s2 =	sadd.s32 s2, s14  }
0x8e: {  	[smem:$0x3FC0] =	sst s2  }
0x8f: {  	_ = 	snop  }
0x90: {  	s2 =	sld [smem:$0x3FD0];
	_ =	sdelay $0x2  }
0x91: {  	s15 =	simm.s32 $0xA;
	s4 =	simm.s32 $0x10  }
0x92: {  	[smem:s4], [sflag:s15] =	dma.local [hbm:s2], $0x1  }
0x93: {  	_ =	swait.eq [sflag:s15], $0x1  }
0x94: {  	[sflag:s15] =	ssyncset.done $0x0  }
0x95: {  	[sflag:s15] =	ssyncadd.s32 $0xFFFFFFFF  }
0x96: {  	s16 =	sld [smem:$0x12];
	(tm) =	ssettm $0x1  }
0x97: {  	s17 =	sld [smem:$0x3FFB];
	_ =	sdelay $0x3  }
0x98: {  	_ =	strace s17  }
0x99: {  	s3 =	sld [smem:$0x3FFC];
	_ =	sdelay $0x3  }
0x9a: {  	_ =	strace s3  }
0x9b: {  	s3 =	sld [smem:$0x3FFD];
	_ =	sdelay $0x3  }
0x9c: {  	_ =	strace s3  }
0x9d: {  	_ =	strace $0x8FFFFFFF  }
0x9e: {  	s18 =	sld [smem:$0x3FDB];
	_ =	sdelay $0x1  }
0x9f: {  	s19 =	simm.s32 $_scs_section_size  }
0xa0: {  	s5 =	simm.s32 $_size__tile_overlayer_lowered;
	s6 =	simm.s32 $_tile_overlayer_lowered  }
0xa1: {  	s22 =	simm.s32 $0x1BFF;
	s21 =	sshll.u32 s6, $0x1;
	s3 =	sadd.s32 s19, s18  }
0xa2: {  	s7 =	simm.s32 $0x0;
	s20 =	sshll.u32 s5, $0x1;
	s5 =	sadd.s32 s21, s3  }
0xa3: {  	[timem:s7], [sflag:s22] =	dma.local [hbm:s5], s20  }
0xa4: {  	_ =	swait.ge [sflag:s22], s20  }
0xa5: {  	s4 =	ssub.s32 $0x0, s20;
	[sflag:s22] =	ssyncset.done $0x0  }
0xa6: {  	[sflag:s22] =	ssyncadd.s32 s4;
	_ =	sdelay $0x1  }
0xa7: {  	s23 =	simm.s32 $0x1B8B  }
0xa8: {  	_ =	swait.ge [sflag:s23], $0x1  }
0xa9: {  	[sflag:s23] =	ssyncset.done $0x0  }
0xaa: {  	s25 =	simm.s32 $0x1B8E;
	s24 =	sld [smem:$0x3FFE];
	[sflag:s23] =	ssyncadd.s32 $0xFFFFFFFF  }
0xab: {  	s26 =	simm.s32 $execute0_lowered;
	[smem:$0x3FD2] =	sst s25  }
0xac: {  	s5 =	sshll.u32 s26, $0x1;
	_ =	strace $0x80000049;
	[dreg:$0x1] =	wrdreg $0xFFFFFFFF  }
0xad: {  	s28 =	simm.s32 $_size_execute0_lowered;
	s3 =	sadd.s32 s3, s5;
	[dreg:$0x0] =	wrdreg $0x0  }
0xae: {  	s5 =	sshll.u32 s28, $0x1;
	[dreg:$0x2] =	wrdreg s3  }
0xaf: {  	[dreg:$0x3] =	wrdreg s5  }
0xb0: {  	[dreg:$0x4] =	wrdreg $0xC0  }
0xb1: {  	_ =	task [dreg:s7], $0x5FFFF  }
0xb2: {  	[dreg:$0x1] =	wrdreg $0xFFFFFFFF  }
0xb3: {  	[dreg:$0x0] =	wrdreg $0x60  }
0xb4: {  	[dreg:$0x2] =	wrdreg s24  }
0xb5: {  	[dreg:$0x3] =	wrdreg s16  }
0xb6: {  	[dreg:$0x4] =	wrdreg $0x0  }
0xb7: {  	[dreg:$0x5] =	wrdreg $0x9  }
0xb8: {  	_ =	task.clear_ibuf [dreg:s7], $0x6FFFF;
	_ =	strace $0x90000049  }
0xb9: {  	s29 =	simm.s32 $0x9;
	_ =	strace $0x8000004B  }
0xba: {  	_ =	swait.ge [sflag:s29], $0x1  }
0xbb: {  	[sflag:s29] =	ssyncadd.s32 $0xFFFFFFFF  }
0xbc: {  	_ =	strace $0x9000004B  }
0xbd: {  	_ =	sfence  }
0xbe: {  	s30 =	sld [smem:$0x0];
	_ =	sdelay $0x2  }
0xbf: {  	s31 =	sshll.u32 s1, $0xD;
	s1 =	sshrl.u32 s1, $0x2  }
0xc0: {  	s3 =	sand.u32 $0x4000, s31;
	s1 =	sadd.s32 s1, s30  }
0xc1: {  	s0 =	sor.u32 s3, s0;
	s1 =	sshll.u32 s1, $0x11  }
0xc2: {  	s0 =	sor.u32 s1, s0  }
0xc3: {  	s0 =	sadd.s32 $0x8F2B, s0  }
0xc4: {  	[sflag:s0] =	ssyncadd.remote.s32 $0x1  }
0xc5: {  	_ =	sfence.sel $0xFFFF  }
0xc6: {  	[dreg:$0x0] =	wrdreg $0xFFFFFFFF;
	(pc) =	sbr.abs _section_cstart, $3  }
0xc7: {  	[dreg:$0x1] =	wrdreg $0xFFFFFFFF  }
0xc8: {  	_ =	task.clear_ibuf [dreg:s7], $0x2FFFF;
	_ =	strace $0x9FFFFFFF  }
0xc9: {  	(tm) =	ssettm $0x7FFFFFFF  }
tec
execute0_lowered:
.L_overlay_start_1:
0x0: {  	(tag) =	ssettag $0x1  }
0x1: {  	s0 =	rddreg [dreg:$0x0]  }
0x2: {  	s1 =	rddreg [dreg:$0x1]  }
0x3: {  	s2 =	rddreg [dreg:$0x2]  }
0x4: {  	s3 =	simm.s32 $0x0;
	s6 =	srdreg.scid;
	s7 =	stileid.u32  }
0x5: {  	s28 =	simm.s32 $0x1;
	s29 =	simm.s32 $0x13EC0;
	[smem:$0x7FF] =	sst s3  }
0x6: {  	s5 =	sadd.s32 $0xBC00, s0;
	s24 =	sadd.s32 $0x1E00, s0;
	s8 =	smul.u32 $0x13800, s7  }
0x7: {  	s6 =	sand.u32 $0x1, s6;
	s0 =	sadd.s32 $0x15A00, s0;
	s4 =	smul.u32 $0x2760, s7  }
0x8: {  	p0 =	sne.s32 s7, $0x0;
	s31 =	sadd.s32 $0x138000, s2;
	_ =	strace $0x8000004A  }
0x9: {  	s9 =	sshll.u32 s6, $0x4;
	s10 =	smul.u32 $0x138800, s6;
	s11 =	ssub.s32 $0x2, s6  }
0xa: {  	s6 =	smul.u32 $0x27600, s6;
	[smem:$0x7FD] =	sst s31;
	s9 =	sor.u32 s7, s9  }
0xb: {  	s12 =	sadd.s32 $0x12000, s8;
	s13 =	sshrl.u32 s11, $0x1;
	s15 =	sadd.s32 $0x6000, s8  }
0xc: {  	s16 =	sadd.s32 $0x9000, s8;
	s17 =	sadd.s32 $0xC000, s8;
	s9 =	smul.u32 $0x2760, s9  }
0xd: {  	s14 =	sadd.s32 s10, s12;
	s11 =	ssub.s32 s11, s13;
	s21 =	sadd.s32 s12, s2  }
0xe: {  	s19 =	sshrl.u32 s10, $0x3;
	s13 =	sadd.s32 $0x3000, s8;
	s20 =	sadd.s32 s10, s8  }
0xf: {  	s8 =	sadd.s32 $0xF000, s8;
	s18 =	sshrl.u32 s14, $0x3;
	s14 =	sshrl.u32 s20, $0x3  }
0x10: {  	s22 =	sadd.s32 s10, s13;
	s30 =	sadd.s32 s8, s2;
	[dreg:$0x4] =	wrdreg s21  }
0x11: {  	s9 =	sshrl.u32 s9, $0x3;
	s12 =	sadd.s32 s0, s18;
	[dreg:$0x1b] =	wrdreg s30  }
0x12: {  	s14 =	sadd.s32 s0, s14;
	s18 =	sadd.s32 s10, s15;
	[dreg:$0x5] =	wrdreg s12  }
0x13: {  	s15 =	sadd.s32 s15, s2;
	s12 =	sadd.s32 s0, s19;
	[dreg:$0x6] =	wrdreg s14  }
0x14: {  	s14 =	sshrl.u32 s22, $0x3;
	s22 =	sadd.s32 s5, s9;
	[dreg:$0x18] =	wrdreg s15  }
0x15: {  	s19 =	sadd.s32 s10, s16;
	s16 =	sadd.s32 s16, s2;
	[dreg:$0xe] =	wrdreg s22  }
0x16: {  	s18 =	sshrl.u32 s18, $0x3;
	s14 =	sadd.s32 s0, s14;
	[dreg:$0x19] =	wrdreg s16  }
0x17: {  	s7 =	smul.u32 $0x4E000, s7;
	s23 =	sadd.s32 s0, s18;
	[dreg:$0x7] =	wrdreg s14  }
0x18: {  	s26 =	sadd.s32 s10, s17;
	s12 =	sadd.s32 $0x27000, s12;
	[dreg:$0x8] =	wrdreg s23  }
0x19: {  	s19 =	sshrl.u32 s19, $0x3;
	s18 =	smax.u32 s11, $0x1;
	[dreg:$0x14] =	wrdreg s12  }
0x1a: {  	s10 =	sadd.s32 s10, s8;
	s25 =	sadd.s32 s0, s19;
	[dreg:$0x15] =	wrdreg s18  }
0x1b: {  	s14 =	sshrl.u32 s26, $0x3;
	s23 =	sadd.s32 s24, s9;
	[dreg:$0x9] =	wrdreg s25  }
0x1c: {  	s10 =	sshrl.u32 s10, $0x3;
	s14 =	sadd.s32 s0, s14;
	[dreg:$0xf] =	wrdreg s23  }
0x1d: {  	s19 =	sadd.s32 $0xC, s9;
	s0 =	sadd.s32 s0, s10;
	[dreg:$0xa] =	wrdreg s14  }
0x1e: {  	s6 =	sadd.s32 s4, s6;
	s20 =	sadd.s32 s5, s19;
	[dreg:$0xb] =	wrdreg s0  }
0x1f: {  	s8 =	sadd.s32 $0x2A0, s6;
	s23 =	sadd.s32 s13, s2;
	[dreg:$0xc] =	wrdreg s20  }
0x20: {  	s25 =	sadd.s32 $0x18, s9;
	s0 =	sadd.s32 s24, s19;
	[dreg:$0x17] =	wrdreg s23  }
0x21: {  	s9 =	sadd.s32 $0x24, s9;
	s26 =	sadd.s32 s5, s25;
	[dreg:$0xd] =	wrdreg s0  }
0x22: {  	s4 =	sadd.s32 s5, s9;
	s10 =	sadd.s32 s24, s9;
	[dreg:$0x10] =	wrdreg s26  }
0x23: {  	s14 =	sshrl.u32 s7, $0x2;
	s19 =	sadd.s32 $0x420, s6;
	[dreg:$0x12] =	wrdreg s4  }
0x24: {  	s20 =	sadd.s32 $0x3C0, s6;
	s0 =	sadd.s32 s24, s25;
	[dreg:$0x13] =	wrdreg s10  }
0x25: {  	s14 =	sadd.s32 s14, s2;
	s26 =	sadd.s32 s17, s2;
	s7 =	sshrl.u32 s20, $0x3  }
0x26: {  	s4 =	sadd.s32 $0x360, s6;
	s10 =	sadd.s32 $0x240, s6;
	[dreg:$0x11] =	wrdreg s0  }
0x27: {  	s17 =	sadd.s32 $0x1E0, s6;
	s0 =	sshrl.u32 s19, $0x3;
	[dreg:$0x16] =	wrdreg s14  }
0x28: {  	s25 =	sadd.s32 s7, s24;
	s7 =	sadd.s32 s7, s5;
	[dreg:$0x1a] =	wrdreg s26  }
0x29: {  	s11 =	sshrl.u32 s10, $0x3;
	s18 =	sshrl.u32 s17, $0x3;
	[dreg:$0x1e] =	wrdreg s25  }
0x2a: {  	s19 =	sadd.s32 $0x180, s6;
	s22 =	sadd.s32 s0, s24;
	[dreg:$0x1f] =	wrdreg s7  }
0x2b: {  	s10 =	simm.s32 $0x4;
	s0 =	sadd.s32 s0, s5;
	[dreg:$0x1c] =	wrdreg s22  }
0x2c: {  	s7 =	sshrl.u32 s8, $0x3;
	s13 =	sadd.s32 s11, s24;
	[dreg:$0x1d] =	wrdreg s0  }
0x2d: {  	s20 =	sadd.s32 s18, s24;
	s25 =	sadd.s32 $0x300, s6;
	[smem:$0x7F8] =	sst s13  }
0x2e: {  	s0 =	sshrl.u32 s4, $0x3;
	s12 =	sadd.s32 s7, s24;
	[smem:$0x7FA] =	sst s20  }
0x2f: {  	s7 =	sadd.s32 s7, s5;
	s22 =	sshrl.u32 s19, $0x3;
	[smem:$0x7FC] =	sst s25  }
0x30: {  	s19 =	simm.s32 $0x60;
	s25 =	simm.s32 $0x16EC0;
	s4 =	simm.s32 $0x19EC0  }
0x31: {  	s20 =	simm.s32 $0x2;
	s9 =	sadd.s32 s0, s24;
	[smem:$0x7F6] =	sst s12  }
.Ltmp0:
0x32: {  	s0 =	sadd.s32 s0, s5;
	[smem:$0x7F7] =	sst s7;
	(pc) =	sbr.rel .LBB2_1-.Ltmp0, $4  }
0x33: {  	s17 =	sadd.s32 s22, s24;
	s7 =	simm.s32 $0x3;
	[smem:$0x7F4] =	sst s9  }
0x34: {  	[smem:$0x7F5] =	sst s0;
	s0 =	sadd.s32 s11, s5;
	s9 =	simm.s32 $0x1CEC0  }
0x35: {  	[smem:$0x7F9] =	sst s0;
	s0 =	sadd.s32 s18, s5;
	s18 =	sadd.s32 s22, s5  }
0x36: {  	v0 =	vimm.f32 $0.0e+00;
	s22 =	simm.s32 $0x9;
	[smem:$0x7FB] =	sst s0;
	s0 =	simm.s32 $0x0  }
.LBB2_9:
0x37: {  	s0 =	simm.s32 $0x5  }
0x38: {  	_ =	swait.ge [sflag:s0], $0x3000  }
0x39: {  	[sflag:s0] =	ssyncset.done $0x0  }
0x3a: {  	s13 =	simm.s32 $0x6;
	[sflag:s0] =	ssyncadd.s32 $0xFFFFD000  }
0x3b: {  	_ =	swait.ge [sflag:s13], $0x3000  }
0x3c: {  	[sflag:s13] =	ssyncset.done $0x0  }
0x3d: {  	s14 =	simm.s32 $0x7;
	[sflag:s13] =	ssyncadd.s32 $0xFFFFD000  }
0x3e: {  	_ =	swait.ge [sflag:s14], $0x3000  }
0x3f: {  	[sflag:s14] =	ssyncset.done $0x0  }
0x40: {  	s15 =	simm.s32 $0x8;
	[sflag:s14] =	ssyncadd.s32 $0xFFFFD000  }
0x41: {  	_ =	swait.ge [sflag:s15], $0x3000  }
0x42: {  	[sflag:s15] =	ssyncset.done $0x0  }
0x43: {  	[sflag:s15] =	ssyncadd.s32 $0xFFFFD000  }
0x44: {  	[bflag:$0x0] =	sbarrier.arrive $0xFFFF  }
0x45: {  	s14 =	rddreg [dreg:$0x16]  }
0x46: {  	[tilespmem:s25], [sflag:$0x9] =	stream.linear.gather [spmem:s14], $0x3000, $0x38;
	[tilespmem:$0x1FEC0] =	vst v63  }
0x47: {  	_ =	swait.ge [sflag:s22], $0x3000  }
0x48: {  	[sflag:s22] =	ssyncset.done $0x0  }
0x49: {  	s6 =	rddreg [dreg:$0x6];
	[sflag:s22] =	ssyncadd.s32 $0xFFFFD000  }
0x4a: {  	[hbm4b:s6+s3] =	stream.linear.scatter [tilespmem:s25], [sflag:$0x9], $0x3000, $0x38;
	[tilespmem:$0x1FEC0] =	vst v63  }
0x4b: {  	_ =	swait.ge [sflag:s22], $0x3000  }
0x4c: {  	[sflag:s22] =	ssyncset.done $0x0  }
0x4d: {  	s23 =	rddreg [dreg:$0x17];
	[sflag:s22] =	ssyncadd.s32 $0xFFFFD000  }
0x4e: {  	[tilespmem:s25], [sflag:$0x9] =	stream.linear.gather [spmem:s23], $0x3000, $0x38;
	[tilespmem:$0x1FEC0] =	vst v63  }
0x4f: {  	_ =	swait.ge [sflag:s22], $0x3000  }
0x50: {  	[sflag:s22] =	ssyncset.done $0x0  }
0x51: {  	s16 =	rddreg [dreg:$0x7];
	[sflag:s22] =	ssyncadd.s32 $0xFFFFD000  }
0x52: {  	[hbm4b:s16+s3] =	stream.linear.scatter [tilespmem:s25], [sflag:$0x9], $0x3000, $0x38;
	[tilespmem:$0x1FEC0] =	vst v63  }
0x53: {  	_ =	swait.ge [sflag:s22], $0x3000  }
0x54: {  	[sflag:s22] =	ssyncset.done $0x0  }
0x55: {  	s15 =	rddreg [dreg:$0x18];
	[sflag:s22] =	ssyncadd.s32 $0xFFFFD000  }
0x56: {  	[tilespmem:s25], [sflag:$0x9] =	stream.linear.gather [spmem:s15], $0x3000, $0x38;
	[tilespmem:$0x1FEC0] =	vst v63  }
0x57: {  	_ =	swait.ge [sflag:s22], $0x3000  }
0x58: {  	[sflag:s22] =	ssyncset.done $0x0  }
0x59: {  	s21 =	rddreg [dreg:$0x8];
	[sflag:s22] =	ssyncadd.s32 $0xFFFFD000  }
0x5a: {  	[hbm4b:s21+s3] =	stream.linear.scatter [tilespmem:s25], [sflag:$0x9], $0x3000, $0x38;
	[tilespmem:$0x1FEC0] =	vst v63  }
0x5b: {  	_ =	swait.ge [sflag:s22], $0x3000  }
0x5c: {  	[sflag:s22] =	ssyncset.done $0x0  }
0x5d: {  	s16 =	rddreg [dreg:$0x19];
	[sflag:s22] =	ssyncadd.s32 $0xFFFFD000  }
0x5e: {  	[tilespmem:s25], [sflag:$0x9] =	stream.linear.gather [spmem:s16], $0x3000, $0x38;
	[tilespmem:$0x1FEC0] =	vst v63  }
0x5f: {  	_ =	swait.ge [sflag:s22], $0x3000  }
0x60: {  	[sflag:s22] =	ssyncset.done $0x0  }
0x61: {  	s26 =	rddreg [dreg:$0x9];
	[sflag:s22] =	ssyncadd.s32 $0xFFFFD000  }
0x62: {  	[hbm4b:s26+s3] =	stream.linear.scatter [tilespmem:s25], [sflag:$0x9], $0x3000, $0x38;
	[tilespmem:$0x1FEC0] =	vst v63  }
0x63: {  	_ =	swait.ge [sflag:s22], $0x3000  }
0x64: {  	[sflag:s22] =	ssyncset.done $0x0  }
0x65: {  	s26 =	rddreg [dreg:$0x1a];
	[sflag:s22] =	ssyncadd.s32 $0xFFFFD000  }
0x66: {  	[tilespmem:s25], [sflag:$0x9] =	stream.linear.gather [spmem:s26], $0x3000, $0x38;
	[tilespmem:$0x1FEC0] =	vst v63  }
0x67: {  	_ =	swait.ge [sflag:s22], $0x3000  }
0x68: {  	[sflag:s22] =	ssyncset.done $0x0  }
0x69: {  	s0 =	rddreg [dreg:$0xa];
	[sflag:s22] =	ssyncadd.s32 $0xFFFFD000  }
0x6a: {  	[hbm4b:s0+s3] =	stream.linear.scatter [tilespmem:s25], [sflag:$0x9], $0x3000, $0x38;
	[tilespmem:$0x1FEC0] =	vst v63  }
0x6b: {  	_ =	swait.ge [sflag:s22], $0x3000  }
0x6c: {  	[sflag:s22] =	ssyncset.done $0x0  }
0x6d: {  	s30 =	rddreg [dreg:$0x1b];
	[sflag:s22] =	ssyncadd.s32 $0xFFFFD000  }
0x6e: {  	[tilespmem:s25], [sflag:$0x9] =	stream.linear.gather [spmem:s30], $0x3000, $0x38;
	[tilespmem:$0x1FEC0] =	vst v63  }
0x6f: {  	_ =	swait.ge [sflag:s22], $0x3000  }
0x70: {  	[sflag:s22] =	ssyncset.done $0x0  }
0x71: {  	s8 =	rddreg [dreg:$0xb];
	[sflag:s22] =	ssyncadd.s32 $0xFFFFD000  }
0x72: {  	[hbm4b:s8+s3] =	stream.linear.scatter [tilespmem:s25], [sflag:$0x9], $0x3000, $0x38;
	[tilespmem:$0x1FEC0] =	vst v63  }
0x73: {  	_ =	swait.ge [sflag:s22], $0x3000  }
0x74: {  	[sflag:s22] =	ssyncset.done $0x0  }
0x75: {  	s21 =	rddreg [dreg:$0x4];
	[sflag:s22] =	ssyncadd.s32 $0xFFFFD000  }
0x76: {  	[tilespmem:s25], [sflag:$0x9] =	stream.linear.gather [spmem:s21], $0x1800, $0x38;
	[tilespmem:$0x1FEC0] =	vst v63  }
0x77: {  	_ =	swait.ge [sflag:s22], $0x1800  }
0x78: {  	[sflag:s22] =	ssyncset.done $0x0  }
0x79: {  	s11 =	rddreg [dreg:$0x5];
	[sflag:s22] =	ssyncadd.s32 $0xFFFFE800  }
0x7a: {  	[hbm4b:s11+s3] =	stream.linear.scatter [tilespmem:s25], [sflag:$0x9], $0x1800, $0x38;
	[tilespmem:$0x1FEC0] =	vst v63  }
0x7b: {  	_ =	swait.ge [sflag:s22], $0x1800  }
0x7c: {  	s31 =	sld [smem:$0x7FD]  }
0x7d: {  	[sflag:s22] =	ssyncset.done $0x0  }
0x7e: {  	s6 =	simm.s32 @!p0 $0x16EC0;
	s8 =	simm.s32 @!p0 $0x9;
	[sflag:s22] =	ssyncadd.s32 $0xFFFFE800  }
0x7f: {  	[tilespmem:s6], [sflag:$0x9] =	stream.linear.gather @!p0 [spmem:s31], $0x800, $0x38;
	[tilespmem:$0x1FEC0] =	vst v63  }
0x80: {  	_ =	swait.ge @!p0 [sflag:s8], $0x800  }
0x81: {  	[sflag:s8] =	ssyncset.done @!p0 $0x0  }
0x82: {  	s11 =	simm.s32 @!p0 $0x0;
	s13 =	rddreg [dreg:$0x14];
	[sflag:s8] =	ssyncadd.s32 @!p0 $0xFFFFF800  }
0x83: {  	[hbm4b:s13+s11] =	stream.linear.scatter @!p0 [tilespmem:s6], [sflag:$0x9], $0x800, $0x38;
	[tilespmem:$0x1FEC0] =	vst v63  }
0x84: {  	_ =	swait.ge @!p0 [sflag:s8], $0x800  }
0x85: {  	s12 =	sld [smem:$0x7F3];
	_ =	sdelay $0x2  }
0x86: {  	s13 =	rddreg [dreg:$0x15];
	s0 =	sadd.s32 $0x1, s12  }
0x87: {  	p1 =	sne.s32 s0, s13  }
.Ltmp1:
0x88: {  	_ = 	snop;
	(pc) =	sbr.rel @!p1 .LBB2_10-.Ltmp1, $3  }
0x89: {  	_ =	sdelay $0x1  }
0x8a: {  	[sflag:s8] =	ssyncset.done @!p0 $0x0  }
0x8b: {  	[sflag:s8] =	ssyncadd.s32 @!p0 $0xFFFFF800  }
.LBB2_1:
0x8c: {  	[smem:$0x7F3] =	sst s0;
	s6 =	simm.s32 $0x0;
	s8 =	simm.s32 $0x200  }
.LBB2_2:
0x8d: {  	p1 =	sne.s32 s8, $0xBE00;
	[tilespmem:s6+$0x13F30] =	vst v0  }
0x8e: {  	[tilespmem:s6+$0x13EC0] =	vst v0  }
0x8f: {  	[tilespmem:s6+$0x13ED0] =	vst v0  }
.Ltmp2:
0x90: {  	[tilespmem:s6+$0x13EE0] =	vst v0;
	(pc) =	sbr.rel @p1 .LBB2_2-.Ltmp2, $4  }
0x91: {  	[tilespmem:s6+$0x13EF0] =	vst v0  }
0x92: {  	[tilespmem:s6+$0x13F00] =	vst v0  }
0x93: {  	[tilespmem:s6+$0x13F10] =	vst v0  }
0x94: {  	[tilespmem:s6+$0x13F20] =	vst v0;
	s6 =	sshra.s32 s8, $0x2;
	s8 =	sadd.s32 $0x200, s8  }
0x95: {  	[tilespmem:s6+$0x13F30] =	vst v0  }
0x96: {  	[tilespmem:s6+$0x13EC0] =	vst v0  }
0x97: {  	[tilespmem:s6+$0x13ED0] =	vst v0  }
0x98: {  	[tilespmem:s6+$0x13EE0] =	vst v0  }
0x99: {  	[tilespmem:s6+$0x13EF0] =	vst v0  }
0x9a: {  	[tilespmem:s6+$0x13F00] =	vst v0  }
0x9b: {  	[tilespmem:s6+$0x13F10] =	vst v0  }
0x9c: {  	[tilespmem:s6+$0x13F20] =	vst v0;
	s8 =	simm.s32 $0x13EC0  }
0x9d: {  	[spmem:s14] =	stream.linear.scatter [tilespmem:s8], [sflag:$0x9], $0x3000, $0x38;
	[tilespmem:$0x1FEC0] =	vst v63  }
0x9e: {  	_ =	swait.ge [sflag:s22], $0x3000  }
0x9f: {  	[sflag:s22] =	ssyncset.done $0x0  }
0xa0: {  	[sflag:s22] =	ssyncadd.s32 $0xFFFFD000  }
0xa1: {  	[spmem:s23] =	stream.linear.scatter [tilespmem:s8], [sflag:$0x9], $0x3000, $0x38;
	[tilespmem:$0x1FEC0] =	vst v63  }
0xa2: {  	_ =	swait.ge [sflag:s22], $0x3000  }
0xa3: {  	[sflag:s22] =	ssyncset.done $0x0  }
0xa4: {  	[sflag:s22] =	ssyncadd.s32 $0xFFFFD000  }
0xa5: {  	[spmem:s15] =	stream.linear.scatter [tilespmem:s8], [sflag:$0x9], $0x3000, $0x38;
	[tilespmem:$0x1FEC0] =	vst v63  }
0xa6: {  	_ =	swait.ge [sflag:s22], $0x3000  }
0xa7: {  	[sflag:s22] =	ssyncset.done $0x0  }
0xa8: {  	[sflag:s22] =	ssyncadd.s32 $0xFFFFD000  }
0xa9: {  	[spmem:s16] =	stream.linear.scatter [tilespmem:s8], [sflag:$0x9], $0x3000, $0x38;
	[tilespmem:$0x1FEC0] =	vst v63  }
0xaa: {  	_ =	swait.ge [sflag:s22], $0x3000  }
0xab: {  	[sflag:s22] =	ssyncset.done $0x0  }
0xac: {  	[sflag:s22] =	ssyncadd.s32 $0xFFFFD000  }
0xad: {  	[spmem:s26] =	stream.linear.scatter [tilespmem:s8], [sflag:$0x9], $0x3000, $0x38;
	[tilespmem:$0x1FEC0] =	vst v63  }
0xae: {  	_ =	swait.ge [sflag:s22], $0x3000  }
0xaf: {  	[sflag:s22] =	ssyncset.done $0x0  }
0xb0: {  	[sflag:s22] =	ssyncadd.s32 $0xFFFFD000  }
0xb1: {  	[spmem:s30] =	stream.linear.scatter [tilespmem:s8], [sflag:$0x9], $0x3000, $0x38;
	[tilespmem:$0x1FEC0] =	vst v63  }
0xb2: {  	_ =	swait.ge [sflag:s22], $0x3000  }
0xb3: {  	[sflag:s22] =	ssyncset.done $0x0  }
0xb4: {  	[sflag:s22] =	ssyncadd.s32 $0xFFFFD000  }
0xb5: {  	[spmem:s21] =	stream.linear.scatter [tilespmem:s8], [sflag:$0x9], $0x1800, $0x38;
	[tilespmem:$0x1FEC0] =	vst v63  }
0xb6: {  	_ =	swait.ge [sflag:s22], $0x1800  }
0xb7: {  	[sflag:s22] =	ssyncset.done $0x0  }
0xb8: {  	s6 =	simm.s32 @!p0 $0x13EC0;
	[sflag:s22] =	ssyncadd.s32 $0xFFFFE800  }
0xb9: {  	[spmem:s31] =	stream.linear.scatter @!p0 [tilespmem:s6], [sflag:$0x9], $0x800, $0x38;
	[tilespmem:$0x1FEC0] =	vst v63  }
0xba: {  	s6 =	simm.s32 @!p0 $0x9  }
0xbb: {  	_ =	swait.ge @!p0 [sflag:s6], $0x800  }
0xbc: {  	[sflag:s6] =	ssyncset.done @!p0 $0x0  }
0xbd: {  	[sflag:s6] =	ssyncadd.s32 @!p0 $0xFFFFF800  }
0xbe: {  	[bflag:$0x0] =	sbarrier.arrive $0xFFFF  }
0xbf: {  	s13 =	simm.s32 $0x0;
	s11 =	simm.s32 $0x138C0;
	s23 =	rddreg [dreg:$0xe]  }
0xc0: {  	[tilespmem:s11], [sflag:$0x9] =	stream.linear.gather [hbm4b:s23+s13], $0x60, $0x38;
	[tilespmem:$0x1FEC0] =	vst v63  }
0xc1: {  	_ =	swait.ge [sflag:s22], $0x60  }
0xc2: {  	[sflag:s22] =	ssyncset.done $0x0  }
0xc3: {  	s30 =	simm.s32 $0x13AC0;
	s26 =	rddreg [dreg:$0xf];
	[sflag:s22] =	ssyncadd.s32 $0xFFFFFFA0  }
0xc4: {  	[tilespmem:s30], [sflag:$0x9] =	stream.linear.gather [hbm4b:s26+s13], $0x60, $0x38;
	[tilespmem:$0x1FEC0] =	vst v63  }
0xc5: {  	_ =	swait.ge [sflag:s22], $0x60  }
0xc6: {  	[sflag:s22] =	ssyncset.done $0x0  }
0xc7: {  	[sflag:s22] =	ssyncadd.s32 $0xFFFFFFA0  }
0xc8: {  	[tilespmem:s8], [sflag:$0x1] =	stream.indirect.gather [hbm4b:s1+s19], $0x80, s11, s19, $0xb8;
	[tilespmem:$0x1FEC0] =	vst v63  }
0xc9: {  	s0 =	simm.s32 $0x13940;
	s31 =	rddreg [dreg:$0xc]  }
0xca: {  	[tilespmem:s0], [sflag:$0x9] =	stream.linear.gather [hbm4b:s31+s13], $0x60, $0x38;
	[tilespmem:$0x1FEC0] =	vst v63  }
0xcb: {  	_ =	swait.ge [sflag:s22], $0x60  }
0xcc: {  	[sflag:s22] =	ssyncset.done $0x0  }
0xcd: {  	s14 =	simm.s32 $0x13BC0;
	s12 =	rddreg [dreg:$0xd];
	[sflag:s22] =	ssyncadd.s32 $0xFFFFFFA0  }
0xce: {  	[tilespmem:s14], [sflag:$0x9] =	stream.linear.gather [hbm4b:s12+s13], $0x60, $0x38;
	[tilespmem:$0x1FEC0] =	vst v63  }
0xcf: {  	_ =	swait.ge [sflag:s22], $0x60  }
0xd0: {  	[sflag:s22] =	ssyncset.done $0x0  }
0xd1: {  	[sflag:s22] =	ssyncadd.s32 $0xFFFFFFA0  }
0xd2: {  	[tilespmem:s25], [sflag:$0x2] =	stream.indirect.gather [hbm4b:s1+s19], $0x80, s0, s19, $0xb8;
	[tilespmem:$0x1FEC0] =	vst v63  }
0xd3: {  	s16 =	simm.s32 $0x139C0;
	s15 =	rddreg [dreg:$0x10]  }
0xd4: {  	[tilespmem:s16], [sflag:$0x9] =	stream.linear.gather [hbm4b:s15+s13], $0x60, $0x38;
	[tilespmem:$0x1FEC0] =	vst v63  }
0xd5: {  	_ =	swait.ge [sflag:s22], $0x60  }
0xd6: {  	[sflag:s22] =	ssyncset.done $0x0  }
0xd7: {  	s23 =	simm.s32 $0x13CC0;
	s21 =	rddreg [dreg:$0x11];
	[sflag:s22] =	ssyncadd.s32 $0xFFFFFFA0  }
0xd8: {  	[tilespmem:s23], [sflag:$0x9] =	stream.linear.gather [hbm4b:s21+s13], $0x60, $0x38;
	[tilespmem:$0x1FEC0] =	vst v63  }
0xd9: {  	_ =	swait.ge [sflag:s22], $0x60  }
0xda: {  	[sflag:s22] =	ssyncset.done $0x0  }
0xdb: {  	[sflag:s22] =	ssyncadd.s32 $0xFFFFFFA0  }
0xdc: {  	[tilespmem:s4], [sflag:$0x3] =	stream.indirect.gather [hbm4b:s1+s19], $0x80, s16, s19, $0xb8;
	[tilespmem:$0x1FEC0] =	vst v63  }
0xdd: {  	s0 =	simm.s32 $0x13A40;
	s26 =	rddreg [dreg:$0x12]  }
0xde: {  	[tilespmem:s0], [sflag:$0x9] =	stream.linear.gather [hbm4b:s26+s13], $0x60, $0x38;
	[tilespmem:$0x1FEC0] =	vst v63  }
0xdf: {  	_ =	swait.ge [sflag:s22], $0x60  }
0xe0: {  	[sflag:s22] =	ssyncset.done $0x0  }
0xe1: {  	s31 =	simm.s32 $0x13DC0;
	s30 =	rddreg [dreg:$0x13];
	[sflag:s22] =	ssyncadd.s32 $0xFFFFFFA0  }
0xe2: {  	[tilespmem:s31], [sflag:$0x9] =	stream.linear.gather [hbm4b:s30+s13], $0x60, $0x38;
	[tilespmem:$0x1FEC0] =	vst v63  }
.Ltmp3:
0xe3: {  	_ = 	snop;
	(pc) =	sbr.rel .LBB2_4-.Ltmp3, $4  }
0xe4: {  	_ =	swait.ge [sflag:s22], $0x60  }
0xe5: {  	s14 =	simm.s32 $0x4;
	[sflag:s22] =	ssyncset.done $0x0  }
0xe6: {  	s16 =	simm.s32 $0x0;
	s15 =	sld [smem:$0x7FC];
	[sflag:s22] =	ssyncadd.s32 $0xFFFFFFA0  }
0xe7: {  	[tilespmem:s9], [sflag:$0x4] =	stream.indirect.gather [hbm4b:s1+s19], $0x80, s0, s19, $0xb8;
	[tilespmem:$0x1FEC0] =	vst v63  }
.LBB2_8:
0xe8: {  	s13 =	sadd.s32 $0x60, s13  }
0xe9: {  	p1 =	sne.s32 s13, $0x540  }
.Ltmp4:
0xea: {  	_ = 	snop;
	(pc) =	sbr.rel @!p1 .LBB2_9-.Ltmp4, $2  }
0xeb: {  	_ =	sdelay $0x2  }
0xec: {  	s16 =	sadd.s32 $0x1, s16;
	s14 =	sadd.s32 $0x8, s14;
	s15 =	sadd.s32 $0x300, s15  }
.LBB2_4:
0xed: {  	_ =	swait.ge [sflag:s28], $0x3000  }
0xee: {  	p1 =	sgt.u32 s14, $0x68;
	[sflag:s28] =	ssyncset.done $0x0  }
0xef: {  	s6 =	simm.s32 $0x13AC0;
	s23 =	simm.s32 @!p1 $0x0;
	[sflag:s28] =	ssyncadd.s32 $0xFFFFD000  }
0xf0: {  	[spmem:s2] =	stream.indirect.scatter.add.f32 [tilespmem:s29], [sflag:$0x5], $0x80, s6, s19, $0xb8;
	[tilespmem:$0x1FEC0] =	vst v63  }
0xf1: {  	s31 =	simm.s32 @!p1 $0x138C0;
	s8 =	simm.s32 @!p1 $0x9;
	s6 =	sadd.s32 @!p1 s13, s18  }
0xf2: {  	[tilespmem:s31], [sflag:$0x9] =	stream.linear.gather @!p1 [hbm4b:s6+s23], $0x60, $0x38;
	[tilespmem:$0x1FEC0] =	vst v63  }
0xf3: {  	_ =	swait.ge @!p1 [sflag:s8], $0x60  }
0xf4: {  	[sflag:s8] =	ssyncset.done @!p1 $0x0  }
0xf5: {  	s30 =	simm.s32 @!p1 $0x13B40;
	s6 =	sadd.s32 @!p1 s13, s17;
	[sflag:s8] =	ssyncadd.s32 @!p1 $0xFFFFFFA0  }
0xf6: {  	[tilespmem:s30], [sflag:$0x9] =	stream.linear.gather @!p1 [hbm4b:s6+s23], $0x60, $0x38;
	[tilespmem:$0x1FEC0] =	vst v63  }
0xf7: {  	_ =	swait.ge @!p1 [sflag:s8], $0x60  }
0xf8: {  	p2 =	sgt.u32 s16, $0xC;
	[sflag:s8] =	ssyncset.done @!p1 $0x0  }
.Ltmp5:
0xf9: {  	s11 =	simm.s32 @!p1 $0x5;
	[sflag:s8] =	ssyncadd.s32 @!p1 $0xFFFFFFA0;
	(pc) =	sbr.rel @p2 .LBB2_6-.Ltmp5, $4  }
0xfa: {  	_ =	swait.ge @!p1 [sflag:s11], $0x3000  }
0xfb: {  	[sflag:s11] =	ssyncset.done @!p1 $0x0  }
0xfc: {  	s26 =	simm.s32 @!p1 $0x13EC0;
	s6 =	simm.s32 @!p1 $0x60;
	[sflag:s11] =	ssyncadd.s32 @!p1 $0xFFFFD000  }
0xfd: {  	[tilespmem:s26], [sflag:$0x1] =	stream.indirect.gather @!p1 [hbm4b:s1+s6], $0x80, s31, s6, $0xb8;
	[tilespmem:$0x1FEC0] =	vst v63  }
0xfe: {  	_ =	swait.ge [sflag:s20], $0x3000  }
0xff: {  	[sflag:s20] =	ssyncset.done $0x0;
	s9 =	sld [smem:$0x7FB]  }
0x100: {  	s21 =	simm.s32 $0x13BC0;
	[sflag:s20] =	ssyncadd.s32 $0xFFFFD000  }
0x101: {  	[spmem:s2] =	stream.indirect.scatter.add.f32 [tilespmem:s25], [sflag:$0x6], $0x80, s21, s19, $0xb8;
	[tilespmem:$0x1FEC0] =	vst v63  }
0x102: {  	s12 =	simm.s32 $0x13940;
	s21 =	sadd.s32 s13, s9  }
0x103: {  	[tilespmem:s12], [sflag:$0x9] =	stream.linear.gather [hbm4b:s21+s3], $0x60, $0x38;
	[tilespmem:$0x1FEC0] =	vst v63  }
0x104: {  	_ =	swait.ge [sflag:s22], $0x60  }
0x105: {  	s0 =	sld [smem:$0x7FA];
	_ =	sdelay $0x1  }
0x106: {  	[sflag:s22] =	ssyncset.done $0x0  }
0x107: {  	[sflag:s22] =	ssyncadd.s32 $0xFFFFFFA0;
	s21 =	sadd.s32 s13, s0;
	s0 =	simm.s32 $0x13C40  }
0x108: {  	[tilespmem:s0], [sflag:$0x9] =	stream.linear.gather [hbm4b:s21+s3], $0x60, $0x38;
	[tilespmem:$0x1FEC0] =	vst v63  }
0x109: {  	_ =	swait.ge [sflag:s22], $0x60  }
0x10a: {  	[sflag:s22] =	ssyncset.done $0x0  }
0x10b: {  	s4 =	simm.s32 $0x6;
	[sflag:s22] =	ssyncadd.s32 $0xFFFFFFA0  }
0x10c: {  	_ =	swait.ge [sflag:s4], $0x3000  }
0x10d: {  	[sflag:s4] =	ssyncset.done $0x0  }
0x10e: {  	[sflag:s4] =	ssyncadd.s32 $0xFFFFD000  }
0x10f: {  	[tilespmem:s25], [sflag:$0x2] =	stream.indirect.gather [hbm4b:s1+s19], $0x80, s12, s19, $0xb8;
	[tilespmem:$0x1FEC0] =	vst v63  }
0x110: {  	_ =	swait.ge [sflag:s7], $0x3000  }
0x111: {  	s9 =	smov.u32 s24;
	[sflag:s7] =	ssyncset.done $0x0;
	s24 =	sld [smem:$0x7F9]  }
0x112: {  	s0 =	simm.s32 $0x19EC0;
	s12 =	simm.s32 $0x13CC0;
	[sflag:s7] =	ssyncadd.s32 $0xFFFFD000  }
0x113: {  	[spmem:s2] =	stream.indirect.scatter.add.f32 [tilespmem:s0], [sflag:$0x7], $0x80, s12, s19, $0xb8;
	[tilespmem:$0x1FEC0] =	vst v63  }
0x114: {  	s21 =	sadd.s32 s13, s24;
	s24 =	simm.s32 $0x139C0  }
0x115: {  	[tilespmem:s24], [sflag:$0x9] =	stream.linear.gather [hbm4b:s21+s3], $0x60, $0x38;
	[tilespmem:$0x1FEC0] =	vst v63  }
0x116: {  	_ =	swait.ge [sflag:s22], $0x60  }
0x117: {  	s4 =	sld [smem:$0x7F8];
	_ =	sdelay $0x1  }
0x118: {  	[sflag:s22] =	ssyncset.done $0x0  }
0x119: {  	[sflag:s22] =	ssyncadd.s32 $0xFFFFFFA0;
	s21 =	sadd.s32 s13, s4;
	s4 =	simm.s32 $0x13D40  }
0x11a: {  	[tilespmem:s4], [sflag:$0x9] =	stream.linear.gather [hbm4b:s21+s3], $0x60, $0x38;
	[tilespmem:$0x1FEC0] =	vst v63  }
0x11b: {  	_ =	swait.ge [sflag:s22], $0x60  }
0x11c: {  	[sflag:s22] =	ssyncset.done $0x0  }
0x11d: {  	s12 =	simm.s32 $0x7;
	[sflag:s22] =	ssyncadd.s32 $0xFFFFFFA0  }
0x11e: {  	_ =	swait.ge [sflag:s12], $0x3000  }
0x11f: {  	[sflag:s12] =	ssyncset.done $0x0  }
0x120: {  	[sflag:s12] =	ssyncadd.s32 $0xFFFFD000  }
0x121: {  	[tilespmem:s0], [sflag:$0x3] =	stream.indirect.gather [hbm4b:s1+s19], $0x80, s24, s19, $0xb8;
	[tilespmem:$0x1FEC0] =	vst v63  }
0x122: {  	_ =	swait.ge [sflag:s10], $0x3000  }
0x123: {  	s21 =	simm.s32 $0x13DC0;
	[sflag:s10] =	ssyncset.done $0x0;
	s0 =	sld [smem:$0x7F7]  }
0x124: {  	s24 =	smov.u32 s9;
	s9 =	simm.s32 $0x1CEC0;
	[sflag:s10] =	ssyncadd.s32 $0xFFFFD000  }
0x125: {  	[spmem:s2] =	stream.indirect.scatter.add.f32 [tilespmem:s9], [sflag:$0x8], $0x80, s21, s19, $0xb8;
	[tilespmem:$0x1FEC0] =	vst v63  }
0x126: {  	s21 =	sadd.s32 s13, s0;
	s0 =	simm.s32 $0x13A40  }
0x127: {  	[tilespmem:s0], [sflag:$0x9] =	stream.linear.gather [hbm4b:s21+s3], $0x60, $0x38;
	[tilespmem:$0x1FEC0] =	vst v63  }
0x128: {  	_ =	swait.ge [sflag:s22], $0x60  }
0x129: {  	s12 =	sld [smem:$0x7F6];
	_ =	sdelay $0x1  }
0x12a: {  	[sflag:s22] =	ssyncset.done $0x0  }
0x12b: {  	[sflag:s22] =	ssyncadd.s32 $0xFFFFFFA0;
	s21 =	sadd.s32 s13, s12;
	s12 =	simm.s32 $0x13E40  }
0x12c: {  	[tilespmem:s12], [sflag:$0x9] =	stream.linear.gather [hbm4b:s21+s3], $0x60, $0x38;
	[tilespmem:$0x1FEC0] =	vst v63  }
0x12d: {  	_ =	swait.ge [sflag:s22], $0x60  }
0x12e: {  	[sflag:s22] =	ssyncset.done $0x0  }
0x12f: {  	s21 =	simm.s32 $0x8;
	[sflag:s22] =	ssyncadd.s32 $0xFFFFFFA0  }
0x130: {  	_ =	swait.ge [sflag:s21], $0x3000  }
0x131: {  	[sflag:s21] =	ssyncset.done $0x0  }
0x132: {  	s4 =	simm.s32 $0x19EC0;
	[sflag:s21] =	ssyncadd.s32 $0xFFFFD000  }
0x133: {  	[tilespmem:s9], [sflag:$0x4] =	stream.indirect.gather [hbm4b:s1+s19], $0x80, s0, s19, $0xb8;
	[tilespmem:$0x1FEC0] =	vst v63  }
.LBB2_6:
0x134: {  	s21 =	simm.s32 @!p1 $0x1  }
0x135: {  	_ =	swait.ge @!p1 [sflag:s21], $0x3000  }
0x136: {  	[sflag:s21] =	ssyncset.done @!p1 $0x0  }
0x137: {  	[sflag:s21] =	ssyncadd.s32 @!p1 $0xFFFFD000;
	s21 =	sshrl.u32 @!p1 s15, $0x3  }
0x138: {  	[spmem:s2] =	stream.indirect.scatter.add.f32 @!p1 [tilespmem:s26], [sflag:$0x5], $0x80, s30, s6, $0xb8;
	[tilespmem:$0x1FEC0] =	vst v63  }
0x139: {  	s30 =	sadd.s32 @!p1 s5, s21  }
0x13a: {  	[tilespmem:s31], [sflag:$0x9] =	stream.linear.gather @!p1 [hbm4b:s30+s23], $0x60, $0x38;
	[tilespmem:$0x1FEC0] =	vst v63  }
0x13b: {  	_ =	swait.ge @!p1 [sflag:s8], $0x60  }
0x13c: {  	[sflag:s8] =	ssyncset.done @!p1 $0x0  }
0x13d: {  	s21 =	sadd.s32 @!p1 s24, s21;
	s30 =	simm.s32 @!p1 $0x13AC0;
	[sflag:s8] =	ssyncadd.s32 @!p1 $0xFFFFFFA0  }
0x13e: {  	[tilespmem:s30], [sflag:$0x9] =	stream.linear.gather @!p1 [hbm4b:s21+s23], $0x60, $0x38;
	[tilespmem:$0x1FEC0] =	vst v63  }
0x13f: {  	_ =	swait.ge @!p1 [sflag:s8], $0x60  }
0x140: {  	[sflag:s8] =	ssyncset.done @!p1 $0x0  }
.Ltmp6:
0x141: {  	[sflag:s8] =	ssyncadd.s32 @!p1 $0xFFFFFFA0;
	(pc) =	sbr.rel @p2 .LBB2_8-.Ltmp6, $4  }
0x142: {  	_ =	swait.ge @!p1 [sflag:s11], $0x3000  }
0x143: {  	[sflag:s11] =	ssyncset.done @!p1 $0x0  }
0x144: {  	[sflag:s11] =	ssyncadd.s32 @!p1 $0xFFFFD000  }
0x145: {  	[tilespmem:s26], [sflag:$0x1] =	stream.indirect.gather @!p1 [hbm4b:s1+s6], $0x80, s31, s6, $0xb8;
	[tilespmem:$0x1FEC0] =	vst v63  }
0x146: {  	_ =	swait.ge [sflag:s20], $0x3000  }
0x147: {  	[sflag:s20] =	ssyncset.done $0x0;
	s6 =	sld [smem:$0x7F5]  }
0x148: {  	s0 =	simm.s32 $0x13C40;
	p1 =	seq.s32 s13, $0x480;
	[sflag:s20] =	ssyncadd.s32 $0xFFFFD000  }
0x149: {  	[spmem:s2] =	stream.indirect.scatter.add.f32 [tilespmem:s25], [sflag:$0x6], $0x80, s0, s19, $0xb8;
	[tilespmem:$0x1FEC0] =	vst v63  }
0x14a: {  	s8 =	simm.s32 @!p1 $0x0;
	s11 =	simm.s32 @!p1 $0x13940;
	s6 =	sadd.s32 @!p1 s13, s6  }
0x14b: {  	[tilespmem:s11], [sflag:$0x9] =	stream.linear.gather @!p1 [hbm4b:s6+s8], $0x60, $0x38;
	[tilespmem:$0x1FEC0] =	vst v63  }
0x14c: {  	s6 =	simm.s32 @!p1 $0x9  }
0x14d: {  	_ =	swait.ge @!p1 [sflag:s6], $0x60  }
0x14e: {  	s21 =	sld [smem:$0x7F4];
	_ =	sdelay $0x1  }
0x14f: {  	[sflag:s6] =	ssyncset.done @!p1 $0x0  }
0x150: {  	s23 =	simm.s32 @!p1 $0x13BC0;
	[sflag:s6] =	ssyncadd.s32 @!p1 $0xFFFFFFA0;
	s21 =	sadd.s32 @!p1 s13, s21  }
0x151: {  	[tilespmem:s23], [sflag:$0x9] =	stream.linear.gather @!p1 [hbm4b:s21+s8], $0x60, $0x38;
	[tilespmem:$0x1FEC0] =	vst v63  }
0x152: {  	_ =	swait.ge @!p1 [sflag:s6], $0x60  }
0x153: {  	[sflag:s6] =	ssyncset.done @!p1 $0x0  }
0x154: {  	s21 =	simm.s32 @!p1 $0x6;
	[sflag:s6] =	ssyncadd.s32 @!p1 $0xFFFFFFA0  }
0x155: {  	_ =	swait.ge @!p1 [sflag:s21], $0x3000  }
0x156: {  	[sflag:s21] =	ssyncset.done @!p1 $0x0  }
0x157: {  	s23 =	simm.s32 @!p1 $0x16EC0;
	[sflag:s21] =	ssyncadd.s32 @!p1 $0xFFFFD000;
	s21 =	simm.s32 @!p1 $0x60  }
0x158: {  	[tilespmem:s23], [sflag:$0x2] =	stream.indirect.gather @!p1 [hbm4b:s1+s21], $0x80, s11, s21, $0xb8;
	[tilespmem:$0x1FEC0] =	vst v63  }
0x159: {  	_ =	swait.ge [sflag:s7], $0x3000  }
0x15a: {  	[sflag:s7] =	ssyncset.done $0x0  }
0x15b: {  	s30 =	simm.s32 $0x13D40;
	s11 =	rddreg [dreg:$0x1f];
	[sflag:s7] =	ssyncadd.s32 $0xFFFFD000  }
0x15c: {  	[spmem:s2] =	stream.indirect.scatter.add.f32 [tilespmem:s4], [sflag:$0x7], $0x80, s30, s19, $0xb8;
	[tilespmem:$0x1FEC0] =	vst v63  }
0x15d: {  	s23 =	simm.s32 @!p1 $0x139C0;
	s11 =	sadd.s32 @!p1 s13, s11  }
0x15e: {  	[tilespmem:s23], [sflag:$0x9] =	stream.linear.gather @!p1 [hbm4b:s11+s8], $0x60, $0x38;
	[tilespmem:$0x1FEC0] =	vst v63  }
0x15f: {  	_ =	swait.ge @!p1 [sflag:s6], $0x60  }
0x160: {  	[sflag:s6] =	ssyncset.done @!p1 $0x0;
	s11 =	rddreg [dreg:$0x1e]  }
0x161: {  	s26 =	simm.s32 @!p1 $0x13CC0;
	[sflag:s6] =	ssyncadd.s32 @!p1 $0xFFFFFFA0;
	s11 =	sadd.s32 @!p1 s13, s11  }
0x162: {  	[tilespmem:s26], [sflag:$0x9] =	stream.linear.gather @!p1 [hbm4b:s11+s8], $0x60, $0x38;
	[tilespmem:$0x1FEC0] =	vst v63  }
0x163: {  	_ =	swait.ge @!p1 [sflag:s6], $0x60  }
0x164: {  	[sflag:s6] =	ssyncset.done @!p1 $0x0  }
0x165: {  	s11 =	simm.s32 @!p1 $0x7;
	[sflag:s6] =	ssyncadd.s32 @!p1 $0xFFFFFFA0  }
0x166: {  	_ =	swait.ge @!p1 [sflag:s11], $0x3000  }
0x167: {  	[sflag:s11] =	ssyncset.done @!p1 $0x0  }
0x168: {  	[sflag:s11] =	ssyncadd.s32 @!p1 $0xFFFFD000;
	s11 =	simm.s32 @!p1 $0x19EC0  }
0x169: {  	[tilespmem:s11], [sflag:$0x3] =	stream.indirect.gather @!p1 [hbm4b:s1+s21], $0x80, s23, s21, $0xb8;
	[tilespmem:$0x1FEC0] =	vst v63  }
0x16a: {  	_ =	swait.ge [sflag:s10], $0x3000  }
0x16b: {  	[sflag:s10] =	ssyncset.done $0x0  }
0x16c: {  	s31 =	simm.s32 $0x13E40;
	s11 =	rddreg [dreg:$0x1d];
	[sflag:s10] =	ssyncadd.s32 $0xFFFFD000  }
0x16d: {  	[spmem:s2] =	stream.indirect.scatter.add.f32 [tilespmem:s9], [sflag:$0x8], $0x80, s31, s19, $0xb8;
	[tilespmem:$0x1FEC0] =	vst v63  }
0x16e: {  	s23 =	simm.s32 @!p1 $0x13A40;
	s11 =	sadd.s32 @!p1 s13, s11  }
0x16f: {  	[tilespmem:s23], [sflag:$0x9] =	stream.linear.gather @!p1 [hbm4b:s11+s8], $0x60, $0x38;
	[tilespmem:$0x1FEC0] =	vst v63  }
0x170: {  	_ =	swait.ge @!p1 [sflag:s6], $0x60  }
0x171: {  	[sflag:s6] =	ssyncset.done @!p1 $0x0;
	s11 =	rddreg [dreg:$0x1c]  }
0x172: {  	s26 =	simm.s32 @!p1 $0x13DC0;
	[sflag:s6] =	ssyncadd.s32 @!p1 $0xFFFFFFA0;
	s11 =	sadd.s32 @!p1 s13, s11  }
0x173: {  	[tilespmem:s26], [sflag:$0x9] =	stream.linear.gather @!p1 [hbm4b:s11+s8], $0x60, $0x38;
	[tilespmem:$0x1FEC0] =	vst v63  }
0x174: {  	_ =	swait.ge @!p1 [sflag:s6], $0x60  }
0x175: {  	[sflag:s6] =	ssyncset.done @!p1 $0x0  }
.Ltmp7:
0x176: {  	[sflag:s6] =	ssyncadd.s32 @!p1 $0xFFFFFFA0;
	s6 =	simm.s32 @!p1 $0x8;
	(pc) =	sbr.rel .LBB2_8-.Ltmp7, $4  }
0x177: {  	_ =	swait.ge @!p1 [sflag:s6], $0x3000  }
0x178: {  	[sflag:s6] =	ssyncset.done @!p1 $0x0  }
0x179: {  	[sflag:s6] =	ssyncadd.s32 @!p1 $0xFFFFD000;
	s6 =	simm.s32 @!p1 $0x1CEC0  }
0x17a: {  	[tilespmem:s6], [sflag:$0x4] =	stream.indirect.gather @!p1 [hbm4b:s1+s21], $0x80, s23, s21, $0xb8;
	[tilespmem:$0x1FEC0] =	vst v63  }
.LBB2_10:
0x17b: {  	_ =	sfence.sel $0x180000  }
0x17c: {  	[bflag:$0x0] =	sbarrier.arrive $0xFFFF  }
0x17d: {  	_ =	strace $0x9000004A  }
0x17e: {  	[bflag:$0x2] =	sbarrier.arrive $0xFFFF  }
0x17f: {  	s0 =	rddreg [dreg:$0x3]  }
0x180: {  	s0 =	sadd.s32 @!p0 $0x100000, s0  }
0x181: {  	[sflag:s0] =	ssyncadd.tile.s32 @!p0 $0x1;
	_ =	shalt  }
.Lfunc_end2:
_tile_overlayer_lowered:
.L_overlay_start_2:
0x182: {  	(tag) =	ssettag $0x2  }
0x183: {  	s0 =	rddreg [dreg:$0x0];
	s2 =	stileid.u32  }
0x184: {  	s1 =	rddreg [dreg:$0x1];
	p0 =	sne.s32 s2, $0x0  }
0x185: {  	s3 =	rddreg [dreg:$0x2];
	[bflag:$0x3] =	sbarrier.arrive $0xFFFF;
	s2 =	simm.s32 @!p0 $0x1C09  }
0x186: {  	[timem:s3], [sflag:s2] =	dma.local @!p0 [hbm:s0], s1  }
0x187: {  	s0 =	simm.s32 @!p0 $0x9  }
0x188: {  	_ =	swait.ge @!p0 [sflag:s0], s1  }
0x189: {  	s1 =	ssub.s32 @!p0 $0x0, s1;
	[sflag:s0] =	ssyncset.done @!p0 $0x0  }
0x18a: {  	[sflag:s0] =	ssyncadd.s32 @!p0 s1  }
0x18b: {  	[bflag:$0x3] =	sbarrier.arrive $0xFFFF  }
0x18c: {  	_ =	shalt  }

</sc_bundles>
